<compile_context>
chip_gen: v7x
topology: tpu7x:2x2x1
jax: 0.10.2.dev20260603
libtpu: 0.0.44.dev20260713+nightly
codegen_flags: <defaults>
</compile_context>

<pallas_src>
import functools

import jax
import jax.numpy as jnp
from jax import lax
from jax.experimental import pallas as pl
from jax.experimental.pallas import tpu as pltpu
from jax.experimental.pallas import tpu_sc as plsc

NUM_NODE = 2048
RANK = 64
K_KEEP = int(0.01 * NUM_NODE * NUM_NODE)
_ROWS_PER_BLK = 128
_NBLK = NUM_NODE // _ROWS_PER_BLK

_NW = 32
_NELEM = NUM_NODE * NUM_NODE
_EPW = _NELEM // _NW
_CHUNK = 16384
_NCHUNK = _EPW // _CHUNK
_NCOPIES = 4
_HBITS = 14
_HBINS = 1 << _HBITS
_LOWBITS = 31 - _HBITS
_HIGHEST = jax.lax.Precision.HIGHEST


def _adj_body(m1_ref, m2_ref, adj_ref):
    adj_ref[...] = jnp.maximum(
        lax.dot_general(
            m1_ref[...], m2_ref[...],
            dimension_numbers=(((1,), (1,)), ((), ())),
            preferred_element_type=jnp.float32,
        ),
        0.0,
    )


def _tc_adj(M1, M2):
    return pl.pallas_call(
        _adj_body,
        grid=(_NBLK,),
        in_specs=[
            pl.BlockSpec((_ROWS_PER_BLK, RANK), lambda i: (i, 0)),
            pl.BlockSpec((NUM_NODE, RANK), lambda i: (0, 0)),
        ],
        out_specs=pl.BlockSpec((_ROWS_PER_BLK, NUM_NODE), lambda i: (i, 0)),
        out_shape=jax.ShapeDtypeStruct((NUM_NODE, NUM_NODE), jnp.float32),
    )(M1, M2)


_SC_MESH = plsc.VectorSubcoreMesh(core_axis_name="c", subcore_axis_name="s")


def _zero_hist(hist, nbins):
    z = jnp.zeros((16,), jnp.float32)

    def zbody(j, _):
        hist[pl.ds(j * 16, 16)] = z
        return 0

    lax.fori_loop(0, nbins // 16, zbody, 0, unroll=8)


_ROWS_PER_W = NUM_NODE // _NW
_ROWS_PER_CHUNK = _CHUNK // NUM_NODE


@functools.partial(
    pl.kernel,
    out_type=jax.ShapeDtypeStruct((_NW * _HBINS,), jnp.float32),
    mesh=_SC_MESH,
    compiler_params=pltpu.CompilerParams(needs_layout_passes=False),
    scratch_types=[
        pltpu.VMEM((_ROWS_PER_CHUNK, NUM_NODE), jnp.int32),
        pltpu.VMEM((_ROWS_PER_CHUNK, NUM_NODE), jnp.int32),
        pltpu.VMEM((_HBINS,), jnp.float32),
        pltpu.VMEM((_HBINS,), jnp.float32),
        pltpu.VMEM((_HBINS,), jnp.float32),
        pltpu.VMEM((_HBINS,), jnp.float32),
        pltpu.SemaphoreType.DMA,
        pltpu.SemaphoreType.DMA,
    ],
)
def _sc_hist(adj_hbm, out_hbm, bufa, bufb, h0, h1, h2, h3, sema, semb):
    wid = lax.axis_index("s") * 2 + lax.axis_index("c")
    base_row = wid * _ROWS_PER_W
    bufs = (bufa, bufb)
    sems = (sema, semb)
    hists = (h0, h1, h2, h3)
    for h in hists:
        _zero_hist(h, _HBINS)
    ones = jnp.ones((16,), jnp.float32)
    zero16 = jnp.zeros((16,), jnp.int32)

    def _start(g, b):
        pltpu.async_copy(
            adj_hbm.at[pl.ds(base_row + g * _ROWS_PER_CHUNK, _ROWS_PER_CHUNK)],
            bufs[b], sems[b],
        )

    def _process(buf):
        for r in range(_ROWS_PER_CHUNK):
            @plsc.parallel_loop(0, NUM_NODE // (16 * _NCOPIES), unroll=2)
            def ebody(j):
                for c in range(_NCOPIES):
                    b = buf[r, pl.ds(j * (16 * _NCOPIES) + c * 16, 16)]
                    binv = lax.shift_right_logical(b, _LOWBITS)
                    plsc.addupdate_scatter(
                        hists[c], [binv], ones, mask=b != zero16
                    )

    _start(0, 0)

    def pair_body(gg, _):
        for b in range(2):
            g = gg * 2 + b

            @pl.when(g + 1 < _NCHUNK)
            def _():
                _start(g + 1, (b + 1) % 2)

            pltpu.make_async_copy(
                adj_hbm.at[
                    pl.ds(base_row + g * _ROWS_PER_CHUNK, _ROWS_PER_CHUNK)
                ],
                bufs[b], sems[b],
            ).wait()
            _process(bufs[b])
        return 0

    lax.fori_loop(0, _NCHUNK // 2, pair_body, 0)

    def merge_body(j, _):
        s = pl.ds(j * 16, 16)
        h0[s] = h0[s] + h1[s] + h2[s] + h3[s]
        return 0

    lax.fori_loop(0, _HBINS // 16, merge_body, 0, unroll=8)
    pltpu.sync_copy(h0, out_hbm.at[pl.ds(wid * _HBINS, _HBINS)])


def _suffix_counts(merged_f, nrows, ncols):
    rowtot = jnp.sum(merged_f, axis=1)
    a_r = lax.broadcasted_iota(jnp.int32, (nrows, nrows), 0)
    a_c = lax.broadcasted_iota(jnp.int32, (nrows, nrows), 1)
    strict_upper = (a_c > a_r).astype(jnp.float32)
    tail = lax.dot_general(
        strict_upper, rowtot, (((1,), (0,)), ((), ())), precision=_HIGHEST
    )
    u_k = lax.broadcasted_iota(jnp.int32, (ncols, ncols), 0)
    u_c = lax.broadcasted_iota(jnp.int32, (ncols, ncols), 1)
    upper = (u_k >= u_c).astype(jnp.float32)
    colsuf = lax.dot_general(
        merged_f, upper, (((1,), (0,)), ((), ())), precision=_HIGHEST
    )
    return tail[:, None] + colsuf


def _select_norm_body(adj_ref, h_ref, out_ref):
    merged = jnp.sum(h_ref[...], axis=0)
    r_i = lax.broadcasted_iota(jnp.int32, (128, 128), 0)
    c_i = lax.broadcasted_iota(jnp.int32, (128, 128), 1)
    nzeros = float(_NELEM) - jnp.sum(merged)
    merged = jnp.where((r_i == 0) & (c_i == 0), merged + nzeros, merged)
    s = _suffix_counts(merged, 128, 128)
    cond = (s >= float(K_KEEP)).astype(jnp.int32)
    bstar = jnp.sum(cond) - 1
    base = lax.shift_left(bstar, _LOWBITS)

    def search_body(_, carry):
        lo, hi = carry
        mid = lax.shift_right_logical(lo + hi, 1)
        t = base + mid
        cnt = jnp.float32(0.0)
        for i in range(_NBLK):
            blk = adj_ref[i * _ROWS_PER_BLK:(i + 1) * _ROWS_PER_BLK, :]
            bbits = lax.bitcast_convert_type(blk, jnp.int32)
            cnt += jnp.sum((bbits > t).astype(jnp.float32))
        take_low = cnt < float(K_KEEP)
        return (
            jnp.where(take_low, lo, mid + 1),
            jnp.where(take_low, mid, hi),
        )

    lo, _ = lax.fori_loop(
        0, _LOWBITS, search_body, (jnp.int32(0), jnp.int32((1 << _LOWBITS) - 1))
    )
    kth_bits = base + lo

    cols = lax.broadcasted_iota(jnp.int32, (_ROWS_PER_BLK, NUM_NODE), 1)
    rows0 = lax.broadcasted_iota(jnp.int32, (_ROWS_PER_BLK, NUM_NODE), 0)
    for i in range(_NBLK):
        a = adj_ref[i * _ROWS_PER_BLK:(i + 1) * _ROWS_PER_BLK, :]
        bbits = lax.bitcast_convert_type(a, jnp.int32)
        kept = bbits > kth_bits
        rm = jnp.max(a, axis=1, keepdims=True)
        e = jnp.where(kept, jnp.exp(a - rm), 0.0)
        denom = jnp.sum(e, axis=1, keepdims=True)
        kept_any = denom >= 0.5
        p = jnp.where(kept_any, e / denom, 1.0 / NUM_NODE)
        rows = rows0 + i * _ROWS_PER_BLK
        out_ref[i * _ROWS_PER_BLK:(i + 1) * _ROWS_PER_BLK, :] = jnp.where(
            rows == cols, 1.0, p
        )


def _tc_select_norm(adj, hr):
    return pl.pallas_call(
        _select_norm_body,
        out_shape=jax.ShapeDtypeStruct((NUM_NODE, NUM_NODE), jnp.float32),
    )(adj, hr)


def kernel(x, M1, M2):
    del x
    adj = _tc_adj(M1, M2)
    bits2d = lax.bitcast_convert_type(adj, jnp.int32)
    h = _sc_hist(bits2d).reshape(_NW, 128, 128)
    return _tc_select_norm(adj, h)

# --- scband reference (transcript-rebuilt; emitter-appended) ---
"""Pipeline reference for scband-graph-learner-85220741087438 (READ-ONLY COPY).

The authoritative reference and input builder live on the scoring server;
editing this copy changes nothing except your own understanding.
"""

import jax, jax.numpy as jnp
import numpy as np

NUM_NODE = 2048
RANK = 64
RETAIN_RATIO = 0.01
K = int(RETAIN_RATIO * NUM_NODE * NUM_NODE)


def _xavier_uniform(key, shape, gain):
    fan_in, fan_out = shape[1], shape[0]
    a = gain * np.sqrt(6.0 / (fan_in + fan_out))
    return jax.random.uniform(key, shape, dtype=jnp.float32, minval=-a, maxval=a)


def setup_inputs(seed: int = 0) -> dict:
    key = jax.random.key(seed)
    k1, k2, k3 = jax.random.split(key, 3)
    gain = np.sqrt(2.0)  # calculate_gain('relu')
    M1 = _xavier_uniform(k1, (NUM_NODE, RANK), gain)
    M2 = _xavier_uniform(k2, (NUM_NODE, RANK), gain)
    x = jax.random.normal(k3, (NUM_NODE, RANK), dtype=jnp.float32)
    return {"x": x, "M1": M1, "M2": M2}


def reference(x, M1, M2):
    n = M1.shape[0]
    adj_mx = jax.nn.relu(jnp.matmul(M1, M2.T))
    edges_w = adj_mx.reshape(n * n)
    topk_vals = jax.lax.top_k(edges_w, K)[0]
    thresh = topk_vals.min()
    adj_mx = jnp.where(adj_mx > thresh, adj_mx, jnp.full_like(adj_mx, -9000000000000000.0))
    adj_mx = jax.nn.softmax(adj_mx, axis=-1)
    eye = jnp.eye(n, dtype=adj_mx.dtype)
    adj_mx = adj_mx * (1.0 - eye) + eye
    return adj_mx

if __name__ == "__main__":
    import jax
    _d = setup_inputs()
    print(jax.jit(kernel)(*tuple(_d.values())))

</pallas_src>

<mosaic_0001>
#map = affine_map<(d0, d1) -> (0, 0)>
#map1 = affine_map<(d0, d1) -> (0)>
module attributes {stable_mosaic.version = 14 : i64} {
  func.func @_sc_hist(%arg0: i32, %arg1: i32, %arg2: memref<2048x2048xi32, #tpu.memory_space<hbm>>, %arg3: memref<524288xf32, #tpu.memory_space<hbm>>, %arg4: memref<8x2048xi32, #tpu.memory_space<vmem>>, %arg5: memref<8x2048xi32, #tpu.memory_space<vmem>>, %arg6: memref<16384xf32, #tpu.memory_space<vmem>>, %arg7: memref<16384xf32, #tpu.memory_space<vmem>>, %arg8: memref<16384xf32, #tpu.memory_space<vmem>>, %arg9: memref<16384xf32, #tpu.memory_space<vmem>>, %arg10: memref<!tpu.dma_semaphore, #tpu.memory_space<semaphore_mem>>, %arg11: memref<!tpu.dma_semaphore, #tpu.memory_space<semaphore_mem>>) attributes {dimension_semantics = [#tpu.dimension_semantics<core_parallel>, #tpu.dimension_semantics<subcore_parallel>], iteration_bounds = array<i64: 2, 16>, scalar_prefetch = 0 : i64, scratch_operands = 8 : i64, tpu.core_type = #tpu.core_type<sc_vector_subcore>, window_params = [{transform_indices = #map}, {transform_indices = #map1}]} {
    %mul3A = arith.constant 2 : i32
    %mul3A_0 = arith.muli %arg1, %mul3A : i32
    %add3A = arith.addi %mul3A_0, %arg0 : i32
    %mul3A_1 = arith.constant 64 : i32
    %mul3A_2 = arith.muli %add3A, %mul3A_1 : i32
    %broadcast_in_dim3A = arith.constant 0.000000e+00 : f32
    %broadcast_in_dim3A_3 = vector.broadcast %broadcast_in_dim3A : f32 to vector<16xf32>
    %scan3A = arith.constant 0 : i32
    %scan3A_4 = arith.constant 0 : i32
    %scan3A_5 = arith.constant 1024 : i32
    %scan3A_6 = arith.addi %scan3A_4, %scan3A_5 : i32
    %scan3A_7 = arith.constant 8 : i32
    %scan3A_8 = scf.for %scan3A_62 = %scan3A_4 to %scan3A_6 step %scan3A_7 iter_args(%scan3A_63 = %scan3A) -> (i32)  : i32 {
      %mul3A_64 = arith.constant 16 : i32
      %mul3A_65 = arith.muli %scan3A_62, %mul3A_64 : i32
      %swap3A = arith.index_cast %mul3A_65 : i32 to index
      %swap3A_66 = tpu.vector_load %arg6[%swap3A] {strides = array<i32>} : memref<16384xf32, #tpu.memory_space<vmem>>, vector<16xf32>,
      tpu.vector_store %arg6[%swap3A], %broadcast_in_dim3A_3 {strides = array<i32>} : memref<16384xf32, #tpu.memory_space<vmem>>, vector<16xf32>,
      %scan3A_67 = arith.constant 0 : i32
      %scan3A_68 = arith.constant 1 : i32
      %scan3A_69 = arith.addi %scan3A_62, %scan3A_68 : i32
      %mul3A_70 = arith.constant 16 : i32
      %mul3A_71 = arith.muli %scan3A_69, %mul3A_70 : i32
      %swap3A_72 = arith.index_cast %mul3A_71 : i32 to index
      %swap3A_73 = tpu.vector_load %arg6[%swap3A_72] {strides = array<i32>} : memref<16384xf32, #tpu.memory_space<vmem>>, vector<16xf32>,
      tpu.vector_store %arg6[%swap3A_72], %broadcast_in_dim3A_3 {strides = array<i32>} : memref<16384xf32, #tpu.memory_space<vmem>>, vector<16xf32>,
      %scan3A_74 = arith.constant 0 : i32
      %scan3A_75 = arith.constant 2 : i32
      %scan3A_76 = arith.addi %scan3A_62, %scan3A_75 : i32
      %mul3A_77 = arith.constant 16 : i32
      %mul3A_78 = arith.muli %scan3A_76, %mul3A_77 : i32
      %swap3A_79 = arith.index_cast %mul3A_78 : i32 to index
      %swap3A_80 = tpu.vector_load %arg6[%swap3A_79] {strides = array<i32>} : memref<16384xf32, #tpu.memory_space<vmem>>, vector<16xf32>,
      tpu.vector_store %arg6[%swap3A_79], %broadcast_in_dim3A_3 {strides = array<i32>} : memref<16384xf32, #tpu.memory_space<vmem>>, vector<16xf32>,
      %scan3A_81 = arith.constant 0 : i32
      %scan3A_82 = arith.constant 3 : i32
      %scan3A_83 = arith.addi %scan3A_62, %scan3A_82 : i32
      %mul3A_84 = arith.constant 16 : i32
      %mul3A_85 = arith.muli %scan3A_83, %mul3A_84 : i32
      %swap3A_86 = arith.index_cast %mul3A_85 : i32 to index
      %swap3A_87 = tpu.vector_load %arg6[%swap3A_86] {strides = array<i32>} : memref<16384xf32, #tpu.memory_space<vmem>>, vector<16xf32>,
      tpu.vector_store %arg6[%swap3A_86], %broadcast_in_dim3A_3 {strides = array<i32>} : memref<16384xf32, #tpu.memory_space<vmem>>, vector<16xf32>,
      %scan3A_88 = arith.constant 0 : i32
      %scan3A_89 = arith.constant 4 : i32
      %scan3A_90 = arith.addi %scan3A_62, %scan3A_89 : i32
      %mul3A_91 = arith.constant 16 : i32
      %mul3A_92 = arith.muli %scan3A_90, %mul3A_91 : i32
      %swap3A_93 = arith.index_cast %mul3A_92 : i32 to index
      %swap3A_94 = tpu.vector_load %arg6[%swap3A_93] {strides = array<i32>} : memref<16384xf32, #tpu.memory_space<vmem>>, vector<16xf32>,
      tpu.vector_store %arg6[%swap3A_93], %broadcast_in_dim3A_3 {strides = array<i32>} : memref<16384xf32, #tpu.memory_space<vmem>>, vector<16xf32>,
      %scan3A_95 = arith.constant 0 : i32
      %scan3A_96 = arith.constant 5 : i32
      %scan3A_97 = arith.addi %scan3A_62, %scan3A_96 : i32
      %mul3A_98 = arith.constant 16 : i32
      %mul3A_99 = arith.muli %scan3A_97, %mul3A_98 : i32
      %swap3A_100 = arith.index_cast %mul3A_99 : i32 to index
      %swap3A_101 = tpu.vector_load %arg6[%swap3A_100] {strides = array<i32>} : memref<16384xf32, #tpu.memory_space<vmem>>, vector<16xf32>,
      tpu.vector_store %arg6[%swap3A_100], %broadcast_in_dim3A_3 {strides = array<i32>} : memref<16384xf32, #tpu.memory_space<vmem>>, vector<16xf32>,
      %scan3A_102 = arith.constant 0 : i32
      %scan3A_103 = arith.constant 6 : i32
      %scan3A_104 = arith.addi %scan3A_62, %scan3A_103 : i32
      %mul3A_105 = arith.constant 16 : i32
      %mul3A_106 = arith.muli %scan3A_104, %mul3A_105 : i32
      %swap3A_107 = arith.index_cast %mul3A_106 : i32 to index
      %swap3A_108 = tpu.vector_load %arg6[%swap3A_107] {strides = array<i32>} : memref<16384xf32, #tpu.memory_space<vmem>>, vector<16xf32>,
      tpu.vector_store %arg6[%swap3A_107], %broadcast_in_dim3A_3 {strides = array<i32>} : memref<16384xf32, #tpu.memory_space<vmem>>, vector<16xf32>,
      %scan3A_109 = arith.constant 0 : i32
      %scan3A_110 = arith.constant 7 : i32
      %scan3A_111 = arith.addi %scan3A_62, %scan3A_110 : i32
      %mul3A_112 = arith.constant 16 : i32
      %mul3A_113 = arith.muli %scan3A_111, %mul3A_112 : i32
      %swap3A_114 = arith.index_cast %mul3A_113 : i32 to index
      %swap3A_115 = tpu.vector_load %arg6[%swap3A_114] {strides = array<i32>} : memref<16384xf32, #tpu.memory_space<vmem>>, vector<16xf32>,
      tpu.vector_store %arg6[%swap3A_114], %broadcast_in_dim3A_3 {strides = array<i32>} : memref<16384xf32, #tpu.memory_space<vmem>>, vector<16xf32>,
      %scan3A_116 = arith.constant 0 : i32
      scf.yield %scan3A_116 : i32
    }
    %scan3A_9 = arith.constant 1024 : i32
    %broadcast_in_dim3A_10 = arith.constant 0.000000e+00 : f32
    %broadcast_in_dim3A_11 = vector.broadcast %broadcast_in_dim3A_10 : f32 to vector<16xf32>
    %scan3A_12 = arith.constant 0 : i32
    %scan3A_13 = arith.constant 0 : i32
    %scan3A_14 = arith.constant 1024 : i32
    %scan3A_15 = arith.addi %scan3A_13, %scan3A_14 : i32
    %scan3A_16 = arith.constant 8 : i32
    %scan3A_17 = scf.for %scan3A_62 = %scan3A_13 to %scan3A_15 step %scan3A_16 iter_args(%scan3A_63 = %scan3A_12) -> (i32)  : i32 {
      %mul3A_64 = arith.constant 16 : i32
      %mul3A_65 = arith.muli %scan3A_62, %mul3A_64 : i32
      %swap3A = arith.index_cast %mul3A_65 : i32 to index
      %swap3A_66 = tpu.vector_load %arg7[%swap3A] {strides = array<i32>} : memref<16384xf32, #tpu.memory_space<vmem>>, vector<16xf32>,
      tpu.vector_store %arg7[%swap3A], %broadcast_in_dim3A_11 {strides = array<i32>} : memref<16384xf32, #tpu.memory_space<vmem>>, vector<16xf32>,
      %scan3A_67 = arith.constant 0 : i32
      %scan3A_68 = arith.constant 1 : i32
      %scan3A_69 = arith.addi %scan3A_62, %scan3A_68 : i32
      %mul3A_70 = arith.constant 16 : i32
      %mul3A_71 = arith.muli %scan3A_69, %mul3A_70 : i32
      %swap3A_72 = arith.index_cast %mul3A_71 : i32 to index
      %swap3A_73 = tpu.vector_load %arg7[%swap3A_72] {strides = array<i32>} : memref<16384xf32, #tpu.memory_space<vmem>>, vector<16xf32>,
      tpu.vector_store %arg7[%swap3A_72], %broadcast_in_dim3A_11 {strides = array<i32>} : memref<16384xf32, #tpu.memory_space<vmem>>, vector<16xf32>,
      %scan3A_74 = arith.constant 0 : i32
      %scan3A_75 = arith.constant 2 : i32
      %scan3A_76 = arith.addi %scan3A_62, %scan3A_75 : i32
      %mul3A_77 = arith.constant 16 : i32
      %mul3A_78 = arith.muli %scan3A_76, %mul3A_77 : i32
      %swap3A_79 = arith.index_cast %mul3A_78 : i32 to index
      %swap3A_80 = tpu.vector_load %arg7[%swap3A_79] {strides = array<i32>} : memref<16384xf32, #tpu.memory_space<vmem>>, vector<16xf32>,
      tpu.vector_store %arg7[%swap3A_79], %broadcast_in_dim3A_11 {strides = array<i32>} : memref<16384xf32, #tpu.memory_space<vmem>>, vector<16xf32>,
      %scan3A_81 = arith.constant 0 : i32
      %scan3A_82 = arith.constant 3 : i32
      %scan3A_83 = arith.addi %scan3A_62, %scan3A_82 : i32
      %mul3A_84 = arith.constant 16 : i32
      %mul3A_85 = arith.muli %scan3A_83, %mul3A_84 : i32
      %swap3A_86 = arith.index_cast %mul3A_85 : i32 to index
      %swap3A_87 = tpu.vector_load %arg7[%swap3A_86] {strides = array<i32>} : memref<16384xf32, #tpu.memory_space<vmem>>, vector<16xf32>,
      tpu.vector_store %arg7[%swap3A_86], %broadcast_in_dim3A_11 {strides = array<i32>} : memref<16384xf32, #tpu.memory_space<vmem>>, vector<16xf32>,
      %scan3A_88 = arith.constant 0 : i32
      %scan3A_89 = arith.constant 4 : i32
      %scan3A_90 = arith.addi %scan3A_62, %scan3A_89 : i32
      %mul3A_91 = arith.constant 16 : i32
      %mul3A_92 = arith.muli %scan3A_90, %mul3A_91 : i32
      %swap3A_93 = arith.index_cast %mul3A_92 : i32 to index
      %swap3A_94 = tpu.vector_load %arg7[%swap3A_93] {strides = array<i32>} : memref<16384xf32, #tpu.memory_space<vmem>>, vector<16xf32>,
      tpu.vector_store %arg7[%swap3A_93], %broadcast_in_dim3A_11 {strides = array<i32>} : memref<16384xf32, #tpu.memory_space<vmem>>, vector<16xf32>,
      %scan3A_95 = arith.constant 0 : i32
      %scan3A_96 = arith.constant 5 : i32
      %scan3A_97 = arith.addi %scan3A_62, %scan3A_96 : i32
      %mul3A_98 = arith.constant 16 : i32
      %mul3A_99 = arith.muli %scan3A_97, %mul3A_98 : i32
      %swap3A_100 = arith.index_cast %mul3A_99 : i32 to index
      %swap3A_101 = tpu.vector_load %arg7[%swap3A_100] {strides = array<i32>} : memref<16384xf32, #tpu.memory_space<vmem>>, vector<16xf32>,
      tpu.vector_store %arg7[%swap3A_100], %broadcast_in_dim3A_11 {strides = array<i32>} : memref<16384xf32, #tpu.memory_space<vmem>>, vector<16xf32>,
      %scan3A_102 = arith.constant 0 : i32
      %scan3A_103 = arith.constant 6 : i32
      %scan3A_104 = arith.addi %scan3A_62, %scan3A_103 : i32
      %mul3A_105 = arith.constant 16 : i32
      %mul3A_106 = arith.muli %scan3A_104, %mul3A_105 : i32
      %swap3A_107 = arith.index_cast %mul3A_106 : i32 to index
      %swap3A_108 = tpu.vector_load %arg7[%swap3A_107] {strides = array<i32>} : memref<16384xf32, #tpu.memory_space<vmem>>, vector<16xf32>,
      tpu.vector_store %arg7[%swap3A_107], %broadcast_in_dim3A_11 {strides = array<i32>} : memref<16384xf32, #tpu.memory_space<vmem>>, vector<16xf32>,
      %scan3A_109 = arith.constant 0 : i32
      %scan3A_110 = arith.constant 7 : i32
      %scan3A_111 = arith.addi %scan3A_62, %scan3A_110 : i32
      %mul3A_112 = arith.constant 16 : i32
      %mul3A_113 = arith.muli %scan3A_111, %mul3A_112 : i32
      %swap3A_114 = arith.index_cast %mul3A_113 : i32 to index
      %swap3A_115 = tpu.vector_load %arg7[%swap3A_114] {strides = array<i32>} : memref<16384xf32, #tpu.memory_space<vmem>>, vector<16xf32>,
      tpu.vector_store %arg7[%swap3A_114], %broadcast_in_dim3A_11 {strides = array<i32>} : memref<16384xf32, #tpu.memory_space<vmem>>, vector<16xf32>,
      %scan3A_116 = arith.constant 0 : i32
      scf.yield %scan3A_116 : i32
    }
    %scan3A_18 = arith.constant 1024 : i32
    %broadcast_in_dim3A_19 = arith.constant 0.000000e+00 : f32
    %broadcast_in_dim3A_20 = vector.broadcast %broadcast_in_dim3A_19 : f32 to vector<16xf32>
    %scan3A_21 = arith.constant 0 : i32
    %scan3A_22 = arith.constant 0 : i32
    %scan3A_23 = arith.constant 1024 : i32
    %scan3A_24 = arith.addi %scan3A_22, %scan3A_23 : i32
    %scan3A_25 = arith.constant 8 : i32
    %scan3A_26 = scf.for %scan3A_62 = %scan3A_22 to %scan3A_24 step %scan3A_25 iter_args(%scan3A_63 = %scan3A_21) -> (i32)  : i32 {
      %mul3A_64 = arith.constant 16 : i32
      %mul3A_65 = arith.muli %scan3A_62, %mul3A_64 : i32
      %swap3A = arith.index_cast %mul3A_65 : i32 to index
      %swap3A_66 = tpu.vector_load %arg8[%swap3A] {strides = array<i32>} : memref<16384xf32, #tpu.memory_space<vmem>>, vector<16xf32>,
      tpu.vector_store %arg8[%swap3A], %broadcast_in_dim3A_20 {strides = array<i32>} : memref<16384xf32, #tpu.memory_space<vmem>>, vector<16xf32>,
      %scan3A_67 = arith.constant 0 : i32
      %scan3A_68 = arith.constant 1 : i32
      %scan3A_69 = arith.addi %scan3A_62, %scan3A_68 : i32
      %mul3A_70 = arith.constant 16 : i32
      %mul3A_71 = arith.muli %scan3A_69, %mul3A_70 : i32
      %swap3A_72 = arith.index_cast %mul3A_71 : i32 to index
      %swap3A_73 = tpu.vector_load %arg8[%swap3A_72] {strides = array<i32>} : memref<16384xf32, #tpu.memory_space<vmem>>, vector<16xf32>,
      tpu.vector_store %arg8[%swap3A_72], %broadcast_in_dim3A_20 {strides = array<i32>} : memref<16384xf32, #tpu.memory_space<vmem>>, vector<16xf32>,
      %scan3A_74 = arith.constant 0 : i32
      %scan3A_75 = arith.constant 2 : i32
      %scan3A_76 = arith.addi %scan3A_62, %scan3A_75 : i32
      %mul3A_77 = arith.constant 16 : i32
      %mul3A_78 = arith.muli %scan3A_76, %mul3A_77 : i32
      %swap3A_79 = arith.index_cast %mul3A_78 : i32 to index
      %swap3A_80 = tpu.vector_load %arg8[%swap3A_79] {strides = array<i32>} : memref<16384xf32, #tpu.memory_space<vmem>>, vector<16xf32>,
      tpu.vector_store %arg8[%swap3A_79], %broadcast_in_dim3A_20 {strides = array<i32>} : memref<16384xf32, #tpu.memory_space<vmem>>, vector<16xf32>,
      %scan3A_81 = arith.constant 0 : i32
      %scan3A_82 = arith.constant 3 : i32
      %scan3A_83 = arith.addi %scan3A_62, %scan3A_82 : i32
      %mul3A_84 = arith.constant 16 : i32
      %mul3A_85 = arith.muli %scan3A_83, %mul3A_84 : i32
      %swap3A_86 = arith.index_cast %mul3A_85 : i32 to index
      %swap3A_87 = tpu.vector_load %arg8[%swap3A_86] {strides = array<i32>} : memref<16384xf32, #tpu.memory_space<vmem>>, vector<16xf32>,
      tpu.vector_store %arg8[%swap3A_86], %broadcast_in_dim3A_20 {strides = array<i32>} : memref<16384xf32, #tpu.memory_space<vmem>>, vector<16xf32>,
      %scan3A_88 = arith.constant 0 : i32
      %scan3A_89 = arith.constant 4 : i32
      %scan3A_90 = arith.addi %scan3A_62, %scan3A_89 : i32
      %mul3A_91 = arith.constant 16 : i32
      %mul3A_92 = arith.muli %scan3A_90, %mul3A_91 : i32
      %swap3A_93 = arith.index_cast %mul3A_92 : i32 to index
      %swap3A_94 = tpu.vector_load %arg8[%swap3A_93] {strides = array<i32>} : memref<16384xf32, #tpu.memory_space<vmem>>, vector<16xf32>,
      tpu.vector_store %arg8[%swap3A_93], %broadcast_in_dim3A_20 {strides = array<i32>} : memref<16384xf32, #tpu.memory_space<vmem>>, vector<16xf32>,
      %scan3A_95 = arith.constant 0 : i32
      %scan3A_96 = arith.constant 5 : i32
      %scan3A_97 = arith.addi %scan3A_62, %scan3A_96 : i32
      %mul3A_98 = arith.constant 16 : i32
      %mul3A_99 = arith.muli %scan3A_97, %mul3A_98 : i32
      %swap3A_100 = arith.index_cast %mul3A_99 : i32 to index
      %swap3A_101 = tpu.vector_load %arg8[%swap3A_100] {strides = array<i32>} : memref<16384xf32, #tpu.memory_space<vmem>>, vector<16xf32>,
      tpu.vector_store %arg8[%swap3A_100], %broadcast_in_dim3A_20 {strides = array<i32>} : memref<16384xf32, #tpu.memory_space<vmem>>, vector<16xf32>,
      %scan3A_102 = arith.constant 0 : i32
      %scan3A_103 = arith.constant 6 : i32
      %scan3A_104 = arith.addi %scan3A_62, %scan3A_103 : i32
      %mul3A_105 = arith.constant 16 : i32
      %mul3A_106 = arith.muli %scan3A_104, %mul3A_105 : i32
      %swap3A_107 = arith.index_cast %mul3A_106 : i32 to index
      %swap3A_108 = tpu.vector_load %arg8[%swap3A_107] {strides = array<i32>} : memref<16384xf32, #tpu.memory_space<vmem>>, vector<16xf32>,
      tpu.vector_store %arg8[%swap3A_107], %broadcast_in_dim3A_20 {strides = array<i32>} : memref<16384xf32, #tpu.memory_space<vmem>>, vector<16xf32>,
      %scan3A_109 = arith.constant 0 : i32
      %scan3A_110 = arith.constant 7 : i32
      %scan3A_111 = arith.addi %scan3A_62, %scan3A_110 : i32
      %mul3A_112 = arith.constant 16 : i32
      %mul3A_113 = arith.muli %scan3A_111, %mul3A_112 : i32
      %swap3A_114 = arith.index_cast %mul3A_113 : i32 to index
      %swap3A_115 = tpu.vector_load %arg8[%swap3A_114] {strides = array<i32>} : memref<16384xf32, #tpu.memory_space<vmem>>, vector<16xf32>,
      tpu.vector_store %arg8[%swap3A_114], %broadcast_in_dim3A_20 {strides = array<i32>} : memref<16384xf32, #tpu.memory_space<vmem>>, vector<16xf32>,
      %scan3A_116 = arith.constant 0 : i32
      scf.yield %scan3A_116 : i32
    }
    %scan3A_27 = arith.constant 1024 : i32
    %broadcast_in_dim3A_28 = arith.constant 0.000000e+00 : f32
    %broadcast_in_dim3A_29 = vector.broadcast %broadcast_in_dim3A_28 : f32 to vector<16xf32>
    %scan3A_30 = arith.constant 0 : i32
    %scan3A_31 = arith.constant 0 : i32
    %scan3A_32 = arith.constant 1024 : i32
    %scan3A_33 = arith.addi %scan3A_31, %scan3A_32 : i32
    %scan3A_34 = arith.constant 8 : i32
    %scan3A_35 = scf.for %scan3A_62 = %scan3A_31 to %scan3A_33 step %scan3A_34 iter_args(%scan3A_63 = %scan3A_30) -> (i32)  : i32 {
      %mul3A_64 = arith.constant 16 : i32
      %mul3A_65 = arith.muli %scan3A_62, %mul3A_64 : i32
      %swap3A = arith.index_cast %mul3A_65 : i32 to index
      %swap3A_66 = tpu.vector_load %arg9[%swap3A] {strides = array<i32>} : memref<16384xf32, #tpu.memory_space<vmem>>, vector<16xf32>,
      tpu.vector_store %arg9[%swap3A], %broadcast_in_dim3A_29 {strides = array<i32>} : memref<16384xf32, #tpu.memory_space<vmem>>, vector<16xf32>,
      %scan3A_67 = arith.constant 0 : i32
      %scan3A_68 = arith.constant 1 : i32
      %scan3A_69 = arith.addi %scan3A_62, %scan3A_68 : i32
      %mul3A_70 = arith.constant 16 : i32
      %mul3A_71 = arith.muli %scan3A_69, %mul3A_70 : i32
      %swap3A_72 = arith.index_cast %mul3A_71 : i32 to index
      %swap3A_73 = tpu.vector_load %arg9[%swap3A_72] {strides = array<i32>} : memref<16384xf32, #tpu.memory_space<vmem>>, vector<16xf32>,
      tpu.vector_store %arg9[%swap3A_72], %broadcast_in_dim3A_29 {strides = array<i32>} : memref<16384xf32, #tpu.memory_space<vmem>>, vector<16xf32>,
      %scan3A_74 = arith.constant 0 : i32
      %scan3A_75 = arith.constant 2 : i32
      %scan3A_76 = arith.addi %scan3A_62, %scan3A_75 : i32
      %mul3A_77 = arith.constant 16 : i32
      %mul3A_78 = arith.muli %scan3A_76, %mul3A_77 : i32
      %swap3A_79 = arith.index_cast %mul3A_78 : i32 to index
      %swap3A_80 = tpu.vector_load %arg9[%swap3A_79] {strides = array<i32>} : memref<16384xf32, #tpu.memory_space<vmem>>, vector<16xf32>,
      tpu.vector_store %arg9[%swap3A_79], %broadcast_in_dim3A_29 {strides = array<i32>} : memref<16384xf32, #tpu.memory_space<vmem>>, vector<16xf32>,
      %scan3A_81 = arith.constant 0 : i32
      %scan3A_82 = arith.constant 3 : i32
      %scan3A_83 = arith.addi %scan3A_62, %scan3A_82 : i32
      %mul3A_84 = arith.constant 16 : i32
      %mul3A_85 = arith.muli %scan3A_83, %mul3A_84 : i32
      %swap3A_86 = arith.index_cast %mul3A_85 : i32 to index
      %swap3A_87 = tpu.vector_load %arg9[%swap3A_86] {strides = array<i32>} : memref<16384xf32, #tpu.memory_space<vmem>>, vector<16xf32>,
      tpu.vector_store %arg9[%swap3A_86], %broadcast_in_dim3A_29 {strides = array<i32>} : memref<16384xf32, #tpu.memory_space<vmem>>, vector<16xf32>,
      %scan3A_88 = arith.constant 0 : i32
      %scan3A_89 = arith.constant 4 : i32
      %scan3A_90 = arith.addi %scan3A_62, %scan3A_89 : i32
      %mul3A_91 = arith.constant 16 : i32
      %mul3A_92 = arith.muli %scan3A_90, %mul3A_91 : i32
      %swap3A_93 = arith.index_cast %mul3A_92 : i32 to index
      %swap3A_94 = tpu.vector_load %arg9[%swap3A_93] {strides = array<i32>} : memref<16384xf32, #tpu.memory_space<vmem>>, vector<16xf32>,
      tpu.vector_store %arg9[%swap3A_93], %broadcast_in_dim3A_29 {strides = array<i32>} : memref<16384xf32, #tpu.memory_space<vmem>>, vector<16xf32>,
      %scan3A_95 = arith.constant 0 : i32
      %scan3A_96 = arith.constant 5 : i32
      %scan3A_97 = arith.addi %scan3A_62, %scan3A_96 : i32
      %mul3A_98 = arith.constant 16 : i32
      %mul3A_99 = arith.muli %scan3A_97, %mul3A_98 : i32
      %swap3A_100 = arith.index_cast %mul3A_99 : i32 to index
      %swap3A_101 = tpu.vector_load %arg9[%swap3A_100] {strides = array<i32>} : memref<16384xf32, #tpu.memory_space<vmem>>, vector<16xf32>,
      tpu.vector_store %arg9[%swap3A_100], %broadcast_in_dim3A_29 {strides = array<i32>} : memref<16384xf32, #tpu.memory_space<vmem>>, vector<16xf32>,
      %scan3A_102 = arith.constant 0 : i32
      %scan3A_103 = arith.constant 6 : i32
      %scan3A_104 = arith.addi %scan3A_62, %scan3A_103 : i32
      %mul3A_105 = arith.constant 16 : i32
      %mul3A_106 = arith.muli %scan3A_104, %mul3A_105 : i32
      %swap3A_107 = arith.index_cast %mul3A_106 : i32 to index
      %swap3A_108 = tpu.vector_load %arg9[%swap3A_107] {strides = array<i32>} : memref<16384xf32, #tpu.memory_space<vmem>>, vector<16xf32>,
      tpu.vector_store %arg9[%swap3A_107], %broadcast_in_dim3A_29 {strides = array<i32>} : memref<16384xf32, #tpu.memory_space<vmem>>, vector<16xf32>,
      %scan3A_109 = arith.constant 0 : i32
      %scan3A_110 = arith.constant 7 : i32
      %scan3A_111 = arith.addi %scan3A_62, %scan3A_110 : i32
      %mul3A_112 = arith.constant 16 : i32
      %mul3A_113 = arith.muli %scan3A_111, %mul3A_112 : i32
      %swap3A_114 = arith.index_cast %mul3A_113 : i32 to index
      %swap3A_115 = tpu.vector_load %arg9[%swap3A_114] {strides = array<i32>} : memref<16384xf32, #tpu.memory_space<vmem>>, vector<16xf32>,
      tpu.vector_store %arg9[%swap3A_114], %broadcast_in_dim3A_29 {strides = array<i32>} : memref<16384xf32, #tpu.memory_space<vmem>>, vector<16xf32>,
      %scan3A_116 = arith.constant 0 : i32
      scf.yield %scan3A_116 : i32
    }
    %scan3A_36 = arith.constant 1024 : i32
    %broadcast_in_dim3A_37 = arith.constant 1.000000e+00 : f32
    %broadcast_in_dim3A_38 = vector.broadcast %broadcast_in_dim3A_37 : f32 to vector<16xf32>
    %broadcast_in_dim3A_39 = arith.constant 0 : i32
    %broadcast_in_dim3A_40 = vector.broadcast %broadcast_in_dim3A_39 : i32 to vector<16xi32>
    %add3A_41 = arith.constant 0 : i32
    %add3A_42 = arith.addi %mul3A_2, %add3A_41 : i32
    %dma_start3A = arith.constant 0 : i32
    %dma_start3A_43 = tpu.memref_slice %arg2[%add3A_42, %dma_start3A] : memref<2048x2048xi32, #tpu.memory_space<hbm>> -> memref<8x2048xi32, #tpu.memory_space<hbm>>
    %dma_start3A_44 = arith.constant 0 : i32
    %dma_start3A_45 = tpu.memref_slice %arg2[%add3A_42, %dma_start3A_44] : memref<2048x2048xi32, #tpu.memory_space<hbm>> -> memref<8x2048xi32, #tpu.memory_space<hbm>>
    tpu.enqueue_dma source(%dma_start3A_45 : memref<8x2048xi32, #tpu.memory_space<hbm>>) target(%arg4 : memref<8x2048xi32, #tpu.memory_space<vmem>>) target_semaphore(%arg10 : memref<!tpu.dma_semaphore, #tpu.memory_space<semaphore_mem>>)
    %scan3A_46 = arith.constant 0 : i32
    %scan3A_47 = arith.constant 0 : i32
    %scan3A_48 = arith.constant 4 : i32
    %scan3A_49 = arith.addi %scan3A_47, %scan3A_48 : i32
    %scan3A_50 = arith.constant 1 : i32
    %scan3A_51 = scf.for %scan3A_62 = %scan3A_47 to %scan3A_49 step %scan3A_50 iter_args(%scan3A_63 = %scan3A_46) -> (i32)  : i32 {
      %mul3A_64 = arith.constant 2 : i32
      %mul3A_65 = arith.muli %scan3A_62, %mul3A_64 : i32
      %add3A_66 = arith.constant 0 : i32
      %add3A_67 = arith.addi %mul3A_65, %add3A_66 : i32
      %add3A_68 = arith.constant 1 : i32
      %add3A_69 = arith.addi %add3A_67, %add3A_68 : i32
      %lt3A = arith.constant 8 : i32
      %lt3A_70 = arith.cmpi slt, %add3A_69, %lt3A : i32
      %convert_element_type3A = arith.extui %lt3A_70 : i1 to i32
      %cond3A = arith.constant 0 : i32
      %cond3A_71 = arith.cmpi ne, %convert_element_type3A, %cond3A : i32
      scf.if %cond3A_71 {
        %add3A_144 = arith.constant 1 : i32
        %add3A_145 = arith.addi %add3A_67, %add3A_144 : i32
        %mul3A_146 = arith.constant 8 : i32
        %mul3A_147 = arith.muli %add3A_145, %mul3A_146 : i32
        %add3A_148 = arith.addi %mul3A_2, %mul3A_147 : i32
        %dma_start3A_149 = arith.constant 0 : i32
        %dma_start3A_150 = tpu.memref_slice %arg2[%add3A_148, %dma_start3A_149] : memref<2048x2048xi32, #tpu.memory_space<hbm>> -> memref<8x2048xi32, #tpu.memory_space<hbm>>
        %dma_start3A_151 = arith.constant 0 : i32
        %dma_start3A_152 = tpu.memref_slice %arg2[%add3A_148, %dma_start3A_151] : memref<2048x2048xi32, #tpu.memory_space<hbm>> -> memref<8x2048xi32, #tpu.memory_space<hbm>>
        tpu.enqueue_dma source(%dma_start3A_152 : memref<8x2048xi32, #tpu.memory_space<hbm>>) target(%arg5 : memref<8x2048xi32, #tpu.memory_space<vmem>>) target_semaphore(%arg11 : memref<!tpu.dma_semaphore, #tpu.memory_space<semaphore_mem>>)
      } else {
      }
      %mul3A_72 = arith.constant 8 : i32
      %mul3A_73 = arith.muli %add3A_67, %mul3A_72 : i32
      %add3A_74 = arith.addi %mul3A_2, %mul3A_73 : i32
      %dma_wait3A = arith.constant 0 : i32
      %dma_wait3A_75 = tpu.memref_slice %arg2[%add3A_74, %dma_wait3A] : memref<2048x2048xi32, #tpu.memory_space<hbm>> -> memref<8x2048xi32, #tpu.memory_space<hbm>>
      %dma_wait3A_76 = arith.constant 0 : i32
      %dma_wait3A_77 = tpu.memref_slice %arg2[%add3A_74, %dma_wait3A_76] : memref<2048x2048xi32, #tpu.memory_space<hbm>> -> memref<8x2048xi32, #tpu.memory_space<hbm>>
      tpu.wait_dma2 semaphore(%arg10 : memref<!tpu.dma_semaphore, #tpu.memory_space<semaphore_mem>>) src(%dma_wait3A_77 : memref<8x2048xi32, #tpu.memory_space<hbm>>) dst(%arg4 : memref<8x2048xi32, #tpu.memory_space<vmem>>)
      %parallel_loop3A = arith.constant 0 : i32
      %parallel_loop3A_78 = arith.constant 32 : i32
      %parallel_loop3A_79 = arith.constant 1 : i32
      scf.for %parallel_loop3A_144 = %parallel_loop3A to %parallel_loop3A_78 step %parallel_loop3A_79  : i32 {
        %parallel_loop3A_145 = arith.constant 64 : i32
        %parallel_loop3A_146 = arith.muli %parallel_loop3A_144, %parallel_loop3A_145 : i32
        %parallel_loop3A_147 = arith.constant 0 : i32
        %parallel_loop3A_148 = arith.addi %parallel_loop3A_146, %parallel_loop3A_147 : i32
        %parallel_loop3A_149 = arith.constant 0 : i32
        %parallel_loop3A_150 = arith.index_cast %parallel_loop3A_149 : i32 to index
        %parallel_loop3A_151 = arith.index_cast %parallel_loop3A_148 : i32 to index
        %parallel_loop3A_152 = tpu.vector_load %arg4[%parallel_loop3A_150, %parallel_loop3A_151] {strides = array<i32>} : memref<8x2048xi32, #tpu.memory_space<vmem>>, vector<16xi32>,
        %parallel_loop3A_153 = arith.constant 17 : i32
        %parallel_loop3A_154 = vector.broadcast %parallel_loop3A_153 : i32 to vector<16xi32>
        %parallel_loop3A_155 = arith.shrui %parallel_loop3A_152, %parallel_loop3A_154 : vector<16xi32>
        %parallel_loop3A_156 = arith.cmpi ne, %parallel_loop3A_152, %broadcast_in_dim3A_40 : vector<16xi32>
        tpu.vector_store_idx %arg6[%parallel_loop3A_155], %broadcast_in_dim3A_38 masked %parallel_loop3A_156 {add = true} : memref<16384xf32, #tpu.memory_space<vmem>>[vector<16xi32>], vector<16xf32>, vector<16xi1>
        %parallel_loop3A_157 = arith.constant 64 : i32
        %parallel_loop3A_158 = arith.muli %parallel_loop3A_144, %parallel_loop3A_157 : i32
        %parallel_loop3A_159 = arith.constant 16 : i32
        %parallel_loop3A_160 = arith.addi %parallel_loop3A_158, %parallel_loop3A_159 : i32
        %parallel_loop3A_161 = arith.constant 0 : i32
        %parallel_loop3A_162 = arith.index_cast %parallel_loop3A_161 : i32 to index
        %parallel_loop3A_163 = arith.index_cast %parallel_loop3A_160 : i32 to index
        %parallel_loop3A_164 = tpu.vector_load %arg4[%parallel_loop3A_162, %parallel_loop3A_163] {strides = array<i32>} : memref<8x2048xi32, #tpu.memory_space<vmem>>, vector<16xi32>,
        %parallel_loop3A_165 = arith.constant 17 : i32
        %parallel_loop3A_166 = vector.broadcast %parallel_loop3A_165 : i32 to vector<16xi32>
        %parallel_loop3A_167 = arith.shrui %parallel_loop3A_164, %parallel_loop3A_166 : vector<16xi32>
        %parallel_loop3A_168 = arith.cmpi ne, %parallel_loop3A_164, %broadcast_in_dim3A_40 : vector<16xi32>
        tpu.vector_store_idx %arg7[%parallel_loop3A_167], %broadcast_in_dim3A_38 masked %parallel_loop3A_168 {add = true} : memref<16384xf32, #tpu.memory_space<vmem>>[vector<16xi32>], vector<16xf32>, vector<16xi1>
        %parallel_loop3A_169 = arith.constant 64 : i32
        %parallel_loop3A_170 = arith.muli %parallel_loop3A_144, %parallel_loop3A_169 : i32
        %parallel_loop3A_171 = arith.constant 32 : i32
        %parallel_loop3A_172 = arith.addi %parallel_loop3A_170, %parallel_loop3A_171 : i32
        %parallel_loop3A_173 = arith.constant 0 : i32
        %parallel_loop3A_174 = arith.index_cast %parallel_loop3A_173 : i32 to index
        %parallel_loop3A_175 = arith.index_cast %parallel_loop3A_172 : i32 to index
        %parallel_loop3A_176 = tpu.vector_load %arg4[%parallel_loop3A_174, %parallel_loop3A_175] {strides = array<i32>} : memref<8x2048xi32, #tpu.memory_space<vmem>>, vector<16xi32>,
        %parallel_loop3A_177 = arith.constant 17 : i32
        %parallel_loop3A_178 = vector.broadcast %parallel_loop3A_177 : i32 to vector<16xi32>
        %parallel_loop3A_179 = arith.shrui %parallel_loop3A_176, %parallel_loop3A_178 : vector<16xi32>
        %parallel_loop3A_180 = arith.cmpi ne, %parallel_loop3A_176, %broadcast_in_dim3A_40 : vector<16xi32>
        tpu.vector_store_idx %arg8[%parallel_loop3A_179], %broadcast_in_dim3A_38 masked %parallel_loop3A_180 {add = true} : memref<16384xf32, #tpu.memory_space<vmem>>[vector<16xi32>], vector<16xf32>, vector<16xi1>
        %parallel_loop3A_181 = arith.constant 64 : i32
        %parallel_loop3A_182 = arith.muli %parallel_loop3A_144, %parallel_loop3A_181 : i32
        %parallel_loop3A_183 = arith.constant 48 : i32
        %parallel_loop3A_184 = arith.addi %parallel_loop3A_182, %parallel_loop3A_183 : i32
        %parallel_loop3A_185 = arith.constant 0 : i32
        %parallel_loop3A_186 = arith.index_cast %parallel_loop3A_185 : i32 to index
        %parallel_loop3A_187 = arith.index_cast %parallel_loop3A_184 : i32 to index
        %parallel_loop3A_188 = tpu.vector_load %arg4[%parallel_loop3A_186, %parallel_loop3A_187] {strides = array<i32>} : memref<8x2048xi32, #tpu.memory_space<vmem>>, vector<16xi32>,
        %parallel_loop3A_189 = arith.constant 17 : i32
        %parallel_loop3A_190 = vector.broadcast %parallel_loop3A_189 : i32 to vector<16xi32>
        %parallel_loop3A_191 = arith.shrui %parallel_loop3A_188, %parallel_loop3A_190 : vector<16xi32>
        %parallel_loop3A_192 = arith.cmpi ne, %parallel_loop3A_188, %broadcast_in_dim3A_40 : vector<16xi32>
        tpu.vector_store_idx %arg9[%parallel_loop3A_191], %broadcast_in_dim3A_38 masked %parallel_loop3A_192 {add = true} : memref<16384xf32, #tpu.memory_space<vmem>>[vector<16xi32>], vector<16xf32>, vector<16xi1>
      } {sc.loop_unroll_factor = 2 : i64, sc.parallel_access}
      %parallel_loop3A_80 = arith.constant 0 : i32
      %parallel_loop3A_81 = arith.constant 32 : i32
      %parallel_loop3A_82 = arith.constant 1 : i32
      scf.for %parallel_loop3A_144 = %parallel_loop3A_80 to %parallel_loop3A_81 step %parallel_loop3A_82  : i32 {
        %parallel_loop3A_145 = arith.constant 64 : i32
        %parallel_loop3A_146 = arith.muli %parallel_loop3A_144, %parallel_loop3A_145 : i32
        %parallel_loop3A_147 = arith.constant 0 : i32
        %parallel_loop3A_148 = arith.addi %parallel_loop3A_146, %parallel_loop3A_147 : i32
        %parallel_loop3A_149 = arith.constant 1 : i32
        %parallel_loop3A_150 = arith.index_cast %parallel_loop3A_149 : i32 to index
        %parallel_loop3A_151 = arith.index_cast %parallel_loop3A_148 : i32 to index
        %parallel_loop3A_152 = tpu.vector_load %arg4[%parallel_loop3A_150, %parallel_loop3A_151] {strides = array<i32>} : memref<8x2048xi32, #tpu.memory_space<vmem>>, vector<16xi32>,
        %parallel_loop3A_153 = arith.constant 17 : i32
        %parallel_loop3A_154 = vector.broadcast %parallel_loop3A_153 : i32 to vector<16xi32>
        %parallel_loop3A_155 = arith.shrui %parallel_loop3A_152, %parallel_loop3A_154 : vector<16xi32>
        %parallel_loop3A_156 = arith.cmpi ne, %parallel_loop3A_152, %broadcast_in_dim3A_40 : vector<16xi32>
        tpu.vector_store_idx %arg6[%parallel_loop3A_155], %broadcast_in_dim3A_38 masked %parallel_loop3A_156 {add = true} : memref<16384xf32, #tpu.memory_space<vmem>>[vector<16xi32>], vector<16xf32>, vector<16xi1>
        %parallel_loop3A_157 = arith.constant 64 : i32
        %parallel_loop3A_158 = arith.muli %parallel_loop3A_144, %parallel_loop3A_157 : i32
        %parallel_loop3A_159 = arith.constant 16 : i32
        %parallel_loop3A_160 = arith.addi %parallel_loop3A_158, %parallel_loop3A_159 : i32
        %parallel_loop3A_161 = arith.constant 1 : i32
        %parallel_loop3A_162 = arith.index_cast %parallel_loop3A_161 : i32 to index
        %parallel_loop3A_163 = arith.index_cast %parallel_loop3A_160 : i32 to index
        %parallel_loop3A_164 = tpu.vector_load %arg4[%parallel_loop3A_162, %parallel_loop3A_163] {strides = array<i32>} : memref<8x2048xi32, #tpu.memory_space<vmem>>, vector<16xi32>,
        %parallel_loop3A_165 = arith.constant 17 : i32
        %parallel_loop3A_166 = vector.broadcast %parallel_loop3A_165 : i32 to vector<16xi32>
        %parallel_loop3A_167 = arith.shrui %parallel_loop3A_164, %parallel_loop3A_166 : vector<16xi32>
        %parallel_loop3A_168 = arith.cmpi ne, %parallel_loop3A_164, %broadcast_in_dim3A_40 : vector<16xi32>
        tpu.vector_store_idx %arg7[%parallel_loop3A_167], %broadcast_in_dim3A_38 masked %parallel_loop3A_168 {add = true} : memref<16384xf32, #tpu.memory_space<vmem>>[vector<16xi32>], vector<16xf32>, vector<16xi1>
        %parallel_loop3A_169 = arith.constant 64 : i32
        %parallel_loop3A_170 = arith.muli %parallel_loop3A_144, %parallel_loop3A_169 : i32
        %parallel_loop3A_171 = arith.constant 32 : i32
        %parallel_loop3A_172 = arith.addi %parallel_loop3A_170, %parallel_loop3A_171 : i32
        %parallel_loop3A_173 = arith.constant 1 : i32
        %parallel_loop3A_174 = arith.index_cast %parallel_loop3A_173 : i32 to index
        %parallel_loop3A_175 = arith.index_cast %parallel_loop3A_172 : i32 to index
        %parallel_loop3A_176 = tpu.vector_load %arg4[%parallel_loop3A_174, %parallel_loop3A_175] {strides = array<i32>} : memref<8x2048xi32, #tpu.memory_space<vmem>>, vector<16xi32>,
        %parallel_loop3A_177 = arith.constant 17 : i32
        %parallel_loop3A_178 = vector.broadcast %parallel_loop3A_177 : i32 to vector<16xi32>
        %parallel_loop3A_179 = arith.shrui %parallel_loop3A_176, %parallel_loop3A_178 : vector<16xi32>
        %parallel_loop3A_180 = arith.cmpi ne, %parallel_loop3A_176, %broadcast_in_dim3A_40 : vector<16xi32>
        tpu.vector_store_idx %arg8[%parallel_loop3A_179], %broadcast_in_dim3A_38 masked %parallel_loop3A_180 {add = true} : memref<16384xf32, #tpu.memory_space<vmem>>[vector<16xi32>], vector<16xf32>, vector<16xi1>
        %parallel_loop3A_181 = arith.constant 64 : i32
        %parallel_loop3A_182 = arith.muli %parallel_loop3A_144, %parallel_loop3A_181 : i32
        %parallel_loop3A_183 = arith.constant 48 : i32
        %parallel_loop3A_184 = arith.addi %parallel_loop3A_182, %parallel_loop3A_183 : i32
        %parallel_loop3A_185 = arith.constant 1 : i32
        %parallel_loop3A_186 = arith.index_cast %parallel_loop3A_185 : i32 to index
        %parallel_loop3A_187 = arith.index_cast %parallel_loop3A_184 : i32 to index
        %parallel_loop3A_188 = tpu.vector_load %arg4[%parallel_loop3A_186, %parallel_loop3A_187] {strides = array<i32>} : memref<8x2048xi32, #tpu.memory_space<vmem>>, vector<16xi32>,
        %parallel_loop3A_189 = arith.constant 17 : i32
        %parallel_loop3A_190 = vector.broadcast %parallel_loop3A_189 : i32 to vector<16xi32>
        %parallel_loop3A_191 = arith.shrui %parallel_loop3A_188, %parallel_loop3A_190 : vector<16xi32>
        %parallel_loop3A_192 = arith.cmpi ne, %parallel_loop3A_188, %broadcast_in_dim3A_40 : vector<16xi32>
        tpu.vector_store_idx %arg9[%parallel_loop3A_191], %broadcast_in_dim3A_38 masked %parallel_loop3A_192 {add = true} : memref<16384xf32, #tpu.memory_space<vmem>>[vector<16xi32>], vector<16xf32>, vector<16xi1>
      } {sc.loop_unroll_factor = 2 : i64, sc.parallel_access}
      %parallel_loop3A_83 = arith.constant 0 : i32
      %parallel_loop3A_84 = arith.constant 32 : i32
      %parallel_loop3A_85 = arith.constant 1 : i32
      scf.for %parallel_loop3A_144 = %parallel_loop3A_83 to %parallel_loop3A_84 step %parallel_loop3A_85  : i32 {
        %parallel_loop3A_145 = arith.constant 64 : i32
        %parallel_loop3A_146 = arith.muli %parallel_loop3A_144, %parallel_loop3A_145 : i32
        %parallel_loop3A_147 = arith.constant 0 : i32
        %parallel_loop3A_148 = arith.addi %parallel_loop3A_146, %parallel_loop3A_147 : i32
        %parallel_loop3A_149 = arith.constant 2 : i32
        %parallel_loop3A_150 = arith.index_cast %parallel_loop3A_149 : i32 to index
        %parallel_loop3A_151 = arith.index_cast %parallel_loop3A_148 : i32 to index
        %parallel_loop3A_152 = tpu.vector_load %arg4[%parallel_loop3A_150, %parallel_loop3A_151] {strides = array<i32>} : memref<8x2048xi32, #tpu.memory_space<vmem>>, vector<16xi32>,
        %parallel_loop3A_153 = arith.constant 17 : i32
        %parallel_loop3A_154 = vector.broadcast %parallel_loop3A_153 : i32 to vector<16xi32>
        %parallel_loop3A_155 = arith.shrui %parallel_loop3A_152, %parallel_loop3A_154 : vector<16xi32>
        %parallel_loop3A_156 = arith.cmpi ne, %parallel_loop3A_152, %broadcast_in_dim3A_40 : vector<16xi32>
        tpu.vector_store_idx %arg6[%parallel_loop3A_155], %broadcast_in_dim3A_38 masked %parallel_loop3A_156 {add = true} : memref<16384xf32, #tpu.memory_space<vmem>>[vector<16xi32>], vector<16xf32>, vector<16xi1>
        %parallel_loop3A_157 = arith.constant 64 : i32
        %parallel_loop3A_158 = arith.muli %parallel_loop3A_144, %parallel_loop3A_157 : i32
        %parallel_loop3A_159 = arith.constant 16 : i32
        %parallel_loop3A_160 = arith.addi %parallel_loop3A_158, %parallel_loop3A_159 : i32
        %parallel_loop3A_161 = arith.constant 2 : i32
        %parallel_loop3A_162 = arith.index_cast %parallel_loop3A_161 : i32 to index
        %parallel_loop3A_163 = arith.index_cast %parallel_loop3A_160 : i32 to index
        %parallel_loop3A_164 = tpu.vector_load %arg4[%parallel_loop3A_162, %parallel_loop3A_163] {strides = array<i32>} : memref<8x2048xi32, #tpu.memory_space<vmem>>, vector<16xi32>,
        %parallel_loop3A_165 = arith.constant 17 : i32
        %parallel_loop3A_166 = vector.broadcast %parallel_loop3A_165 : i32 to vector<16xi32>
        %parallel_loop3A_167 = arith.shrui %parallel_loop3A_164, %parallel_loop3A_166 : vector<16xi32>
        %parallel_loop3A_168 = arith.cmpi ne, %parallel_loop3A_164, %broadcast_in_dim3A_40 : vector<16xi32>
        tpu.vector_store_idx %arg7[%parallel_loop3A_167], %broadcast_in_dim3A_38 masked %parallel_loop3A_168 {add = true} : memref<16384xf32, #tpu.memory_space<vmem>>[vector<16xi32>], vector<16xf32>, vector<16xi1>
        %parallel_loop3A_169 = arith.constant 64 : i32
        %parallel_loop3A_170 = arith.muli %parallel_loop3A_144, %parallel_loop3A_169 : i32
        %parallel_loop3A_171 = arith.constant 32 : i32
        %parallel_loop3A_172 = arith.addi %parallel_loop3A_170, %parallel_loop3A_171 : i32
        %parallel_loop3A_173 = arith.constant 2 : i32
        %parallel_loop3A_174 = arith.index_cast %parallel_loop3A_173 : i32 to index
        %parallel_loop3A_175 = arith.index_cast %parallel_loop3A_172 : i32 to index
        %parallel_loop3A_176 = tpu.vector_load %arg4[%parallel_loop3A_174, %parallel_loop3A_175] {strides = array<i32>} : memref<8x2048xi32, #tpu.memory_space<vmem>>, vector<16xi32>,
        %parallel_loop3A_177 = arith.constant 17 : i32
        %parallel_loop3A_178 = vector.broadcast %parallel_loop3A_177 : i32 to vector<16xi32>
        %parallel_loop3A_179 = arith.shrui %parallel_loop3A_176, %parallel_loop3A_178 : vector<16xi32>
        %parallel_loop3A_180 = arith.cmpi ne, %parallel_loop3A_176, %broadcast_in_dim3A_40 : vector<16xi32>
        tpu.vector_store_idx %arg8[%parallel_loop3A_179], %broadcast_in_dim3A_38 masked %parallel_loop3A_180 {add = true} : memref<16384xf32, #tpu.memory_space<vmem>>[vector<16xi32>], vector<16xf32>, vector<16xi1>
        %parallel_loop3A_181 = arith.constant 64 : i32
        %parallel_loop3A_182 = arith.muli %parallel_loop3A_144, %parallel_loop3A_181 : i32
        %parallel_loop3A_183 = arith.constant 48 : i32
        %parallel_loop3A_184 = arith.addi %parallel_loop3A_182, %parallel_loop3A_183 : i32
        %parallel_loop3A_185 = arith.constant 2 : i32
        %parallel_loop3A_186 = arith.index_cast %parallel_loop3A_185 : i32 to index
        %parallel_loop3A_187 = arith.index_cast %parallel_loop3A_184 : i32 to index
        %parallel_loop3A_188 = tpu.vector_load %arg4[%parallel_loop3A_186, %parallel_loop3A_187] {strides = array<i32>} : memref<8x2048xi32, #tpu.memory_space<vmem>>, vector<16xi32>,
        %parallel_loop3A_189 = arith.constant 17 : i32
        %parallel_loop3A_190 = vector.broadcast %parallel_loop3A_189 : i32 to vector<16xi32>
        %parallel_loop3A_191 = arith.shrui %parallel_loop3A_188, %parallel_loop3A_190 : vector<16xi32>
        %parallel_loop3A_192 = arith.cmpi ne, %parallel_loop3A_188, %broadcast_in_dim3A_40 : vector<16xi32>
        tpu.vector_store_idx %arg9[%parallel_loop3A_191], %broadcast_in_dim3A_38 masked %parallel_loop3A_192 {add = true} : memref<16384xf32, #tpu.memory_space<vmem>>[vector<16xi32>], vector<16xf32>, vector<16xi1>
      } {sc.loop_unroll_factor = 2 : i64, sc.parallel_access}
      %parallel_loop3A_86 = arith.constant 0 : i32
      %parallel_loop3A_87 = arith.constant 32 : i32
      %parallel_loop3A_88 = arith.constant 1 : i32
      scf.for %parallel_loop3A_144 = %parallel_loop3A_86 to %parallel_loop3A_87 step %parallel_loop3A_88  : i32 {
        %parallel_loop3A_145 = arith.constant 64 : i32
        %parallel_loop3A_146 = arith.muli %parallel_loop3A_144, %parallel_loop3A_145 : i32
        %parallel_loop3A_147 = arith.constant 0 : i32
        %parallel_loop3A_148 = arith.addi %parallel_loop3A_146, %parallel_loop3A_147 : i32
        %parallel_loop3A_149 = arith.constant 3 : i32
        %parallel_loop3A_150 = arith.index_cast %parallel_loop3A_149 : i32 to index
        %parallel_loop3A_151 = arith.index_cast %parallel_loop3A_148 : i32 to index
        %parallel_loop3A_152 = tpu.vector_load %arg4[%parallel_loop3A_150, %parallel_loop3A_151] {strides = array<i32>} : memref<8x2048xi32, #tpu.memory_space<vmem>>, vector<16xi32>,
        %parallel_loop3A_153 = arith.constant 17 : i32
        %parallel_loop3A_154 = vector.broadcast %parallel_loop3A_153 : i32 to vector<16xi32>
        %parallel_loop3A_155 = arith.shrui %parallel_loop3A_152, %parallel_loop3A_154 : vector<16xi32>
        %parallel_loop3A_156 = arith.cmpi ne, %parallel_loop3A_152, %broadcast_in_dim3A_40 : vector<16xi32>
        tpu.vector_store_idx %arg6[%parallel_loop3A_155], %broadcast_in_dim3A_38 masked %parallel_loop3A_156 {add = true} : memref<16384xf32, #tpu.memory_space<vmem>>[vector<16xi32>], vector<16xf32>, vector<16xi1>
        %parallel_loop3A_157 = arith.constant 64 : i32
        %parallel_loop3A_158 = arith.muli %parallel_loop3A_144, %parallel_loop3A_157 : i32
        %parallel_loop3A_159 = arith.constant 16 : i32
        %parallel_loop3A_160 = arith.addi %parallel_loop3A_158, %parallel_loop3A_159 : i32
        %parallel_loop3A_161 = arith.constant 3 : i32
        %parallel_loop3A_162 = arith.index_cast %parallel_loop3A_161 : i32 to index
        %parallel_loop3A_163 = arith.index_cast %parallel_loop3A_160 : i32 to index
        %parallel_loop3A_164 = tpu.vector_load %arg4[%parallel_loop3A_162, %parallel_loop3A_163] {strides = array<i32>} : memref<8x2048xi32, #tpu.memory_space<vmem>>, vector<16xi32>,
        %parallel_loop3A_165 = arith.constant 17 : i32
        %parallel_loop3A_166 = vector.broadcast %parallel_loop3A_165 : i32 to vector<16xi32>
        %parallel_loop3A_167 = arith.shrui %parallel_loop3A_164, %parallel_loop3A_166 : vector<16xi32>
        %parallel_loop3A_168 = arith.cmpi ne, %parallel_loop3A_164, %broadcast_in_dim3A_40 : vector<16xi32>
        tpu.vector_store_idx %arg7[%parallel_loop3A_167], %broadcast_in_dim3A_38 masked %parallel_loop3A_168 {add = true} : memref<16384xf32, #tpu.memory_space<vmem>>[vector<16xi32>], vector<16xf32>, vector<16xi1>
        %parallel_loop3A_169 = arith.constant 64 : i32
        %parallel_loop3A_170 = arith.muli %parallel_loop3A_144, %parallel_loop3A_169 : i32
        %parallel_loop3A_171 = arith.constant 32 : i32
        %parallel_loop3A_172 = arith.addi %parallel_loop3A_170, %parallel_loop3A_171 : i32
        %parallel_loop3A_173 = arith.constant 3 : i32
        %parallel_loop3A_174 = arith.index_cast %parallel_loop3A_173 : i32 to index
        %parallel_loop3A_175 = arith.index_cast %parallel_loop3A_172 : i32 to index
        %parallel_loop3A_176 = tpu.vector_load %arg4[%parallel_loop3A_174, %parallel_loop3A_175] {strides = array<i32>} : memref<8x2048xi32, #tpu.memory_space<vmem>>, vector<16xi32>,
        %parallel_loop3A_177 = arith.constant 17 : i32
        %parallel_loop3A_178 = vector.broadcast %parallel_loop3A_177 : i32 to vector<16xi32>
        %parallel_loop3A_179 = arith.shrui %parallel_loop3A_176, %parallel_loop3A_178 : vector<16xi32>
        %parallel_loop3A_180 = arith.cmpi ne, %parallel_loop3A_176, %broadcast_in_dim3A_40 : vector<16xi32>
        tpu.vector_store_idx %arg8[%parallel_loop3A_179], %broadcast_in_dim3A_38 masked %parallel_loop3A_180 {add = true} : memref<16384xf32, #tpu.memory_space<vmem>>[vector<16xi32>], vector<16xf32>, vector<16xi1>
        %parallel_loop3A_181 = arith.constant 64 : i32
        %parallel_loop3A_182 = arith.muli %parallel_loop3A_144, %parallel_loop3A_181 : i32
        %parallel_loop3A_183 = arith.constant 48 : i32
        %parallel_loop3A_184 = arith.addi %parallel_loop3A_182, %parallel_loop3A_183 : i32
        %parallel_loop3A_185 = arith.constant 3 : i32
        %parallel_loop3A_186 = arith.index_cast %parallel_loop3A_185 : i32 to index
        %parallel_loop3A_187 = arith.index_cast %parallel_loop3A_184 : i32 to index
        %parallel_loop3A_188 = tpu.vector_load %arg4[%parallel_loop3A_186, %parallel_loop3A_187] {strides = array<i32>} : memref<8x2048xi32, #tpu.memory_space<vmem>>, vector<16xi32>,
        %parallel_loop3A_189 = arith.constant 17 : i32
        %parallel_loop3A_190 = vector.broadcast %parallel_loop3A_189 : i32 to vector<16xi32>
        %parallel_loop3A_191 = arith.shrui %parallel_loop3A_188, %parallel_loop3A_190 : vector<16xi32>
        %parallel_loop3A_192 = arith.cmpi ne, %parallel_loop3A_188, %broadcast_in_dim3A_40 : vector<16xi32>
        tpu.vector_store_idx %arg9[%parallel_loop3A_191], %broadcast_in_dim3A_38 masked %parallel_loop3A_192 {add = true} : memref<16384xf32, #tpu.memory_space<vmem>>[vector<16xi32>], vector<16xf32>, vector<16xi1>
      } {sc.loop_unroll_factor = 2 : i64, sc.parallel_access}
      %parallel_loop3A_89 = arith.constant 0 : i32
      %parallel_loop3A_90 = arith.constant 32 : i32
      %parallel_loop3A_91 = arith.constant 1 : i32
      scf.for %parallel_loop3A_144 = %parallel_loop3A_89 to %parallel_loop3A_90 step %parallel_loop3A_91  : i32 {
        %parallel_loop3A_145 = arith.constant 64 : i32
        %parallel_loop3A_146 = arith.muli %parallel_loop3A_144, %parallel_loop3A_145 : i32
        %parallel_loop3A_147 = arith.constant 0 : i32
        %parallel_loop3A_148 = arith.addi %parallel_loop3A_146, %parallel_loop3A_147 : i32
        %parallel_loop3A_149 = arith.constant 4 : i32
        %parallel_loop3A_150 = arith.index_cast %parallel_loop3A_149 : i32 to index
        %parallel_loop3A_151 = arith.index_cast %parallel_loop3A_148 : i32 to index
        %parallel_loop3A_152 = tpu.vector_load %arg4[%parallel_loop3A_150, %parallel_loop3A_151] {strides = array<i32>} : memref<8x2048xi32, #tpu.memory_space<vmem>>, vector<16xi32>,
        %parallel_loop3A_153 = arith.constant 17 : i32
        %parallel_loop3A_154 = vector.broadcast %parallel_loop3A_153 : i32 to vector<16xi32>
        %parallel_loop3A_155 = arith.shrui %parallel_loop3A_152, %parallel_loop3A_154 : vector<16xi32>
        %parallel_loop3A_156 = arith.cmpi ne, %parallel_loop3A_152, %broadcast_in_dim3A_40 : vector<16xi32>
        tpu.vector_store_idx %arg6[%parallel_loop3A_155], %broadcast_in_dim3A_38 masked %parallel_loop3A_156 {add = true} : memref<16384xf32, #tpu.memory_space<vmem>>[vector<16xi32>], vector<16xf32>, vector<16xi1>
        %parallel_loop3A_157 = arith.constant 64 : i32
        %parallel_loop3A_158 = arith.muli %parallel_loop3A_144, %parallel_loop3A_157 : i32
        %parallel_loop3A_159 = arith.constant 16 : i32
        %parallel_loop3A_160 = arith.addi %parallel_loop3A_158, %parallel_loop3A_159 : i32
        %parallel_loop3A_161 = arith.constant 4 : i32
        %parallel_loop3A_162 = arith.index_cast %parallel_loop3A_161 : i32 to index
        %parallel_loop3A_163 = arith.index_cast %parallel_loop3A_160 : i32 to index
        %parallel_loop3A_164 = tpu.vector_load %arg4[%parallel_loop3A_162, %parallel_loop3A_163] {strides = array<i32>} : memref<8x2048xi32, #tpu.memory_space<vmem>>, vector<16xi32>,
        %parallel_loop3A_165 = arith.constant 17 : i32
        %parallel_loop3A_166 = vector.broadcast %parallel_loop3A_165 : i32 to vector<16xi32>
        %parallel_loop3A_167 = arith.shrui %parallel_loop3A_164, %parallel_loop3A_166 : vector<16xi32>
        %parallel_loop3A_168 = arith.cmpi ne, %parallel_loop3A_164, %broadcast_in_dim3A_40 : vector<16xi32>
        tpu.vector_store_idx %arg7[%parallel_loop3A_167], %broadcast_in_dim3A_38 masked %parallel_loop3A_168 {add = true} : memref<16384xf32, #tpu.memory_space<vmem>>[vector<16xi32>], vector<16xf32>, vector<16xi1>
        %parallel_loop3A_169 = arith.constant 64 : i32
        %parallel_loop3A_170 = arith.muli %parallel_loop3A_144, %parallel_loop3A_169 : i32
        %parallel_loop3A_171 = arith.constant 32 : i32
        %parallel_loop3A_172 = arith.addi %parallel_loop3A_170, %parallel_loop3A_171 : i32
        %parallel_loop3A_173 = arith.constant 4 : i32
        %parallel_loop3A_174 = arith.index_cast %parallel_loop3A_173 : i32 to index
        %parallel_loop3A_175 = arith.index_cast %parallel_loop3A_172 : i32 to index
        %parallel_loop3A_176 = tpu.vector_load %arg4[%parallel_loop3A_174, %parallel_loop3A_175] {strides = array<i32>} : memref<8x2048xi32, #tpu.memory_space<vmem>>, vector<16xi32>,
        %parallel_loop3A_177 = arith.constant 17 : i32
        %parallel_loop3A_178 = vector.broadcast %parallel_loop3A_177 : i32 to vector<16xi32>
        %parallel_loop3A_179 = arith.shrui %parallel_loop3A_176, %parallel_loop3A_178 : vector<16xi32>
        %parallel_loop3A_180 = arith.cmpi ne, %parallel_loop3A_176, %broadcast_in_dim3A_40 : vector<16xi32>
        tpu.vector_store_idx %arg8[%parallel_loop3A_179], %broadcast_in_dim3A_38 masked %parallel_loop3A_180 {add = true} : memref<16384xf32, #tpu.memory_space<vmem>>[vector<16xi32>], vector<16xf32>, vector<16xi1>
        %parallel_loop3A_181 = arith.constant 64 : i32
        %parallel_loop3A_182 = arith.muli %parallel_loop3A_144, %parallel_loop3A_181 : i32
        %parallel_loop3A_183 = arith.constant 48 : i32
        %parallel_loop3A_184 = arith.addi %parallel_loop3A_182, %parallel_loop3A_183 : i32
        %parallel_loop3A_185 = arith.constant 4 : i32
        %parallel_loop3A_186 = arith.index_cast %parallel_loop3A_185 : i32 to index
        %parallel_loop3A_187 = arith.index_cast %parallel_loop3A_184 : i32 to index
        %parallel_loop3A_188 = tpu.vector_load %arg4[%parallel_loop3A_186, %parallel_loop3A_187] {strides = array<i32>} : memref<8x2048xi32, #tpu.memory_space<vmem>>, vector<16xi32>,
        %parallel_loop3A_189 = arith.constant 17 : i32
        %parallel_loop3A_190 = vector.broadcast %parallel_loop3A_189 : i32 to vector<16xi32>
        %parallel_loop3A_191 = arith.shrui %parallel_loop3A_188, %parallel_loop3A_190 : vector<16xi32>
        %parallel_loop3A_192 = arith.cmpi ne, %parallel_loop3A_188, %broadcast_in_dim3A_40 : vector<16xi32>
        tpu.vector_store_idx %arg9[%parallel_loop3A_191], %broadcast_in_dim3A_38 masked %parallel_loop3A_192 {add = true} : memref<16384xf32, #tpu.memory_space<vmem>>[vector<16xi32>], vector<16xf32>, vector<16xi1>
      } {sc.loop_unroll_factor = 2 : i64, sc.parallel_access}
      %parallel_loop3A_92 = arith.constant 0 : i32
      %parallel_loop3A_93 = arith.constant 32 : i32
      %parallel_loop3A_94 = arith.constant 1 : i32
      scf.for %parallel_loop3A_144 = %parallel_loop3A_92 to %parallel_loop3A_93 step %parallel_loop3A_94  : i32 {
        %parallel_loop3A_145 = arith.constant 64 : i32
        %parallel_loop3A_146 = arith.muli %parallel_loop3A_144, %parallel_loop3A_145 : i32
        %parallel_loop3A_147 = arith.constant 0 : i32
        %parallel_loop3A_148 = arith.addi %parallel_loop3A_146, %parallel_loop3A_147 : i32
        %parallel_loop3A_149 = arith.constant 5 : i32
        %parallel_loop3A_150 = arith.index_cast %parallel_loop3A_149 : i32 to index
        %parallel_loop3A_151 = arith.index_cast %parallel_loop3A_148 : i32 to index
        %parallel_loop3A_152 = tpu.vector_load %arg4[%parallel_loop3A_150, %parallel_loop3A_151] {strides = array<i32>} : memref<8x2048xi32, #tpu.memory_space<vmem>>, vector<16xi32>,
        %parallel_loop3A_153 = arith.constant 17 : i32
        %parallel_loop3A_154 = vector.broadcast %parallel_loop3A_153 : i32 to vector<16xi32>
        %parallel_loop3A_155 = arith.shrui %parallel_loop3A_152, %parallel_loop3A_154 : vector<16xi32>
        %parallel_loop3A_156 = arith.cmpi ne, %parallel_loop3A_152, %broadcast_in_dim3A_40 : vector<16xi32>
        tpu.vector_store_idx %arg6[%parallel_loop3A_155], %broadcast_in_dim3A_38 masked %parallel_loop3A_156 {add = true} : memref<16384xf32, #tpu.memory_space<vmem>>[vector<16xi32>], vector<16xf32>, vector<16xi1>
        %parallel_loop3A_157 = arith.constant 64 : i32
        %parallel_loop3A_158 = arith.muli %parallel_loop3A_144, %parallel_loop3A_157 : i32
        %parallel_loop3A_159 = arith.constant 16 : i32
        %parallel_loop3A_160 = arith.addi %parallel_loop3A_158, %parallel_loop3A_159 : i32
        %parallel_loop3A_161 = arith.constant 5 : i32
        %parallel_loop3A_162 = arith.index_cast %parallel_loop3A_161 : i32 to index
        %parallel_loop3A_163 = arith.index_cast %parallel_loop3A_160 : i32 to index
        %parallel_loop3A_164 = tpu.vector_load %arg4[%parallel_loop3A_162, %parallel_loop3A_163] {strides = array<i32>} : memref<8x2048xi32, #tpu.memory_space<vmem>>, vector<16xi32>,
        %parallel_loop3A_165 = arith.constant 17 : i32
        %parallel_loop3A_166 = vector.broadcast %parallel_loop3A_165 : i32 to vector<16xi32>
        %parallel_loop3A_167 = arith.shrui %parallel_loop3A_164, %parallel_loop3A_166 : vector<16xi32>
        %parallel_loop3A_168 = arith.cmpi ne, %parallel_loop3A_164, %broadcast_in_dim3A_40 : vector<16xi32>
        tpu.vector_store_idx %arg7[%parallel_loop3A_167], %broadcast_in_dim3A_38 masked %parallel_loop3A_168 {add = true} : memref<16384xf32, #tpu.memory_space<vmem>>[vector<16xi32>], vector<16xf32>, vector<16xi1>
        %parallel_loop3A_169 = arith.constant 64 : i32
        %parallel_loop3A_170 = arith.muli %parallel_loop3A_144, %parallel_loop3A_169 : i32
        %parallel_loop3A_171 = arith.constant 32 : i32
        %parallel_loop3A_172 = arith.addi %parallel_loop3A_170, %parallel_loop3A_171 : i32
        %parallel_loop3A_173 = arith.constant 5 : i32
        %parallel_loop3A_174 = arith.index_cast %parallel_loop3A_173 : i32 to index
        %parallel_loop3A_175 = arith.index_cast %parallel_loop3A_172 : i32 to index
        %parallel_loop3A_176 = tpu.vector_load %arg4[%parallel_loop3A_174, %parallel_loop3A_175] {strides = array<i32>} : memref<8x2048xi32, #tpu.memory_space<vmem>>, vector<16xi32>,
        %parallel_loop3A_177 = arith.constant 17 : i32
        %parallel_loop3A_178 = vector.broadcast %parallel_loop3A_177 : i32 to vector<16xi32>
        %parallel_loop3A_179 = arith.shrui %parallel_loop3A_176, %parallel_loop3A_178 : vector<16xi32>
        %parallel_loop3A_180 = arith.cmpi ne, %parallel_loop3A_176, %broadcast_in_dim3A_40 : vector<16xi32>
        tpu.vector_store_idx %arg8[%parallel_loop3A_179], %broadcast_in_dim3A_38 masked %parallel_loop3A_180 {add = true} : memref<16384xf32, #tpu.memory_space<vmem>>[vector<16xi32>], vector<16xf32>, vector<16xi1>
        %parallel_loop3A_181 = arith.constant 64 : i32
        %parallel_loop3A_182 = arith.muli %parallel_loop3A_144, %parallel_loop3A_181 : i32
        %parallel_loop3A_183 = arith.constant 48 : i32
        %parallel_loop3A_184 = arith.addi %parallel_loop3A_182, %parallel_loop3A_183 : i32
        %parallel_loop3A_185 = arith.constant 5 : i32
        %parallel_loop3A_186 = arith.index_cast %parallel_loop3A_185 : i32 to index
        %parallel_loop3A_187 = arith.index_cast %parallel_loop3A_184 : i32 to index
        %parallel_loop3A_188 = tpu.vector_load %arg4[%parallel_loop3A_186, %parallel_loop3A_187] {strides = array<i32>} : memref<8x2048xi32, #tpu.memory_space<vmem>>, vector<16xi32>,
        %parallel_loop3A_189 = arith.constant 17 : i32
        %parallel_loop3A_190 = vector.broadcast %parallel_loop3A_189 : i32 to vector<16xi32>
        %parallel_loop3A_191 = arith.shrui %parallel_loop3A_188, %parallel_loop3A_190 : vector<16xi32>
        %parallel_loop3A_192 = arith.cmpi ne, %parallel_loop3A_188, %broadcast_in_dim3A_40 : vector<16xi32>
        tpu.vector_store_idx %arg9[%parallel_loop3A_191], %broadcast_in_dim3A_38 masked %parallel_loop3A_192 {add = true} : memref<16384xf32, #tpu.memory_space<vmem>>[vector<16xi32>], vector<16xf32>, vector<16xi1>
      } {sc.loop_unroll_factor = 2 : i64, sc.parallel_access}
      %parallel_loop3A_95 = arith.constant 0 : i32
      %parallel_loop3A_96 = arith.constant 32 : i32
      %parallel_loop3A_97 = arith.constant 1 : i32
      scf.for %parallel_loop3A_144 = %parallel_loop3A_95 to %parallel_loop3A_96 step %parallel_loop3A_97  : i32 {
        %parallel_loop3A_145 = arith.constant 64 : i32
        %parallel_loop3A_146 = arith.muli %parallel_loop3A_144, %parallel_loop3A_145 : i32
        %parallel_loop3A_147 = arith.constant 0 : i32
        %parallel_loop3A_148 = arith.addi %parallel_loop3A_146, %parallel_loop3A_147 : i32
        %parallel_loop3A_149 = arith.constant 6 : i32
        %parallel_loop3A_150 = arith.index_cast %parallel_loop3A_149 : i32 to index
        %parallel_loop3A_151 = arith.index_cast %parallel_loop3A_148 : i32 to index
        %parallel_loop3A_152 = tpu.vector_load %arg4[%parallel_loop3A_150, %parallel_loop3A_151] {strides = array<i32>} : memref<8x2048xi32, #tpu.memory_space<vmem>>, vector<16xi32>,
        %parallel_loop3A_153 = arith.constant 17 : i32
        %parallel_loop3A_154 = vector.broadcast %parallel_loop3A_153 : i32 to vector<16xi32>
        %parallel_loop3A_155 = arith.shrui %parallel_loop3A_152, %parallel_loop3A_154 : vector<16xi32>
        %parallel_loop3A_156 = arith.cmpi ne, %parallel_loop3A_152, %broadcast_in_dim3A_40 : vector<16xi32>
        tpu.vector_store_idx %arg6[%parallel_loop3A_155], %broadcast_in_dim3A_38 masked %parallel_loop3A_156 {add = true} : memref<16384xf32, #tpu.memory_space<vmem>>[vector<16xi32>], vector<16xf32>, vector<16xi1>
        %parallel_loop3A_157 = arith.constant 64 : i32
        %parallel_loop3A_158 = arith.muli %parallel_loop3A_144, %parallel_loop3A_157 : i32
        %parallel_loop3A_159 = arith.constant 16 : i32
        %parallel_loop3A_160 = arith.addi %parallel_loop3A_158, %parallel_loop3A_159 : i32
        %parallel_loop3A_161 = arith.constant 6 : i32
        %parallel_loop3A_162 = arith.index_cast %parallel_loop3A_161 : i32 to index
        %parallel_loop3A_163 = arith.index_cast %parallel_loop3A_160 : i32 to index
        %parallel_loop3A_164 = tpu.vector_load %arg4[%parallel_loop3A_162, %parallel_loop3A_163] {strides = array<i32>} : memref<8x2048xi32, #tpu.memory_space<vmem>>, vector<16xi32>,
        %parallel_loop3A_165 = arith.constant 17 : i32
        %parallel_loop3A_166 = vector.broadcast %parallel_loop3A_165 : i32 to vector<16xi32>
        %parallel_loop3A_167 = arith.shrui %parallel_loop3A_164, %parallel_loop3A_166 : vector<16xi32>
        %parallel_loop3A_168 = arith.cmpi ne, %parallel_loop3A_164, %broadcast_in_dim3A_40 : vector<16xi32>
        tpu.vector_store_idx %arg7[%parallel_loop3A_167], %broadcast_in_dim3A_38 masked %parallel_loop3A_168 {add = true} : memref<16384xf32, #tpu.memory_space<vmem>>[vector<16xi32>], vector<16xf32>, vector<16xi1>
        %parallel_loop3A_169 = arith.constant 64 : i32
        %parallel_loop3A_170 = arith.muli %parallel_loop3A_144, %parallel_loop3A_169 : i32
        %parallel_loop3A_171 = arith.constant 32 : i32
        %parallel_loop3A_172 = arith.addi %parallel_loop3A_170, %parallel_loop3A_171 : i32
        %parallel_loop3A_173 = arith.constant 6 : i32
        %parallel_loop3A_174 = arith.index_cast %parallel_loop3A_173 : i32 to index
        %parallel_loop3A_175 = arith.index_cast %parallel_loop3A_172 : i32 to index
        %parallel_loop3A_176 = tpu.vector_load %arg4[%parallel_loop3A_174, %parallel_loop3A_175] {strides = array<i32>} : memref<8x2048xi32, #tpu.memory_space<vmem>>, vector<16xi32>,
        %parallel_loop3A_177 = arith.constant 17 : i32
        %parallel_loop3A_178 = vector.broadcast %parallel_loop3A_177 : i32 to vector<16xi32>
        %parallel_loop3A_179 = arith.shrui %parallel_loop3A_176, %parallel_loop3A_178 : vector<16xi32>
        %parallel_loop3A_180 = arith.cmpi ne, %parallel_loop3A_176, %broadcast_in_dim3A_40 : vector<16xi32>
        tpu.vector_store_idx %arg8[%parallel_loop3A_179], %broadcast_in_dim3A_38 masked %parallel_loop3A_180 {add = true} : memref<16384xf32, #tpu.memory_space<vmem>>[vector<16xi32>], vector<16xf32>, vector<16xi1>
        %parallel_loop3A_181 = arith.constant 64 : i32
        %parallel_loop3A_182 = arith.muli %parallel_loop3A_144, %parallel_loop3A_181 : i32
        %parallel_loop3A_183 = arith.constant 48 : i32
        %parallel_loop3A_184 = arith.addi %parallel_loop3A_182, %parallel_loop3A_183 : i32
        %parallel_loop3A_185 = arith.constant 6 : i32
        %parallel_loop3A_186 = arith.index_cast %parallel_loop3A_185 : i32 to index
        %parallel_loop3A_187 = arith.index_cast %parallel_loop3A_184 : i32 to index
        %parallel_loop3A_188 = tpu.vector_load %arg4[%parallel_loop3A_186, %parallel_loop3A_187] {strides = array<i32>} : memref<8x2048xi32, #tpu.memory_space<vmem>>, vector<16xi32>,
        %parallel_loop3A_189 = arith.constant 17 : i32
        %parallel_loop3A_190 = vector.broadcast %parallel_loop3A_189 : i32 to vector<16xi32>
        %parallel_loop3A_191 = arith.shrui %parallel_loop3A_188, %parallel_loop3A_190 : vector<16xi32>
        %parallel_loop3A_192 = arith.cmpi ne, %parallel_loop3A_188, %broadcast_in_dim3A_40 : vector<16xi32>
        tpu.vector_store_idx %arg9[%parallel_loop3A_191], %broadcast_in_dim3A_38 masked %parallel_loop3A_192 {add = true} : memref<16384xf32, #tpu.memory_space<vmem>>[vector<16xi32>], vector<16xf32>, vector<16xi1>
      } {sc.loop_unroll_factor = 2 : i64, sc.parallel_access}
      %parallel_loop3A_98 = arith.constant 0 : i32
      %parallel_loop3A_99 = arith.constant 32 : i32
      %parallel_loop3A_100 = arith.constant 1 : i32
      scf.for %parallel_loop3A_144 = %parallel_loop3A_98 to %parallel_loop3A_99 step %parallel_loop3A_100  : i32 {
        %parallel_loop3A_145 = arith.constant 64 : i32
        %parallel_loop3A_146 = arith.muli %parallel_loop3A_144, %parallel_loop3A_145 : i32
        %parallel_loop3A_147 = arith.constant 0 : i32
        %parallel_loop3A_148 = arith.addi %parallel_loop3A_146, %parallel_loop3A_147 : i32
        %parallel_loop3A_149 = arith.constant 7 : i32
        %parallel_loop3A_150 = arith.index_cast %parallel_loop3A_149 : i32 to index
        %parallel_loop3A_151 = arith.index_cast %parallel_loop3A_148 : i32 to index
        %parallel_loop3A_152 = tpu.vector_load %arg4[%parallel_loop3A_150, %parallel_loop3A_151] {strides = array<i32>} : memref<8x2048xi32, #tpu.memory_space<vmem>>, vector<16xi32>,
        %parallel_loop3A_153 = arith.constant 17 : i32
        %parallel_loop3A_154 = vector.broadcast %parallel_loop3A_153 : i32 to vector<16xi32>
        %parallel_loop3A_155 = arith.shrui %parallel_loop3A_152, %parallel_loop3A_154 : vector<16xi32>
        %parallel_loop3A_156 = arith.cmpi ne, %parallel_loop3A_152, %broadcast_in_dim3A_40 : vector<16xi32>
        tpu.vector_store_idx %arg6[%parallel_loop3A_155], %broadcast_in_dim3A_38 masked %parallel_loop3A_156 {add = true} : memref<16384xf32, #tpu.memory_space<vmem>>[vector<16xi32>], vector<16xf32>, vector<16xi1>
        %parallel_loop3A_157 = arith.constant 64 : i32
        %parallel_loop3A_158 = arith.muli %parallel_loop3A_144, %parallel_loop3A_157 : i32
        %parallel_loop3A_159 = arith.constant 16 : i32
        %parallel_loop3A_160 = arith.addi %parallel_loop3A_158, %parallel_loop3A_159 : i32
        %parallel_loop3A_161 = arith.constant 7 : i32
        %parallel_loop3A_162 = arith.index_cast %parallel_loop3A_161 : i32 to index
        %parallel_loop3A_163 = arith.index_cast %parallel_loop3A_160 : i32 to index
        %parallel_loop3A_164 = tpu.vector_load %arg4[%parallel_loop3A_162, %parallel_loop3A_163] {strides = array<i32>} : memref<8x2048xi32, #tpu.memory_space<vmem>>, vector<16xi32>,
        %parallel_loop3A_165 = arith.constant 17 : i32
        %parallel_loop3A_166 = vector.broadcast %parallel_loop3A_165 : i32 to vector<16xi32>
        %parallel_loop3A_167 = arith.shrui %parallel_loop3A_164, %parallel_loop3A_166 : vector<16xi32>
        %parallel_loop3A_168 = arith.cmpi ne, %parallel_loop3A_164, %broadcast_in_dim3A_40 : vector<16xi32>
        tpu.vector_store_idx %arg7[%parallel_loop3A_167], %broadcast_in_dim3A_38 masked %parallel_loop3A_168 {add = true} : memref<16384xf32, #tpu.memory_space<vmem>>[vector<16xi32>], vector<16xf32>, vector<16xi1>
        %parallel_loop3A_169 = arith.constant 64 : i32
        %parallel_loop3A_170 = arith.muli %parallel_loop3A_144, %parallel_loop3A_169 : i32
        %parallel_loop3A_171 = arith.constant 32 : i32
        %parallel_loop3A_172 = arith.addi %parallel_loop3A_170, %parallel_loop3A_171 : i32
        %parallel_loop3A_173 = arith.constant 7 : i32
        %parallel_loop3A_174 = arith.index_cast %parallel_loop3A_173 : i32 to index
        %parallel_loop3A_175 = arith.index_cast %parallel_loop3A_172 : i32 to index
        %parallel_loop3A_176 = tpu.vector_load %arg4[%parallel_loop3A_174, %parallel_loop3A_175] {strides = array<i32>} : memref<8x2048xi32, #tpu.memory_space<vmem>>, vector<16xi32>,
        %parallel_loop3A_177 = arith.constant 17 : i32
        %parallel_loop3A_178 = vector.broadcast %parallel_loop3A_177 : i32 to vector<16xi32>
        %parallel_loop3A_179 = arith.shrui %parallel_loop3A_176, %parallel_loop3A_178 : vector<16xi32>
        %parallel_loop3A_180 = arith.cmpi ne, %parallel_loop3A_176, %broadcast_in_dim3A_40 : vector<16xi32>
        tpu.vector_store_idx %arg8[%parallel_loop3A_179], %broadcast_in_dim3A_38 masked %parallel_loop3A_180 {add = true} : memref<16384xf32, #tpu.memory_space<vmem>>[vector<16xi32>], vector<16xf32>, vector<16xi1>
        %parallel_loop3A_181 = arith.constant 64 : i32
        %parallel_loop3A_182 = arith.muli %parallel_loop3A_144, %parallel_loop3A_181 : i32
        %parallel_loop3A_183 = arith.constant 48 : i32
        %parallel_loop3A_184 = arith.addi %parallel_loop3A_182, %parallel_loop3A_183 : i32
        %parallel_loop3A_185 = arith.constant 7 : i32
        %parallel_loop3A_186 = arith.index_cast %parallel_loop3A_185 : i32 to index
        %parallel_loop3A_187 = arith.index_cast %parallel_loop3A_184 : i32 to index
        %parallel_loop3A_188 = tpu.vector_load %arg4[%parallel_loop3A_186, %parallel_loop3A_187] {strides = array<i32>} : memref<8x2048xi32, #tpu.memory_space<vmem>>, vector<16xi32>,
        %parallel_loop3A_189 = arith.constant 17 : i32
        %parallel_loop3A_190 = vector.broadcast %parallel_loop3A_189 : i32 to vector<16xi32>
        %parallel_loop3A_191 = arith.shrui %parallel_loop3A_188, %parallel_loop3A_190 : vector<16xi32>
        %parallel_loop3A_192 = arith.cmpi ne, %parallel_loop3A_188, %broadcast_in_dim3A_40 : vector<16xi32>
        tpu.vector_store_idx %arg9[%parallel_loop3A_191], %broadcast_in_dim3A_38 masked %parallel_loop3A_192 {add = true} : memref<16384xf32, #tpu.memory_space<vmem>>[vector<16xi32>], vector<16xf32>, vector<16xi1>
      } {sc.loop_unroll_factor = 2 : i64, sc.parallel_access}
      %mul3A_101 = arith.constant 2 : i32
      %mul3A_102 = arith.muli %scan3A_62, %mul3A_101 : i32
      %add3A_103 = arith.constant 1 : i32
      %add3A_104 = arith.addi %mul3A_102, %add3A_103 : i32
      %add3A_105 = arith.constant 1 : i32
      %add3A_106 = arith.addi %add3A_104, %add3A_105 : i32
      %lt3A_107 = arith.constant 8 : i32
      %lt3A_108 = arith.cmpi slt, %add3A_106, %lt3A_107 : i32
      %convert_element_type3A_109 = arith.extui %lt3A_108 : i1 to i32
      %cond3A_110 = arith.constant 0 : i32
      %cond3A_111 = arith.cmpi ne, %convert_element_type3A_109, %cond3A_110 : i32
      scf.if %cond3A_111 {
        %add3A_144 = arith.constant 1 : i32
        %add3A_145 = arith.addi %add3A_104, %add3A_144 : i32
        %mul3A_146 = arith.constant 8 : i32
        %mul3A_147 = arith.muli %add3A_145, %mul3A_146 : i32
        %add3A_148 = arith.addi %mul3A_2, %mul3A_147 : i32
        %dma_start3A_149 = arith.constant 0 : i32
        %dma_start3A_150 = tpu.memref_slice %arg2[%add3A_148, %dma_start3A_149] : memref<2048x2048xi32, #tpu.memory_space<hbm>> -> memref<8x2048xi32, #tpu.memory_space<hbm>>
        %dma_start3A_151 = arith.constant 0 : i32
        %dma_start3A_152 = tpu.memref_slice %arg2[%add3A_148, %dma_start3A_151] : memref<2048x2048xi32, #tpu.memory_space<hbm>> -> memref<8x2048xi32, #tpu.memory_space<hbm>>
        tpu.enqueue_dma source(%dma_start3A_152 : memref<8x2048xi32, #tpu.memory_space<hbm>>) target(%arg4 : memref<8x2048xi32, #tpu.memory_space<vmem>>) target_semaphore(%arg10 : memref<!tpu.dma_semaphore, #tpu.memory_space<semaphore_mem>>)
      } else {
      }
      %mul3A_112 = arith.constant 8 : i32
      %mul3A_113 = arith.muli %add3A_104, %mul3A_112 : i32
      %add3A_114 = arith.addi %mul3A_2, %mul3A_113 : i32
      %dma_wait3A_115 = arith.constant 0 : i32
      %dma_wait3A_116 = tpu.memref_slice %arg2[%add3A_114, %dma_wait3A_115] : memref<2048x2048xi32, #tpu.memory_space<hbm>> -> memref<8x2048xi32, #tpu.memory_space<hbm>>
      %dma_wait3A_117 = arith.constant 0 : i32
      %dma_wait3A_118 = tpu.memref_slice %arg2[%add3A_114, %dma_wait3A_117] : memref<2048x2048xi32, #tpu.memory_space<hbm>> -> memref<8x2048xi32, #tpu.memory_space<hbm>>
      tpu.wait_dma2 semaphore(%arg11 : memref<!tpu.dma_semaphore, #tpu.memory_space<semaphore_mem>>) src(%dma_wait3A_118 : memref<8x2048xi32, #tpu.memory_space<hbm>>) dst(%arg5 : memref<8x2048xi32, #tpu.memory_space<vmem>>)
      %parallel_loop3A_119 = arith.constant 0 : i32
      %parallel_loop3A_120 = arith.constant 32 : i32
      %parallel_loop3A_121 = arith.constant 1 : i32
      scf.for %parallel_loop3A_144 = %parallel_loop3A_119 to %parallel_loop3A_120 step %parallel_loop3A_121  : i32 {
        %parallel_loop3A_145 = arith.constant 64 : i32
        %parallel_loop3A_146 = arith.muli %parallel_loop3A_144, %parallel_loop3A_145 : i32
        %parallel_loop3A_147 = arith.constant 0 : i32
        %parallel_loop3A_148 = arith.addi %parallel_loop3A_146, %parallel_loop3A_147 : i32
        %parallel_loop3A_149 = arith.constant 0 : i32
        %parallel_loop3A_150 = arith.index_cast %parallel_loop3A_149 : i32 to index
        %parallel_loop3A_151 = arith.index_cast %parallel_loop3A_148 : i32 to index
        %parallel_loop3A_152 = tpu.vector_load %arg5[%parallel_loop3A_150, %parallel_loop3A_151] {strides = array<i32>} : memref<8x2048xi32, #tpu.memory_space<vmem>>, vector<16xi32>,
        %parallel_loop3A_153 = arith.constant 17 : i32
        %parallel_loop3A_154 = vector.broadcast %parallel_loop3A_153 : i32 to vector<16xi32>
        %parallel_loop3A_155 = arith.shrui %parallel_loop3A_152, %parallel_loop3A_154 : vector<16xi32>
        %parallel_loop3A_156 = arith.cmpi ne, %parallel_loop3A_152, %broadcast_in_dim3A_40 : vector<16xi32>
        tpu.vector_store_idx %arg6[%parallel_loop3A_155], %broadcast_in_dim3A_38 masked %parallel_loop3A_156 {add = true} : memref<16384xf32, #tpu.memory_space<vmem>>[vector<16xi32>], vector<16xf32>, vector<16xi1>
        %parallel_loop3A_157 = arith.constant 64 : i32
        %parallel_loop3A_158 = arith.muli %parallel_loop3A_144, %parallel_loop3A_157 : i32
        %parallel_loop3A_159 = arith.constant 16 : i32
        %parallel_loop3A_160 = arith.addi %parallel_loop3A_158, %parallel_loop3A_159 : i32
        %parallel_loop3A_161 = arith.constant 0 : i32
        %parallel_loop3A_162 = arith.index_cast %parallel_loop3A_161 : i32 to index
        %parallel_loop3A_163 = arith.index_cast %parallel_loop3A_160 : i32 to index
        %parallel_loop3A_164 = tpu.vector_load %arg5[%parallel_loop3A_162, %parallel_loop3A_163] {strides = array<i32>} : memref<8x2048xi32, #tpu.memory_space<vmem>>, vector<16xi32>,
        %parallel_loop3A_165 = arith.constant 17 : i32
        %parallel_loop3A_166 = vector.broadcast %parallel_loop3A_165 : i32 to vector<16xi32>
        %parallel_loop3A_167 = arith.shrui %parallel_loop3A_164, %parallel_loop3A_166 : vector<16xi32>
        %parallel_loop3A_168 = arith.cmpi ne, %parallel_loop3A_164, %broadcast_in_dim3A_40 : vector<16xi32>
        tpu.vector_store_idx %arg7[%parallel_loop3A_167], %broadcast_in_dim3A_38 masked %parallel_loop3A_168 {add = true} : memref<16384xf32, #tpu.memory_space<vmem>>[vector<16xi32>], vector<16xf32>, vector<16xi1>
        %parallel_loop3A_169 = arith.constant 64 : i32
        %parallel_loop3A_170 = arith.muli %parallel_loop3A_144, %parallel_loop3A_169 : i32
        %parallel_loop3A_171 = arith.constant 32 : i32
        %parallel_loop3A_172 = arith.addi %parallel_loop3A_170, %parallel_loop3A_171 : i32
        %parallel_loop3A_173 = arith.constant 0 : i32
        %parallel_loop3A_174 = arith.index_cast %parallel_loop3A_173 : i32 to index
        %parallel_loop3A_175 = arith.index_cast %parallel_loop3A_172 : i32 to index
        %parallel_loop3A_176 = tpu.vector_load %arg5[%parallel_loop3A_174, %parallel_loop3A_175] {strides = array<i32>} : memref<8x2048xi32, #tpu.memory_space<vmem>>, vector<16xi32>,
        %parallel_loop3A_177 = arith.constant 17 : i32
        %parallel_loop3A_178 = vector.broadcast %parallel_loop3A_177 : i32 to vector<16xi32>
        %parallel_loop3A_179 = arith.shrui %parallel_loop3A_176, %parallel_loop3A_178 : vector<16xi32>
        %parallel_loop3A_180 = arith.cmpi ne, %parallel_loop3A_176, %broadcast_in_dim3A_40 : vector<16xi32>
        tpu.vector_store_idx %arg8[%parallel_loop3A_179], %broadcast_in_dim3A_38 masked %parallel_loop3A_180 {add = true} : memref<16384xf32, #tpu.memory_space<vmem>>[vector<16xi32>], vector<16xf32>, vector<16xi1>
        %parallel_loop3A_181 = arith.constant 64 : i32
        %parallel_loop3A_182 = arith.muli %parallel_loop3A_144, %parallel_loop3A_181 : i32
        %parallel_loop3A_183 = arith.constant 48 : i32
        %parallel_loop3A_184 = arith.addi %parallel_loop3A_182, %parallel_loop3A_183 : i32
        %parallel_loop3A_185 = arith.constant 0 : i32
        %parallel_loop3A_186 = arith.index_cast %parallel_loop3A_185 : i32 to index
        %parallel_loop3A_187 = arith.index_cast %parallel_loop3A_184 : i32 to index
        %parallel_loop3A_188 = tpu.vector_load %arg5[%parallel_loop3A_186, %parallel_loop3A_187] {strides = array<i32>} : memref<8x2048xi32, #tpu.memory_space<vmem>>, vector<16xi32>,
        %parallel_loop3A_189 = arith.constant 17 : i32
        %parallel_loop3A_190 = vector.broadcast %parallel_loop3A_189 : i32 to vector<16xi32>
        %parallel_loop3A_191 = arith.shrui %parallel_loop3A_188, %parallel_loop3A_190 : vector<16xi32>
        %parallel_loop3A_192 = arith.cmpi ne, %parallel_loop3A_188, %broadcast_in_dim3A_40 : vector<16xi32>
        tpu.vector_store_idx %arg9[%parallel_loop3A_191], %broadcast_in_dim3A_38 masked %parallel_loop3A_192 {add = true} : memref<16384xf32, #tpu.memory_space<vmem>>[vector<16xi32>], vector<16xf32>, vector<16xi1>
      } {sc.loop_unroll_factor = 2 : i64, sc.parallel_access}
      %parallel_loop3A_122 = arith.constant 0 : i32
      %parallel_loop3A_123 = arith.constant 32 : i32
      %parallel_loop3A_124 = arith.constant 1 : i32
      scf.for %parallel_loop3A_144 = %parallel_loop3A_122 to %parallel_loop3A_123 step %parallel_loop3A_124  : i32 {
        %parallel_loop3A_145 = arith.constant 64 : i32
        %parallel_loop3A_146 = arith.muli %parallel_loop3A_144, %parallel_loop3A_145 : i32
        %parallel_loop3A_147 = arith.constant 0 : i32
        %parallel_loop3A_148 = arith.addi %parallel_loop3A_146, %parallel_loop3A_147 : i32
        %parallel_loop3A_149 = arith.constant 1 : i32
        %parallel_loop3A_150 = arith.index_cast %parallel_loop3A_149 : i32 to index
        %parallel_loop3A_151 = arith.index_cast %parallel_loop3A_148 : i32 to index
        %parallel_loop3A_152 = tpu.vector_load %arg5[%parallel_loop3A_150, %parallel_loop3A_151] {strides = array<i32>} : memref<8x2048xi32, #tpu.memory_space<vmem>>, vector<16xi32>,
        %parallel_loop3A_153 = arith.constant 17 : i32
        %parallel_loop3A_154 = vector.broadcast %parallel_loop3A_153 : i32 to vector<16xi32>
        %parallel_loop3A_155 = arith.shrui %parallel_loop3A_152, %parallel_loop3A_154 : vector<16xi32>
        %parallel_loop3A_156 = arith.cmpi ne, %parallel_loop3A_152, %broadcast_in_dim3A_40 : vector<16xi32>
        tpu.vector_store_idx %arg6[%parallel_loop3A_155], %broadcast_in_dim3A_38 masked %parallel_loop3A_156 {add = true} : memref<16384xf32, #tpu.memory_space<vmem>>[vector<16xi32>], vector<16xf32>, vector<16xi1>
        %parallel_loop3A_157 = arith.constant 64 : i32
        %parallel_loop3A_158 = arith.muli %parallel_loop3A_144, %parallel_loop3A_157 : i32
        %parallel_loop3A_159 = arith.constant 16 : i32
        %parallel_loop3A_160 = arith.addi %parallel_loop3A_158, %parallel_loop3A_159 : i32
        %parallel_loop3A_161 = arith.constant 1 : i32
        %parallel_loop3A_162 = arith.index_cast %parallel_loop3A_161 : i32 to index
        %parallel_loop3A_163 = arith.index_cast %parallel_loop3A_160 : i32 to index
        %parallel_loop3A_164 = tpu.vector_load %arg5[%parallel_loop3A_162, %parallel_loop3A_163] {strides = array<i32>} : memref<8x2048xi32, #tpu.memory_space<vmem>>, vector<16xi32>,
        %parallel_loop3A_165 = arith.constant 17 : i32
        %parallel_loop3A_166 = vector.broadcast %parallel_loop3A_165 : i32 to vector<16xi32>
        %parallel_loop3A_167 = arith.shrui %parallel_loop3A_164, %parallel_loop3A_166 : vector<16xi32>
        %parallel_loop3A_168 = arith.cmpi ne, %parallel_loop3A_164, %broadcast_in_dim3A_40 : vector<16xi32>
        tpu.vector_store_idx %arg7[%parallel_loop3A_167], %broadcast_in_dim3A_38 masked %parallel_loop3A_168 {add = true} : memref<16384xf32, #tpu.memory_space<vmem>>[vector<16xi32>], vector<16xf32>, vector<16xi1>
        %parallel_loop3A_169 = arith.constant 64 : i32
        %parallel_loop3A_170 = arith.muli %parallel_loop3A_144, %parallel_loop3A_169 : i32
        %parallel_loop3A_171 = arith.constant 32 : i32
        %parallel_loop3A_172 = arith.addi %parallel_loop3A_170, %parallel_loop3A_171 : i32
        %parallel_loop3A_173 = arith.constant 1 : i32
        %parallel_loop3A_174 = arith.index_cast %parallel_loop3A_173 : i32 to index
        %parallel_loop3A_175 = arith.index_cast %parallel_loop3A_172 : i32 to index
        %parallel_loop3A_176 = tpu.vector_load %arg5[%parallel_loop3A_174, %parallel_loop3A_175] {strides = array<i32>} : memref<8x2048xi32, #tpu.memory_space<vmem>>, vector<16xi32>,
        %parallel_loop3A_177 = arith.constant 17 : i32
        %parallel_loop3A_178 = vector.broadcast %parallel_loop3A_177 : i32 to vector<16xi32>
        %parallel_loop3A_179 = arith.shrui %parallel_loop3A_176, %parallel_loop3A_178 : vector<16xi32>
        %parallel_loop3A_180 = arith.cmpi ne, %parallel_loop3A_176, %broadcast_in_dim3A_40 : vector<16xi32>
        tpu.vector_store_idx %arg8[%parallel_loop3A_179], %broadcast_in_dim3A_38 masked %parallel_loop3A_180 {add = true} : memref<16384xf32, #tpu.memory_space<vmem>>[vector<16xi32>], vector<16xf32>, vector<16xi1>
        %parallel_loop3A_181 = arith.constant 64 : i32
        %parallel_loop3A_182 = arith.muli %parallel_loop3A_144, %parallel_loop3A_181 : i32
        %parallel_loop3A_183 = arith.constant 48 : i32
        %parallel_loop3A_184 = arith.addi %parallel_loop3A_182, %parallel_loop3A_183 : i32
        %parallel_loop3A_185 = arith.constant 1 : i32
        %parallel_loop3A_186 = arith.index_cast %parallel_loop3A_185 : i32 to index
        %parallel_loop3A_187 = arith.index_cast %parallel_loop3A_184 : i32 to index
        %parallel_loop3A_188 = tpu.vector_load %arg5[%parallel_loop3A_186, %parallel_loop3A_187] {strides = array<i32>} : memref<8x2048xi32, #tpu.memory_space<vmem>>, vector<16xi32>,
        %parallel_loop3A_189 = arith.constant 17 : i32
        %parallel_loop3A_190 = vector.broadcast %parallel_loop3A_189 : i32 to vector<16xi32>
        %parallel_loop3A_191 = arith.shrui %parallel_loop3A_188, %parallel_loop3A_190 : vector<16xi32>
        %parallel_loop3A_192 = arith.cmpi ne, %parallel_loop3A_188, %broadcast_in_dim3A_40 : vector<16xi32>
        tpu.vector_store_idx %arg9[%parallel_loop3A_191], %broadcast_in_dim3A_38 masked %parallel_loop3A_192 {add = true} : memref<16384xf32, #tpu.memory_space<vmem>>[vector<16xi32>], vector<16xf32>, vector<16xi1>
      } {sc.loop_unroll_factor = 2 : i64, sc.parallel_access}
      %parallel_loop3A_125 = arith.constant 0 : i32
      %parallel_loop3A_126 = arith.constant 32 : i32
      %parallel_loop3A_127 = arith.constant 1 : i32
      scf.for %parallel_loop3A_144 = %parallel_loop3A_125 to %parallel_loop3A_126 step %parallel_loop3A_127  : i32 {
        %parallel_loop3A_145 = arith.constant 64 : i32
        %parallel_loop3A_146 = arith.muli %parallel_loop3A_144, %parallel_loop3A_145 : i32
        %parallel_loop3A_147 = arith.constant 0 : i32
        %parallel_loop3A_148 = arith.addi %parallel_loop3A_146, %parallel_loop3A_147 : i32
        %parallel_loop3A_149 = arith.constant 2 : i32
        %parallel_loop3A_150 = arith.index_cast %parallel_loop3A_149 : i32 to index
        %parallel_loop3A_151 = arith.index_cast %parallel_loop3A_148 : i32 to index
        %parallel_loop3A_152 = tpu.vector_load %arg5[%parallel_loop3A_150, %parallel_loop3A_151] {strides = array<i32>} : memref<8x2048xi32, #tpu.memory_space<vmem>>, vector<16xi32>,
        %parallel_loop3A_153 = arith.constant 17 : i32
        %parallel_loop3A_154 = vector.broadcast %parallel_loop3A_153 : i32 to vector<16xi32>
        %parallel_loop3A_155 = arith.shrui %parallel_loop3A_152, %parallel_loop3A_154 : vector<16xi32>
        %parallel_loop3A_156 = arith.cmpi ne, %parallel_loop3A_152, %broadcast_in_dim3A_40 : vector<16xi32>
        tpu.vector_store_idx %arg6[%parallel_loop3A_155], %broadcast_in_dim3A_38 masked %parallel_loop3A_156 {add = true} : memref<16384xf32, #tpu.memory_space<vmem>>[vector<16xi32>], vector<16xf32>, vector<16xi1>
        %parallel_loop3A_157 = arith.constant 64 : i32
        %parallel_loop3A_158 = arith.muli %parallel_loop3A_144, %parallel_loop3A_157 : i32
        %parallel_loop3A_159 = arith.constant 16 : i32
        %parallel_loop3A_160 = arith.addi %parallel_loop3A_158, %parallel_loop3A_159 : i32
        %parallel_loop3A_161 = arith.constant 2 : i32
        %parallel_loop3A_162 = arith.index_cast %parallel_loop3A_161 : i32 to index
        %parallel_loop3A_163 = arith.index_cast %parallel_loop3A_160 : i32 to index
        %parallel_loop3A_164 = tpu.vector_load %arg5[%parallel_loop3A_162, %parallel_loop3A_163] {strides = array<i32>} : memref<8x2048xi32, #tpu.memory_space<vmem>>, vector<16xi32>,
        %parallel_loop3A_165 = arith.constant 17 : i32
        %parallel_loop3A_166 = vector.broadcast %parallel_loop3A_165 : i32 to vector<16xi32>
        %parallel_loop3A_167 = arith.shrui %parallel_loop3A_164, %parallel_loop3A_166 : vector<16xi32>
        %parallel_loop3A_168 = arith.cmpi ne, %parallel_loop3A_164, %broadcast_in_dim3A_40 : vector<16xi32>
        tpu.vector_store_idx %arg7[%parallel_loop3A_167], %broadcast_in_dim3A_38 masked %parallel_loop3A_168 {add = true} : memref<16384xf32, #tpu.memory_space<vmem>>[vector<16xi32>], vector<16xf32>, vector<16xi1>
        %parallel_loop3A_169 = arith.constant 64 : i32
        %parallel_loop3A_170 = arith.muli %parallel_loop3A_144, %parallel_loop3A_169 : i32
        %parallel_loop3A_171 = arith.constant 32 : i32
        %parallel_loop3A_172 = arith.addi %parallel_loop3A_170, %parallel_loop3A_171 : i32
        %parallel_loop3A_173 = arith.constant 2 : i32
        %parallel_loop3A_174 = arith.index_cast %parallel_loop3A_173 : i32 to index
        %parallel_loop3A_175 = arith.index_cast %parallel_loop3A_172 : i32 to index
        %parallel_loop3A_176 = tpu.vector_load %arg5[%parallel_loop3A_174, %parallel_loop3A_175] {strides = array<i32>} : memref<8x2048xi32, #tpu.memory_space<vmem>>, vector<16xi32>,
        %parallel_loop3A_177 = arith.constant 17 : i32
        %parallel_loop3A_178 = vector.broadcast %parallel_loop3A_177 : i32 to vector<16xi32>
        %parallel_loop3A_179 = arith.shrui %parallel_loop3A_176, %parallel_loop3A_178 : vector<16xi32>
        %parallel_loop3A_180 = arith.cmpi ne, %parallel_loop3A_176, %broadcast_in_dim3A_40 : vector<16xi32>
        tpu.vector_store_idx %arg8[%parallel_loop3A_179], %broadcast_in_dim3A_38 masked %parallel_loop3A_180 {add = true} : memref<16384xf32, #tpu.memory_space<vmem>>[vector<16xi32>], vector<16xf32>, vector<16xi1>
        %parallel_loop3A_181 = arith.constant 64 : i32
        %parallel_loop3A_182 = arith.muli %parallel_loop3A_144, %parallel_loop3A_181 : i32
        %parallel_loop3A_183 = arith.constant 48 : i32
        %parallel_loop3A_184 = arith.addi %parallel_loop3A_182, %parallel_loop3A_183 : i32
        %parallel_loop3A_185 = arith.constant 2 : i32
        %parallel_loop3A_186 = arith.index_cast %parallel_loop3A_185 : i32 to index
        %parallel_loop3A_187 = arith.index_cast %parallel_loop3A_184 : i32 to index
        %parallel_loop3A_188 = tpu.vector_load %arg5[%parallel_loop3A_186, %parallel_loop3A_187] {strides = array<i32>} : memref<8x2048xi32, #tpu.memory_space<vmem>>, vector<16xi32>,
        %parallel_loop3A_189 = arith.constant 17 : i32
        %parallel_loop3A_190 = vector.broadcast %parallel_loop3A_189 : i32 to vector<16xi32>
        %parallel_loop3A_191 = arith.shrui %parallel_loop3A_188, %parallel_loop3A_190 : vector<16xi32>
        %parallel_loop3A_192 = arith.cmpi ne, %parallel_loop3A_188, %broadcast_in_dim3A_40 : vector<16xi32>
        tpu.vector_store_idx %arg9[%parallel_loop3A_191], %broadcast_in_dim3A_38 masked %parallel_loop3A_192 {add = true} : memref<16384xf32, #tpu.memory_space<vmem>>[vector<16xi32>], vector<16xf32>, vector<16xi1>
      } {sc.loop_unroll_factor = 2 : i64, sc.parallel_access}
      %parallel_loop3A_128 = arith.constant 0 : i32
      %parallel_loop3A_129 = arith.constant 32 : i32
      %parallel_loop3A_130 = arith.constant 1 : i32
      scf.for %parallel_loop3A_144 = %parallel_loop3A_128 to %parallel_loop3A_129 step %parallel_loop3A_130  : i32 {
        %parallel_loop3A_145 = arith.constant 64 : i32
        %parallel_loop3A_146 = arith.muli %parallel_loop3A_144, %parallel_loop3A_145 : i32
        %parallel_loop3A_147 = arith.constant 0 : i32
        %parallel_loop3A_148 = arith.addi %parallel_loop3A_146, %parallel_loop3A_147 : i32
        %parallel_loop3A_149 = arith.constant 3 : i32
        %parallel_loop3A_150 = arith.index_cast %parallel_loop3A_149 : i32 to index
        %parallel_loop3A_151 = arith.index_cast %parallel_loop3A_148 : i32 to index
        %parallel_loop3A_152 = tpu.vector_load %arg5[%parallel_loop3A_150, %parallel_loop3A_151] {strides = array<i32>} : memref<8x2048xi32, #tpu.memory_space<vmem>>, vector<16xi32>,
        %parallel_loop3A_153 = arith.constant 17 : i32
        %parallel_loop3A_154 = vector.broadcast %parallel_loop3A_153 : i32 to vector<16xi32>
        %parallel_loop3A_155 = arith.shrui %parallel_loop3A_152, %parallel_loop3A_154 : vector<16xi32>
        %parallel_loop3A_156 = arith.cmpi ne, %parallel_loop3A_152, %broadcast_in_dim3A_40 : vector<16xi32>
        tpu.vector_store_idx %arg6[%parallel_loop3A_155], %broadcast_in_dim3A_38 masked %parallel_loop3A_156 {add = true} : memref<16384xf32, #tpu.memory_space<vmem>>[vector<16xi32>], vector<16xf32>, vector<16xi1>
        %parallel_loop3A_157 = arith.constant 64 : i32
        %parallel_loop3A_158 = arith.muli %parallel_loop3A_144, %parallel_loop3A_157 : i32
        %parallel_loop3A_159 = arith.constant 16 : i32
        %parallel_loop3A_160 = arith.addi %parallel_loop3A_158, %parallel_loop3A_159 : i32
        %parallel_loop3A_161 = arith.constant 3 : i32
        %parallel_loop3A_162 = arith.index_cast %parallel_loop3A_161 : i32 to index
        %parallel_loop3A_163 = arith.index_cast %parallel_loop3A_160 : i32 to index
        %parallel_loop3A_164 = tpu.vector_load %arg5[%parallel_loop3A_162, %parallel_loop3A_163] {strides = array<i32>} : memref<8x2048xi32, #tpu.memory_space<vmem>>, vector<16xi32>,
        %parallel_loop3A_165 = arith.constant 17 : i32
        %parallel_loop3A_166 = vector.broadcast %parallel_loop3A_165 : i32 to vector<16xi32>
        %parallel_loop3A_167 = arith.shrui %parallel_loop3A_164, %parallel_loop3A_166 : vector<16xi32>
        %parallel_loop3A_168 = arith.cmpi ne, %parallel_loop3A_164, %broadcast_in_dim3A_40 : vector<16xi32>
        tpu.vector_store_idx %arg7[%parallel_loop3A_167], %broadcast_in_dim3A_38 masked %parallel_loop3A_168 {add = true} : memref<16384xf32, #tpu.memory_space<vmem>>[vector<16xi32>], vector<16xf32>, vector<16xi1>
        %parallel_loop3A_169 = arith.constant 64 : i32
        %parallel_loop3A_170 = arith.muli %parallel_loop3A_144, %parallel_loop3A_169 : i32
        %parallel_loop3A_171 = arith.constant 32 : i32
        %parallel_loop3A_172 = arith.addi %parallel_loop3A_170, %parallel_loop3A_171 : i32
        %parallel_loop3A_173 = arith.constant 3 : i32
        %parallel_loop3A_174 = arith.index_cast %parallel_loop3A_173 : i32 to index
        %parallel_loop3A_175 = arith.index_cast %parallel_loop3A_172 : i32 to index
        %parallel_loop3A_176 = tpu.vector_load %arg5[%parallel_loop3A_174, %parallel_loop3A_175] {strides = array<i32>} : memref<8x2048xi32, #tpu.memory_space<vmem>>, vector<16xi32>,
        %parallel_loop3A_177 = arith.constant 17 : i32
        %parallel_loop3A_178 = vector.broadcast %parallel_loop3A_177 : i32 to vector<16xi32>
        %parallel_loop3A_179 = arith.shrui %parallel_loop3A_176, %parallel_loop3A_178 : vector<16xi32>
        %parallel_loop3A_180 = arith.cmpi ne, %parallel_loop3A_176, %broadcast_in_dim3A_40 : vector<16xi32>
        tpu.vector_store_idx %arg8[%parallel_loop3A_179], %broadcast_in_dim3A_38 masked %parallel_loop3A_180 {add = true} : memref<16384xf32, #tpu.memory_space<vmem>>[vector<16xi32>], vector<16xf32>, vector<16xi1>
        %parallel_loop3A_181 = arith.constant 64 : i32
        %parallel_loop3A_182 = arith.muli %parallel_loop3A_144, %parallel_loop3A_181 : i32
        %parallel_loop3A_183 = arith.constant 48 : i32
        %parallel_loop3A_184 = arith.addi %parallel_loop3A_182, %parallel_loop3A_183 : i32
        %parallel_loop3A_185 = arith.constant 3 : i32
        %parallel_loop3A_186 = arith.index_cast %parallel_loop3A_185 : i32 to index
        %parallel_loop3A_187 = arith.index_cast %parallel_loop3A_184 : i32 to index
        %parallel_loop3A_188 = tpu.vector_load %arg5[%parallel_loop3A_186, %parallel_loop3A_187] {strides = array<i32>} : memref<8x2048xi32, #tpu.memory_space<vmem>>, vector<16xi32>,
        %parallel_loop3A_189 = arith.constant 17 : i32
        %parallel_loop3A_190 = vector.broadcast %parallel_loop3A_189 : i32 to vector<16xi32>
        %parallel_loop3A_191 = arith.shrui %parallel_loop3A_188, %parallel_loop3A_190 : vector<16xi32>
        %parallel_loop3A_192 = arith.cmpi ne, %parallel_loop3A_188, %broadcast_in_dim3A_40 : vector<16xi32>
        tpu.vector_store_idx %arg9[%parallel_loop3A_191], %broadcast_in_dim3A_38 masked %parallel_loop3A_192 {add = true} : memref<16384xf32, #tpu.memory_space<vmem>>[vector<16xi32>], vector<16xf32>, vector<16xi1>
      } {sc.loop_unroll_factor = 2 : i64, sc.parallel_access}
      %parallel_loop3A_131 = arith.constant 0 : i32
      %parallel_loop3A_132 = arith.constant 32 : i32
      %parallel_loop3A_133 = arith.constant 1 : i32
      scf.for %parallel_loop3A_144 = %parallel_loop3A_131 to %parallel_loop3A_132 step %parallel_loop3A_133  : i32 {
        %parallel_loop3A_145 = arith.constant 64 : i32
        %parallel_loop3A_146 = arith.muli %parallel_loop3A_144, %parallel_loop3A_145 : i32
        %parallel_loop3A_147 = arith.constant 0 : i32
        %parallel_loop3A_148 = arith.addi %parallel_loop3A_146, %parallel_loop3A_147 : i32
        %parallel_loop3A_149 = arith.constant 4 : i32
        %parallel_loop3A_150 = arith.index_cast %parallel_loop3A_149 : i32 to index
        %parallel_loop3A_151 = arith.index_cast %parallel_loop3A_148 : i32 to index
        %parallel_loop3A_152 = tpu.vector_load %arg5[%parallel_loop3A_150, %parallel_loop3A_151] {strides = array<i32>} : memref<8x2048xi32, #tpu.memory_space<vmem>>, vector<16xi32>,
        %parallel_loop3A_153 = arith.constant 17 : i32
        %parallel_loop3A_154 = vector.broadcast %parallel_loop3A_153 : i32 to vector<16xi32>
        %parallel_loop3A_155 = arith.shrui %parallel_loop3A_152, %parallel_loop3A_154 : vector<16xi32>
        %parallel_loop3A_156 = arith.cmpi ne, %parallel_loop3A_152, %broadcast_in_dim3A_40 : vector<16xi32>
        tpu.vector_store_idx %arg6[%parallel_loop3A_155], %broadcast_in_dim3A_38 masked %parallel_loop3A_156 {add = true} : memref<16384xf32, #tpu.memory_space<vmem>>[vector<16xi32>], vector<16xf32>, vector<16xi1>
        %parallel_loop3A_157 = arith.constant 64 : i32
        %parallel_loop3A_158 = arith.muli %parallel_loop3A_144, %parallel_loop3A_157 : i32
        %parallel_loop3A_159 = arith.constant 16 : i32
        %parallel_loop3A_160 = arith.addi %parallel_loop3A_158, %parallel_loop3A_159 : i32
        %parallel_loop3A_161 = arith.constant 4 : i32
        %parallel_loop3A_162 = arith.index_cast %parallel_loop3A_161 : i32 to index
        %parallel_loop3A_163 = arith.index_cast %parallel_loop3A_160 : i32 to index
        %parallel_loop3A_164 = tpu.vector_load %arg5[%parallel_loop3A_162, %parallel_loop3A_163] {strides = array<i32>} : memref<8x2048xi32, #tpu.memory_space<vmem>>, vector<16xi32>,
        %parallel_loop3A_165 = arith.constant 17 : i32
        %parallel_loop3A_166 = vector.broadcast %parallel_loop3A_165 : i32 to vector<16xi32>
        %parallel_loop3A_167 = arith.shrui %parallel_loop3A_164, %parallel_loop3A_166 : vector<16xi32>
        %parallel_loop3A_168 = arith.cmpi ne, %parallel_loop3A_164, %broadcast_in_dim3A_40 : vector<16xi32>
        tpu.vector_store_idx %arg7[%parallel_loop3A_167], %broadcast_in_dim3A_38 masked %parallel_loop3A_168 {add = true} : memref<16384xf32, #tpu.memory_space<vmem>>[vector<16xi32>], vector<16xf32>, vector<16xi1>
        %parallel_loop3A_169 = arith.constant 64 : i32
        %parallel_loop3A_170 = arith.muli %parallel_loop3A_144, %parallel_loop3A_169 : i32
        %parallel_loop3A_171 = arith.constant 32 : i32
        %parallel_loop3A_172 = arith.addi %parallel_loop3A_170, %parallel_loop3A_171 : i32
        %parallel_loop3A_173 = arith.constant 4 : i32
        %parallel_loop3A_174 = arith.index_cast %parallel_loop3A_173 : i32 to index
        %parallel_loop3A_175 = arith.index_cast %parallel_loop3A_172 : i32 to index
        %parallel_loop3A_176 = tpu.vector_load %arg5[%parallel_loop3A_174, %parallel_loop3A_175] {strides = array<i32>} : memref<8x2048xi32, #tpu.memory_space<vmem>>, vector<16xi32>,
        %parallel_loop3A_177 = arith.constant 17 : i32
        %parallel_loop3A_178 = vector.broadcast %parallel_loop3A_177 : i32 to vector<16xi32>
        %parallel_loop3A_179 = arith.shrui %parallel_loop3A_176, %parallel_loop3A_178 : vector<16xi32>
        %parallel_loop3A_180 = arith.cmpi ne, %parallel_loop3A_176, %broadcast_in_dim3A_40 : vector<16xi32>
        tpu.vector_store_idx %arg8[%parallel_loop3A_179], %broadcast_in_dim3A_38 masked %parallel_loop3A_180 {add = true} : memref<16384xf32, #tpu.memory_space<vmem>>[vector<16xi32>], vector<16xf32>, vector<16xi1>
        %parallel_loop3A_181 = arith.constant 64 : i32
        %parallel_loop3A_182 = arith.muli %parallel_loop3A_144, %parallel_loop3A_181 : i32
        %parallel_loop3A_183 = arith.constant 48 : i32
        %parallel_loop3A_184 = arith.addi %parallel_loop3A_182, %parallel_loop3A_183 : i32
        %parallel_loop3A_185 = arith.constant 4 : i32
        %parallel_loop3A_186 = arith.index_cast %parallel_loop3A_185 : i32 to index
        %parallel_loop3A_187 = arith.index_cast %parallel_loop3A_184 : i32 to index
        %parallel_loop3A_188 = tpu.vector_load %arg5[%parallel_loop3A_186, %parallel_loop3A_187] {strides = array<i32>} : memref<8x2048xi32, #tpu.memory_space<vmem>>, vector<16xi32>,
        %parallel_loop3A_189 = arith.constant 17 : i32
        %parallel_loop3A_190 = vector.broadcast %parallel_loop3A_189 : i32 to vector<16xi32>
        %parallel_loop3A_191 = arith.shrui %parallel_loop3A_188, %parallel_loop3A_190 : vector<16xi32>
        %parallel_loop3A_192 = arith.cmpi ne, %parallel_loop3A_188, %broadcast_in_dim3A_40 : vector<16xi32>
        tpu.vector_store_idx %arg9[%parallel_loop3A_191], %broadcast_in_dim3A_38 masked %parallel_loop3A_192 {add = true} : memref<16384xf32, #tpu.memory_space<vmem>>[vector<16xi32>], vector<16xf32>, vector<16xi1>
      } {sc.loop_unroll_factor = 2 : i64, sc.parallel_access}
      %parallel_loop3A_134 = arith.constant 0 : i32
      %parallel_loop3A_135 = arith.constant 32 : i32
      %parallel_loop3A_136 = arith.constant 1 : i32
      scf.for %parallel_loop3A_144 = %parallel_loop3A_134 to %parallel_loop3A_135 step %parallel_loop3A_136  : i32 {
        %parallel_loop3A_145 = arith.constant 64 : i32
        %parallel_loop3A_146 = arith.muli %parallel_loop3A_144, %parallel_loop3A_145 : i32
        %parallel_loop3A_147 = arith.constant 0 : i32
        %parallel_loop3A_148 = arith.addi %parallel_loop3A_146, %parallel_loop3A_147 : i32
        %parallel_loop3A_149 = arith.constant 5 : i32
        %parallel_loop3A_150 = arith.index_cast %parallel_loop3A_149 : i32 to index
        %parallel_loop3A_151 = arith.index_cast %parallel_loop3A_148 : i32 to index
        %parallel_loop3A_152 = tpu.vector_load %arg5[%parallel_loop3A_150, %parallel_loop3A_151] {strides = array<i32>} : memref<8x2048xi32, #tpu.memory_space<vmem>>, vector<16xi32>,
        %parallel_loop3A_153 = arith.constant 17 : i32
        %parallel_loop3A_154 = vector.broadcast %parallel_loop3A_153 : i32 to vector<16xi32>
        %parallel_loop3A_155 = arith.shrui %parallel_loop3A_152, %parallel_loop3A_154 : vector<16xi32>
        %parallel_loop3A_156 = arith.cmpi ne, %parallel_loop3A_152, %broadcast_in_dim3A_40 : vector<16xi32>
        tpu.vector_store_idx %arg6[%parallel_loop3A_155], %broadcast_in_dim3A_38 masked %parallel_loop3A_156 {add = true} : memref<16384xf32, #tpu.memory_space<vmem>>[vector<16xi32>], vector<16xf32>, vector<16xi1>
        %parallel_loop3A_157 = arith.constant 64 : i32
        %parallel_loop3A_158 = arith.muli %parallel_loop3A_144, %parallel_loop3A_157 : i32
        %parallel_loop3A_159 = arith.constant 16 : i32
        %parallel_loop3A_160 = arith.addi %parallel_loop3A_158, %parallel_loop3A_159 : i32
        %parallel_loop3A_161 = arith.constant 5 : i32
        %parallel_loop3A_162 = arith.index_cast %parallel_loop3A_161 : i32 to index
        %parallel_loop3A_163 = arith.index_cast %parallel_loop3A_160 : i32 to index
        %parallel_loop3A_164 = tpu.vector_load %arg5[%parallel_loop3A_162, %parallel_loop3A_163] {strides = array<i32>} : memref<8x2048xi32, #tpu.memory_space<vmem>>, vector<16xi32>,
        %parallel_loop3A_165 = arith.constant 17 : i32
        %parallel_loop3A_166 = vector.broadcast %parallel_loop3A_165 : i32 to vector<16xi32>
        %parallel_loop3A_167 = arith.shrui %parallel_loop3A_164, %parallel_loop3A_166 : vector<16xi32>
        %parallel_loop3A_168 = arith.cmpi ne, %parallel_loop3A_164, %broadcast_in_dim3A_40 : vector<16xi32>
        tpu.vector_store_idx %arg7[%parallel_loop3A_167], %broadcast_in_dim3A_38 masked %parallel_loop3A_168 {add = true} : memref<16384xf32, #tpu.memory_space<vmem>>[vector<16xi32>], vector<16xf32>, vector<16xi1>
        %parallel_loop3A_169 = arith.constant 64 : i32
        %parallel_loop3A_170 = arith.muli %parallel_loop3A_144, %parallel_loop3A_169 : i32
        %parallel_loop3A_171 = arith.constant 32 : i32
        %parallel_loop3A_172 = arith.addi %parallel_loop3A_170, %parallel_loop3A_171 : i32
        %parallel_loop3A_173 = arith.constant 5 : i32
        %parallel_loop3A_174 = arith.index_cast %parallel_loop3A_173 : i32 to index
        %parallel_loop3A_175 = arith.index_cast %parallel_loop3A_172 : i32 to index
        %parallel_loop3A_176 = tpu.vector_load %arg5[%parallel_loop3A_174, %parallel_loop3A_175] {strides = array<i32>} : memref<8x2048xi32, #tpu.memory_space<vmem>>, vector<16xi32>,
        %parallel_loop3A_177 = arith.constant 17 : i32
        %parallel_loop3A_178 = vector.broadcast %parallel_loop3A_177 : i32 to vector<16xi32>
        %parallel_loop3A_179 = arith.shrui %parallel_loop3A_176, %parallel_loop3A_178 : vector<16xi32>
        %parallel_loop3A_180 = arith.cmpi ne, %parallel_loop3A_176, %broadcast_in_dim3A_40 : vector<16xi32>
        tpu.vector_store_idx %arg8[%parallel_loop3A_179], %broadcast_in_dim3A_38 masked %parallel_loop3A_180 {add = true} : memref<16384xf32, #tpu.memory_space<vmem>>[vector<16xi32>], vector<16xf32>, vector<16xi1>
        %parallel_loop3A_181 = arith.constant 64 : i32
        %parallel_loop3A_182 = arith.muli %parallel_loop3A_144, %parallel_loop3A_181 : i32
        %parallel_loop3A_183 = arith.constant 48 : i32
        %parallel_loop3A_184 = arith.addi %parallel_loop3A_182, %parallel_loop3A_183 : i32
        %parallel_loop3A_185 = arith.constant 5 : i32
        %parallel_loop3A_186 = arith.index_cast %parallel_loop3A_185 : i32 to index
        %parallel_loop3A_187 = arith.index_cast %parallel_loop3A_184 : i32 to index
        %parallel_loop3A_188 = tpu.vector_load %arg5[%parallel_loop3A_186, %parallel_loop3A_187] {strides = array<i32>} : memref<8x2048xi32, #tpu.memory_space<vmem>>, vector<16xi32>,
        %parallel_loop3A_189 = arith.constant 17 : i32
        %parallel_loop3A_190 = vector.broadcast %parallel_loop3A_189 : i32 to vector<16xi32>
        %parallel_loop3A_191 = arith.shrui %parallel_loop3A_188, %parallel_loop3A_190 : vector<16xi32>
        %parallel_loop3A_192 = arith.cmpi ne, %parallel_loop3A_188, %broadcast_in_dim3A_40 : vector<16xi32>
        tpu.vector_store_idx %arg9[%parallel_loop3A_191], %broadcast_in_dim3A_38 masked %parallel_loop3A_192 {add = true} : memref<16384xf32, #tpu.memory_space<vmem>>[vector<16xi32>], vector<16xf32>, vector<16xi1>
      } {sc.loop_unroll_factor = 2 : i64, sc.parallel_access}
      %parallel_loop3A_137 = arith.constant 0 : i32
      %parallel_loop3A_138 = arith.constant 32 : i32
      %parallel_loop3A_139 = arith.constant 1 : i32
      scf.for %parallel_loop3A_144 = %parallel_loop3A_137 to %parallel_loop3A_138 step %parallel_loop3A_139  : i32 {
        %parallel_loop3A_145 = arith.constant 64 : i32
        %parallel_loop3A_146 = arith.muli %parallel_loop3A_144, %parallel_loop3A_145 : i32
        %parallel_loop3A_147 = arith.constant 0 : i32
        %parallel_loop3A_148 = arith.addi %parallel_loop3A_146, %parallel_loop3A_147 : i32
        %parallel_loop3A_149 = arith.constant 6 : i32
        %parallel_loop3A_150 = arith.index_cast %parallel_loop3A_149 : i32 to index
        %parallel_loop3A_151 = arith.index_cast %parallel_loop3A_148 : i32 to index
        %parallel_loop3A_152 = tpu.vector_load %arg5[%parallel_loop3A_150, %parallel_loop3A_151] {strides = array<i32>} : memref<8x2048xi32, #tpu.memory_space<vmem>>, vector<16xi32>,
        %parallel_loop3A_153 = arith.constant 17 : i32
        %parallel_loop3A_154 = vector.broadcast %parallel_loop3A_153 : i32 to vector<16xi32>
        %parallel_loop3A_155 = arith.shrui %parallel_loop3A_152, %parallel_loop3A_154 : vector<16xi32>
        %parallel_loop3A_156 = arith.cmpi ne, %parallel_loop3A_152, %broadcast_in_dim3A_40 : vector<16xi32>
        tpu.vector_store_idx %arg6[%parallel_loop3A_155], %broadcast_in_dim3A_38 masked %parallel_loop3A_156 {add = true} : memref<16384xf32, #tpu.memory_space<vmem>>[vector<16xi32>], vector<16xf32>, vector<16xi1>
        %parallel_loop3A_157 = arith.constant 64 : i32
        %parallel_loop3A_158 = arith.muli %parallel_loop3A_144, %parallel_loop3A_157 : i32
        %parallel_loop3A_159 = arith.constant 16 : i32
        %parallel_loop3A_160 = arith.addi %parallel_loop3A_158, %parallel_loop3A_159 : i32
        %parallel_loop3A_161 = arith.constant 6 : i32
        %parallel_loop3A_162 = arith.index_cast %parallel_loop3A_161 : i32 to index
        %parallel_loop3A_163 = arith.index_cast %parallel_loop3A_160 : i32 to index
        %parallel_loop3A_164 = tpu.vector_load %arg5[%parallel_loop3A_162, %parallel_loop3A_163] {strides = array<i32>} : memref<8x2048xi32, #tpu.memory_space<vmem>>, vector<16xi32>,
        %parallel_loop3A_165 = arith.constant 17 : i32
        %parallel_loop3A_166 = vector.broadcast %parallel_loop3A_165 : i32 to vector<16xi32>
        %parallel_loop3A_167 = arith.shrui %parallel_loop3A_164, %parallel_loop3A_166 : vector<16xi32>
        %parallel_loop3A_168 = arith.cmpi ne, %parallel_loop3A_164, %broadcast_in_dim3A_40 : vector<16xi32>
        tpu.vector_store_idx %arg7[%parallel_loop3A_167], %broadcast_in_dim3A_38 masked %parallel_loop3A_168 {add = true} : memref<16384xf32, #tpu.memory_space<vmem>>[vector<16xi32>], vector<16xf32>, vector<16xi1>
        %parallel_loop3A_169 = arith.constant 64 : i32
        %parallel_loop3A_170 = arith.muli %parallel_loop3A_144, %parallel_loop3A_169 : i32
        %parallel_loop3A_171 = arith.constant 32 : i32
        %parallel_loop3A_172 = arith.addi %parallel_loop3A_170, %parallel_loop3A_171 : i32
        %parallel_loop3A_173 = arith.constant 6 : i32
        %parallel_loop3A_174 = arith.index_cast %parallel_loop3A_173 : i32 to index
        %parallel_loop3A_175 = arith.index_cast %parallel_loop3A_172 : i32 to index
        %parallel_loop3A_176 = tpu.vector_load %arg5[%parallel_loop3A_174, %parallel_loop3A_175] {strides = array<i32>} : memref<8x2048xi32, #tpu.memory_space<vmem>>, vector<16xi32>,
        %parallel_loop3A_177 = arith.constant 17 : i32
        %parallel_loop3A_178 = vector.broadcast %parallel_loop3A_177 : i32 to vector<16xi32>
        %parallel_loop3A_179 = arith.shrui %parallel_loop3A_176, %parallel_loop3A_178 : vector<16xi32>
        %parallel_loop3A_180 = arith.cmpi ne, %parallel_loop3A_176, %broadcast_in_dim3A_40 : vector<16xi32>
        tpu.vector_store_idx %arg8[%parallel_loop3A_179], %broadcast_in_dim3A_38 masked %parallel_loop3A_180 {add = true} : memref<16384xf32, #tpu.memory_space<vmem>>[vector<16xi32>], vector<16xf32>, vector<16xi1>
        %parallel_loop3A_181 = arith.constant 64 : i32
        %parallel_loop3A_182 = arith.muli %parallel_loop3A_144, %parallel_loop3A_181 : i32
        %parallel_loop3A_183 = arith.constant 48 : i32
        %parallel_loop3A_184 = arith.addi %parallel_loop3A_182, %parallel_loop3A_183 : i32
        %parallel_loop3A_185 = arith.constant 6 : i32
        %parallel_loop3A_186 = arith.index_cast %parallel_loop3A_185 : i32 to index
        %parallel_loop3A_187 = arith.index_cast %parallel_loop3A_184 : i32 to index
        %parallel_loop3A_188 = tpu.vector_load %arg5[%parallel_loop3A_186, %parallel_loop3A_187] {strides = array<i32>} : memref<8x2048xi32, #tpu.memory_space<vmem>>, vector<16xi32>,
        %parallel_loop3A_189 = arith.constant 17 : i32
        %parallel_loop3A_190 = vector.broadcast %parallel_loop3A_189 : i32 to vector<16xi32>
        %parallel_loop3A_191 = arith.shrui %parallel_loop3A_188, %parallel_loop3A_190 : vector<16xi32>
        %parallel_loop3A_192 = arith.cmpi ne, %parallel_loop3A_188, %broadcast_in_dim3A_40 : vector<16xi32>
        tpu.vector_store_idx %arg9[%parallel_loop3A_191], %broadcast_in_dim3A_38 masked %parallel_loop3A_192 {add = true} : memref<16384xf32, #tpu.memory_space<vmem>>[vector<16xi32>], vector<16xf32>, vector<16xi1>
      } {sc.loop_unroll_factor = 2 : i64, sc.parallel_access}
      %parallel_loop3A_140 = arith.constant 0 : i32
      %parallel_loop3A_141 = arith.constant 32 : i32
      %parallel_loop3A_142 = arith.constant 1 : i32
      scf.for %parallel_loop3A_144 = %parallel_loop3A_140 to %parallel_loop3A_141 step %parallel_loop3A_142  : i32 {
        %parallel_loop3A_145 = arith.constant 64 : i32
        %parallel_loop3A_146 = arith.muli %parallel_loop3A_144, %parallel_loop3A_145 : i32
        %parallel_loop3A_147 = arith.constant 0 : i32
        %parallel_loop3A_148 = arith.addi %parallel_loop3A_146, %parallel_loop3A_147 : i32
        %parallel_loop3A_149 = arith.constant 7 : i32
        %parallel_loop3A_150 = arith.index_cast %parallel_loop3A_149 : i32 to index
        %parallel_loop3A_151 = arith.index_cast %parallel_loop3A_148 : i32 to index
        %parallel_loop3A_152 = tpu.vector_load %arg5[%parallel_loop3A_150, %parallel_loop3A_151] {strides = array<i32>} : memref<8x2048xi32, #tpu.memory_space<vmem>>, vector<16xi32>,
        %parallel_loop3A_153 = arith.constant 17 : i32
        %parallel_loop3A_154 = vector.broadcast %parallel_loop3A_153 : i32 to vector<16xi32>
        %parallel_loop3A_155 = arith.shrui %parallel_loop3A_152, %parallel_loop3A_154 : vector<16xi32>
        %parallel_loop3A_156 = arith.cmpi ne, %parallel_loop3A_152, %broadcast_in_dim3A_40 : vector<16xi32>
        tpu.vector_store_idx %arg6[%parallel_loop3A_155], %broadcast_in_dim3A_38 masked %parallel_loop3A_156 {add = true} : memref<16384xf32, #tpu.memory_space<vmem>>[vector<16xi32>], vector<16xf32>, vector<16xi1>
        %parallel_loop3A_157 = arith.constant 64 : i32
        %parallel_loop3A_158 = arith.muli %parallel_loop3A_144, %parallel_loop3A_157 : i32
        %parallel_loop3A_159 = arith.constant 16 : i32
        %parallel_loop3A_160 = arith.addi %parallel_loop3A_158, %parallel_loop3A_159 : i32
        %parallel_loop3A_161 = arith.constant 7 : i32
        %parallel_loop3A_162 = arith.index_cast %parallel_loop3A_161 : i32 to index
        %parallel_loop3A_163 = arith.index_cast %parallel_loop3A_160 : i32 to index
        %parallel_loop3A_164 = tpu.vector_load %arg5[%parallel_loop3A_162, %parallel_loop3A_163] {strides = array<i32>} : memref<8x2048xi32, #tpu.memory_space<vmem>>, vector<16xi32>,
        %parallel_loop3A_165 = arith.constant 17 : i32
        %parallel_loop3A_166 = vector.broadcast %parallel_loop3A_165 : i32 to vector<16xi32>
        %parallel_loop3A_167 = arith.shrui %parallel_loop3A_164, %parallel_loop3A_166 : vector<16xi32>
        %parallel_loop3A_168 = arith.cmpi ne, %parallel_loop3A_164, %broadcast_in_dim3A_40 : vector<16xi32>
        tpu.vector_store_idx %arg7[%parallel_loop3A_167], %broadcast_in_dim3A_38 masked %parallel_loop3A_168 {add = true} : memref<16384xf32, #tpu.memory_space<vmem>>[vector<16xi32>], vector<16xf32>, vector<16xi1>
        %parallel_loop3A_169 = arith.constant 64 : i32
        %parallel_loop3A_170 = arith.muli %parallel_loop3A_144, %parallel_loop3A_169 : i32
        %parallel_loop3A_171 = arith.constant 32 : i32
        %parallel_loop3A_172 = arith.addi %parallel_loop3A_170, %parallel_loop3A_171 : i32
        %parallel_loop3A_173 = arith.constant 7 : i32
        %parallel_loop3A_174 = arith.index_cast %parallel_loop3A_173 : i32 to index
        %parallel_loop3A_175 = arith.index_cast %parallel_loop3A_172 : i32 to index
        %parallel_loop3A_176 = tpu.vector_load %arg5[%parallel_loop3A_174, %parallel_loop3A_175] {strides = array<i32>} : memref<8x2048xi32, #tpu.memory_space<vmem>>, vector<16xi32>,
        %parallel_loop3A_177 = arith.constant 17 : i32
        %parallel_loop3A_178 = vector.broadcast %parallel_loop3A_177 : i32 to vector<16xi32>
        %parallel_loop3A_179 = arith.shrui %parallel_loop3A_176, %parallel_loop3A_178 : vector<16xi32>
        %parallel_loop3A_180 = arith.cmpi ne, %parallel_loop3A_176, %broadcast_in_dim3A_40 : vector<16xi32>
        tpu.vector_store_idx %arg8[%parallel_loop3A_179], %broadcast_in_dim3A_38 masked %parallel_loop3A_180 {add = true} : memref<16384xf32, #tpu.memory_space<vmem>>[vector<16xi32>], vector<16xf32>, vector<16xi1>
        %parallel_loop3A_181 = arith.constant 64 : i32
        %parallel_loop3A_182 = arith.muli %parallel_loop3A_144, %parallel_loop3A_181 : i32
        %parallel_loop3A_183 = arith.constant 48 : i32
        %parallel_loop3A_184 = arith.addi %parallel_loop3A_182, %parallel_loop3A_183 : i32
        %parallel_loop3A_185 = arith.constant 7 : i32
        %parallel_loop3A_186 = arith.index_cast %parallel_loop3A_185 : i32 to index
        %parallel_loop3A_187 = arith.index_cast %parallel_loop3A_184 : i32 to index
        %parallel_loop3A_188 = tpu.vector_load %arg5[%parallel_loop3A_186, %parallel_loop3A_187] {strides = array<i32>} : memref<8x2048xi32, #tpu.memory_space<vmem>>, vector<16xi32>,
        %parallel_loop3A_189 = arith.constant 17 : i32
        %parallel_loop3A_190 = vector.broadcast %parallel_loop3A_189 : i32 to vector<16xi32>
        %parallel_loop3A_191 = arith.shrui %parallel_loop3A_188, %parallel_loop3A_190 : vector<16xi32>
        %parallel_loop3A_192 = arith.cmpi ne, %parallel_loop3A_188, %broadcast_in_dim3A_40 : vector<16xi32>
        tpu.vector_store_idx %arg9[%parallel_loop3A_191], %broadcast_in_dim3A_38 masked %parallel_loop3A_192 {add = true} : memref<16384xf32, #tpu.memory_space<vmem>>[vector<16xi32>], vector<16xf32>, vector<16xi1>
      } {sc.loop_unroll_factor = 2 : i64, sc.parallel_access}
      %scan3A_143 = arith.constant 0 : i32
      scf.yield %scan3A_143 : i32
    }
    %scan3A_52 = arith.constant 4 : i32
    %scan3A_53 = arith.constant 0 : i32
    %scan3A_54 = arith.constant 0 : i32
    %scan3A_55 = arith.constant 1024 : i32
    %scan3A_56 = arith.addi %scan3A_54, %scan3A_55 : i32
    %scan3A_57 = arith.constant 8 : i32
    %scan3A_58 = scf.for %scan3A_62 = %scan3A_54 to %scan3A_56 step %scan3A_57 iter_args(%scan3A_63 = %scan3A_53) -> (i32)  : i32 {
      %mul3A_64 = arith.constant 16 : i32
      %mul3A_65 = arith.muli %scan3A_62, %mul3A_64 : i32
      %get3A = arith.index_cast %mul3A_65 : i32 to index
      %get3A_66 = tpu.vector_load %arg6[%get3A] {strides = array<i32>} : memref<16384xf32, #tpu.memory_space<vmem>>, vector<16xf32>,
      %get3A_67 = arith.index_cast %mul3A_65 : i32 to index
      %get3A_68 = tpu.vector_load %arg7[%get3A_67] {strides = array<i32>} : memref<16384xf32, #tpu.memory_space<vmem>>, vector<16xf32>,
      %add3A_69 = arith.addf %get3A_66, %get3A_68 : vector<16xf32>
      %get3A_70 = arith.index_cast %mul3A_65 : i32 to index
      %get3A_71 = tpu.vector_load %arg8[%get3A_70] {strides = array<i32>} : memref<16384xf32, #tpu.memory_space<vmem>>, vector<16xf32>,
      %add3A_72 = arith.addf %add3A_69, %get3A_71 : vector<16xf32>
      %get3A_73 = arith.index_cast %mul3A_65 : i32 to index
      %get3A_74 = tpu.vector_load %arg9[%get3A_73] {strides = array<i32>} : memref<16384xf32, #tpu.memory_space<vmem>>, vector<16xf32>,
      %add3A_75 = arith.addf %add3A_72, %get3A_74 : vector<16xf32>
      %swap3A = arith.index_cast %mul3A_65 : i32 to index
      %swap3A_76 = tpu.vector_load %arg6[%swap3A] {strides = array<i32>} : memref<16384xf32, #tpu.memory_space<vmem>>, vector<16xf32>,
      tpu.vector_store %arg6[%swap3A], %add3A_75 {strides = array<i32>} : memref<16384xf32, #tpu.memory_space<vmem>>, vector<16xf32>,
      %scan3A_77 = arith.constant 0 : i32
      %scan3A_78 = arith.constant 1 : i32
      %scan3A_79 = arith.addi %scan3A_62, %scan3A_78 : i32
      %mul3A_80 = arith.constant 16 : i32
      %mul3A_81 = arith.muli %scan3A_79, %mul3A_80 : i32
      %get3A_82 = arith.index_cast %mul3A_81 : i32 to index
      %get3A_83 = tpu.vector_load %arg6[%get3A_82] {strides = array<i32>} : memref<16384xf32, #tpu.memory_space<vmem>>, vector<16xf32>,
      %get3A_84 = arith.index_cast %mul3A_81 : i32 to index
      %get3A_85 = tpu.vector_load %arg7[%get3A_84] {strides = array<i32>} : memref<16384xf32, #tpu.memory_space<vmem>>, vector<16xf32>,
      %add3A_86 = arith.addf %get3A_83, %get3A_85 : vector<16xf32>
      %get3A_87 = arith.index_cast %mul3A_81 : i32 to index
      %get3A_88 = tpu.vector_load %arg8[%get3A_87] {strides = array<i32>} : memref<16384xf32, #tpu.memory_space<vmem>>, vector<16xf32>,
      %add3A_89 = arith.addf %add3A_86, %get3A_88 : vector<16xf32>
      %get3A_90 = arith.index_cast %mul3A_81 : i32 to index
      %get3A_91 = tpu.vector_load %arg9[%get3A_90] {strides = array<i32>} : memref<16384xf32, #tpu.memory_space<vmem>>, vector<16xf32>,
      %add3A_92 = arith.addf %add3A_89, %get3A_91 : vector<16xf32>
      %swap3A_93 = arith.index_cast %mul3A_81 : i32 to index
      %swap3A_94 = tpu.vector_load %arg6[%swap3A_93] {strides = array<i32>} : memref<16384xf32, #tpu.memory_space<vmem>>, vector<16xf32>,
      tpu.vector_store %arg6[%swap3A_93], %add3A_92 {strides = array<i32>} : memref<16384xf32, #tpu.memory_space<vmem>>, vector<16xf32>,
      %scan3A_95 = arith.constant 0 : i32
      %scan3A_96 = arith.constant 2 : i32
      %scan3A_97 = arith.addi %scan3A_62, %scan3A_96 : i32
      %mul3A_98 = arith.constant 16 : i32
      %mul3A_99 = arith.muli %scan3A_97, %mul3A_98 : i32
      %get3A_100 = arith.index_cast %mul3A_99 : i32 to index
      %get3A_101 = tpu.vector_load %arg6[%get3A_100] {strides = array<i32>} : memref<16384xf32, #tpu.memory_space<vmem>>, vector<16xf32>,
      %get3A_102 = arith.index_cast %mul3A_99 : i32 to index
      %get3A_103 = tpu.vector_load %arg7[%get3A_102] {strides = array<i32>} : memref<16384xf32, #tpu.memory_space<vmem>>, vector<16xf32>,
      %add3A_104 = arith.addf %get3A_101, %get3A_103 : vector<16xf32>
      %get3A_105 = arith.index_cast %mul3A_99 : i32 to index
      %get3A_106 = tpu.vector_load %arg8[%get3A_105] {strides = array<i32>} : memref<16384xf32, #tpu.memory_space<vmem>>, vector<16xf32>,
      %add3A_107 = arith.addf %add3A_104, %get3A_106 : vector<16xf32>
      %get3A_108 = arith.index_cast %mul3A_99 : i32 to index
      %get3A_109 = tpu.vector_load %arg9[%get3A_108] {strides = array<i32>} : memref<16384xf32, #tpu.memory_space<vmem>>, vector<16xf32>,
      %add3A_110 = arith.addf %add3A_107, %get3A_109 : vector<16xf32>
      %swap3A_111 = arith.index_cast %mul3A_99 : i32 to index
      %swap3A_112 = tpu.vector_load %arg6[%swap3A_111] {strides = array<i32>} : memref<16384xf32, #tpu.memory_space<vmem>>, vector<16xf32>,
      tpu.vector_store %arg6[%swap3A_111], %add3A_110 {strides = array<i32>} : memref<16384xf32, #tpu.memory_space<vmem>>, vector<16xf32>,
      %scan3A_113 = arith.constant 0 : i32
      %scan3A_114 = arith.constant 3 : i32
      %scan3A_115 = arith.addi %scan3A_62, %scan3A_114 : i32
      %mul3A_116 = arith.constant 16 : i32
      %mul3A_117 = arith.muli %scan3A_115, %mul3A_116 : i32
      %get3A_118 = arith.index_cast %mul3A_117 : i32 to index
      %get3A_119 = tpu.vector_load %arg6[%get3A_118] {strides = array<i32>} : memref<16384xf32, #tpu.memory_space<vmem>>, vector<16xf32>,
      %get3A_120 = arith.index_cast %mul3A_117 : i32 to index
      %get3A_121 = tpu.vector_load %arg7[%get3A_120] {strides = array<i32>} : memref<16384xf32, #tpu.memory_space<vmem>>, vector<16xf32>,
      %add3A_122 = arith.addf %get3A_119, %get3A_121 : vector<16xf32>
      %get3A_123 = arith.index_cast %mul3A_117 : i32 to index
      %get3A_124 = tpu.vector_load %arg8[%get3A_123] {strides = array<i32>} : memref<16384xf32, #tpu.memory_space<vmem>>, vector<16xf32>,
      %add3A_125 = arith.addf %add3A_122, %get3A_124 : vector<16xf32>
      %get3A_126 = arith.index_cast %mul3A_117 : i32 to index
      %get3A_127 = tpu.vector_load %arg9[%get3A_126] {strides = array<i32>} : memref<16384xf32, #tpu.memory_space<vmem>>, vector<16xf32>,
      %add3A_128 = arith.addf %add3A_125, %get3A_127 : vector<16xf32>
      %swap3A_129 = arith.index_cast %mul3A_117 : i32 to index
      %swap3A_130 = tpu.vector_load %arg6[%swap3A_129] {strides = array<i32>} : memref<16384xf32, #tpu.memory_space<vmem>>, vector<16xf32>,
      tpu.vector_store %arg6[%swap3A_129], %add3A_128 {strides = array<i32>} : memref<16384xf32, #tpu.memory_space<vmem>>, vector<16xf32>,
      %scan3A_131 = arith.constant 0 : i32
      %scan3A_132 = arith.constant 4 : i32
      %scan3A_133 = arith.addi %scan3A_62, %scan3A_132 : i32
      %mul3A_134 = arith.constant 16 : i32
      %mul3A_135 = arith.muli %scan3A_133, %mul3A_134 : i32
      %get3A_136 = arith.index_cast %mul3A_135 : i32 to index
      %get3A_137 = tpu.vector_load %arg6[%get3A_136] {strides = array<i32>} : memref<16384xf32, #tpu.memory_space<vmem>>, vector<16xf32>,
      %get3A_138 = arith.index_cast %mul3A_135 : i32 to index
      %get3A_139 = tpu.vector_load %arg7[%get3A_138] {strides = array<i32>} : memref<16384xf32, #tpu.memory_space<vmem>>, vector<16xf32>,
      %add3A_140 = arith.addf %get3A_137, %get3A_139 : vector<16xf32>
      %get3A_141 = arith.index_cast %mul3A_135 : i32 to index
      %get3A_142 = tpu.vector_load %arg8[%get3A_141] {strides = array<i32>} : memref<16384xf32, #tpu.memory_space<vmem>>, vector<16xf32>,
      %add3A_143 = arith.addf %add3A_140, %get3A_142 : vector<16xf32>
      %get3A_144 = arith.index_cast %mul3A_135 : i32 to index
      %get3A_145 = tpu.vector_load %arg9[%get3A_144] {strides = array<i32>} : memref<16384xf32, #tpu.memory_space<vmem>>, vector<16xf32>,
      %add3A_146 = arith.addf %add3A_143, %get3A_145 : vector<16xf32>
      %swap3A_147 = arith.index_cast %mul3A_135 : i32 to index
      %swap3A_148 = tpu.vector_load %arg6[%swap3A_147] {strides = array<i32>} : memref<16384xf32, #tpu.memory_space<vmem>>, vector<16xf32>,
      tpu.vector_store %arg6[%swap3A_147], %add3A_146 {strides = array<i32>} : memref<16384xf32, #tpu.memory_space<vmem>>, vector<16xf32>,
      %scan3A_149 = arith.constant 0 : i32
      %scan3A_150 = arith.constant 5 : i32
      %scan3A_151 = arith.addi %scan3A_62, %scan3A_150 : i32
      %mul3A_152 = arith.constant 16 : i32
      %mul3A_153 = arith.muli %scan3A_151, %mul3A_152 : i32
      %get3A_154 = arith.index_cast %mul3A_153 : i32 to index
      %get3A_155 = tpu.vector_load %arg6[%get3A_154] {strides = array<i32>} : memref<16384xf32, #tpu.memory_space<vmem>>, vector<16xf32>,
      %get3A_156 = arith.index_cast %mul3A_153 : i32 to index
      %get3A_157 = tpu.vector_load %arg7[%get3A_156] {strides = array<i32>} : memref<16384xf32, #tpu.memory_space<vmem>>, vector<16xf32>,
      %add3A_158 = arith.addf %get3A_155, %get3A_157 : vector<16xf32>
      %get3A_159 = arith.index_cast %mul3A_153 : i32 to index
      %get3A_160 = tpu.vector_load %arg8[%get3A_159] {strides = array<i32>} : memref<16384xf32, #tpu.memory_space<vmem>>, vector<16xf32>,
      %add3A_161 = arith.addf %add3A_158, %get3A_160 : vector<16xf32>
      %get3A_162 = arith.index_cast %mul3A_153 : i32 to index
      %get3A_163 = tpu.vector_load %arg9[%get3A_162] {strides = array<i32>} : memref<16384xf32, #tpu.memory_space<vmem>>, vector<16xf32>,
      %add3A_164 = arith.addf %add3A_161, %get3A_163 : vector<16xf32>
      %swap3A_165 = arith.index_cast %mul3A_153 : i32 to index
      %swap3A_166 = tpu.vector_load %arg6[%swap3A_165] {strides = array<i32>} : memref<16384xf32, #tpu.memory_space<vmem>>, vector<16xf32>,
      tpu.vector_store %arg6[%swap3A_165], %add3A_164 {strides = array<i32>} : memref<16384xf32, #tpu.memory_space<vmem>>, vector<16xf32>,
      %scan3A_167 = arith.constant 0 : i32
      %scan3A_168 = arith.constant 6 : i32
      %scan3A_169 = arith.addi %scan3A_62, %scan3A_168 : i32
      %mul3A_170 = arith.constant 16 : i32
      %mul3A_171 = arith.muli %scan3A_169, %mul3A_170 : i32
      %get3A_172 = arith.index_cast %mul3A_171 : i32 to index
      %get3A_173 = tpu.vector_load %arg6[%get3A_172] {strides = array<i32>} : memref<16384xf32, #tpu.memory_space<vmem>>, vector<16xf32>,
      %get3A_174 = arith.index_cast %mul3A_171 : i32 to index
      %get3A_175 = tpu.vector_load %arg7[%get3A_174] {strides = array<i32>} : memref<16384xf32, #tpu.memory_space<vmem>>, vector<16xf32>,
      %add3A_176 = arith.addf %get3A_173, %get3A_175 : vector<16xf32>
      %get3A_177 = arith.index_cast %mul3A_171 : i32 to index
      %get3A_178 = tpu.vector_load %arg8[%get3A_177] {strides = array<i32>} : memref<16384xf32, #tpu.memory_space<vmem>>, vector<16xf32>,
      %add3A_179 = arith.addf %add3A_176, %get3A_178 : vector<16xf32>
      %get3A_180 = arith.index_cast %mul3A_171 : i32 to index
      %get3A_181 = tpu.vector_load %arg9[%get3A_180] {strides = array<i32>} : memref<16384xf32, #tpu.memory_space<vmem>>, vector<16xf32>,
      %add3A_182 = arith.addf %add3A_179, %get3A_181 : vector<16xf32>
      %swap3A_183 = arith.index_cast %mul3A_171 : i32 to index
      %swap3A_184 = tpu.vector_load %arg6[%swap3A_183] {strides = array<i32>} : memref<16384xf32, #tpu.memory_space<vmem>>, vector<16xf32>,
      tpu.vector_store %arg6[%swap3A_183], %add3A_182 {strides = array<i32>} : memref<16384xf32, #tpu.memory_space<vmem>>, vector<16xf32>,
      %scan3A_185 = arith.constant 0 : i32
      %scan3A_186 = arith.constant 7 : i32
      %scan3A_187 = arith.addi %scan3A_62, %scan3A_186 : i32
      %mul3A_188 = arith.constant 16 : i32
      %mul3A_189 = arith.muli %scan3A_187, %mul3A_188 : i32
      %get3A_190 = arith.index_cast %mul3A_189 : i32 to index
      %get3A_191 = tpu.vector_load %arg6[%get3A_190] {strides = array<i32>} : memref<16384xf32, #tpu.memory_space<vmem>>, vector<16xf32>,
      %get3A_192 = arith.index_cast %mul3A_189 : i32 to index
      %get3A_193 = tpu.vector_load %arg7[%get3A_192] {strides = array<i32>} : memref<16384xf32, #tpu.memory_space<vmem>>, vector<16xf32>,
      %add3A_194 = arith.addf %get3A_191, %get3A_193 : vector<16xf32>
      %get3A_195 = arith.index_cast %mul3A_189 : i32 to index
      %get3A_196 = tpu.vector_load %arg8[%get3A_195] {strides = array<i32>} : memref<16384xf32, #tpu.memory_space<vmem>>, vector<16xf32>,
      %add3A_197 = arith.addf %add3A_194, %get3A_196 : vector<16xf32>
      %get3A_198 = arith.index_cast %mul3A_189 : i32 to index
      %get3A_199 = tpu.vector_load %arg9[%get3A_198] {strides = array<i32>} : memref<16384xf32, #tpu.memory_space<vmem>>, vector<16xf32>,
      %add3A_200 = arith.addf %add3A_197, %get3A_199 : vector<16xf32>
      %swap3A_201 = arith.index_cast %mul3A_189 : i32 to index
      %swap3A_202 = tpu.vector_load %arg6[%swap3A_201] {strides = array<i32>} : memref<16384xf32, #tpu.memory_space<vmem>>, vector<16xf32>,
      tpu.vector_store %arg6[%swap3A_201], %add3A_200 {strides = array<i32>} : memref<16384xf32, #tpu.memory_space<vmem>>, vector<16xf32>,
      %scan3A_203 = arith.constant 0 : i32
      scf.yield %scan3A_203 : i32
    }
    %scan3A_59 = arith.constant 1024 : i32
    %mul3A_60 = arith.constant 16384 : i32
    %mul3A_61 = arith.muli %add3A, %mul3A_60 : i32
    "tpu.region"() ({
      %run_scoped3A = tpu.sem_alloc : memref<!tpu.dma_semaphore, #tpu.memory_space<semaphore_mem>>
      %dma_start3A_62 = tpu.memref_slice %arg3[%mul3A_61] : memref<524288xf32, #tpu.memory_space<hbm>> -> memref<16384xf32, #tpu.memory_space<hbm>>
      %dma_start3A_63 = tpu.memref_slice %arg3[%mul3A_61] : memref<524288xf32, #tpu.memory_space<hbm>> -> memref<16384xf32, #tpu.memory_space<hbm>>
      tpu.enqueue_dma source(%arg6 : memref<16384xf32, #tpu.memory_space<vmem>>) target(%dma_start3A_63 : memref<16384xf32, #tpu.memory_space<hbm>>) target_semaphore(%run_scoped3A : memref<!tpu.dma_semaphore, #tpu.memory_space<semaphore_mem>>)
      %dma_wait3A = tpu.memref_slice %arg3[%mul3A_61] : memref<524288xf32, #tpu.memory_space<hbm>> -> memref<16384xf32, #tpu.memory_space<hbm>>
      %dma_wait3A_64 = tpu.memref_slice %arg3[%mul3A_61] : memref<524288xf32, #tpu.memory_space<hbm>> -> memref<16384xf32, #tpu.memory_space<hbm>>
      tpu.wait_dma2 semaphore(%run_scoped3A : memref<!tpu.dma_semaphore, #tpu.memory_space<semaphore_mem>>) src(%arg6 : memref<16384xf32, #tpu.memory_space<vmem>>) dst(%dma_wait3A_64 : memref<16384xf32, #tpu.memory_space<hbm>>)
      tpu.yield
    }) : () -> ()
    return
  }
}

module attributes {stable_mosaic.version = 14 : i64} {
  func.func @_adj_body(%arg0: i32, %arg1: memref<128x64xf32, #tpu.memory_space<vmem>>, %arg2: memref<2048x64xf32, #tpu.memory_space<vmem>>, %arg3: memref<128x2048xf32, #tpu.memory_space<vmem>>) attributes {dimension_semantics = [#tpu.dimension_semantics<arbitrary>], iteration_bounds = array<i64: 16>, scalar_prefetch = 0 : i64, scratch_operands = 0 : i64, tpu.core_type = #tpu.core_type<tc>, window_params = [{transform_indices = @transform_0, window_bounds = array<i64: 128, 64>}, {pipeline_mode = #tpu.pipeline_mode<synchronous>, transform_indices = @transform_1, window_bounds = array<i64: 2048, 64>}, {transform_indices = @transform_2, window_bounds = array<i64: 128, 2048>}]} {
    %get3A = arith.constant 0 : index
    %get3A_0 = arith.constant 0 : index
    %get3A_1 = vector.load %arg1[%get3A, %get3A_0] : memref<128x64xf32, #tpu.memory_space<vmem>>, vector<128x64xf32>
    %get3A_2 = arith.constant 0 : index
    %get3A_3 = arith.constant 0 : index
    %get3A_4 = vector.load %arg2[%get3A_2, %get3A_3] : memref<2048x64xf32, #tpu.memory_space<vmem>>, vector<2048x64xf32>
    %dot_general3A = arith.constant dense<0.000000e+00> : vector<128x2048xf32>
    %dot_general3A_5 = tpu.matmul %get3A_1, %get3A_4, %dot_general3A {dimension_numbers = #tpu.dot_dimension_numbers<[1], [1], [0], [0], [0, 0, 1, 0], [], []>, transpose_lhs_hint = false} : vector<128x64xf32>, vector<2048x64xf32>, vector<128x2048xf32> -> vector<128x2048xf32>
    %max3A = arith.constant 0.000000e+00 : f32
    %max3A_6 = vector.broadcast %max3A : f32 to vector<128x2048xf32>
    %max3A_7 = arith.maximumf %dot_general3A_5, %max3A_6 : vector<128x2048xf32>
    %swap3A = arith.constant 0 : index
    %swap3A_8 = arith.constant 0 : index
    %swap3A_9 = vector.load %arg3[%swap3A, %swap3A_8] : memref<128x2048xf32, #tpu.memory_space<vmem>>, vector<128x2048xf32>
    tpu.vector_store %arg3[%swap3A, %swap3A_8], %max3A_7 {strides = array<i32>} : memref<128x2048xf32, #tpu.memory_space<vmem>>, vector<128x2048xf32>,
    return
  }
  func.func @transform_0(%arg0: i32) -> (i32, i32) {
    %c0_i32 = arith.constant 0 : i32
    %c0_i32_0 = arith.constant 0 : i32
    return %arg0, %c0_i32 : i32, i32
  }
  func.func @transform_1(%arg0: i32) -> (i32, i32) {
    %c0_i32 = arith.constant 0 : i32
    %c0_i32_0 = arith.constant 0 : i32
    %c0_i32_1 = arith.constant 0 : i32
    return %c0_i32, %c0_i32_0 : i32, i32
  }
  func.func @transform_2(%arg0: i32) -> (i32, i32) {
    %c0_i32 = arith.constant 0 : i32
    %c0_i32_0 = arith.constant 0 : i32
    return %arg0, %c0_i32 : i32, i32
  }
}

module attributes {stable_mosaic.version = 14 : i64} {
  func.func @_select_norm_body(%arg0: memref<2048x2048xf32, #tpu.memory_space<vmem>>, %arg1: memref<32x128x128xf32, #tpu.memory_space<vmem>>, %arg2: memref<2048x2048xf32, #tpu.memory_space<vmem>>) attributes {dimension_semantics = [], scalar_prefetch = 0 : i64, scratch_operands = 0 : i64, tpu.core_type = #tpu.core_type<tc>} {
    %get3A = arith.constant 0 : index
    %get3A_0 = arith.constant 0 : index
    %get3A_1 = arith.constant 0 : index
    %get3A_2 = vector.load %arg1[%get3A, %get3A_0, %get3A_1] : memref<32x128x128xf32, #tpu.memory_space<vmem>>, vector<32x128x128xf32>
    %reduce_sum3A = arith.constant dense<0.000000e+00> : vector<128x128xf32>
    %reduce_sum3A_3 = vector.multi_reduction <add>, %get3A_2, %reduce_sum3A [0] : vector<32x128x128xf32> to vector<128x128xf32>
    %iota3A = tpu.iota {dimensions = array<i32: 0>} : vector<128x128xi32>
    %iota3A_4 = tpu.iota {dimensions = array<i32: 1>} : vector<128x128xi32>
    %reduce_sum3A_5 = vector.shape_cast %reduce_sum3A_3 : vector<128x128xf32> to vector<1x128x128xf32>
    %reduce_sum3A_6 = arith.constant dense<0.000000e+00> : vector<1xf32>
    %reduce_sum3A_7 = vector.multi_reduction <add>, %reduce_sum3A_5, %reduce_sum3A_6 [1, 2] : vector<1x128x128xf32> to vector<1xf32>
    %reduce_sum3A_8 = vector.shape_cast %reduce_sum3A_7 : vector<1xf32> to vector<1x1x1xf32>
    %reduce_sum3A_9 = vector.extract %reduce_sum3A_8[0, 0, 0] : f32 from vector<1x1x1xf32>
    %sub3A = arith.constant 0x4A800000 : f32
    %sub3A_10 = arith.subf %sub3A, %reduce_sum3A_9 : f32
    %eq3A = arith.constant 0 : i32
    %eq3A_11 = vector.broadcast %eq3A : i32 to vector<128x128xi32>
    %eq3A_12 = arith.cmpi eq, %iota3A, %eq3A_11 : vector<128x128xi32>
    %eq3A_13 = arith.constant 0 : i32
    %eq3A_14 = vector.broadcast %eq3A_13 : i32 to vector<128x128xi32>
    %eq3A_15 = arith.cmpi eq, %iota3A_4, %eq3A_14 : vector<128x128xi32>
    %and3A = arith.andi %eq3A_12, %eq3A_15 : vector<128x128xi1>
    %add3A = vector.broadcast %sub3A_10 : f32 to vector<128x128xf32>
    %add3A_16 = arith.addf %reduce_sum3A_3, %add3A : vector<128x128xf32>
    %select_n3A = arith.select %and3A, %add3A_16, %reduce_sum3A_3 : vector<128x128xi1>, vector<128x128xf32>
    %reduce_sum3A_17 = arith.constant dense<0.000000e+00> : vector<128xf32>
    %reduce_sum3A_18 = vector.multi_reduction <add>, %select_n3A, %reduce_sum3A_17 [1] : vector<128x128xf32> to vector<128xf32>
    %iota3A_19 = tpu.iota {dimensions = array<i32: 0>} : vector<128x128xi32>
    %iota3A_20 = tpu.iota {dimensions = array<i32: 1>} : vector<128x128xi32>
    %gt3A = arith.cmpi sgt, %iota3A_20, %iota3A_19 : vector<128x128xi32>
    %convert_element_type3A = arith.extui %gt3A : vector<128x128xi1> to vector<128x128xi32>
    %convert_element_type3A_21 = arith.sitofp %convert_element_type3A : vector<128x128xi32> to vector<128x128xf32>
    %dot_general3A = arith.constant dense<0.000000e+00> : vector<128xf32>
    %dot_general3A_22 = tpu.matmul %convert_element_type3A_21, %reduce_sum3A_18, %dot_general3A {dimension_numbers = #tpu.dot_dimension_numbers<[1], [0], [0], [], [0, 0], [], []>, precision = #tpu.contract_precision<fp32>, transpose_lhs_hint = false} : vector<128x128xf32>, vector<128xf32>, vector<128xf32> -> vector<128xf32>
    %iota3A_23 = tpu.iota {dimensions = array<i32: 0>} : vector<128x128xi32>
    %iota3A_24 = tpu.iota {dimensions = array<i32: 1>} : vector<128x128xi32>
    %ge3A = arith.cmpi sge, %iota3A_23, %iota3A_24 : vector<128x128xi32>
    %convert_element_type3A_25 = arith.extui %ge3A : vector<128x128xi1> to vector<128x128xi32>
    %convert_element_type3A_26 = arith.sitofp %convert_element_type3A_25 : vector<128x128xi32> to vector<128x128xf32>
    %dot_general3A_27 = arith.constant dense<0.000000e+00> : vector<128x128xf32>
    %dot_general3A_28 = tpu.matmul %select_n3A, %convert_element_type3A_26, %dot_general3A_27 {dimension_numbers = #tpu.dot_dimension_numbers<[1], [0], [0], [1], [0, 0, 1, 1], [], []>, precision = #tpu.contract_precision<fp32>, transpose_lhs_hint = false} : vector<128x128xf32>, vector<128x128xf32>, vector<128x128xf32> -> vector<128x128xf32>
    %broadcast_in_dim3A = vector.shape_cast %dot_general3A_22 : vector<128xf32> to vector<128x1xf32>
    %add3A_29 = vector.broadcast %broadcast_in_dim3A : vector<128x1xf32> to vector<128x128xf32>
    %add3A_30 = arith.addf %add3A_29, %dot_general3A_28 : vector<128x128xf32>
    %ge3A_31 = arith.constant 4.194300e+04 : f32
    %ge3A_32 = vector.broadcast %ge3A_31 : f32 to vector<128x128xf32>
    %ge3A_33 = arith.cmpf oge, %add3A_30, %ge3A_32 : vector<128x128xf32>
    %convert_element_type3A_34 = arith.extui %ge3A_33 : vector<128x128xi1> to vector<128x128xi32>
    %reduce_sum3A_35 = vector.shape_cast %convert_element_type3A_34 : vector<128x128xi32> to vector<1x128x128xi32>
    %reduce_sum3A_36 = arith.constant dense<0> : vector<1xi32>
    %reduce_sum3A_37 = vector.multi_reduction <add>, %reduce_sum3A_35, %reduce_sum3A_36 [1, 2] : vector<1x128x128xi32> to vector<1xi32>
    %reduce_sum3A_38 = vector.shape_cast %reduce_sum3A_37 : vector<1xi32> to vector<1x1x1xi32>
    %reduce_sum3A_39 = vector.extract %reduce_sum3A_38[0, 0, 0] : i32 from vector<1x1x1xi32>
    %sub3A_40 = arith.constant 1 : i32
    %sub3A_41 = arith.subi %reduce_sum3A_39, %sub3A_40 : i32
    %shift_left3A = arith.constant 17 : i32
    %shift_left3A_42 = arith.shli %sub3A_41, %shift_left3A : i32
    %scan3A = arith.constant 0 : i32
    %scan3A_43 = arith.constant 131071 : i32
    %scan3A_44 = arith.constant 0 : i32
    %scan3A_45 = arith.constant 17 : i32
    %scan3A_46 = arith.addi %scan3A_44, %scan3A_45 : i32
    %scan3A_47 = arith.constant 1 : i32
    %scan3A_48:2 = scf.for %scan3A_654 = %scan3A_44 to %scan3A_46 step %scan3A_47 iter_args(%scan3A_655 = %scan3A, %scan3A_656 = %scan3A_43) -> (i32, i32)  : i32 {
      %add3A_657 = arith.addi %scan3A_655, %scan3A_656 : i32
      %shift_right_logical3A = arith.constant 1 : i32
      %shift_right_logical3A_658 = arith.shrui %add3A_657, %shift_right_logical3A : i32
      %add3A_659 = arith.addi %shift_left3A_42, %shift_right_logical3A_658 : i32
      %get3A_660 = arith.constant 0 : index
      %get3A_661 = arith.constant 0 : index
      %get3A_662 = vector.load %arg0[%get3A_660, %get3A_661] : memref<2048x2048xf32, #tpu.memory_space<vmem>>, vector<128x2048xf32>
      %bitcast_convert_type3A_663 = tpu.bitcast %get3A_662 : vector<128x2048xf32> -> vector<128x2048xi32>
      %gt3A_664 = vector.broadcast %add3A_659 : i32 to vector<128x2048xi32>
      %gt3A_665 = arith.cmpi sgt, %bitcast_convert_type3A_663, %gt3A_664 : vector<128x2048xi32>
      %convert_element_type3A_666 = arith.extui %gt3A_665 : vector<128x2048xi1> to vector<128x2048xi32>
      %convert_element_type3A_667 = arith.sitofp %convert_element_type3A_666 : vector<128x2048xi32> to vector<128x2048xf32>
      %reduce_sum3A_668 = vector.shape_cast %convert_element_type3A_667 : vector<128x2048xf32> to vector<1x128x2048xf32>
      %reduce_sum3A_669 = arith.constant dense<0.000000e+00> : vector<1xf32>
      %reduce_sum3A_670 = vector.multi_reduction <add>, %reduce_sum3A_668, %reduce_sum3A_669 [1, 2] : vector<1x128x2048xf32> to vector<1xf32>
      %reduce_sum3A_671 = vector.shape_cast %reduce_sum3A_670 : vector<1xf32> to vector<1x1x1xf32>
      %reduce_sum3A_672 = vector.extract %reduce_sum3A_671[0, 0, 0] : f32 from vector<1x1x1xf32>
      %add3A_673 = arith.constant 0.000000e+00 : f32
      %add3A_674 = arith.addf %add3A_673, %reduce_sum3A_672 : f32
      %get3A_675 = arith.constant 128 : index
      %get3A_676 = arith.constant 0 : index
      %get3A_677 = vector.load %arg0[%get3A_675, %get3A_676] : memref<2048x2048xf32, #tpu.memory_space<vmem>>, vector<128x2048xf32>
      %bitcast_convert_type3A_678 = tpu.bitcast %get3A_677 : vector<128x2048xf32> -> vector<128x2048xi32>
      %gt3A_679 = vector.broadcast %add3A_659 : i32 to vector<128x2048xi32>
      %gt3A_680 = arith.cmpi sgt, %bitcast_convert_type3A_678, %gt3A_679 : vector<128x2048xi32>
      %convert_element_type3A_681 = arith.extui %gt3A_680 : vector<128x2048xi1> to vector<128x2048xi32>
      %convert_element_type3A_682 = arith.sitofp %convert_element_type3A_681 : vector<128x2048xi32> to vector<128x2048xf32>
      %reduce_sum3A_683 = vector.shape_cast %convert_element_type3A_682 : vector<128x2048xf32> to vector<1x128x2048xf32>
      %reduce_sum3A_684 = arith.constant dense<0.000000e+00> : vector<1xf32>
      %reduce_sum3A_685 = vector.multi_reduction <add>, %reduce_sum3A_683, %reduce_sum3A_684 [1, 2] : vector<1x128x2048xf32> to vector<1xf32>
      %reduce_sum3A_686 = vector.shape_cast %reduce_sum3A_685 : vector<1xf32> to vector<1x1x1xf32>
      %reduce_sum3A_687 = vector.extract %reduce_sum3A_686[0, 0, 0] : f32 from vector<1x1x1xf32>
      %add3A_688 = arith.addf %add3A_674, %reduce_sum3A_687 : f32
      %get3A_689 = arith.constant 256 : index
      %get3A_690 = arith.constant 0 : index
      %get3A_691 = vector.load %arg0[%get3A_689, %get3A_690] : memref<2048x2048xf32, #tpu.memory_space<vmem>>, vector<128x2048xf32>
      %bitcast_convert_type3A_692 = tpu.bitcast %get3A_691 : vector<128x2048xf32> -> vector<128x2048xi32>
      %gt3A_693 = vector.broadcast %add3A_659 : i32 to vector<128x2048xi32>
      %gt3A_694 = arith.cmpi sgt, %bitcast_convert_type3A_692, %gt3A_693 : vector<128x2048xi32>
      %convert_element_type3A_695 = arith.extui %gt3A_694 : vector<128x2048xi1> to vector<128x2048xi32>
      %convert_element_type3A_696 = arith.sitofp %convert_element_type3A_695 : vector<128x2048xi32> to vector<128x2048xf32>
      %reduce_sum3A_697 = vector.shape_cast %convert_element_type3A_696 : vector<128x2048xf32> to vector<1x128x2048xf32>
      %reduce_sum3A_698 = arith.constant dense<0.000000e+00> : vector<1xf32>
      %reduce_sum3A_699 = vector.multi_reduction <add>, %reduce_sum3A_697, %reduce_sum3A_698 [1, 2] : vector<1x128x2048xf32> to vector<1xf32>
      %reduce_sum3A_700 = vector.shape_cast %reduce_sum3A_699 : vector<1xf32> to vector<1x1x1xf32>
      %reduce_sum3A_701 = vector.extract %reduce_sum3A_700[0, 0, 0] : f32 from vector<1x1x1xf32>
      %add3A_702 = arith.addf %add3A_688, %reduce_sum3A_701 : f32
      %get3A_703 = arith.constant 384 : index
      %get3A_704 = arith.constant 0 : index
      %get3A_705 = vector.load %arg0[%get3A_703, %get3A_704] : memref<2048x2048xf32, #tpu.memory_space<vmem>>, vector<128x2048xf32>
      %bitcast_convert_type3A_706 = tpu.bitcast %get3A_705 : vector<128x2048xf32> -> vector<128x2048xi32>
      %gt3A_707 = vector.broadcast %add3A_659 : i32 to vector<128x2048xi32>
      %gt3A_708 = arith.cmpi sgt, %bitcast_convert_type3A_706, %gt3A_707 : vector<128x2048xi32>
      %convert_element_type3A_709 = arith.extui %gt3A_708 : vector<128x2048xi1> to vector<128x2048xi32>
      %convert_element_type3A_710 = arith.sitofp %convert_element_type3A_709 : vector<128x2048xi32> to vector<128x2048xf32>
      %reduce_sum3A_711 = vector.shape_cast %convert_element_type3A_710 : vector<128x2048xf32> to vector<1x128x2048xf32>
      %reduce_sum3A_712 = arith.constant dense<0.000000e+00> : vector<1xf32>
      %reduce_sum3A_713 = vector.multi_reduction <add>, %reduce_sum3A_711, %reduce_sum3A_712 [1, 2] : vector<1x128x2048xf32> to vector<1xf32>
      %reduce_sum3A_714 = vector.shape_cast %reduce_sum3A_713 : vector<1xf32> to vector<1x1x1xf32>
      %reduce_sum3A_715 = vector.extract %reduce_sum3A_714[0, 0, 0] : f32 from vector<1x1x1xf32>
      %add3A_716 = arith.addf %add3A_702, %reduce_sum3A_715 : f32
      %get3A_717 = arith.constant 512 : index
      %get3A_718 = arith.constant 0 : index
      %get3A_719 = vector.load %arg0[%get3A_717, %get3A_718] : memref<2048x2048xf32, #tpu.memory_space<vmem>>, vector<128x2048xf32>
      %bitcast_convert_type3A_720 = tpu.bitcast %get3A_719 : vector<128x2048xf32> -> vector<128x2048xi32>
      %gt3A_721 = vector.broadcast %add3A_659 : i32 to vector<128x2048xi32>
      %gt3A_722 = arith.cmpi sgt, %bitcast_convert_type3A_720, %gt3A_721 : vector<128x2048xi32>
      %convert_element_type3A_723 = arith.extui %gt3A_722 : vector<128x2048xi1> to vector<128x2048xi32>
      %convert_element_type3A_724 = arith.sitofp %convert_element_type3A_723 : vector<128x2048xi32> to vector<128x2048xf32>
      %reduce_sum3A_725 = vector.shape_cast %convert_element_type3A_724 : vector<128x2048xf32> to vector<1x128x2048xf32>
      %reduce_sum3A_726 = arith.constant dense<0.000000e+00> : vector<1xf32>
      %reduce_sum3A_727 = vector.multi_reduction <add>, %reduce_sum3A_725, %reduce_sum3A_726 [1, 2] : vector<1x128x2048xf32> to vector<1xf32>
      %reduce_sum3A_728 = vector.shape_cast %reduce_sum3A_727 : vector<1xf32> to vector<1x1x1xf32>
      %reduce_sum3A_729 = vector.extract %reduce_sum3A_728[0, 0, 0] : f32 from vector<1x1x1xf32>
      %add3A_730 = arith.addf %add3A_716, %reduce_sum3A_729 : f32
      %get3A_731 = arith.constant 640 : index
      %get3A_732 = arith.constant 0 : index
      %get3A_733 = vector.load %arg0[%get3A_731, %get3A_732] : memref<2048x2048xf32, #tpu.memory_space<vmem>>, vector<128x2048xf32>
      %bitcast_convert_type3A_734 = tpu.bitcast %get3A_733 : vector<128x2048xf32> -> vector<128x2048xi32>
      %gt3A_735 = vector.broadcast %add3A_659 : i32 to vector<128x2048xi32>
      %gt3A_736 = arith.cmpi sgt, %bitcast_convert_type3A_734, %gt3A_735 : vector<128x2048xi32>
      %convert_element_type3A_737 = arith.extui %gt3A_736 : vector<128x2048xi1> to vector<128x2048xi32>
      %convert_element_type3A_738 = arith.sitofp %convert_element_type3A_737 : vector<128x2048xi32> to vector<128x2048xf32>
      %reduce_sum3A_739 = vector.shape_cast %convert_element_type3A_738 : vector<128x2048xf32> to vector<1x128x2048xf32>
      %reduce_sum3A_740 = arith.constant dense<0.000000e+00> : vector<1xf32>
      %reduce_sum3A_741 = vector.multi_reduction <add>, %reduce_sum3A_739, %reduce_sum3A_740 [1, 2] : vector<1x128x2048xf32> to vector<1xf32>
      %reduce_sum3A_742 = vector.shape_cast %reduce_sum3A_741 : vector<1xf32> to vector<1x1x1xf32>
      %reduce_sum3A_743 = vector.extract %reduce_sum3A_742[0, 0, 0] : f32 from vector<1x1x1xf32>
      %add3A_744 = arith.addf %add3A_730, %reduce_sum3A_743 : f32
      %get3A_745 = arith.constant 768 : index
      %get3A_746 = arith.constant 0 : index
      %get3A_747 = vector.load %arg0[%get3A_745, %get3A_746] : memref<2048x2048xf32, #tpu.memory_space<vmem>>, vector<128x2048xf32>
      %bitcast_convert_type3A_748 = tpu.bitcast %get3A_747 : vector<128x2048xf32> -> vector<128x2048xi32>
      %gt3A_749 = vector.broadcast %add3A_659 : i32 to vector<128x2048xi32>
      %gt3A_750 = arith.cmpi sgt, %bitcast_convert_type3A_748, %gt3A_749 : vector<128x2048xi32>
      %convert_element_type3A_751 = arith.extui %gt3A_750 : vector<128x2048xi1> to vector<128x2048xi32>
      %convert_element_type3A_752 = arith.sitofp %convert_element_type3A_751 : vector<128x2048xi32> to vector<128x2048xf32>
      %reduce_sum3A_753 = vector.shape_cast %convert_element_type3A_752 : vector<128x2048xf32> to vector<1x128x2048xf32>
      %reduce_sum3A_754 = arith.constant dense<0.000000e+00> : vector<1xf32>
      %reduce_sum3A_755 = vector.multi_reduction <add>, %reduce_sum3A_753, %reduce_sum3A_754 [1, 2] : vector<1x128x2048xf32> to vector<1xf32>
      %reduce_sum3A_756 = vector.shape_cast %reduce_sum3A_755 : vector<1xf32> to vector<1x1x1xf32>
      %reduce_sum3A_757 = vector.extract %reduce_sum3A_756[0, 0, 0] : f32 from vector<1x1x1xf32>
      %add3A_758 = arith.addf %add3A_744, %reduce_sum3A_757 : f32
      %get3A_759 = arith.constant 896 : index
      %get3A_760 = arith.constant 0 : index
      %get3A_761 = vector.load %arg0[%get3A_759, %get3A_760] : memref<2048x2048xf32, #tpu.memory_space<vmem>>, vector<128x2048xf32>
      %bitcast_convert_type3A_762 = tpu.bitcast %get3A_761 : vector<128x2048xf32> -> vector<128x2048xi32>
      %gt3A_763 = vector.broadcast %add3A_659 : i32 to vector<128x2048xi32>
      %gt3A_764 = arith.cmpi sgt, %bitcast_convert_type3A_762, %gt3A_763 : vector<128x2048xi32>
      %convert_element_type3A_765 = arith.extui %gt3A_764 : vector<128x2048xi1> to vector<128x2048xi32>
      %convert_element_type3A_766 = arith.sitofp %convert_element_type3A_765 : vector<128x2048xi32> to vector<128x2048xf32>
      %reduce_sum3A_767 = vector.shape_cast %convert_element_type3A_766 : vector<128x2048xf32> to vector<1x128x2048xf32>
      %reduce_sum3A_768 = arith.constant dense<0.000000e+00> : vector<1xf32>
      %reduce_sum3A_769 = vector.multi_reduction <add>, %reduce_sum3A_767, %reduce_sum3A_768 [1, 2] : vector<1x128x2048xf32> to vector<1xf32>
      %reduce_sum3A_770 = vector.shape_cast %reduce_sum3A_769 : vector<1xf32> to vector<1x1x1xf32>
      %reduce_sum3A_771 = vector.extract %reduce_sum3A_770[0, 0, 0] : f32 from vector<1x1x1xf32>
      %add3A_772 = arith.addf %add3A_758, %reduce_sum3A_771 : f32
      %get3A_773 = arith.constant 1024 : index
      %get3A_774 = arith.constant 0 : index
      %get3A_775 = vector.load %arg0[%get3A_773, %get3A_774] : memref<2048x2048xf32, #tpu.memory_space<vmem>>, vector<128x2048xf32>
      %bitcast_convert_type3A_776 = tpu.bitcast %get3A_775 : vector<128x2048xf32> -> vector<128x2048xi32>
      %gt3A_777 = vector.broadcast %add3A_659 : i32 to vector<128x2048xi32>
      %gt3A_778 = arith.cmpi sgt, %bitcast_convert_type3A_776, %gt3A_777 : vector<128x2048xi32>
      %convert_element_type3A_779 = arith.extui %gt3A_778 : vector<128x2048xi1> to vector<128x2048xi32>
      %convert_element_type3A_780 = arith.sitofp %convert_element_type3A_779 : vector<128x2048xi32> to vector<128x2048xf32>
      %reduce_sum3A_781 = vector.shape_cast %convert_element_type3A_780 : vector<128x2048xf32> to vector<1x128x2048xf32>
      %reduce_sum3A_782 = arith.constant dense<0.000000e+00> : vector<1xf32>
      %reduce_sum3A_783 = vector.multi_reduction <add>, %reduce_sum3A_781, %reduce_sum3A_782 [1, 2] : vector<1x128x2048xf32> to vector<1xf32>
      %reduce_sum3A_784 = vector.shape_cast %reduce_sum3A_783 : vector<1xf32> to vector<1x1x1xf32>
      %reduce_sum3A_785 = vector.extract %reduce_sum3A_784[0, 0, 0] : f32 from vector<1x1x1xf32>
      %add3A_786 = arith.addf %add3A_772, %reduce_sum3A_785 : f32
      %get3A_787 = arith.constant 1152 : index
      %get3A_788 = arith.constant 0 : index
      %get3A_789 = vector.load %arg0[%get3A_787, %get3A_788] : memref<2048x2048xf32, #tpu.memory_space<vmem>>, vector<128x2048xf32>
      %bitcast_convert_type3A_790 = tpu.bitcast %get3A_789 : vector<128x2048xf32> -> vector<128x2048xi32>
      %gt3A_791 = vector.broadcast %add3A_659 : i32 to vector<128x2048xi32>
      %gt3A_792 = arith.cmpi sgt, %bitcast_convert_type3A_790, %gt3A_791 : vector<128x2048xi32>
      %convert_element_type3A_793 = arith.extui %gt3A_792 : vector<128x2048xi1> to vector<128x2048xi32>
      %convert_element_type3A_794 = arith.sitofp %convert_element_type3A_793 : vector<128x2048xi32> to vector<128x2048xf32>
      %reduce_sum3A_795 = vector.shape_cast %convert_element_type3A_794 : vector<128x2048xf32> to vector<1x128x2048xf32>
      %reduce_sum3A_796 = arith.constant dense<0.000000e+00> : vector<1xf32>
      %reduce_sum3A_797 = vector.multi_reduction <add>, %reduce_sum3A_795, %reduce_sum3A_796 [1, 2] : vector<1x128x2048xf32> to vector<1xf32>
      %reduce_sum3A_798 = vector.shape_cast %reduce_sum3A_797 : vector<1xf32> to vector<1x1x1xf32>
      %reduce_sum3A_799 = vector.extract %reduce_sum3A_798[0, 0, 0] : f32 from vector<1x1x1xf32>
      %add3A_800 = arith.addf %add3A_786, %reduce_sum3A_799 : f32
      %get3A_801 = arith.constant 1280 : index
      %get3A_802 = arith.constant 0 : index
      %get3A_803 = vector.load %arg0[%get3A_801, %get3A_802] : memref<2048x2048xf32, #tpu.memory_space<vmem>>, vector<128x2048xf32>
      %bitcast_convert_type3A_804 = tpu.bitcast %get3A_803 : vector<128x2048xf32> -> vector<128x2048xi32>
      %gt3A_805 = vector.broadcast %add3A_659 : i32 to vector<128x2048xi32>
      %gt3A_806 = arith.cmpi sgt, %bitcast_convert_type3A_804, %gt3A_805 : vector<128x2048xi32>
      %convert_element_type3A_807 = arith.extui %gt3A_806 : vector<128x2048xi1> to vector<128x2048xi32>
      %convert_element_type3A_808 = arith.sitofp %convert_element_type3A_807 : vector<128x2048xi32> to vector<128x2048xf32>
      %reduce_sum3A_809 = vector.shape_cast %convert_element_type3A_808 : vector<128x2048xf32> to vector<1x128x2048xf32>
      %reduce_sum3A_810 = arith.constant dense<0.000000e+00> : vector<1xf32>
      %reduce_sum3A_811 = vector.multi_reduction <add>, %reduce_sum3A_809, %reduce_sum3A_810 [1, 2] : vector<1x128x2048xf32> to vector<1xf32>
      %reduce_sum3A_812 = vector.shape_cast %reduce_sum3A_811 : vector<1xf32> to vector<1x1x1xf32>
      %reduce_sum3A_813 = vector.extract %reduce_sum3A_812[0, 0, 0] : f32 from vector<1x1x1xf32>
      %add3A_814 = arith.addf %add3A_800, %reduce_sum3A_813 : f32
      %get3A_815 = arith.constant 1408 : index
      %get3A_816 = arith.constant 0 : index
      %get3A_817 = vector.load %arg0[%get3A_815, %get3A_816] : memref<2048x2048xf32, #tpu.memory_space<vmem>>, vector<128x2048xf32>
      %bitcast_convert_type3A_818 = tpu.bitcast %get3A_817 : vector<128x2048xf32> -> vector<128x2048xi32>
      %gt3A_819 = vector.broadcast %add3A_659 : i32 to vector<128x2048xi32>
      %gt3A_820 = arith.cmpi sgt, %bitcast_convert_type3A_818, %gt3A_819 : vector<128x2048xi32>
      %convert_element_type3A_821 = arith.extui %gt3A_820 : vector<128x2048xi1> to vector<128x2048xi32>
      %convert_element_type3A_822 = arith.sitofp %convert_element_type3A_821 : vector<128x2048xi32> to vector<128x2048xf32>
      %reduce_sum3A_823 = vector.shape_cast %convert_element_type3A_822 : vector<128x2048xf32> to vector<1x128x2048xf32>
      %reduce_sum3A_824 = arith.constant dense<0.000000e+00> : vector<1xf32>
      %reduce_sum3A_825 = vector.multi_reduction <add>, %reduce_sum3A_823, %reduce_sum3A_824 [1, 2] : vector<1x128x2048xf32> to vector<1xf32>
      %reduce_sum3A_826 = vector.shape_cast %reduce_sum3A_825 : vector<1xf32> to vector<1x1x1xf32>
      %reduce_sum3A_827 = vector.extract %reduce_sum3A_826[0, 0, 0] : f32 from vector<1x1x1xf32>
      %add3A_828 = arith.addf %add3A_814, %reduce_sum3A_827 : f32
      %get3A_829 = arith.constant 1536 : index
      %get3A_830 = arith.constant 0 : index
      %get3A_831 = vector.load %arg0[%get3A_829, %get3A_830] : memref<2048x2048xf32, #tpu.memory_space<vmem>>, vector<128x2048xf32>
      %bitcast_convert_type3A_832 = tpu.bitcast %get3A_831 : vector<128x2048xf32> -> vector<128x2048xi32>
      %gt3A_833 = vector.broadcast %add3A_659 : i32 to vector<128x2048xi32>
      %gt3A_834 = arith.cmpi sgt, %bitcast_convert_type3A_832, %gt3A_833 : vector<128x2048xi32>
      %convert_element_type3A_835 = arith.extui %gt3A_834 : vector<128x2048xi1> to vector<128x2048xi32>
      %convert_element_type3A_836 = arith.sitofp %convert_element_type3A_835 : vector<128x2048xi32> to vector<128x2048xf32>
      %reduce_sum3A_837 = vector.shape_cast %convert_element_type3A_836 : vector<128x2048xf32> to vector<1x128x2048xf32>
      %reduce_sum3A_838 = arith.constant dense<0.000000e+00> : vector<1xf32>
      %reduce_sum3A_839 = vector.multi_reduction <add>, %reduce_sum3A_837, %reduce_sum3A_838 [1, 2] : vector<1x128x2048xf32> to vector<1xf32>
      %reduce_sum3A_840 = vector.shape_cast %reduce_sum3A_839 : vector<1xf32> to vector<1x1x1xf32>
      %reduce_sum3A_841 = vector.extract %reduce_sum3A_840[0, 0, 0] : f32 from vector<1x1x1xf32>
      %add3A_842 = arith.addf %add3A_828, %reduce_sum3A_841 : f32
      %get3A_843 = arith.constant 1664 : index
      %get3A_844 = arith.constant 0 : index
      %get3A_845 = vector.load %arg0[%get3A_843, %get3A_844] : memref<2048x2048xf32, #tpu.memory_space<vmem>>, vector<128x2048xf32>
      %bitcast_convert_type3A_846 = tpu.bitcast %get3A_845 : vector<128x2048xf32> -> vector<128x2048xi32>
      %gt3A_847 = vector.broadcast %add3A_659 : i32 to vector<128x2048xi32>
      %gt3A_848 = arith.cmpi sgt, %bitcast_convert_type3A_846, %gt3A_847 : vector<128x2048xi32>
      %convert_element_type3A_849 = arith.extui %gt3A_848 : vector<128x2048xi1> to vector<128x2048xi32>
      %convert_element_type3A_850 = arith.sitofp %convert_element_type3A_849 : vector<128x2048xi32> to vector<128x2048xf32>
      %reduce_sum3A_851 = vector.shape_cast %convert_element_type3A_850 : vector<128x2048xf32> to vector<1x128x2048xf32>
      %reduce_sum3A_852 = arith.constant dense<0.000000e+00> : vector<1xf32>
      %reduce_sum3A_853 = vector.multi_reduction <add>, %reduce_sum3A_851, %reduce_sum3A_852 [1, 2] : vector<1x128x2048xf32> to vector<1xf32>
      %reduce_sum3A_854 = vector.shape_cast %reduce_sum3A_853 : vector<1xf32> to vector<1x1x1xf32>
      %reduce_sum3A_855 = vector.extract %reduce_sum3A_854[0, 0, 0] : f32 from vector<1x1x1xf32>
      %add3A_856 = arith.addf %add3A_842, %reduce_sum3A_855 : f32
      %get3A_857 = arith.constant 1792 : index
      %get3A_858 = arith.constant 0 : index
      %get3A_859 = vector.load %arg0[%get3A_857, %get3A_858] : memref<2048x2048xf32, #tpu.memory_space<vmem>>, vector<128x2048xf32>
      %bitcast_convert_type3A_860 = tpu.bitcast %get3A_859 : vector<128x2048xf32> -> vector<128x2048xi32>
      %gt3A_861 = vector.broadcast %add3A_659 : i32 to vector<128x2048xi32>
      %gt3A_862 = arith.cmpi sgt, %bitcast_convert_type3A_860, %gt3A_861 : vector<128x2048xi32>
      %convert_element_type3A_863 = arith.extui %gt3A_862 : vector<128x2048xi1> to vector<128x2048xi32>
      %convert_element_type3A_864 = arith.sitofp %convert_element_type3A_863 : vector<128x2048xi32> to vector<128x2048xf32>
      %reduce_sum3A_865 = vector.shape_cast %convert_element_type3A_864 : vector<128x2048xf32> to vector<1x128x2048xf32>
      %reduce_sum3A_866 = arith.constant dense<0.000000e+00> : vector<1xf32>
      %reduce_sum3A_867 = vector.multi_reduction <add>, %reduce_sum3A_865, %reduce_sum3A_866 [1, 2] : vector<1x128x2048xf32> to vector<1xf32>
      %reduce_sum3A_868 = vector.shape_cast %reduce_sum3A_867 : vector<1xf32> to vector<1x1x1xf32>
      %reduce_sum3A_869 = vector.extract %reduce_sum3A_868[0, 0, 0] : f32 from vector<1x1x1xf32>
      %add3A_870 = arith.addf %add3A_856, %reduce_sum3A_869 : f32
      %get3A_871 = arith.constant 1920 : index
      %get3A_872 = arith.constant 0 : index
      %get3A_873 = vector.load %arg0[%get3A_871, %get3A_872] : memref<2048x2048xf32, #tpu.memory_space<vmem>>, vector<128x2048xf32>
      %bitcast_convert_type3A_874 = tpu.bitcast %get3A_873 : vector<128x2048xf32> -> vector<128x2048xi32>
      %gt3A_875 = vector.broadcast %add3A_659 : i32 to vector<128x2048xi32>
      %gt3A_876 = arith.cmpi sgt, %bitcast_convert_type3A_874, %gt3A_875 : vector<128x2048xi32>
      %convert_element_type3A_877 = arith.extui %gt3A_876 : vector<128x2048xi1> to vector<128x2048xi32>
      %convert_element_type3A_878 = arith.sitofp %convert_element_type3A_877 : vector<128x2048xi32> to vector<128x2048xf32>
      %reduce_sum3A_879 = vector.shape_cast %convert_element_type3A_878 : vector<128x2048xf32> to vector<1x128x2048xf32>
      %reduce_sum3A_880 = arith.constant dense<0.000000e+00> : vector<1xf32>
      %reduce_sum3A_881 = vector.multi_reduction <add>, %reduce_sum3A_879, %reduce_sum3A_880 [1, 2] : vector<1x128x2048xf32> to vector<1xf32>
      %reduce_sum3A_882 = vector.shape_cast %reduce_sum3A_881 : vector<1xf32> to vector<1x1x1xf32>
      %reduce_sum3A_883 = vector.extract %reduce_sum3A_882[0, 0, 0] : f32 from vector<1x1x1xf32>
      %add3A_884 = arith.addf %add3A_870, %reduce_sum3A_883 : f32
      %lt3A = arith.constant 4.194300e+04 : f32
      %lt3A_885 = arith.cmpf olt, %add3A_884, %lt3A : f32
      %add3A_886 = arith.constant 1 : i32
      %add3A_887 = arith.addi %shift_right_logical3A_658, %add3A_886 : i32
      %select_n3A_888 = arith.select %lt3A_885, %scan3A_655, %add3A_887 : i32
      %select_n3A_889 = arith.select %lt3A_885, %shift_right_logical3A_658, %scan3A_656 : i32
      scf.yield %select_n3A_888, %select_n3A_889 : i32, i32
    }
    %add3A_49 = arith.addi %shift_left3A_42, %scan3A_48#0 : i32
    %iota3A_50 = tpu.iota {dimensions = array<i32: 1>} : vector<128x2048xi32>
    %iota3A_51 = tpu.iota {dimensions = array<i32: 0>} : vector<128x2048xi32>
    %get3A_52 = arith.constant 0 : index
    %get3A_53 = arith.constant 0 : index
    %get3A_54 = vector.load %arg0[%get3A_52, %get3A_53] : memref<2048x2048xf32, #tpu.memory_space<vmem>>, vector<128x2048xf32>
    %bitcast_convert_type3A = tpu.bitcast %get3A_54 : vector<128x2048xf32> -> vector<128x2048xi32>
    %gt3A_55 = vector.broadcast %add3A_49 : i32 to vector<128x2048xi32>
    %gt3A_56 = arith.cmpi sgt, %bitcast_convert_type3A, %gt3A_55 : vector<128x2048xi32>
    %reduce_max3A = arith.constant dense<0xFF800000> : vector<128xf32>
    %reduce_max3A_57 = vector.multi_reduction <maximumf>, %get3A_54, %reduce_max3A [1] : vector<128x2048xf32> to vector<128xf32>
    %broadcast_in_dim3A_58 = vector.shape_cast %reduce_max3A_57 : vector<128xf32> to vector<128x1xf32>
    %sub3A_59 = vector.broadcast %broadcast_in_dim3A_58 : vector<128x1xf32> to vector<128x2048xf32>
    %sub3A_60 = arith.subf %get3A_54, %sub3A_59 : vector<128x2048xf32>
    %exp3A = math.exp %sub3A_60 : vector<128x2048xf32>
    %jit3A = arith.constant 0.000000e+00 : f32
    %broadcast_in_dim3A_61 = vector.broadcast %jit3A : f32 to vector<128x2048xf32>
    %select_n3A_62 = arith.select %gt3A_56, %exp3A, %broadcast_in_dim3A_61 : vector<128x2048xi1>, vector<128x2048xf32>
    %reduce_sum3A_63 = arith.constant dense<0.000000e+00> : vector<128xf32>
    %reduce_sum3A_64 = vector.multi_reduction <add>, %select_n3A_62, %reduce_sum3A_63 [1] : vector<128x2048xf32> to vector<128xf32>
    %broadcast_in_dim3A_65 = vector.shape_cast %reduce_sum3A_64 : vector<128xf32> to vector<128x1xf32>
    %ge3A_66 = arith.constant 5.000000e-01 : f32
    %ge3A_67 = vector.broadcast %ge3A_66 : f32 to vector<128x1xf32>
    %ge3A_68 = arith.cmpf oge, %broadcast_in_dim3A_65, %ge3A_67 : vector<128x1xf32>
    %div3A = vector.broadcast %broadcast_in_dim3A_65 : vector<128x1xf32> to vector<128x2048xf32>
    %div3A_69 = arith.divf %select_n3A_62, %div3A : vector<128x2048xf32>
    %jit3A_70 = arith.constant 4.8828125E-4 : f32
    %broadcast_in_dim3A_71 = vector.shape_cast %ge3A_68 : vector<128x1xi1> to vector<128x1xi1>
    %broadcast_in_dim3A_72 = vector.broadcast %broadcast_in_dim3A_71 : vector<128x1xi1> to vector<128x2048xi1>
    %broadcast_in_dim3A_73 = vector.broadcast %jit3A_70 : f32 to vector<128x2048xf32>
    %select_n3A_74 = arith.select %broadcast_in_dim3A_72, %div3A_69, %broadcast_in_dim3A_73 : vector<128x2048xi1>, vector<128x2048xf32>
    %add3A_75 = arith.constant 0 : i32
    %add3A_76 = vector.broadcast %add3A_75 : i32 to vector<128x2048xi32>
    %add3A_77 = arith.addi %iota3A_51, %add3A_76 : vector<128x2048xi32>
    %eq3A_78 = arith.cmpi eq, %add3A_77, %iota3A_50 : vector<128x2048xi32>
    %jit3A_79 = arith.constant 1.000000e+00 : f32
    %broadcast_in_dim3A_80 = vector.broadcast %jit3A_79 : f32 to vector<128x2048xf32>
    %select_n3A_81 = arith.select %eq3A_78, %broadcast_in_dim3A_80, %select_n3A_74 : vector<128x2048xi1>, vector<128x2048xf32>
    %swap3A = arith.constant 0 : index
    %swap3A_82 = arith.constant 0 : index
    %swap3A_83 = vector.load %arg2[%swap3A, %swap3A_82] : memref<2048x2048xf32, #tpu.memory_space<vmem>>, vector<128x2048xf32>
    tpu.vector_store %arg2[%swap3A, %swap3A_82], %select_n3A_81 {strides = array<i32>} : memref<2048x2048xf32, #tpu.memory_space<vmem>>, vector<128x2048xf32>,
    %get3A_84 = arith.constant 128 : index
    %get3A_85 = arith.constant 0 : index
    %get3A_86 = vector.load %arg0[%get3A_84, %get3A_85] : memref<2048x2048xf32, #tpu.memory_space<vmem>>, vector<128x2048xf32>
    %bitcast_convert_type3A_87 = tpu.bitcast %get3A_86 : vector<128x2048xf32> -> vector<128x2048xi32>
    %gt3A_88 = vector.broadcast %add3A_49 : i32 to vector<128x2048xi32>
    %gt3A_89 = arith.cmpi sgt, %bitcast_convert_type3A_87, %gt3A_88 : vector<128x2048xi32>
    %reduce_max3A_90 = arith.constant dense<0xFF800000> : vector<128xf32>
    %reduce_max3A_91 = vector.multi_reduction <maximumf>, %get3A_86, %reduce_max3A_90 [1] : vector<128x2048xf32> to vector<128xf32>
    %broadcast_in_dim3A_92 = vector.shape_cast %reduce_max3A_91 : vector<128xf32> to vector<128x1xf32>
    %sub3A_93 = vector.broadcast %broadcast_in_dim3A_92 : vector<128x1xf32> to vector<128x2048xf32>
    %sub3A_94 = arith.subf %get3A_86, %sub3A_93 : vector<128x2048xf32>
    %exp3A_95 = math.exp %sub3A_94 : vector<128x2048xf32>
    %jit3A_96 = arith.constant 0.000000e+00 : f32
    %broadcast_in_dim3A_97 = vector.broadcast %jit3A_96 : f32 to vector<128x2048xf32>
    %select_n3A_98 = arith.select %gt3A_89, %exp3A_95, %broadcast_in_dim3A_97 : vector<128x2048xi1>, vector<128x2048xf32>
    %reduce_sum3A_99 = arith.constant dense<0.000000e+00> : vector<128xf32>
    %reduce_sum3A_100 = vector.multi_reduction <add>, %select_n3A_98, %reduce_sum3A_99 [1] : vector<128x2048xf32> to vector<128xf32>
    %broadcast_in_dim3A_101 = vector.shape_cast %reduce_sum3A_100 : vector<128xf32> to vector<128x1xf32>
    %ge3A_102 = arith.constant 5.000000e-01 : f32
    %ge3A_103 = vector.broadcast %ge3A_102 : f32 to vector<128x1xf32>
    %ge3A_104 = arith.cmpf oge, %broadcast_in_dim3A_101, %ge3A_103 : vector<128x1xf32>
    %div3A_105 = vector.broadcast %broadcast_in_dim3A_101 : vector<128x1xf32> to vector<128x2048xf32>
    %div3A_106 = arith.divf %select_n3A_98, %div3A_105 : vector<128x2048xf32>
    %jit3A_107 = arith.constant 4.8828125E-4 : f32
    %broadcast_in_dim3A_108 = vector.shape_cast %ge3A_104 : vector<128x1xi1> to vector<128x1xi1>
    %broadcast_in_dim3A_109 = vector.broadcast %broadcast_in_dim3A_108 : vector<128x1xi1> to vector<128x2048xi1>
    %broadcast_in_dim3A_110 = vector.broadcast %jit3A_107 : f32 to vector<128x2048xf32>
    %select_n3A_111 = arith.select %broadcast_in_dim3A_109, %div3A_106, %broadcast_in_dim3A_110 : vector<128x2048xi1>, vector<128x2048xf32>
    %add3A_112 = arith.constant 128 : i32
    %add3A_113 = vector.broadcast %add3A_112 : i32 to vector<128x2048xi32>
    %add3A_114 = arith.addi %iota3A_51, %add3A_113 : vector<128x2048xi32>
    %eq3A_115 = arith.cmpi eq, %add3A_114, %iota3A_50 : vector<128x2048xi32>
    %jit3A_116 = arith.constant 1.000000e+00 : f32
    %broadcast_in_dim3A_117 = vector.broadcast %jit3A_116 : f32 to vector<128x2048xf32>
    %select_n3A_118 = arith.select %eq3A_115, %broadcast_in_dim3A_117, %select_n3A_111 : vector<128x2048xi1>, vector<128x2048xf32>
    %swap3A_119 = arith.constant 128 : index
    %swap3A_120 = arith.constant 0 : index
    %swap3A_121 = vector.load %arg2[%swap3A_119, %swap3A_120] : memref<2048x2048xf32, #tpu.memory_space<vmem>>, vector<128x2048xf32>
    tpu.vector_store %arg2[%swap3A_119, %swap3A_120], %select_n3A_118 {strides = array<i32>} : memref<2048x2048xf32, #tpu.memory_space<vmem>>, vector<128x2048xf32>,
    %get3A_122 = arith.constant 256 : index
    %get3A_123 = arith.constant 0 : index
    %get3A_124 = vector.load %arg0[%get3A_122, %get3A_123] : memref<2048x2048xf32, #tpu.memory_space<vmem>>, vector<128x2048xf32>
    %bitcast_convert_type3A_125 = tpu.bitcast %get3A_124 : vector<128x2048xf32> -> vector<128x2048xi32>
    %gt3A_126 = vector.broadcast %add3A_49 : i32 to vector<128x2048xi32>
    %gt3A_127 = arith.cmpi sgt, %bitcast_convert_type3A_125, %gt3A_126 : vector<128x2048xi32>
    %reduce_max3A_128 = arith.constant dense<0xFF800000> : vector<128xf32>
    %reduce_max3A_129 = vector.multi_reduction <maximumf>, %get3A_124, %reduce_max3A_128 [1] : vector<128x2048xf32> to vector<128xf32>
    %broadcast_in_dim3A_130 = vector.shape_cast %reduce_max3A_129 : vector<128xf32> to vector<128x1xf32>
    %sub3A_131 = vector.broadcast %broadcast_in_dim3A_130 : vector<128x1xf32> to vector<128x2048xf32>
    %sub3A_132 = arith.subf %get3A_124, %sub3A_131 : vector<128x2048xf32>
    %exp3A_133 = math.exp %sub3A_132 : vector<128x2048xf32>
    %jit3A_134 = arith.constant 0.000000e+00 : f32
    %broadcast_in_dim3A_135 = vector.broadcast %jit3A_134 : f32 to vector<128x2048xf32>
    %select_n3A_136 = arith.select %gt3A_127, %exp3A_133, %broadcast_in_dim3A_135 : vector<128x2048xi1>, vector<128x2048xf32>
    %reduce_sum3A_137 = arith.constant dense<0.000000e+00> : vector<128xf32>
    %reduce_sum3A_138 = vector.multi_reduction <add>, %select_n3A_136, %reduce_sum3A_137 [1] : vector<128x2048xf32> to vector<128xf32>
    %broadcast_in_dim3A_139 = vector.shape_cast %reduce_sum3A_138 : vector<128xf32> to vector<128x1xf32>
    %ge3A_140 = arith.constant 5.000000e-01 : f32
    %ge3A_141 = vector.broadcast %ge3A_140 : f32 to vector<128x1xf32>
    %ge3A_142 = arith.cmpf oge, %broadcast_in_dim3A_139, %ge3A_141 : vector<128x1xf32>
    %div3A_143 = vector.broadcast %broadcast_in_dim3A_139 : vector<128x1xf32> to vector<128x2048xf32>
    %div3A_144 = arith.divf %select_n3A_136, %div3A_143 : vector<128x2048xf32>
    %jit3A_145 = arith.constant 4.8828125E-4 : f32
    %broadcast_in_dim3A_146 = vector.shape_cast %ge3A_142 : vector<128x1xi1> to vector<128x1xi1>
    %broadcast_in_dim3A_147 = vector.broadcast %broadcast_in_dim3A_146 : vector<128x1xi1> to vector<128x2048xi1>
    %broadcast_in_dim3A_148 = vector.broadcast %jit3A_145 : f32 to vector<128x2048xf32>
    %select_n3A_149 = arith.select %broadcast_in_dim3A_147, %div3A_144, %broadcast_in_dim3A_148 : vector<128x2048xi1>, vector<128x2048xf32>
    %add3A_150 = arith.constant 256 : i32
    %add3A_151 = vector.broadcast %add3A_150 : i32 to vector<128x2048xi32>
    %add3A_152 = arith.addi %iota3A_51, %add3A_151 : vector<128x2048xi32>
    %eq3A_153 = arith.cmpi eq, %add3A_152, %iota3A_50 : vector<128x2048xi32>
    %jit3A_154 = arith.constant 1.000000e+00 : f32
    %broadcast_in_dim3A_155 = vector.broadcast %jit3A_154 : f32 to vector<128x2048xf32>
    %select_n3A_156 = arith.select %eq3A_153, %broadcast_in_dim3A_155, %select_n3A_149 : vector<128x2048xi1>, vector<128x2048xf32>
    %swap3A_157 = arith.constant 256 : index
    %swap3A_158 = arith.constant 0 : index
    %swap3A_159 = vector.load %arg2[%swap3A_157, %swap3A_158] : memref<2048x2048xf32, #tpu.memory_space<vmem>>, vector<128x2048xf32>
    tpu.vector_store %arg2[%swap3A_157, %swap3A_158], %select_n3A_156 {strides = array<i32>} : memref<2048x2048xf32, #tpu.memory_space<vmem>>, vector<128x2048xf32>,
    %get3A_160 = arith.constant 384 : index
    %get3A_161 = arith.constant 0 : index
    %get3A_162 = vector.load %arg0[%get3A_160, %get3A_161] : memref<2048x2048xf32, #tpu.memory_space<vmem>>, vector<128x2048xf32>
    %bitcast_convert_type3A_163 = tpu.bitcast %get3A_162 : vector<128x2048xf32> -> vector<128x2048xi32>
    %gt3A_164 = vector.broadcast %add3A_49 : i32 to vector<128x2048xi32>
    %gt3A_165 = arith.cmpi sgt, %bitcast_convert_type3A_163, %gt3A_164 : vector<128x2048xi32>
    %reduce_max3A_166 = arith.constant dense<0xFF800000> : vector<128xf32>
    %reduce_max3A_167 = vector.multi_reduction <maximumf>, %get3A_162, %reduce_max3A_166 [1] : vector<128x2048xf32> to vector<128xf32>
    %broadcast_in_dim3A_168 = vector.shape_cast %reduce_max3A_167 : vector<128xf32> to vector<128x1xf32>
    %sub3A_169 = vector.broadcast %broadcast_in_dim3A_168 : vector<128x1xf32> to vector<128x2048xf32>
    %sub3A_170 = arith.subf %get3A_162, %sub3A_169 : vector<128x2048xf32>
    %exp3A_171 = math.exp %sub3A_170 : vector<128x2048xf32>
    %jit3A_172 = arith.constant 0.000000e+00 : f32
    %broadcast_in_dim3A_173 = vector.broadcast %jit3A_172 : f32 to vector<128x2048xf32>
    %select_n3A_174 = arith.select %gt3A_165, %exp3A_171, %broadcast_in_dim3A_173 : vector<128x2048xi1>, vector<128x2048xf32>
    %reduce_sum3A_175 = arith.constant dense<0.000000e+00> : vector<128xf32>
    %reduce_sum3A_176 = vector.multi_reduction <add>, %select_n3A_174, %reduce_sum3A_175 [1] : vector<128x2048xf32> to vector<128xf32>
    %broadcast_in_dim3A_177 = vector.shape_cast %reduce_sum3A_176 : vector<128xf32> to vector<128x1xf32>
    %ge3A_178 = arith.constant 5.000000e-01 : f32
    %ge3A_179 = vector.broadcast %ge3A_178 : f32 to vector<128x1xf32>
    %ge3A_180 = arith.cmpf oge, %broadcast_in_dim3A_177, %ge3A_179 : vector<128x1xf32>
    %div3A_181 = vector.broadcast %broadcast_in_dim3A_177 : vector<128x1xf32> to vector<128x2048xf32>
    %div3A_182 = arith.divf %select_n3A_174, %div3A_181 : vector<128x2048xf32>
    %jit3A_183 = arith.constant 4.8828125E-4 : f32
    %broadcast_in_dim3A_184 = vector.shape_cast %ge3A_180 : vector<128x1xi1> to vector<128x1xi1>
    %broadcast_in_dim3A_185 = vector.broadcast %broadcast_in_dim3A_184 : vector<128x1xi1> to vector<128x2048xi1>
    %broadcast_in_dim3A_186 = vector.broadcast %jit3A_183 : f32 to vector<128x2048xf32>
    %select_n3A_187 = arith.select %broadcast_in_dim3A_185, %div3A_182, %broadcast_in_dim3A_186 : vector<128x2048xi1>, vector<128x2048xf32>
    %add3A_188 = arith.constant 384 : i32
    %add3A_189 = vector.broadcast %add3A_188 : i32 to vector<128x2048xi32>
    %add3A_190 = arith.addi %iota3A_51, %add3A_189 : vector<128x2048xi32>
    %eq3A_191 = arith.cmpi eq, %add3A_190, %iota3A_50 : vector<128x2048xi32>
    %jit3A_192 = arith.constant 1.000000e+00 : f32
    %broadcast_in_dim3A_193 = vector.broadcast %jit3A_192 : f32 to vector<128x2048xf32>
    %select_n3A_194 = arith.select %eq3A_191, %broadcast_in_dim3A_193, %select_n3A_187 : vector<128x2048xi1>, vector<128x2048xf32>
    %swap3A_195 = arith.constant 384 : index
    %swap3A_196 = arith.constant 0 : index
    %swap3A_197 = vector.load %arg2[%swap3A_195, %swap3A_196] : memref<2048x2048xf32, #tpu.memory_space<vmem>>, vector<128x2048xf32>
    tpu.vector_store %arg2[%swap3A_195, %swap3A_196], %select_n3A_194 {strides = array<i32>} : memref<2048x2048xf32, #tpu.memory_space<vmem>>, vector<128x2048xf32>,
    %get3A_198 = arith.constant 512 : index
    %get3A_199 = arith.constant 0 : index
    %get3A_200 = vector.load %arg0[%get3A_198, %get3A_199] : memref<2048x2048xf32, #tpu.memory_space<vmem>>, vector<128x2048xf32>
    %bitcast_convert_type3A_201 = tpu.bitcast %get3A_200 : vector<128x2048xf32> -> vector<128x2048xi32>
    %gt3A_202 = vector.broadcast %add3A_49 : i32 to vector<128x2048xi32>
    %gt3A_203 = arith.cmpi sgt, %bitcast_convert_type3A_201, %gt3A_202 : vector<128x2048xi32>
    %reduce_max3A_204 = arith.constant dense<0xFF800000> : vector<128xf32>
    %reduce_max3A_205 = vector.multi_reduction <maximumf>, %get3A_200, %reduce_max3A_204 [1] : vector<128x2048xf32> to vector<128xf32>
    %broadcast_in_dim3A_206 = vector.shape_cast %reduce_max3A_205 : vector<128xf32> to vector<128x1xf32>
    %sub3A_207 = vector.broadcast %broadcast_in_dim3A_206 : vector<128x1xf32> to vector<128x2048xf32>
    %sub3A_208 = arith.subf %get3A_200, %sub3A_207 : vector<128x2048xf32>
    %exp3A_209 = math.exp %sub3A_208 : vector<128x2048xf32>
    %jit3A_210 = arith.constant 0.000000e+00 : f32
    %broadcast_in_dim3A_211 = vector.broadcast %jit3A_210 : f32 to vector<128x2048xf32>
    %select_n3A_212 = arith.select %gt3A_203, %exp3A_209, %broadcast_in_dim3A_211 : vector<128x2048xi1>, vector<128x2048xf32>
    %reduce_sum3A_213 = arith.constant dense<0.000000e+00> : vector<128xf32>
    %reduce_sum3A_214 = vector.multi_reduction <add>, %select_n3A_212, %reduce_sum3A_213 [1] : vector<128x2048xf32> to vector<128xf32>
    %broadcast_in_dim3A_215 = vector.shape_cast %reduce_sum3A_214 : vector<128xf32> to vector<128x1xf32>
    %ge3A_216 = arith.constant 5.000000e-01 : f32
    %ge3A_217 = vector.broadcast %ge3A_216 : f32 to vector<128x1xf32>
    %ge3A_218 = arith.cmpf oge, %broadcast_in_dim3A_215, %ge3A_217 : vector<128x1xf32>
    %div3A_219 = vector.broadcast %broadcast_in_dim3A_215 : vector<128x1xf32> to vector<128x2048xf32>
    %div3A_220 = arith.divf %select_n3A_212, %div3A_219 : vector<128x2048xf32>
    %jit3A_221 = arith.constant 4.8828125E-4 : f32
    %broadcast_in_dim3A_222 = vector.shape_cast %ge3A_218 : vector<128x1xi1> to vector<128x1xi1>
    %broadcast_in_dim3A_223 = vector.broadcast %broadcast_in_dim3A_222 : vector<128x1xi1> to vector<128x2048xi1>
    %broadcast_in_dim3A_224 = vector.broadcast %jit3A_221 : f32 to vector<128x2048xf32>
    %select_n3A_225 = arith.select %broadcast_in_dim3A_223, %div3A_220, %broadcast_in_dim3A_224 : vector<128x2048xi1>, vector<128x2048xf32>
    %add3A_226 = arith.constant 512 : i32
    %add3A_227 = vector.broadcast %add3A_226 : i32 to vector<128x2048xi32>
    %add3A_228 = arith.addi %iota3A_51, %add3A_227 : vector<128x2048xi32>
    %eq3A_229 = arith.cmpi eq, %add3A_228, %iota3A_50 : vector<128x2048xi32>
    %jit3A_230 = arith.constant 1.000000e+00 : f32
    %broadcast_in_dim3A_231 = vector.broadcast %jit3A_230 : f32 to vector<128x2048xf32>
    %select_n3A_232 = arith.select %eq3A_229, %broadcast_in_dim3A_231, %select_n3A_225 : vector<128x2048xi1>, vector<128x2048xf32>
    %swap3A_233 = arith.constant 512 : index
    %swap3A_234 = arith.constant 0 : index
    %swap3A_235 = vector.load %arg2[%swap3A_233, %swap3A_234] : memref<2048x2048xf32, #tpu.memory_space<vmem>>, vector<128x2048xf32>
    tpu.vector_store %arg2[%swap3A_233, %swap3A_234], %select_n3A_232 {strides = array<i32>} : memref<2048x2048xf32, #tpu.memory_space<vmem>>, vector<128x2048xf32>,
    %get3A_236 = arith.constant 640 : index
    %get3A_237 = arith.constant 0 : index
    %get3A_238 = vector.load %arg0[%get3A_236, %get3A_237] : memref<2048x2048xf32, #tpu.memory_space<vmem>>, vector<128x2048xf32>
    %bitcast_convert_type3A_239 = tpu.bitcast %get3A_238 : vector<128x2048xf32> -> vector<128x2048xi32>
    %gt3A_240 = vector.broadcast %add3A_49 : i32 to vector<128x2048xi32>
    %gt3A_241 = arith.cmpi sgt, %bitcast_convert_type3A_239, %gt3A_240 : vector<128x2048xi32>
    %reduce_max3A_242 = arith.constant dense<0xFF800000> : vector<128xf32>
    %reduce_max3A_243 = vector.multi_reduction <maximumf>, %get3A_238, %reduce_max3A_242 [1] : vector<128x2048xf32> to vector<128xf32>
    %broadcast_in_dim3A_244 = vector.shape_cast %reduce_max3A_243 : vector<128xf32> to vector<128x1xf32>
    %sub3A_245 = vector.broadcast %broadcast_in_dim3A_244 : vector<128x1xf32> to vector<128x2048xf32>
    %sub3A_246 = arith.subf %get3A_238, %sub3A_245 : vector<128x2048xf32>
    %exp3A_247 = math.exp %sub3A_246 : vector<128x2048xf32>
    %jit3A_248 = arith.constant 0.000000e+00 : f32
    %broadcast_in_dim3A_249 = vector.broadcast %jit3A_248 : f32 to vector<128x2048xf32>
    %select_n3A_250 = arith.select %gt3A_241, %exp3A_247, %broadcast_in_dim3A_249 : vector<128x2048xi1>, vector<128x2048xf32>
    %reduce_sum3A_251 = arith.constant dense<0.000000e+00> : vector<128xf32>
    %reduce_sum3A_252 = vector.multi_reduction <add>, %select_n3A_250, %reduce_sum3A_251 [1] : vector<128x2048xf32> to vector<128xf32>
    %broadcast_in_dim3A_253 = vector.shape_cast %reduce_sum3A_252 : vector<128xf32> to vector<128x1xf32>
    %ge3A_254 = arith.constant 5.000000e-01 : f32
    %ge3A_255 = vector.broadcast %ge3A_254 : f32 to vector<128x1xf32>
    %ge3A_256 = arith.cmpf oge, %broadcast_in_dim3A_253, %ge3A_255 : vector<128x1xf32>
    %div3A_257 = vector.broadcast %broadcast_in_dim3A_253 : vector<128x1xf32> to vector<128x2048xf32>
    %div3A_258 = arith.divf %select_n3A_250, %div3A_257 : vector<128x2048xf32>
    %jit3A_259 = arith.constant 4.8828125E-4 : f32
    %broadcast_in_dim3A_260 = vector.shape_cast %ge3A_256 : vector<128x1xi1> to vector<128x1xi1>
    %broadcast_in_dim3A_261 = vector.broadcast %broadcast_in_dim3A_260 : vector<128x1xi1> to vector<128x2048xi1>
    %broadcast_in_dim3A_262 = vector.broadcast %jit3A_259 : f32 to vector<128x2048xf32>
    %select_n3A_263 = arith.select %broadcast_in_dim3A_261, %div3A_258, %broadcast_in_dim3A_262 : vector<128x2048xi1>, vector<128x2048xf32>
    %add3A_264 = arith.constant 640 : i32
    %add3A_265 = vector.broadcast %add3A_264 : i32 to vector<128x2048xi32>
    %add3A_266 = arith.addi %iota3A_51, %add3A_265 : vector<128x2048xi32>
    %eq3A_267 = arith.cmpi eq, %add3A_266, %iota3A_50 : vector<128x2048xi32>
    %jit3A_268 = arith.constant 1.000000e+00 : f32
    %broadcast_in_dim3A_269 = vector.broadcast %jit3A_268 : f32 to vector<128x2048xf32>
    %select_n3A_270 = arith.select %eq3A_267, %broadcast_in_dim3A_269, %select_n3A_263 : vector<128x2048xi1>, vector<128x2048xf32>
    %swap3A_271 = arith.constant 640 : index
    %swap3A_272 = arith.constant 0 : index
    %swap3A_273 = vector.load %arg2[%swap3A_271, %swap3A_272] : memref<2048x2048xf32, #tpu.memory_space<vmem>>, vector<128x2048xf32>
    tpu.vector_store %arg2[%swap3A_271, %swap3A_272], %select_n3A_270 {strides = array<i32>} : memref<2048x2048xf32, #tpu.memory_space<vmem>>, vector<128x2048xf32>,
    %get3A_274 = arith.constant 768 : index
    %get3A_275 = arith.constant 0 : index
    %get3A_276 = vector.load %arg0[%get3A_274, %get3A_275] : memref<2048x2048xf32, #tpu.memory_space<vmem>>, vector<128x2048xf32>
    %bitcast_convert_type3A_277 = tpu.bitcast %get3A_276 : vector<128x2048xf32> -> vector<128x2048xi32>
    %gt3A_278 = vector.broadcast %add3A_49 : i32 to vector<128x2048xi32>
    %gt3A_279 = arith.cmpi sgt, %bitcast_convert_type3A_277, %gt3A_278 : vector<128x2048xi32>
    %reduce_max3A_280 = arith.constant dense<0xFF800000> : vector<128xf32>
    %reduce_max3A_281 = vector.multi_reduction <maximumf>, %get3A_276, %reduce_max3A_280 [1] : vector<128x2048xf32> to vector<128xf32>
    %broadcast_in_dim3A_282 = vector.shape_cast %reduce_max3A_281 : vector<128xf32> to vector<128x1xf32>
    %sub3A_283 = vector.broadcast %broadcast_in_dim3A_282 : vector<128x1xf32> to vector<128x2048xf32>
    %sub3A_284 = arith.subf %get3A_276, %sub3A_283 : vector<128x2048xf32>
    %exp3A_285 = math.exp %sub3A_284 : vector<128x2048xf32>
    %jit3A_286 = arith.constant 0.000000e+00 : f32
    %broadcast_in_dim3A_287 = vector.broadcast %jit3A_286 : f32 to vector<128x2048xf32>
    %select_n3A_288 = arith.select %gt3A_279, %exp3A_285, %broadcast_in_dim3A_287 : vector<128x2048xi1>, vector<128x2048xf32>
    %reduce_sum3A_289 = arith.constant dense<0.000000e+00> : vector<128xf32>
    %reduce_sum3A_290 = vector.multi_reduction <add>, %select_n3A_288, %reduce_sum3A_289 [1] : vector<128x2048xf32> to vector<128xf32>
    %broadcast_in_dim3A_291 = vector.shape_cast %reduce_sum3A_290 : vector<128xf32> to vector<128x1xf32>
    %ge3A_292 = arith.constant 5.000000e-01 : f32
    %ge3A_293 = vector.broadcast %ge3A_292 : f32 to vector<128x1xf32>
    %ge3A_294 = arith.cmpf oge, %broadcast_in_dim3A_291, %ge3A_293 : vector<128x1xf32>
    %div3A_295 = vector.broadcast %broadcast_in_dim3A_291 : vector<128x1xf32> to vector<128x2048xf32>
    %div3A_296 = arith.divf %select_n3A_288, %div3A_295 : vector<128x2048xf32>
    %jit3A_297 = arith.constant 4.8828125E-4 : f32
    %broadcast_in_dim3A_298 = vector.shape_cast %ge3A_294 : vector<128x1xi1> to vector<128x1xi1>
    %broadcast_in_dim3A_299 = vector.broadcast %broadcast_in_dim3A_298 : vector<128x1xi1> to vector<128x2048xi1>
    %broadcast_in_dim3A_300 = vector.broadcast %jit3A_297 : f32 to vector<128x2048xf32>
    %select_n3A_301 = arith.select %broadcast_in_dim3A_299, %div3A_296, %broadcast_in_dim3A_300 : vector<128x2048xi1>, vector<128x2048xf32>
    %add3A_302 = arith.constant 768 : i32
    %add3A_303 = vector.broadcast %add3A_302 : i32 to vector<128x2048xi32>
    %add3A_304 = arith.addi %iota3A_51, %add3A_303 : vector<128x2048xi32>
    %eq3A_305 = arith.cmpi eq, %add3A_304, %iota3A_50 : vector<128x2048xi32>
    %jit3A_306 = arith.constant 1.000000e+00 : f32
    %broadcast_in_dim3A_307 = vector.broadcast %jit3A_306 : f32 to vector<128x2048xf32>
    %select_n3A_308 = arith.select %eq3A_305, %broadcast_in_dim3A_307, %select_n3A_301 : vector<128x2048xi1>, vector<128x2048xf32>
    %swap3A_309 = arith.constant 768 : index
    %swap3A_310 = arith.constant 0 : index
    %swap3A_311 = vector.load %arg2[%swap3A_309, %swap3A_310] : memref<2048x2048xf32, #tpu.memory_space<vmem>>, vector<128x2048xf32>
    tpu.vector_store %arg2[%swap3A_309, %swap3A_310], %select_n3A_308 {strides = array<i32>} : memref<2048x2048xf32, #tpu.memory_space<vmem>>, vector<128x2048xf32>,
    %get3A_312 = arith.constant 896 : index
    %get3A_313 = arith.constant 0 : index
    %get3A_314 = vector.load %arg0[%get3A_312, %get3A_313] : memref<2048x2048xf32, #tpu.memory_space<vmem>>, vector<128x2048xf32>
    %bitcast_convert_type3A_315 = tpu.bitcast %get3A_314 : vector<128x2048xf32> -> vector<128x2048xi32>
    %gt3A_316 = vector.broadcast %add3A_49 : i32 to vector<128x2048xi32>
    %gt3A_317 = arith.cmpi sgt, %bitcast_convert_type3A_315, %gt3A_316 : vector<128x2048xi32>
    %reduce_max3A_318 = arith.constant dense<0xFF800000> : vector<128xf32>
    %reduce_max3A_319 = vector.multi_reduction <maximumf>, %get3A_314, %reduce_max3A_318 [1] : vector<128x2048xf32> to vector<128xf32>
    %broadcast_in_dim3A_320 = vector.shape_cast %reduce_max3A_319 : vector<128xf32> to vector<128x1xf32>
    %sub3A_321 = vector.broadcast %broadcast_in_dim3A_320 : vector<128x1xf32> to vector<128x2048xf32>
    %sub3A_322 = arith.subf %get3A_314, %sub3A_321 : vector<128x2048xf32>
    %exp3A_323 = math.exp %sub3A_322 : vector<128x2048xf32>
    %jit3A_324 = arith.constant 0.000000e+00 : f32
    %broadcast_in_dim3A_325 = vector.broadcast %jit3A_324 : f32 to vector<128x2048xf32>
    %select_n3A_326 = arith.select %gt3A_317, %exp3A_323, %broadcast_in_dim3A_325 : vector<128x2048xi1>, vector<128x2048xf32>
    %reduce_sum3A_327 = arith.constant dense<0.000000e+00> : vector<128xf32>
    %reduce_sum3A_328 = vector.multi_reduction <add>, %select_n3A_326, %reduce_sum3A_327 [1] : vector<128x2048xf32> to vector<128xf32>
    %broadcast_in_dim3A_329 = vector.shape_cast %reduce_sum3A_328 : vector<128xf32> to vector<128x1xf32>
    %ge3A_330 = arith.constant 5.000000e-01 : f32
    %ge3A_331 = vector.broadcast %ge3A_330 : f32 to vector<128x1xf32>
    %ge3A_332 = arith.cmpf oge, %broadcast_in_dim3A_329, %ge3A_331 : vector<128x1xf32>
    %div3A_333 = vector.broadcast %broadcast_in_dim3A_329 : vector<128x1xf32> to vector<128x2048xf32>
    %div3A_334 = arith.divf %select_n3A_326, %div3A_333 : vector<128x2048xf32>
    %jit3A_335 = arith.constant 4.8828125E-4 : f32
    %broadcast_in_dim3A_336 = vector.shape_cast %ge3A_332 : vector<128x1xi1> to vector<128x1xi1>
    %broadcast_in_dim3A_337 = vector.broadcast %broadcast_in_dim3A_336 : vector<128x1xi1> to vector<128x2048xi1>
    %broadcast_in_dim3A_338 = vector.broadcast %jit3A_335 : f32 to vector<128x2048xf32>
    %select_n3A_339 = arith.select %broadcast_in_dim3A_337, %div3A_334, %broadcast_in_dim3A_338 : vector<128x2048xi1>, vector<128x2048xf32>
    %add3A_340 = arith.constant 896 : i32
    %add3A_341 = vector.broadcast %add3A_340 : i32 to vector<128x2048xi32>
    %add3A_342 = arith.addi %iota3A_51, %add3A_341 : vector<128x2048xi32>
    %eq3A_343 = arith.cmpi eq, %add3A_342, %iota3A_50 : vector<128x2048xi32>
    %jit3A_344 = arith.constant 1.000000e+00 : f32
    %broadcast_in_dim3A_345 = vector.broadcast %jit3A_344 : f32 to vector<128x2048xf32>
    %select_n3A_346 = arith.select %eq3A_343, %broadcast_in_dim3A_345, %select_n3A_339 : vector<128x2048xi1>, vector<128x2048xf32>
    %swap3A_347 = arith.constant 896 : index
    %swap3A_348 = arith.constant 0 : index
    %swap3A_349 = vector.load %arg2[%swap3A_347, %swap3A_348] : memref<2048x2048xf32, #tpu.memory_space<vmem>>, vector<128x2048xf32>
    tpu.vector_store %arg2[%swap3A_347, %swap3A_348], %select_n3A_346 {strides = array<i32>} : memref<2048x2048xf32, #tpu.memory_space<vmem>>, vector<128x2048xf32>,
    %get3A_350 = arith.constant 1024 : index
    %get3A_351 = arith.constant 0 : index
    %get3A_352 = vector.load %arg0[%get3A_350, %get3A_351] : memref<2048x2048xf32, #tpu.memory_space<vmem>>, vector<128x2048xf32>
    %bitcast_convert_type3A_353 = tpu.bitcast %get3A_352 : vector<128x2048xf32> -> vector<128x2048xi32>
    %gt3A_354 = vector.broadcast %add3A_49 : i32 to vector<128x2048xi32>
    %gt3A_355 = arith.cmpi sgt, %bitcast_convert_type3A_353, %gt3A_354 : vector<128x2048xi32>
    %reduce_max3A_356 = arith.constant dense<0xFF800000> : vector<128xf32>
    %reduce_max3A_357 = vector.multi_reduction <maximumf>, %get3A_352, %reduce_max3A_356 [1] : vector<128x2048xf32> to vector<128xf32>
    %broadcast_in_dim3A_358 = vector.shape_cast %reduce_max3A_357 : vector<128xf32> to vector<128x1xf32>
    %sub3A_359 = vector.broadcast %broadcast_in_dim3A_358 : vector<128x1xf32> to vector<128x2048xf32>
    %sub3A_360 = arith.subf %get3A_352, %sub3A_359 : vector<128x2048xf32>
    %exp3A_361 = math.exp %sub3A_360 : vector<128x2048xf32>
    %jit3A_362 = arith.constant 0.000000e+00 : f32
    %broadcast_in_dim3A_363 = vector.broadcast %jit3A_362 : f32 to vector<128x2048xf32>
    %select_n3A_364 = arith.select %gt3A_355, %exp3A_361, %broadcast_in_dim3A_363 : vector<128x2048xi1>, vector<128x2048xf32>
    %reduce_sum3A_365 = arith.constant dense<0.000000e+00> : vector<128xf32>
    %reduce_sum3A_366 = vector.multi_reduction <add>, %select_n3A_364, %reduce_sum3A_365 [1] : vector<128x2048xf32> to vector<128xf32>
    %broadcast_in_dim3A_367 = vector.shape_cast %reduce_sum3A_366 : vector<128xf32> to vector<128x1xf32>
    %ge3A_368 = arith.constant 5.000000e-01 : f32
    %ge3A_369 = vector.broadcast %ge3A_368 : f32 to vector<128x1xf32>
    %ge3A_370 = arith.cmpf oge, %broadcast_in_dim3A_367, %ge3A_369 : vector<128x1xf32>
    %div3A_371 = vector.broadcast %broadcast_in_dim3A_367 : vector<128x1xf32> to vector<128x2048xf32>
    %div3A_372 = arith.divf %select_n3A_364, %div3A_371 : vector<128x2048xf32>
    %jit3A_373 = arith.constant 4.8828125E-4 : f32
    %broadcast_in_dim3A_374 = vector.shape_cast %ge3A_370 : vector<128x1xi1> to vector<128x1xi1>
    %broadcast_in_dim3A_375 = vector.broadcast %broadcast_in_dim3A_374 : vector<128x1xi1> to vector<128x2048xi1>
    %broadcast_in_dim3A_376 = vector.broadcast %jit3A_373 : f32 to vector<128x2048xf32>
    %select_n3A_377 = arith.select %broadcast_in_dim3A_375, %div3A_372, %broadcast_in_dim3A_376 : vector<128x2048xi1>, vector<128x2048xf32>
    %add3A_378 = arith.constant 1024 : i32
    %add3A_379 = vector.broadcast %add3A_378 : i32 to vector<128x2048xi32>
    %add3A_380 = arith.addi %iota3A_51, %add3A_379 : vector<128x2048xi32>
    %eq3A_381 = arith.cmpi eq, %add3A_380, %iota3A_50 : vector<128x2048xi32>
    %jit3A_382 = arith.constant 1.000000e+00 : f32
    %broadcast_in_dim3A_383 = vector.broadcast %jit3A_382 : f32 to vector<128x2048xf32>
    %select_n3A_384 = arith.select %eq3A_381, %broadcast_in_dim3A_383, %select_n3A_377 : vector<128x2048xi1>, vector<128x2048xf32>
    %swap3A_385 = arith.constant 1024 : index
    %swap3A_386 = arith.constant 0 : index
    %swap3A_387 = vector.load %arg2[%swap3A_385, %swap3A_386] : memref<2048x2048xf32, #tpu.memory_space<vmem>>, vector<128x2048xf32>
    tpu.vector_store %arg2[%swap3A_385, %swap3A_386], %select_n3A_384 {strides = array<i32>} : memref<2048x2048xf32, #tpu.memory_space<vmem>>, vector<128x2048xf32>,
    %get3A_388 = arith.constant 1152 : index
    %get3A_389 = arith.constant 0 : index
    %get3A_390 = vector.load %arg0[%get3A_388, %get3A_389] : memref<2048x2048xf32, #tpu.memory_space<vmem>>, vector<128x2048xf32>
    %bitcast_convert_type3A_391 = tpu.bitcast %get3A_390 : vector<128x2048xf32> -> vector<128x2048xi32>
    %gt3A_392 = vector.broadcast %add3A_49 : i32 to vector<128x2048xi32>
    %gt3A_393 = arith.cmpi sgt, %bitcast_convert_type3A_391, %gt3A_392 : vector<128x2048xi32>
    %reduce_max3A_394 = arith.constant dense<0xFF800000> : vector<128xf32>
    %reduce_max3A_395 = vector.multi_reduction <maximumf>, %get3A_390, %reduce_max3A_394 [1] : vector<128x2048xf32> to vector<128xf32>
    %broadcast_in_dim3A_396 = vector.shape_cast %reduce_max3A_395 : vector<128xf32> to vector<128x1xf32>
    %sub3A_397 = vector.broadcast %broadcast_in_dim3A_396 : vector<128x1xf32> to vector<128x2048xf32>
    %sub3A_398 = arith.subf %get3A_390, %sub3A_397 : vector<128x2048xf32>
    %exp3A_399 = math.exp %sub3A_398 : vector<128x2048xf32>
    %jit3A_400 = arith.constant 0.000000e+00 : f32
    %broadcast_in_dim3A_401 = vector.broadcast %jit3A_400 : f32 to vector<128x2048xf32>
    %select_n3A_402 = arith.select %gt3A_393, %exp3A_399, %broadcast_in_dim3A_401 : vector<128x2048xi1>, vector<128x2048xf32>
    %reduce_sum3A_403 = arith.constant dense<0.000000e+00> : vector<128xf32>
    %reduce_sum3A_404 = vector.multi_reduction <add>, %select_n3A_402, %reduce_sum3A_403 [1] : vector<128x2048xf32> to vector<128xf32>
    %broadcast_in_dim3A_405 = vector.shape_cast %reduce_sum3A_404 : vector<128xf32> to vector<128x1xf32>
    %ge3A_406 = arith.constant 5.000000e-01 : f32
    %ge3A_407 = vector.broadcast %ge3A_406 : f32 to vector<128x1xf32>
    %ge3A_408 = arith.cmpf oge, %broadcast_in_dim3A_405, %ge3A_407 : vector<128x1xf32>
    %div3A_409 = vector.broadcast %broadcast_in_dim3A_405 : vector<128x1xf32> to vector<128x2048xf32>
    %div3A_410 = arith.divf %select_n3A_402, %div3A_409 : vector<128x2048xf32>
    %jit3A_411 = arith.constant 4.8828125E-4 : f32
    %broadcast_in_dim3A_412 = vector.shape_cast %ge3A_408 : vector<128x1xi1> to vector<128x1xi1>
    %broadcast_in_dim3A_413 = vector.broadcast %broadcast_in_dim3A_412 : vector<128x1xi1> to vector<128x2048xi1>
    %broadcast_in_dim3A_414 = vector.broadcast %jit3A_411 : f32 to vector<128x2048xf32>
    %select_n3A_415 = arith.select %broadcast_in_dim3A_413, %div3A_410, %broadcast_in_dim3A_414 : vector<128x2048xi1>, vector<128x2048xf32>
    %add3A_416 = arith.constant 1152 : i32
    %add3A_417 = vector.broadcast %add3A_416 : i32 to vector<128x2048xi32>
    %add3A_418 = arith.addi %iota3A_51, %add3A_417 : vector<128x2048xi32>
    %eq3A_419 = arith.cmpi eq, %add3A_418, %iota3A_50 : vector<128x2048xi32>
    %jit3A_420 = arith.constant 1.000000e+00 : f32
    %broadcast_in_dim3A_421 = vector.broadcast %jit3A_420 : f32 to vector<128x2048xf32>
    %select_n3A_422 = arith.select %eq3A_419, %broadcast_in_dim3A_421, %select_n3A_415 : vector<128x2048xi1>, vector<128x2048xf32>
    %swap3A_423 = arith.constant 1152 : index
    %swap3A_424 = arith.constant 0 : index
    %swap3A_425 = vector.load %arg2[%swap3A_423, %swap3A_424] : memref<2048x2048xf32, #tpu.memory_space<vmem>>, vector<128x2048xf32>
    tpu.vector_store %arg2[%swap3A_423, %swap3A_424], %select_n3A_422 {strides = array<i32>} : memref<2048x2048xf32, #tpu.memory_space<vmem>>, vector<128x2048xf32>,
    %get3A_426 = arith.constant 1280 : index
    %get3A_427 = arith.constant 0 : index
    %get3A_428 = vector.load %arg0[%get3A_426, %get3A_427] : memref<2048x2048xf32, #tpu.memory_space<vmem>>, vector<128x2048xf32>
    %bitcast_convert_type3A_429 = tpu.bitcast %get3A_428 : vector<128x2048xf32> -> vector<128x2048xi32>
    %gt3A_430 = vector.broadcast %add3A_49 : i32 to vector<128x2048xi32>
    %gt3A_431 = arith.cmpi sgt, %bitcast_convert_type3A_429, %gt3A_430 : vector<128x2048xi32>
    %reduce_max3A_432 = arith.constant dense<0xFF800000> : vector<128xf32>
    %reduce_max3A_433 = vector.multi_reduction <maximumf>, %get3A_428, %reduce_max3A_432 [1] : vector<128x2048xf32> to vector<128xf32>
    %broadcast_in_dim3A_434 = vector.shape_cast %reduce_max3A_433 : vector<128xf32> to vector<128x1xf32>
    %sub3A_435 = vector.broadcast %broadcast_in_dim3A_434 : vector<128x1xf32> to vector<128x2048xf32>
    %sub3A_436 = arith.subf %get3A_428, %sub3A_435 : vector<128x2048xf32>
    %exp3A_437 = math.exp %sub3A_436 : vector<128x2048xf32>
    %jit3A_438 = arith.constant 0.000000e+00 : f32
    %broadcast_in_dim3A_439 = vector.broadcast %jit3A_438 : f32 to vector<128x2048xf32>
    %select_n3A_440 = arith.select %gt3A_431, %exp3A_437, %broadcast_in_dim3A_439 : vector<128x2048xi1>, vector<128x2048xf32>
    %reduce_sum3A_441 = arith.constant dense<0.000000e+00> : vector<128xf32>
    %reduce_sum3A_442 = vector.multi_reduction <add>, %select_n3A_440, %reduce_sum3A_441 [1] : vector<128x2048xf32> to vector<128xf32>
    %broadcast_in_dim3A_443 = vector.shape_cast %reduce_sum3A_442 : vector<128xf32> to vector<128x1xf32>
    %ge3A_444 = arith.constant 5.000000e-01 : f32
    %ge3A_445 = vector.broadcast %ge3A_444 : f32 to vector<128x1xf32>
    %ge3A_446 = arith.cmpf oge, %broadcast_in_dim3A_443, %ge3A_445 : vector<128x1xf32>
    %div3A_447 = vector.broadcast %broadcast_in_dim3A_443 : vector<128x1xf32> to vector<128x2048xf32>
    %div3A_448 = arith.divf %select_n3A_440, %div3A_447 : vector<128x2048xf32>
    %jit3A_449 = arith.constant 4.8828125E-4 : f32
    %broadcast_in_dim3A_450 = vector.shape_cast %ge3A_446 : vector<128x1xi1> to vector<128x1xi1>
    %broadcast_in_dim3A_451 = vector.broadcast %broadcast_in_dim3A_450 : vector<128x1xi1> to vector<128x2048xi1>
    %broadcast_in_dim3A_452 = vector.broadcast %jit3A_449 : f32 to vector<128x2048xf32>
    %select_n3A_453 = arith.select %broadcast_in_dim3A_451, %div3A_448, %broadcast_in_dim3A_452 : vector<128x2048xi1>, vector<128x2048xf32>
    %add3A_454 = arith.constant 1280 : i32
    %add3A_455 = vector.broadcast %add3A_454 : i32 to vector<128x2048xi32>
    %add3A_456 = arith.addi %iota3A_51, %add3A_455 : vector<128x2048xi32>
    %eq3A_457 = arith.cmpi eq, %add3A_456, %iota3A_50 : vector<128x2048xi32>
    %jit3A_458 = arith.constant 1.000000e+00 : f32
    %broadcast_in_dim3A_459 = vector.broadcast %jit3A_458 : f32 to vector<128x2048xf32>
    %select_n3A_460 = arith.select %eq3A_457, %broadcast_in_dim3A_459, %select_n3A_453 : vector<128x2048xi1>, vector<128x2048xf32>
    %swap3A_461 = arith.constant 1280 : index
    %swap3A_462 = arith.constant 0 : index
    %swap3A_463 = vector.load %arg2[%swap3A_461, %swap3A_462] : memref<2048x2048xf32, #tpu.memory_space<vmem>>, vector<128x2048xf32>
    tpu.vector_store %arg2[%swap3A_461, %swap3A_462], %select_n3A_460 {strides = array<i32>} : memref<2048x2048xf32, #tpu.memory_space<vmem>>, vector<128x2048xf32>,
    %get3A_464 = arith.constant 1408 : index
    %get3A_465 = arith.constant 0 : index
    %get3A_466 = vector.load %arg0[%get3A_464, %get3A_465] : memref<2048x2048xf32, #tpu.memory_space<vmem>>, vector<128x2048xf32>
    %bitcast_convert_type3A_467 = tpu.bitcast %get3A_466 : vector<128x2048xf32> -> vector<128x2048xi32>
    %gt3A_468 = vector.broadcast %add3A_49 : i32 to vector<128x2048xi32>
    %gt3A_469 = arith.cmpi sgt, %bitcast_convert_type3A_467, %gt3A_468 : vector<128x2048xi32>
    %reduce_max3A_470 = arith.constant dense<0xFF800000> : vector<128xf32>
    %reduce_max3A_471 = vector.multi_reduction <maximumf>, %get3A_466, %reduce_max3A_470 [1] : vector<128x2048xf32> to vector<128xf32>
    %broadcast_in_dim3A_472 = vector.shape_cast %reduce_max3A_471 : vector<128xf32> to vector<128x1xf32>
    %sub3A_473 = vector.broadcast %broadcast_in_dim3A_472 : vector<128x1xf32> to vector<128x2048xf32>
    %sub3A_474 = arith.subf %get3A_466, %sub3A_473 : vector<128x2048xf32>
    %exp3A_475 = math.exp %sub3A_474 : vector<128x2048xf32>
    %jit3A_476 = arith.constant 0.000000e+00 : f32
    %broadcast_in_dim3A_477 = vector.broadcast %jit3A_476 : f32 to vector<128x2048xf32>
    %select_n3A_478 = arith.select %gt3A_469, %exp3A_475, %broadcast_in_dim3A_477 : vector<128x2048xi1>, vector<128x2048xf32>
    %reduce_sum3A_479 = arith.constant dense<0.000000e+00> : vector<128xf32>
    %reduce_sum3A_480 = vector.multi_reduction <add>, %select_n3A_478, %reduce_sum3A_479 [1] : vector<128x2048xf32> to vector<128xf32>
    %broadcast_in_dim3A_481 = vector.shape_cast %reduce_sum3A_480 : vector<128xf32> to vector<128x1xf32>
    %ge3A_482 = arith.constant 5.000000e-01 : f32
    %ge3A_483 = vector.broadcast %ge3A_482 : f32 to vector<128x1xf32>
    %ge3A_484 = arith.cmpf oge, %broadcast_in_dim3A_481, %ge3A_483 : vector<128x1xf32>
    %div3A_485 = vector.broadcast %broadcast_in_dim3A_481 : vector<128x1xf32> to vector<128x2048xf32>
    %div3A_486 = arith.divf %select_n3A_478, %div3A_485 : vector<128x2048xf32>
    %jit3A_487 = arith.constant 4.8828125E-4 : f32
    %broadcast_in_dim3A_488 = vector.shape_cast %ge3A_484 : vector<128x1xi1> to vector<128x1xi1>
    %broadcast_in_dim3A_489 = vector.broadcast %broadcast_in_dim3A_488 : vector<128x1xi1> to vector<128x2048xi1>
    %broadcast_in_dim3A_490 = vector.broadcast %jit3A_487 : f32 to vector<128x2048xf32>
    %select_n3A_491 = arith.select %broadcast_in_dim3A_489, %div3A_486, %broadcast_in_dim3A_490 : vector<128x2048xi1>, vector<128x2048xf32>
    %add3A_492 = arith.constant 1408 : i32
    %add3A_493 = vector.broadcast %add3A_492 : i32 to vector<128x2048xi32>
    %add3A_494 = arith.addi %iota3A_51, %add3A_493 : vector<128x2048xi32>
    %eq3A_495 = arith.cmpi eq, %add3A_494, %iota3A_50 : vector<128x2048xi32>
    %jit3A_496 = arith.constant 1.000000e+00 : f32
    %broadcast_in_dim3A_497 = vector.broadcast %jit3A_496 : f32 to vector<128x2048xf32>
    %select_n3A_498 = arith.select %eq3A_495, %broadcast_in_dim3A_497, %select_n3A_491 : vector<128x2048xi1>, vector<128x2048xf32>
    %swap3A_499 = arith.constant 1408 : index
    %swap3A_500 = arith.constant 0 : index
    %swap3A_501 = vector.load %arg2[%swap3A_499, %swap3A_500] : memref<2048x2048xf32, #tpu.memory_space<vmem>>, vector<128x2048xf32>
    tpu.vector_store %arg2[%swap3A_499, %swap3A_500], %select_n3A_498 {strides = array<i32>} : memref<2048x2048xf32, #tpu.memory_space<vmem>>, vector<128x2048xf32>,
    %get3A_502 = arith.constant 1536 : index
    %get3A_503 = arith.constant 0 : index
    %get3A_504 = vector.load %arg0[%get3A_502, %get3A_503] : memref<2048x2048xf32, #tpu.memory_space<vmem>>, vector<128x2048xf32>
    %bitcast_convert_type3A_505 = tpu.bitcast %get3A_504 : vector<128x2048xf32> -> vector<128x2048xi32>
    %gt3A_506 = vector.broadcast %add3A_49 : i32 to vector<128x2048xi32>
    %gt3A_507 = arith.cmpi sgt, %bitcast_convert_type3A_505, %gt3A_506 : vector<128x2048xi32>
    %reduce_max3A_508 = arith.constant dense<0xFF800000> : vector<128xf32>
    %reduce_max3A_509 = vector.multi_reduction <maximumf>, %get3A_504, %reduce_max3A_508 [1] : vector<128x2048xf32> to vector<128xf32>
    %broadcast_in_dim3A_510 = vector.shape_cast %reduce_max3A_509 : vector<128xf32> to vector<128x1xf32>
    %sub3A_511 = vector.broadcast %broadcast_in_dim3A_510 : vector<128x1xf32> to vector<128x2048xf32>
    %sub3A_512 = arith.subf %get3A_504, %sub3A_511 : vector<128x2048xf32>
    %exp3A_513 = math.exp %sub3A_512 : vector<128x2048xf32>
    %jit3A_514 = arith.constant 0.000000e+00 : f32
    %broadcast_in_dim3A_515 = vector.broadcast %jit3A_514 : f32 to vector<128x2048xf32>
    %select_n3A_516 = arith.select %gt3A_507, %exp3A_513, %broadcast_in_dim3A_515 : vector<128x2048xi1>, vector<128x2048xf32>
    %reduce_sum3A_517 = arith.constant dense<0.000000e+00> : vector<128xf32>
    %reduce_sum3A_518 = vector.multi_reduction <add>, %select_n3A_516, %reduce_sum3A_517 [1] : vector<128x2048xf32> to vector<128xf32>
    %broadcast_in_dim3A_519 = vector.shape_cast %reduce_sum3A_518 : vector<128xf32> to vector<128x1xf32>
    %ge3A_520 = arith.constant 5.000000e-01 : f32
    %ge3A_521 = vector.broadcast %ge3A_520 : f32 to vector<128x1xf32>
    %ge3A_522 = arith.cmpf oge, %broadcast_in_dim3A_519, %ge3A_521 : vector<128x1xf32>
    %div3A_523 = vector.broadcast %broadcast_in_dim3A_519 : vector<128x1xf32> to vector<128x2048xf32>
    %div3A_524 = arith.divf %select_n3A_516, %div3A_523 : vector<128x2048xf32>
    %jit3A_525 = arith.constant 4.8828125E-4 : f32
    %broadcast_in_dim3A_526 = vector.shape_cast %ge3A_522 : vector<128x1xi1> to vector<128x1xi1>
    %broadcast_in_dim3A_527 = vector.broadcast %broadcast_in_dim3A_526 : vector<128x1xi1> to vector<128x2048xi1>
    %broadcast_in_dim3A_528 = vector.broadcast %jit3A_525 : f32 to vector<128x2048xf32>
    %select_n3A_529 = arith.select %broadcast_in_dim3A_527, %div3A_524, %broadcast_in_dim3A_528 : vector<128x2048xi1>, vector<128x2048xf32>
    %add3A_530 = arith.constant 1536 : i32
    %add3A_531 = vector.broadcast %add3A_530 : i32 to vector<128x2048xi32>
    %add3A_532 = arith.addi %iota3A_51, %add3A_531 : vector<128x2048xi32>
    %eq3A_533 = arith.cmpi eq, %add3A_532, %iota3A_50 : vector<128x2048xi32>
    %jit3A_534 = arith.constant 1.000000e+00 : f32
    %broadcast_in_dim3A_535 = vector.broadcast %jit3A_534 : f32 to vector<128x2048xf32>
    %select_n3A_536 = arith.select %eq3A_533, %broadcast_in_dim3A_535, %select_n3A_529 : vector<128x2048xi1>, vector<128x2048xf32>
    %swap3A_537 = arith.constant 1536 : index
    %swap3A_538 = arith.constant 0 : index
    %swap3A_539 = vector.load %arg2[%swap3A_537, %swap3A_538] : memref<2048x2048xf32, #tpu.memory_space<vmem>>, vector<128x2048xf32>
    tpu.vector_store %arg2[%swap3A_537, %swap3A_538], %select_n3A_536 {strides = array<i32>} : memref<2048x2048xf32, #tpu.memory_space<vmem>>, vector<128x2048xf32>,
    %get3A_540 = arith.constant 1664 : index
    %get3A_541 = arith.constant 0 : index
    %get3A_542 = vector.load %arg0[%get3A_540, %get3A_541] : memref<2048x2048xf32, #tpu.memory_space<vmem>>, vector<128x2048xf32>
    %bitcast_convert_type3A_543 = tpu.bitcast %get3A_542 : vector<128x2048xf32> -> vector<128x2048xi32>
    %gt3A_544 = vector.broadcast %add3A_49 : i32 to vector<128x2048xi32>
    %gt3A_545 = arith.cmpi sgt, %bitcast_convert_type3A_543, %gt3A_544 : vector<128x2048xi32>
    %reduce_max3A_546 = arith.constant dense<0xFF800000> : vector<128xf32>
    %reduce_max3A_547 = vector.multi_reduction <maximumf>, %get3A_542, %reduce_max3A_546 [1] : vector<128x2048xf32> to vector<128xf32>
    %broadcast_in_dim3A_548 = vector.shape_cast %reduce_max3A_547 : vector<128xf32> to vector<128x1xf32>
    %sub3A_549 = vector.broadcast %broadcast_in_dim3A_548 : vector<128x1xf32> to vector<128x2048xf32>
    %sub3A_550 = arith.subf %get3A_542, %sub3A_549 : vector<128x2048xf32>
    %exp3A_551 = math.exp %sub3A_550 : vector<128x2048xf32>
    %jit3A_552 = arith.constant 0.000000e+00 : f32
    %broadcast_in_dim3A_553 = vector.broadcast %jit3A_552 : f32 to vector<128x2048xf32>
    %select_n3A_554 = arith.select %gt3A_545, %exp3A_551, %broadcast_in_dim3A_553 : vector<128x2048xi1>, vector<128x2048xf32>
    %reduce_sum3A_555 = arith.constant dense<0.000000e+00> : vector<128xf32>
    %reduce_sum3A_556 = vector.multi_reduction <add>, %select_n3A_554, %reduce_sum3A_555 [1] : vector<128x2048xf32> to vector<128xf32>
    %broadcast_in_dim3A_557 = vector.shape_cast %reduce_sum3A_556 : vector<128xf32> to vector<128x1xf32>
    %ge3A_558 = arith.constant 5.000000e-01 : f32
    %ge3A_559 = vector.broadcast %ge3A_558 : f32 to vector<128x1xf32>
    %ge3A_560 = arith.cmpf oge, %broadcast_in_dim3A_557, %ge3A_559 : vector<128x1xf32>
    %div3A_561 = vector.broadcast %broadcast_in_dim3A_557 : vector<128x1xf32> to vector<128x2048xf32>
    %div3A_562 = arith.divf %select_n3A_554, %div3A_561 : vector<128x2048xf32>
    %jit3A_563 = arith.constant 4.8828125E-4 : f32
    %broadcast_in_dim3A_564 = vector.shape_cast %ge3A_560 : vector<128x1xi1> to vector<128x1xi1>
    %broadcast_in_dim3A_565 = vector.broadcast %broadcast_in_dim3A_564 : vector<128x1xi1> to vector<128x2048xi1>
    %broadcast_in_dim3A_566 = vector.broadcast %jit3A_563 : f32 to vector<128x2048xf32>
    %select_n3A_567 = arith.select %broadcast_in_dim3A_565, %div3A_562, %broadcast_in_dim3A_566 : vector<128x2048xi1>, vector<128x2048xf32>
    %add3A_568 = arith.constant 1664 : i32
    %add3A_569 = vector.broadcast %add3A_568 : i32 to vector<128x2048xi32>
    %add3A_570 = arith.addi %iota3A_51, %add3A_569 : vector<128x2048xi32>
    %eq3A_571 = arith.cmpi eq, %add3A_570, %iota3A_50 : vector<128x2048xi32>
    %jit3A_572 = arith.constant 1.000000e+00 : f32
    %broadcast_in_dim3A_573 = vector.broadcast %jit3A_572 : f32 to vector<128x2048xf32>
    %select_n3A_574 = arith.select %eq3A_571, %broadcast_in_dim3A_573, %select_n3A_567 : vector<128x2048xi1>, vector<128x2048xf32>
    %swap3A_575 = arith.constant 1664 : index
    %swap3A_576 = arith.constant 0 : index
    %swap3A_577 = vector.load %arg2[%swap3A_575, %swap3A_576] : memref<2048x2048xf32, #tpu.memory_space<vmem>>, vector<128x2048xf32>
    tpu.vector_store %arg2[%swap3A_575, %swap3A_576], %select_n3A_574 {strides = array<i32>} : memref<2048x2048xf32, #tpu.memory_space<vmem>>, vector<128x2048xf32>,
    %get3A_578 = arith.constant 1792 : index
    %get3A_579 = arith.constant 0 : index
    %get3A_580 = vector.load %arg0[%get3A_578, %get3A_579] : memref<2048x2048xf32, #tpu.memory_space<vmem>>, vector<128x2048xf32>
    %bitcast_convert_type3A_581 = tpu.bitcast %get3A_580 : vector<128x2048xf32> -> vector<128x2048xi32>
    %gt3A_582 = vector.broadcast %add3A_49 : i32 to vector<128x2048xi32>
    %gt3A_583 = arith.cmpi sgt, %bitcast_convert_type3A_581, %gt3A_582 : vector<128x2048xi32>
    %reduce_max3A_584 = arith.constant dense<0xFF800000> : vector<128xf32>
    %reduce_max3A_585 = vector.multi_reduction <maximumf>, %get3A_580, %reduce_max3A_584 [1] : vector<128x2048xf32> to vector<128xf32>
    %broadcast_in_dim3A_586 = vector.shape_cast %reduce_max3A_585 : vector<128xf32> to vector<128x1xf32>
    %sub3A_587 = vector.broadcast %broadcast_in_dim3A_586 : vector<128x1xf32> to vector<128x2048xf32>
    %sub3A_588 = arith.subf %get3A_580, %sub3A_587 : vector<128x2048xf32>
    %exp3A_589 = math.exp %sub3A_588 : vector<128x2048xf32>
    %jit3A_590 = arith.constant 0.000000e+00 : f32
    %broadcast_in_dim3A_591 = vector.broadcast %jit3A_590 : f32 to vector<128x2048xf32>
    %select_n3A_592 = arith.select %gt3A_583, %exp3A_589, %broadcast_in_dim3A_591 : vector<128x2048xi1>, vector<128x2048xf32>
    %reduce_sum3A_593 = arith.constant dense<0.000000e+00> : vector<128xf32>
    %reduce_sum3A_594 = vector.multi_reduction <add>, %select_n3A_592, %reduce_sum3A_593 [1] : vector<128x2048xf32> to vector<128xf32>
    %broadcast_in_dim3A_595 = vector.shape_cast %reduce_sum3A_594 : vector<128xf32> to vector<128x1xf32>
    %ge3A_596 = arith.constant 5.000000e-01 : f32
    %ge3A_597 = vector.broadcast %ge3A_596 : f32 to vector<128x1xf32>
    %ge3A_598 = arith.cmpf oge, %broadcast_in_dim3A_595, %ge3A_597 : vector<128x1xf32>
    %div3A_599 = vector.broadcast %broadcast_in_dim3A_595 : vector<128x1xf32> to vector<128x2048xf32>
    %div3A_600 = arith.divf %select_n3A_592, %div3A_599 : vector<128x2048xf32>
    %jit3A_601 = arith.constant 4.8828125E-4 : f32
    %broadcast_in_dim3A_602 = vector.shape_cast %ge3A_598 : vector<128x1xi1> to vector<128x1xi1>
    %broadcast_in_dim3A_603 = vector.broadcast %broadcast_in_dim3A_602 : vector<128x1xi1> to vector<128x2048xi1>
    %broadcast_in_dim3A_604 = vector.broadcast %jit3A_601 : f32 to vector<128x2048xf32>
    %select_n3A_605 = arith.select %broadcast_in_dim3A_603, %div3A_600, %broadcast_in_dim3A_604 : vector<128x2048xi1>, vector<128x2048xf32>
    %add3A_606 = arith.constant 1792 : i32
    %add3A_607 = vector.broadcast %add3A_606 : i32 to vector<128x2048xi32>
    %add3A_608 = arith.addi %iota3A_51, %add3A_607 : vector<128x2048xi32>
    %eq3A_609 = arith.cmpi eq, %add3A_608, %iota3A_50 : vector<128x2048xi32>
    %jit3A_610 = arith.constant 1.000000e+00 : f32
    %broadcast_in_dim3A_611 = vector.broadcast %jit3A_610 : f32 to vector<128x2048xf32>
    %select_n3A_612 = arith.select %eq3A_609, %broadcast_in_dim3A_611, %select_n3A_605 : vector<128x2048xi1>, vector<128x2048xf32>
    %swap3A_613 = arith.constant 1792 : index
    %swap3A_614 = arith.constant 0 : index
    %swap3A_615 = vector.load %arg2[%swap3A_613, %swap3A_614] : memref<2048x2048xf32, #tpu.memory_space<vmem>>, vector<128x2048xf32>
    tpu.vector_store %arg2[%swap3A_613, %swap3A_614], %select_n3A_612 {strides = array<i32>} : memref<2048x2048xf32, #tpu.memory_space<vmem>>, vector<128x2048xf32>,
    %get3A_616 = arith.constant 1920 : index
    %get3A_617 = arith.constant 0 : index
    %get3A_618 = vector.load %arg0[%get3A_616, %get3A_617] : memref<2048x2048xf32, #tpu.memory_space<vmem>>, vector<128x2048xf32>
    %bitcast_convert_type3A_619 = tpu.bitcast %get3A_618 : vector<128x2048xf32> -> vector<128x2048xi32>
    %gt3A_620 = vector.broadcast %add3A_49 : i32 to vector<128x2048xi32>
    %gt3A_621 = arith.cmpi sgt, %bitcast_convert_type3A_619, %gt3A_620 : vector<128x2048xi32>
    %reduce_max3A_622 = arith.constant dense<0xFF800000> : vector<128xf32>
    %reduce_max3A_623 = vector.multi_reduction <maximumf>, %get3A_618, %reduce_max3A_622 [1] : vector<128x2048xf32> to vector<128xf32>
    %broadcast_in_dim3A_624 = vector.shape_cast %reduce_max3A_623 : vector<128xf32> to vector<128x1xf32>
    %sub3A_625 = vector.broadcast %broadcast_in_dim3A_624 : vector<128x1xf32> to vector<128x2048xf32>
    %sub3A_626 = arith.subf %get3A_618, %sub3A_625 : vector<128x2048xf32>
    %exp3A_627 = math.exp %sub3A_626 : vector<128x2048xf32>
    %jit3A_628 = arith.constant 0.000000e+00 : f32
    %broadcast_in_dim3A_629 = vector.broadcast %jit3A_628 : f32 to vector<128x2048xf32>
    %select_n3A_630 = arith.select %gt3A_621, %exp3A_627, %broadcast_in_dim3A_629 : vector<128x2048xi1>, vector<128x2048xf32>
    %reduce_sum3A_631 = arith.constant dense<0.000000e+00> : vector<128xf32>
    %reduce_sum3A_632 = vector.multi_reduction <add>, %select_n3A_630, %reduce_sum3A_631 [1] : vector<128x2048xf32> to vector<128xf32>
    %broadcast_in_dim3A_633 = vector.shape_cast %reduce_sum3A_632 : vector<128xf32> to vector<128x1xf32>
    %ge3A_634 = arith.constant 5.000000e-01 : f32
    %ge3A_635 = vector.broadcast %ge3A_634 : f32 to vector<128x1xf32>
    %ge3A_636 = arith.cmpf oge, %broadcast_in_dim3A_633, %ge3A_635 : vector<128x1xf32>
    %div3A_637 = vector.broadcast %broadcast_in_dim3A_633 : vector<128x1xf32> to vector<128x2048xf32>
    %div3A_638 = arith.divf %select_n3A_630, %div3A_637 : vector<128x2048xf32>
    %jit3A_639 = arith.constant 4.8828125E-4 : f32
    %broadcast_in_dim3A_640 = vector.shape_cast %ge3A_636 : vector<128x1xi1> to vector<128x1xi1>
    %broadcast_in_dim3A_641 = vector.broadcast %broadcast_in_dim3A_640 : vector<128x1xi1> to vector<128x2048xi1>
    %broadcast_in_dim3A_642 = vector.broadcast %jit3A_639 : f32 to vector<128x2048xf32>
    %select_n3A_643 = arith.select %broadcast_in_dim3A_641, %div3A_638, %broadcast_in_dim3A_642 : vector<128x2048xi1>, vector<128x2048xf32>
    %add3A_644 = arith.constant 1920 : i32
    %add3A_645 = vector.broadcast %add3A_644 : i32 to vector<128x2048xi32>
    %add3A_646 = arith.addi %iota3A_51, %add3A_645 : vector<128x2048xi32>
    %eq3A_647 = arith.cmpi eq, %add3A_646, %iota3A_50 : vector<128x2048xi32>
    %jit3A_648 = arith.constant 1.000000e+00 : f32
    %broadcast_in_dim3A_649 = vector.broadcast %jit3A_648 : f32 to vector<128x2048xf32>
    %select_n3A_650 = arith.select %eq3A_647, %broadcast_in_dim3A_649, %select_n3A_643 : vector<128x2048xi1>, vector<128x2048xf32>
    %swap3A_651 = arith.constant 1920 : index
    %swap3A_652 = arith.constant 0 : index
    %swap3A_653 = vector.load %arg2[%swap3A_651, %swap3A_652] : memref<2048x2048xf32, #tpu.memory_space<vmem>>, vector<128x2048xf32>
    tpu.vector_store %arg2[%swap3A_651, %swap3A_652], %select_n3A_650 {strides = array<i32>} : memref<2048x2048xf32, #tpu.memory_space<vmem>>, vector<128x2048xf32>,
    return
  }
}

</mosaic_0001>

<sc_bundles>
// kernel: kernel.5.cloned.1.call-start
scs
__scs_entry_jumppad:
0x0: {  	(pc) =	sbr.rel $0x88, $3  }
0x1: {  	(tag) =	ssettag $0x0;
	lr =	simm.s32 $0x1  }
0x2: {  	[smem:$0x3F9F] =	sst lr;
	_ =	strace $0xD0000000  }
0x3: {  	_ = 	snop  }
0x4: {  	_ = 	snop  }
0x5: {  	_ = 	snop  }
0x6: {  	_ = 	snop  }
0x7: {  	_ = 	snop  }
__scs_overlays_trampoline_lowered:
0x8: {  	[smem:$0x3FAE] =	sst s0  }
0x9: {  	[smem:$0x3FAF] =	sst s1  }
0xa: {  	[smem:$0x3FB0] =	sst s2  }
0xb: {  	[smem:$0x3FB1] =	sst s3  }
0xc: {  	[smem:$0x3FB2] =	sst s4  }
0xd: {  	[smem:$0x3FB3] =	sst s5  }
0xe: {  	[smem:$0x3FB4] =	sst s6  }
0xf: {  	[smem:$0x3FB5] =	sst s7  }
0x10: {  	[smem:$0x3FB6] =	sst s8  }
0x11: {  	[smem:$0x3FB7] =	sst s9;
	s0 =	simm.s32 @!p0 $0x0  }
0x12: {  	s1 =	sld [smem:$0x3F9D];
	s0 =	simm.s32 @p0 $0x1  }
0x13: {  	[smem:$0x3FB8] =	sst s0;
	s0 =	simm.s32 @!p1 $0x0  }
0x14: {  	s2 =	sld [smem:$0x3F9C];
	s0 =	simm.s32 @p1 $0x1  }
0x15: {  	[smem:$0x3FB9] =	sst s0;
	s0 =	simm.s32 @!p2 $0x0  }
0x16: {  	s3 =	sld [smem:$0x3FDB];
	s0 =	simm.s32 @p2 $0x1  }
0x17: {  	s4 =	simm.s32 $0x1BF5;
	[smem:$0x3FBB] =	sst s0  }
0x18: {  	s0 =	sld [smem:$0x3F9E];
	_ =	swait.ge [sflag:s4], $0x0  }
0x19: {  	s7 =	sld [smem:$0x3F9F]  }
0x1a: {  	s8 =	sadd.s32 $0xFFFFE003, lr  }
0x1b: {  	s9 =	sadd.s32 $0xFFFFFEF7, lr;
	s5 =	simm.s32 $0xFFFFFFFF;
	p2 =	slt.u32 s8, $0xFFFFF086  }
0x1c: {  	p1 =	slt.u32 s9, $0xF7A;
	s5 =	simm.s32 @!p2 $0x0  }
0x1d: {  	s5 =	simm.s32 @p1 $0x1;
	p0 =	seq.s32 s7, s2  }
0x1e: {  	s7 =	smul.u32 @!p0 $0xF7A, s2;
	p2 =	seq.s32 @!p0 s5, $0x0  }
0x1f: {  	s9 =	smul.u32 $0xF7A, s1;
	s8 =	simm.s32 @!p0 $0x1BF5;
	p2 =	por !p2, p0  }
0x20: {  	[sflag:s8] =	ssyncset.s32 @!p0 $0xFFFFF086;
	s6 =	sadd.s32 @!p0 s3, s7;
	s7 =	simm.s32 @!p0 $0x108  }
0x21: {  	s3 =	sadd.s32 s3, s9;
	s6 =	sadd.s32 @!p0 $0x88, s6;
	s7 =	simm.s32 @p2 $0x1082  }
0x22: {  	[simem:s7], [sflag:s8] =	dma.local @!p0 [hbm:s6], $0xF7A  }
0x23: {  	s9 =	sor.u32 $0xD0000000, s2;
	s6 =	simm.s32 $0x108;
	_ =	swait.ge @!p0 [sflag:s8], $0x0  }
0x24: {  	s3 =	sadd.s32 $0x88, s3;
	s6 =	simm.s32 @!p1 $0x1082;
	[sflag:s4] =	ssyncset.s32 $0xFFFFF086  }
0x25: {  	[simem:s6], [sflag:s4] =	dma.local [hbm:s3], $0xF7A  }
0x26: {  	[smem:$0x3F9F] =	sst s1;
	(tag) =	ssettag s2;
	_ =	strace s9  }
0x27: {  	s1 =	sld [smem:$0x3FAF]  }
0x28: {  	s2 =	sld [smem:$0x3FB0]  }
0x29: {  	s4 =	sld [smem:$0x3FB2]  }
0x2a: {  	p0 =	seq.s32 s5, $0x0;
	s5 =	sld [smem:$0x3FB3]  }
0x2b: {  	s6 =	sld [smem:$0x3FB4]  }
0x2c: {  	s7 =	sld [smem:$0x3FB5]  }
0x2d: {  	s3 =	simm.s32 $0x108;
	s8 =	sld [smem:$0x3FB6]  }
0x2e: {  	s3 =	simm.s32 @!p0 $0x1082;
	s9 =	sld [smem:$0x3FB7]  }
0x2f: {  	lr =	sadd.s32 s0, s3;
	s0 =	sld [smem:$0x3FAE]  }
0x30: {  	s3 =	sld [smem:$0x3FB1]  }
0x31: {  	[smem:$0x3FBA] =	sst s10  }
0x32: {  	s10 =	sld [smem:$0x3FB8];
	_ =	sdelay $0x3  }
0x33: {  	p0 =	seq.s32 s10, $0x1;
	s10 =	sld [smem:$0x3FBA];
	_ =	sdelay $0x3  }
0x34: {  	[smem:$0x3FBA] =	sst s10  }
0x35: {  	s10 =	sld [smem:$0x3FB9];
	_ =	sdelay $0x3  }
0x36: {  	p1 =	seq.s32 s10, $0x1;
	s10 =	sld [smem:$0x3FBA];
	_ =	sdelay $0x3  }
0x37: {  	[smem:$0x3FBA] =	sst s10  }
0x38: {  	s10 =	sld [smem:$0x3FBB]  }
0x39: {  	_ = 	snop;
	(pc) =	sbr.ind lr, $3  }
0x3a: {  	_ = 	snop  }
0x3b: {  	_ = 	snop  }
0x3c: {  	p2 =	seq.s32 s10, $0x1;
	s10 =	sld [smem:$0x3FBA]  }
0x3d: {  	_ =	shalt  }
0x3e: {  	_ =	shalt  }
0x3f: {  	_ =	shalt  }
0x40: {  	_ =	shalt  }
0x41: {  	_ =	shalt  }
0x42: {  	_ =	shalt  }
0x43: {  	_ =	shalt  }
0x44: {  	_ =	shalt  }
0x45: {  	_ =	shalt  }
0x46: {  	_ =	shalt  }
0x47: {  	_ =	shalt  }
0x48: {  	_ =	shalt  }
0x49: {  	_ =	shalt  }
0x4a: {  	_ =	shalt  }
0x4b: {  	_ =	shalt  }
0x4c: {  	_ =	shalt  }
0x4d: {  	_ =	shalt  }
0x4e: {  	_ =	shalt  }
0x4f: {  	_ =	shalt  }
0x50: {  	_ =	shalt  }
0x51: {  	_ =	shalt  }
0x52: {  	_ =	shalt  }
0x53: {  	_ =	shalt  }
0x54: {  	_ =	shalt  }
0x55: {  	_ =	shalt  }
0x56: {  	_ =	shalt  }
0x57: {  	_ =	shalt  }
0x58: {  	_ =	shalt  }
0x59: {  	_ =	shalt  }
0x5a: {  	_ =	shalt  }
0x5b: {  	_ =	shalt  }
0x5c: {  	_ =	shalt  }
0x5d: {  	_ =	shalt  }
0x5e: {  	_ =	shalt  }
0x5f: {  	_ =	shalt  }
0x60: {  	_ =	shalt  }
0x61: {  	_ =	shalt  }
0x62: {  	_ =	shalt  }
0x63: {  	_ =	shalt  }
0x64: {  	_ =	shalt  }
0x65: {  	_ =	shalt  }
0x66: {  	_ =	shalt  }
0x67: {  	_ =	shalt  }
0x68: {  	_ =	shalt  }
0x69: {  	_ =	shalt  }
0x6a: {  	_ =	shalt  }
0x6b: {  	_ =	shalt  }
0x6c: {  	_ =	shalt  }
0x6d: {  	_ =	shalt  }
0x6e: {  	_ =	shalt  }
0x6f: {  	_ =	shalt  }
0x70: {  	_ =	shalt  }
0x71: {  	_ =	shalt  }
0x72: {  	_ =	shalt  }
0x73: {  	_ =	shalt  }
0x74: {  	_ =	shalt  }
0x75: {  	_ =	shalt  }
0x76: {  	_ =	shalt  }
0x77: {  	_ =	shalt  }
0x78: {  	_ =	shalt  }
0x79: {  	_ =	shalt  }
0x7a: {  	_ =	shalt  }
0x7b: {  	_ =	shalt  }
0x7c: {  	_ =	shalt  }
0x7d: {  	_ =	shalt  }
0x7e: {  	_ =	shalt  }
0x7f: {  	_ =	shalt  }
0x80: {  	_ =	shalt  }
0x81: {  	_ =	shalt  }
0x82: {  	_ =	shalt  }
0x83: {  	_ =	shalt  }
0x84: {  	_ =	shalt  }
0x85: {  	_ =	shalt  }
0x86: {  	_ =	shalt  }
0x87: {  	_ =	shalt  }
.Lfunc_end0:
.L_simem_size_0:
called_computation_lowered:
.L_overlay_start_0:
0x88: {  	s2 =	sld [smem:$0x3FD9]  }
0x89: {  	s3 =	sld [smem:$0x3FFE];
	_ =	sdelay $0x1  }
0x8a: {  	s1 =	srdreg.scid  }
0x8b: {  	s0 =	sand.u32 $0x1, s1  }
0x8c: {  	s17 =	sshll.u32 s0, $0xA;
	s2 =	sadd.s32 s3, s2  }
0x8d: {  	s2 =	sadd.s32 s2, s17  }
0x8e: {  	[smem:$0x3FC6] =	sst s2  }
0x8f: {  	_ = 	snop  }
0x90: {  	s2 =	sld [smem:$0x3FD0];
	(tm) =	ssettm $0x1  }
0x91: {  	s18 =	sld [smem:$0x3FFB];
	_ =	sdelay $0x3  }
0x92: {  	_ =	strace s18  }
0x93: {  	s3 =	sld [smem:$0x3FFC];
	_ =	sdelay $0x3  }
0x94: {  	_ =	strace s3  }
0x95: {  	s3 =	sld [smem:$0x3FFD];
	_ =	sdelay $0x3  }
0x96: {  	_ =	strace s3  }
0x97: {  	_ =	strace $0x8FFFFFFF  }
0x98: {  	s19 =	sld [smem:$0x3FDB];
	_ =	sdelay $0x1  }
0x99: {  	s4 =	simm.s32 $_scs_section_size  }
0x9a: {  	s5 =	simm.s32 $_size__tile_overlayer_lowered;
	s6 =	simm.s32 $_tile_overlayer_lowered  }
0x9b: {  	s22 =	simm.s32 $0x1BFF;
	s21 =	sshll.u32 s6, $0x1;
	s3 =	sadd.s32 s4, s19  }
0x9c: {  	s7 =	simm.s32 $0x0;
	s20 =	sshll.u32 s5, $0x1;
	s5 =	sadd.s32 s21, s3  }
0x9d: {  	[timem:s7], [sflag:s22] =	dma.local [hbm:s5], s20  }
0x9e: {  	_ =	swait.ge [sflag:s22], s20  }
0x9f: {  	s4 =	ssub.s32 $0x0, s20;
	[sflag:s22] =	ssyncset.done $0x0  }
0xa0: {  	[sflag:s22] =	ssyncadd.s32 s4;
	_ =	sdelay $0x1  }
0xa1: {  	s23 =	simm.s32 $0x1B8B  }
0xa2: {  	_ =	swait.ge [sflag:s23], $0x1  }
0xa3: {  	[sflag:s23] =	ssyncset.done $0x0  }
0xa4: {  	s25 =	simm.s32 $0x1B8E;
	s24 =	sld [smem:$0x3FFE];
	[sflag:s23] =	ssyncadd.s32 $0xFFFFFFFF  }
0xa5: {  	s26 =	simm.s32 $execute0_lowered;
	[smem:$0x3FD2] =	sst s25  }
0xa6: {  	s5 =	sshll.u32 s26, $0x1;
	_ =	strace $0x80000046;
	[dreg:$0x1] =	wrdreg $0xFFFFFFFF  }
0xa7: {  	s28 =	simm.s32 $_size_execute0_lowered;
	s3 =	sadd.s32 s3, s5;
	[dreg:$0x0] =	wrdreg $0x0  }
0xa8: {  	s5 =	sshll.u32 s28, $0x1;
	[dreg:$0x2] =	wrdreg s3  }
0xa9: {  	[dreg:$0x3] =	wrdreg s5  }
0xaa: {  	[dreg:$0x4] =	wrdreg $0xC0  }
0xab: {  	_ =	task [dreg:s7], $0x5FFFF  }
0xac: {  	[dreg:$0x1] =	wrdreg $0xFFFFFFFF  }
0xad: {  	[dreg:$0x0] =	wrdreg $0x60  }
0xae: {  	[dreg:$0x2] =	wrdreg s2  }
0xaf: {  	[dreg:$0x3] =	wrdreg s24  }
0xb0: {  	[dreg:$0x4] =	wrdreg $0x9  }
0xb1: {  	_ =	task.clear_ibuf [dreg:s7], $0x5FFFF;
	_ =	strace $0x90000046  }
0xb2: {  	s29 =	simm.s32 $0x9;
	_ =	strace $0x80000048  }
0xb3: {  	_ =	swait.ge [sflag:s29], $0x1  }
0xb4: {  	[sflag:s29] =	ssyncadd.s32 $0xFFFFFFFF  }
0xb5: {  	_ =	strace $0x90000048  }
0xb6: {  	_ =	sfence  }
0xb7: {  	s30 =	sld [smem:$0x0];
	_ =	sdelay $0x2  }
0xb8: {  	s31 =	sshll.u32 s1, $0xD;
	s1 =	sshrl.u32 s1, $0x2  }
0xb9: {  	s3 =	sand.u32 $0x4000, s31;
	s1 =	sadd.s32 s1, s30  }
0xba: {  	s0 =	sor.u32 s3, s0;
	s1 =	sshll.u32 s1, $0x11  }
0xbb: {  	s0 =	sor.u32 s1, s0  }
0xbc: {  	s0 =	sadd.s32 $0x8F2B, s0  }
0xbd: {  	[sflag:s0] =	ssyncadd.remote.s32 $0x1  }
0xbe: {  	_ =	sfence.sel $0xFFFF  }
0xbf: {  	[dreg:$0x0] =	wrdreg $0xFFFFFFFF;
	(pc) =	sbr.abs _section_cstart, $3  }
0xc0: {  	[dreg:$0x1] =	wrdreg $0xFFFFFFFF  }
0xc1: {  	_ =	task.clear_ibuf [dreg:s7], $0x2FFFF;
	_ =	strace $0x9FFFFFFF  }
0xc2: {  	(tm) =	ssettm $0x7FFFFFFF  }
0xc3: {  	_ =	shalt  }
tec
execute0_lowered:
.L_overlay_start_1:
0x0: {  	(tag) =	ssettag $0x1  }
0x1: {  	s3 =	rddreg [dreg:$0x0]  }
0x2: {  	s4 =	rddreg [dreg:$0x1]  }
0x3: {  	s0 =	rddreg [dreg:$0x2]  }
0x4: {  	s2 =	simm.s32 $0x0;
	s5 =	srdreg.scid;
	s1 =	stileid.u32  }
0x5: {  	s9 =	simm.s32 $0x8000;
	s10 =	simm.s32 $0xC000;
	s11 =	simm.s32 $0x10000  }
0x6: {  	s12 =	simm.s32 $0x14000;
	s13 =	simm.s32 $0x2;
	s14 =	simm.s32 $0x3  }
0x7: {  	[smem:$0x7FF] =	sst s2;
	s5 =	sand.u32 $0x1, s5;
	s6 =	sshll.u32 s1, $0x1  }
0x8: {  	s15 =	simm.s32 $0x0;
	_ =	strace $0x80000047;
	s6 =	sor.u32 s5, s6  }
0x9: {  	s5 =	ssub.s32 $0x2, s5;
	s7 =	sshll.u32 s6, $0xB;
	s6 =	sshll.u32 s6, $0xE  }
0xa: {  	s8 =	sshrl.u32 s5, $0x1;
	s7 =	sadd.s32 s7, s4;
	s3 =	sadd.s32 s3, s6  }
0xb: {  	s8 =	ssub.s32 s5, s8;
	s4 =	sadd.s32 $0x1000, s3;
	s5 =	sadd.s32 $0x600, s7  }
0xc: {  	v0 =	vimm.f32 $0.0e+00;
	v1 =	vimm.f32 $1.000000000e+00;
	s6 =	smax.u32 s8, $0x1;
	s7 =	simm.s32 $0x4000;
	s8 =	simm.s32 $0x1  }
.LBB2_1:
0xd: {  	s16 =	simm.s32 $0x8040  }
0xe: {  	[tilespmem:s16+$0xFFFFFFC0] =	vst v0  }
0xf: {  	[tilespmem:s16+$0x30] =	vst v0  }
0x10: {  	[tilespmem:s16+$0x20] =	vst v0  }
0x11: {  	[tilespmem:s16+$0x10] =	vst v0  }
0x12: {  	[tilespmem:s16+$0x0] =	vst v0  }
0x13: {  	[tilespmem:s16+$0xFFFFFFF0] =	vst v0  }
0x14: {  	s18 =	simm.s32 $0x0;
	[tilespmem:s16+$0xFFFFFFE0] =	vst v0  }
.LBB2_2:
0x15: {  	s18 =	sadd.s32 $0x8, s18;
	[tilespmem:s16+$0xFFFFFFD0] =	vst v0;
	s16 =	sadd.s32 $0x80, s16;
	s17 =	simm.s32 $0xC040  }
0x16: {  	[tilespmem:s16+$0xFFFFFFC0] =	vst v0;
	p0 =	slt.u32 s18, $0x3F8  }
0x17: {  	[tilespmem:s16+$0x30] =	vst v0  }
.Ltmp0:
0x18: {  	[tilespmem:s16+$0x20] =	vst v0;
	(pc) =	sbr.rel @p0 .LBB2_2-.Ltmp0, $4  }
0x19: {  	[tilespmem:s16+$0x10] =	vst v0  }
0x1a: {  	[tilespmem:s16+$0x0] =	vst v0  }
0x1b: {  	[tilespmem:s16+$0xFFFFFFF0] =	vst v0  }
0x1c: {  	[tilespmem:s16+$0xFFFFFFE0] =	vst v0  }
0x1d: {  	[tilespmem:s16+$0xFFFFFFD0] =	vst v0  }
0x1e: {  	[tilespmem:s17+$0xFFFFFFC0] =	vst v0  }
0x1f: {  	[tilespmem:s17+$0x30] =	vst v0  }
0x20: {  	[tilespmem:s17+$0x20] =	vst v0  }
0x21: {  	[tilespmem:s17+$0x10] =	vst v0  }
0x22: {  	[tilespmem:s17+$0x0] =	vst v0  }
0x23: {  	[tilespmem:s17+$0xFFFFFFF0] =	vst v0  }
0x24: {  	s18 =	simm.s32 $0x0;
	s16 =	simm.s32 $0x10040;
	[tilespmem:s17+$0xFFFFFFE0] =	vst v0  }
.LBB2_4:
0x25: {  	s18 =	sadd.s32 $0x8, s18;
	[tilespmem:s17+$0xFFFFFFD0] =	vst v0;
	s17 =	sadd.s32 $0x80, s17  }
0x26: {  	[tilespmem:s17+$0xFFFFFFC0] =	vst v0;
	p0 =	slt.u32 s18, $0x3F8  }
0x27: {  	[tilespmem:s17+$0x30] =	vst v0  }
.Ltmp1:
0x28: {  	[tilespmem:s17+$0x20] =	vst v0;
	(pc) =	sbr.rel @p0 .LBB2_4-.Ltmp1, $4  }
0x29: {  	[tilespmem:s17+$0x10] =	vst v0  }
0x2a: {  	[tilespmem:s17+$0x0] =	vst v0  }
0x2b: {  	[tilespmem:s17+$0xFFFFFFF0] =	vst v0  }
0x2c: {  	[tilespmem:s17+$0xFFFFFFE0] =	vst v0  }
0x2d: {  	[tilespmem:s17+$0xFFFFFFD0] =	vst v0  }
0x2e: {  	[tilespmem:s16+$0xFFFFFFC0] =	vst v0  }
0x2f: {  	[tilespmem:s16+$0x30] =	vst v0  }
0x30: {  	[tilespmem:s16+$0x20] =	vst v0  }
0x31: {  	[tilespmem:s16+$0x10] =	vst v0  }
0x32: {  	[tilespmem:s16+$0x0] =	vst v0  }
0x33: {  	[tilespmem:s16+$0xFFFFFFF0] =	vst v0  }
0x34: {  	s18 =	simm.s32 $0x0;
	[tilespmem:s16+$0xFFFFFFE0] =	vst v0  }
.LBB2_6:
0x35: {  	s18 =	sadd.s32 $0x8, s18;
	[tilespmem:s16+$0xFFFFFFD0] =	vst v0;
	s16 =	sadd.s32 $0x80, s16;
	s17 =	simm.s32 $0x14040  }
0x36: {  	[tilespmem:s16+$0xFFFFFFC0] =	vst v0;
	p0 =	slt.u32 s18, $0x3F8  }
0x37: {  	[tilespmem:s16+$0x30] =	vst v0  }
.Ltmp2:
0x38: {  	[tilespmem:s16+$0x20] =	vst v0;
	(pc) =	sbr.rel @p0 .LBB2_6-.Ltmp2, $4  }
0x39: {  	[tilespmem:s16+$0x10] =	vst v0  }
0x3a: {  	[tilespmem:s16+$0x0] =	vst v0  }
0x3b: {  	[tilespmem:s16+$0xFFFFFFF0] =	vst v0  }
0x3c: {  	[tilespmem:s16+$0xFFFFFFE0] =	vst v0  }
0x3d: {  	[tilespmem:s16+$0xFFFFFFD0] =	vst v0  }
0x3e: {  	[tilespmem:s17+$0xFFFFFFC0] =	vst v0  }
0x3f: {  	[tilespmem:s17+$0x30] =	vst v0  }
0x40: {  	[tilespmem:s17+$0x20] =	vst v0  }
0x41: {  	[tilespmem:s17+$0x10] =	vst v0  }
0x42: {  	[tilespmem:s17+$0x0] =	vst v0  }
0x43: {  	[tilespmem:s17+$0xFFFFFFF0] =	vst v0  }
0x44: {  	s16 =	simm.s32 $0x0;
	[tilespmem:s17+$0xFFFFFFE0] =	vst v0  }
.LBB2_8:
0x45: {  	s16 =	sadd.s32 $0x8, s16;
	[tilespmem:s17+$0xFFFFFFD0] =	vst v0;
	s17 =	sadd.s32 $0x80, s17  }
0x46: {  	[tilespmem:s17+$0xFFFFFFC0] =	vst v0;
	p0 =	slt.u32 s16, $0x3F8  }
0x47: {  	[tilespmem:s17+$0x30] =	vst v0  }
.Ltmp3:
0x48: {  	[tilespmem:s17+$0x20] =	vst v0;
	(pc) =	sbr.rel @p0 .LBB2_8-.Ltmp3, $4  }
0x49: {  	[tilespmem:s17+$0x10] =	vst v0  }
0x4a: {  	[tilespmem:s17+$0x0] =	vst v0  }
0x4b: {  	[tilespmem:s17+$0xFFFFFFF0] =	vst v0  }
0x4c: {  	[tilespmem:s17+$0xFFFFFFE0] =	vst v0  }
0x4d: {  	[tilespmem:s17+$0xFFFFFFD0] =	vst v0;
	s16 =	simm.s32 $0x0  }
0x4e: {  	[tilespmem:s16], [sflag:$0x1] =	stream.linear.gather [hbm4b:s3+s16], $0x4000, $0x38;
	[tilespmem:$0x18000] =	vst v63  }
.LBB2_10:
0x4f: {  	s17 =	sshll.u32 s16, $0xC  }
0x50: {  	s18 =	sadd.s32 s17, s3  }
0x51: {  	s18 =	sadd.s32 $0x800, s18  }
0x52: {  	[tilespmem:s7], [sflag:$0x2] =	stream.linear.gather [hbm4b:s18+s2], $0x4000, $0x38;
	[tilespmem:$0x18000] =	vst v63  }
0x53: {  	_ =	swait.ge [sflag:s8], $0x4000  }
0x54: {  	[sflag:s8] =	ssyncset.done $0x0  }
0x55: {  	s20 =	simm.s32 $0x40;
	[sflag:s8] =	ssyncadd.s32 $0xFFFFC000  }
0x56: {  	v2 =	vld [tilespmem:s20+$0x0];
	_ =	sdelay $0x2  }
0x57: {  	v3 =	vld [tilespmem:s20+$0xFFFFFFC0];
	_ =	sdelay $0x1  }
0x58: {  	vm0 =	vne.s32 v2, $0x0  }
0x59: {  	v2 =	vshrl.u32 v2, $0x11;
	_ =	sdelay $0x1  }
0x5a: {  	vm1 =	vne.s32 v3, $0x0  }
0x5b: {  	s18 =	simm.s32 $0x440;
	v3 =	vshrl.u32 v3, $0x11  }
0x5c: {  	v4 =	vld [tilespmem:s18+$0x0]  }
0x5d: {  	[tilespmem:v2+s9+$0x0] =	vst.idx.add.f32.msk vm0, v1  }
0x5e: {  	v2 =	vld [tilespmem:s20+$0x10];
	_ =	sdelay $0x1  }
0x5f: {  	[tilespmem:v3+s9+$0x0] =	vst.idx.add.f32.msk vm1, v1  }
0x60: {  	v3 =	vld [tilespmem:s20+$0xFFFFFFD0]  }
0x61: {  	vm2 =	vne.s32 v4, $0x0  }
0x62: {  	v4 =	vshrl.u32 v4, $0x11;
	vm0 =	vne.s32 v2, $0x0  }
0x63: {  	v5 =	vld [tilespmem:s18+$0xFFFFFFC0];
	v2 =	vshrl.u32 v2, $0x11;
	_ =	sdelay $0x1  }
0x64: {  	vm1 =	vne.s32 v3, $0x0  }
0x65: {  	v3 =	vshrl.u32 v3, $0x11  }
0x66: {  	[tilespmem:v4+s9+$0x0] =	vst.idx.add.f32.msk vm2, v1  }
0x67: {  	vm3 =	vne.s32 v5, $0x0;
	[tilespmem:v2+s10+$0x0] =	vst.idx.add.f32.msk vm0, v1  }
0x68: {  	v2 =	vshrl.u32 v5, $0x11;
	v5 =	vld [tilespmem:s20+$0x20]  }
0x69: {  	v4 =	vld [tilespmem:s18+$0x10]  }
0x6a: {  	[tilespmem:v3+s10+$0x0] =	vst.idx.add.f32.msk vm1, v1  }
0x6b: {  	v3 =	vld [tilespmem:s20+$0xFFFFFFE0];
	_ =	sdelay $0x1  }
0x6c: {  	[tilespmem:v2+s9+$0x0] =	vst.idx.add.f32.msk vm3, v1;
	vm0 =	vne.s32 v5, $0x0  }
0x6d: {  	v2 =	vld [tilespmem:s18+$0xFFFFFFD0];
	v5 =	vshrl.u32 v5, $0x11  }
0x6e: {  	s19 =	simm.s32 $0x840;
	vm2 =	vne.s32 v4, $0x0  }
0x6f: {  	v6 =	vld [tilespmem:s19+$0x0];
	v4 =	vshrl.u32 v4, $0x11;
	vm1 =	vne.s32 v3, $0x0  }
0x70: {  	v3 =	vshrl.u32 v3, $0x11  }
0x71: {  	v7 =	vld [tilespmem:s19+$0xFFFFFFC0]  }
0x72: {  	vm3 =	vne.s32 v2, $0x0;
	[tilespmem:v5+s11+$0x0] =	vst.idx.add.f32.msk vm0, v1  }
0x73: {  	v2 =	vshrl.u32 v2, $0x11;
	v5 =	vld [tilespmem:s20+$0x30]  }
0x74: {  	[tilespmem:v4+s10+$0x0] =	vst.idx.add.f32.msk vm2, v1;
	vm0 =	vne.s32 v6, $0x0  }
0x75: {  	[tilespmem:v3+s11+$0x0] =	vst.idx.add.f32.msk vm1, v1;
	v3 =	vshrl.u32 v6, $0x11  }
0x76: {  	vm1 =	vne.s32 v7, $0x0;
	v6 =	vld [tilespmem:s20+$0xFFFFFFF0]  }
0x77: {  	v4 =	vshrl.u32 v7, $0x11;
	v7 =	vld [tilespmem:s18+$0x20]  }
0x78: {  	[tilespmem:v2+s10+$0x0] =	vst.idx.add.f32.msk vm3, v1;
	vm3 =	vne.s32 v5, $0x0  }
0x79: {  	v8 =	vld [tilespmem:s18+$0xFFFFFFE0];
	v9 =	vshrl.u32 v5, $0x11  }
0x7a: {  	[tilespmem:v3+s9+$0x0] =	vst.idx.add.f32.msk vm0, v1  }
0x7b: {  	vm0 =	vne.s32 v6, $0x0;
	v5 =	vld [tilespmem:s19+$0x10]  }
0x7c: {  	[tilespmem:v4+s9+$0x0] =	vst.idx.add.f32.msk vm1, v1;
	v2 =	vshrl.u32 v6, $0x11;
	vm1 =	vne.s32 v7, $0x0  }
0x7d: {  	v4 =	vshrl.u32 v7, $0x11;
	v6 =	vld [tilespmem:s19+$0xFFFFFFD0]  }
0x7e: {  	s21 =	simm.s32 $0xC40;
	s20 =	simm.s32 $0x4;
	v3 =	vshrl.u32 v8, $0x11;
	vm2 =	vne.s32 v8, $0x0;
	[tilespmem:v9+s12+$0x0] =	vst.idx.add.f32.msk vm3, v1  }
.LBB2_11:
0x7f: {  	v7 =	vld [tilespmem:s21+$0x0];
	s20 =	sadd.s32 $0x2, s20  }
0x80: {  	v8 =	vld [tilespmem:s21+$0xFFFFFFC0];
	p0 =	slt.u32 s20, $0x1E;
	vm3 =	vne.s32 v5, $0x0  }
0x81: {  	v5 =	vshrl.u32 v5, $0x11;
	[tilespmem:v2+s12+$0x0] =	vst.idx.add.f32.msk vm0, v1  }
0x82: {  	v2 =	vshrl.u32 v6, $0x11;
	vm0 =	vne.s32 v6, $0x0;
	[tilespmem:v4+s11+$0x0] =	vst.idx.add.f32.msk vm1, v1  }
0x83: {  	v4 =	vld [tilespmem:s18+$0x30]  }
0x84: {  	vm1 =	vne.s32 v7, $0x0;
	[tilespmem:v3+s11+$0x0] =	vst.idx.add.f32.msk vm2, v1  }
0x85: {  	v6 =	vshrl.u32 v7, $0x11;
	v3 =	vshrl.u32 v8, $0x11;
	vm2 =	vne.s32 v8, $0x0;
	v7 =	vld [tilespmem:s18+$0xFFFFFFF0];
	s18 =	smov.u32 s19;
	s19 =	smov.u32 s21  }
0x86: {  	[tilespmem:v5+s10+$0x0] =	vst.idx.add.f32.msk vm3, v1  }
0x87: {  	v8 =	vld [tilespmem:s18+$0x20]  }
0x88: {  	[tilespmem:v2+s10+$0x0] =	vst.idx.add.f32.msk vm0, v1;
	vm3 =	vne.s32 v4, $0x0  }
0x89: {  	v10 =	vshrl.u32 v4, $0x11;
	v9 =	vld [tilespmem:s18+$0xFFFFFFE0]  }
.Ltmp4:
0x8a: {  	[tilespmem:v6+s9+$0x0] =	vst.idx.add.f32.msk vm1, v1;
	v2 =	vshrl.u32 v7, $0x11;
	vm0 =	vne.s32 v7, $0x0;
	(pc) =	sbr.rel @p0 .LBB2_11-.Ltmp4, $4  }
0x8b: {  	v5 =	vld [tilespmem:s21+$0x10]  }
0x8c: {  	[tilespmem:v3+s9+$0x0] =	vst.idx.add.f32.msk vm2, v1;
	vm1 =	vne.s32 v8, $0x0  }
0x8d: {  	v4 =	vshrl.u32 v8, $0x11;
	v6 =	vld [tilespmem:s21+$0xFFFFFFD0]  }
0x8e: {  	s21 =	sadd.s32 $0x400, s21;
	v3 =	vshrl.u32 v9, $0x11;
	vm2 =	vne.s32 v9, $0x0;
	[tilespmem:v10+s12+$0x0] =	vst.idx.add.f32.msk vm3, v1  }
0x8f: {  	_ = 	snop  }
0x90: {  	vm3 =	vne.s32 v5, $0x0  }
0x91: {  	v5 =	vshrl.u32 v5, $0x11  }
0x92: {  	vm4 =	vne.s32 v6, $0x0  }
0x93: {  	v6 =	vshrl.u32 v6, $0x11;
	_ =	sdelay $0x2  }
0x94: {  	[tilespmem:v5+s10+$0x0] =	vst.idx.add.f32.msk vm3, v1  }
0x95: {  	v5 =	vld [tilespmem:s19+$0x20]  }
0x96: {  	[tilespmem:v6+s10+$0x0] =	vst.idx.add.f32.msk vm4, v1  }
0x97: {  	v6 =	vld [tilespmem:s19+$0xFFFFFFE0];
	_ =	sdelay $0x2  }
0x98: {  	vm3 =	vne.s32 v5, $0x0  }
0x99: {  	v5 =	vshrl.u32 v5, $0x11  }
0x9a: {  	[tilespmem:v4+s11+$0x0] =	vst.idx.add.f32.msk vm1, v1;
	vm1 =	vne.s32 v6, $0x0  }
0x9b: {  	[tilespmem:v3+s11+$0x0] =	vst.idx.add.f32.msk vm2, v1;
	v6 =	vshrl.u32 v6, $0x11  }
0x9c: {  	v4 =	vld [tilespmem:s18+$0x30]  }
0x9d: {  	v3 =	vld [tilespmem:s18+$0xFFFFFFF0]  }
0x9e: {  	[tilespmem:v5+s11+$0x0] =	vst.idx.add.f32.msk vm3, v1  }
0x9f: {  	v5 =	vld [tilespmem:s19+$0x30]  }
0xa0: {  	[tilespmem:v6+s11+$0x0] =	vst.idx.add.f32.msk vm1, v1  }
0xa1: {  	v6 =	vld [tilespmem:s19+$0xFFFFFFF0];
	_ =	sdelay $0x1  }
0xa2: {  	vm2 =	vne.s32 v3, $0x0  }
0xa3: {  	v3 =	vshrl.u32 v3, $0x11;
	vm1 =	vne.s32 v4, $0x0  }
0xa4: {  	v4 =	vshrl.u32 v4, $0x11;
	vm3 =	vne.s32 v5, $0x0  }
0xa5: {  	v5 =	vshrl.u32 v5, $0x11;
	vm15 =	vne.s32 v6, $0x0  }
0xa6: {  	v6 =	vshrl.u32 v6, $0x11  }
0xa7: {  	[tilespmem:v2+s12+$0x0] =	vst.idx.add.f32.msk vm0, v1  }
0xa8: {  	[tilespmem:v3+s12+$0x0] =	vst.idx.add.f32.msk vm2, v1  }
0xa9: {  	[tilespmem:v4+s12+$0x0] =	vst.idx.add.f32.msk vm1, v1  }
0xaa: {  	[tilespmem:v5+s12+$0x0] =	vst.idx.add.f32.msk vm3, v1  }
0xab: {  	s20 =	simm.s32 $0xF0;
	[tilespmem:v6+s12+$0x0] =	vst.idx.add.f32.msk vm15, v1  }
0xac: {  	v2 =	vld [tilespmem:s20+$0xFFFFFFD0];
	_ =	sdelay $0x2  }
0xad: {  	v3 =	vld [tilespmem:s20+$0xFFFFFF90];
	_ =	sdelay $0x1  }
0xae: {  	vm0 =	vne.s32 v2, $0x0  }
0xaf: {  	v2 =	vshrl.u32 v2, $0x11;
	_ =	sdelay $0x1  }
0xb0: {  	vm1 =	vne.s32 v3, $0x0  }
0xb1: {  	s18 =	simm.s32 $0x4F0;
	v3 =	vshrl.u32 v3, $0x11  }
0xb2: {  	v4 =	vld [tilespmem:s18+$0xFFFFFFD0]  }
0xb3: {  	[tilespmem:v2+s9+$0x0] =	vst.idx.add.f32.msk vm0, v1  }
0xb4: {  	v2 =	vld [tilespmem:s20+$0xFFFFFFE0];
	_ =	sdelay $0x1  }
0xb5: {  	[tilespmem:v3+s9+$0x0] =	vst.idx.add.f32.msk vm1, v1  }
0xb6: {  	v3 =	vld [tilespmem:s20+$0xFFFFFFA0]  }
0xb7: {  	vm2 =	vne.s32 v4, $0x0  }
0xb8: {  	v4 =	vshrl.u32 v4, $0x11;
	vm0 =	vne.s32 v2, $0x0  }
0xb9: {  	v5 =	vld [tilespmem:s18+$0xFFFFFF90];
	v2 =	vshrl.u32 v2, $0x11;
	_ =	sdelay $0x1  }
0xba: {  	vm1 =	vne.s32 v3, $0x0  }
0xbb: {  	v3 =	vshrl.u32 v3, $0x11  }
0xbc: {  	[tilespmem:v4+s9+$0x0] =	vst.idx.add.f32.msk vm2, v1  }
0xbd: {  	vm3 =	vne.s32 v5, $0x0;
	[tilespmem:v2+s10+$0x0] =	vst.idx.add.f32.msk vm0, v1  }
0xbe: {  	v2 =	vshrl.u32 v5, $0x11;
	v5 =	vld [tilespmem:s20+$0xFFFFFFF0]  }
0xbf: {  	v4 =	vld [tilespmem:s18+$0xFFFFFFE0]  }
0xc0: {  	[tilespmem:v3+s10+$0x0] =	vst.idx.add.f32.msk vm1, v1  }
0xc1: {  	v3 =	vld [tilespmem:s20+$0xFFFFFFB0];
	_ =	sdelay $0x1  }
0xc2: {  	[tilespmem:v2+s9+$0x0] =	vst.idx.add.f32.msk vm3, v1;
	vm0 =	vne.s32 v5, $0x0  }
0xc3: {  	v2 =	vld [tilespmem:s18+$0xFFFFFFA0];
	v5 =	vshrl.u32 v5, $0x11  }
0xc4: {  	s19 =	simm.s32 $0x8F0;
	vm2 =	vne.s32 v4, $0x0  }
0xc5: {  	v6 =	vld [tilespmem:s19+$0xFFFFFFD0];
	v4 =	vshrl.u32 v4, $0x11;
	vm1 =	vne.s32 v3, $0x0  }
0xc6: {  	v3 =	vshrl.u32 v3, $0x11  }
0xc7: {  	v7 =	vld [tilespmem:s19+$0xFFFFFF90]  }
0xc8: {  	vm3 =	vne.s32 v2, $0x0;
	[tilespmem:v5+s11+$0x0] =	vst.idx.add.f32.msk vm0, v1  }
0xc9: {  	v2 =	vshrl.u32 v2, $0x11;
	v5 =	vld [tilespmem:s20+$0x0]  }
0xca: {  	[tilespmem:v4+s10+$0x0] =	vst.idx.add.f32.msk vm2, v1;
	vm0 =	vne.s32 v6, $0x0  }
0xcb: {  	[tilespmem:v3+s11+$0x0] =	vst.idx.add.f32.msk vm1, v1;
	v3 =	vshrl.u32 v6, $0x11  }
0xcc: {  	vm1 =	vne.s32 v7, $0x0;
	v6 =	vld [tilespmem:s20+$0xFFFFFFC0]  }
0xcd: {  	v4 =	vshrl.u32 v7, $0x11;
	v7 =	vld [tilespmem:s18+$0xFFFFFFF0]  }
0xce: {  	[tilespmem:v2+s10+$0x0] =	vst.idx.add.f32.msk vm3, v1;
	vm3 =	vne.s32 v5, $0x0  }
0xcf: {  	v8 =	vld [tilespmem:s18+$0xFFFFFFB0];
	v9 =	vshrl.u32 v5, $0x11  }
0xd0: {  	[tilespmem:v3+s9+$0x0] =	vst.idx.add.f32.msk vm0, v1  }
0xd1: {  	vm0 =	vne.s32 v6, $0x0;
	v5 =	vld [tilespmem:s19+$0xFFFFFFE0]  }
0xd2: {  	[tilespmem:v4+s9+$0x0] =	vst.idx.add.f32.msk vm1, v1;
	v2 =	vshrl.u32 v6, $0x11;
	vm1 =	vne.s32 v7, $0x0  }
0xd3: {  	v4 =	vshrl.u32 v7, $0x11;
	v6 =	vld [tilespmem:s19+$0xFFFFFFA0]  }
0xd4: {  	s21 =	simm.s32 $0xCF0;
	s20 =	simm.s32 $0x4;
	v3 =	vshrl.u32 v8, $0x11;
	vm2 =	vne.s32 v8, $0x0;
	[tilespmem:v9+s12+$0x0] =	vst.idx.add.f32.msk vm3, v1  }
.LBB2_13:
0xd5: {  	v7 =	vld [tilespmem:s21+$0xFFFFFFD0];
	s20 =	sadd.s32 $0x2, s20  }
0xd6: {  	v8 =	vld [tilespmem:s21+$0xFFFFFF90];
	p0 =	slt.u32 s20, $0x1E;
	vm3 =	vne.s32 v5, $0x0  }
0xd7: {  	v5 =	vshrl.u32 v5, $0x11;
	[tilespmem:v2+s12+$0x0] =	vst.idx.add.f32.msk vm0, v1  }
0xd8: {  	v2 =	vshrl.u32 v6, $0x11;
	vm0 =	vne.s32 v6, $0x0;
	[tilespmem:v4+s11+$0x0] =	vst.idx.add.f32.msk vm1, v1  }
0xd9: {  	v4 =	vld [tilespmem:s18+$0x0]  }
0xda: {  	vm1 =	vne.s32 v7, $0x0;
	[tilespmem:v3+s11+$0x0] =	vst.idx.add.f32.msk vm2, v1  }
0xdb: {  	v6 =	vshrl.u32 v7, $0x11;
	v3 =	vshrl.u32 v8, $0x11;
	vm2 =	vne.s32 v8, $0x0;
	v7 =	vld [tilespmem:s18+$0xFFFFFFC0];
	s18 =	smov.u32 s19;
	s19 =	smov.u32 s21  }
0xdc: {  	[tilespmem:v5+s10+$0x0] =	vst.idx.add.f32.msk vm3, v1  }
0xdd: {  	v8 =	vld [tilespmem:s18+$0xFFFFFFF0]  }
0xde: {  	[tilespmem:v2+s10+$0x0] =	vst.idx.add.f32.msk vm0, v1;
	vm3 =	vne.s32 v4, $0x0  }
0xdf: {  	v10 =	vshrl.u32 v4, $0x11;
	v9 =	vld [tilespmem:s18+$0xFFFFFFB0]  }
.Ltmp5:
0xe0: {  	[tilespmem:v6+s9+$0x0] =	vst.idx.add.f32.msk vm1, v1;
	v2 =	vshrl.u32 v7, $0x11;
	vm0 =	vne.s32 v7, $0x0;
	(pc) =	sbr.rel @p0 .LBB2_13-.Ltmp5, $4  }
0xe1: {  	v5 =	vld [tilespmem:s21+$0xFFFFFFE0]  }
0xe2: {  	[tilespmem:v3+s9+$0x0] =	vst.idx.add.f32.msk vm2, v1;
	vm1 =	vne.s32 v8, $0x0  }
0xe3: {  	v4 =	vshrl.u32 v8, $0x11;
	v6 =	vld [tilespmem:s21+$0xFFFFFFA0]  }
0xe4: {  	s21 =	sadd.s32 $0x400, s21;
	v3 =	vshrl.u32 v9, $0x11;
	vm2 =	vne.s32 v9, $0x0;
	[tilespmem:v10+s12+$0x0] =	vst.idx.add.f32.msk vm3, v1  }
0xe5: {  	_ = 	snop  }
0xe6: {  	vm3 =	vne.s32 v5, $0x0  }
0xe7: {  	v5 =	vshrl.u32 v5, $0x11  }
0xe8: {  	vm4 =	vne.s32 v6, $0x0  }
0xe9: {  	v6 =	vshrl.u32 v6, $0x11;
	_ =	sdelay $0x2  }
0xea: {  	[tilespmem:v5+s10+$0x0] =	vst.idx.add.f32.msk vm3, v1  }
0xeb: {  	v5 =	vld [tilespmem:s19+$0xFFFFFFF0]  }
0xec: {  	[tilespmem:v6+s10+$0x0] =	vst.idx.add.f32.msk vm4, v1  }
0xed: {  	v6 =	vld [tilespmem:s19+$0xFFFFFFB0];
	_ =	sdelay $0x2  }
0xee: {  	vm8 =	vne.s32 v5, $0x0  }
0xef: {  	v5 =	vshrl.u32 v5, $0x11  }
0xf0: {  	[tilespmem:v4+s11+$0x0] =	vst.idx.add.f32.msk vm1, v1;
	vm9 =	vne.s32 v6, $0x0  }
0xf1: {  	[tilespmem:v3+s11+$0x0] =	vst.idx.add.f32.msk vm2, v1;
	v6 =	vshrl.u32 v6, $0x11  }
0xf2: {  	v4 =	vld [tilespmem:s18+$0x0]  }
0xf3: {  	v3 =	vld [tilespmem:s18+$0xFFFFFFC0]  }
0xf4: {  	[tilespmem:v5+s11+$0x0] =	vst.idx.add.f32.msk vm8, v1  }
0xf5: {  	v5 =	vld [tilespmem:s19+$0x0]  }
0xf6: {  	[tilespmem:v6+s11+$0x0] =	vst.idx.add.f32.msk vm9, v1  }
0xf7: {  	v6 =	vld [tilespmem:s19+$0xFFFFFFC0];
	_ =	sdelay $0x1  }
0xf8: {  	vm10 =	vne.s32 v4, $0x0  }
0xf9: {  	v4 =	vshrl.u32 v4, $0x11;
	vm11 =	vne.s32 v3, $0x0  }
0xfa: {  	v3 =	vshrl.u32 v3, $0x11;
	vm12 =	vne.s32 v5, $0x0  }
0xfb: {  	v5 =	vshrl.u32 v5, $0x11;
	vm13 =	vne.s32 v6, $0x0  }
0xfc: {  	v6 =	vshrl.u32 v6, $0x11  }
0xfd: {  	[tilespmem:v2+s12+$0x0] =	vst.idx.add.f32.msk vm0, v1  }
0xfe: {  	[tilespmem:v4+s12+$0x0] =	vst.idx.add.f32.msk vm10, v1  }
0xff: {  	[tilespmem:v3+s12+$0x0] =	vst.idx.add.f32.msk vm11, v1  }
0x100: {  	[tilespmem:v5+s12+$0x0] =	vst.idx.add.f32.msk vm12, v1  }
0x101: {  	s20 =	simm.s32 $0x170;
	[tilespmem:v6+s12+$0x0] =	vst.idx.add.f32.msk vm13, v1  }
0x102: {  	v2 =	vld [tilespmem:s20+$0xFFFFFFD0]  }
0x103: {  	v3 =	vld [tilespmem:s20+$0xFFFFFF90];
	_ =	sdelay $0x3  }
0x104: {  	vm14 =	vne.s32 v2, $0x0  }
0x105: {  	v2 =	vshrl.u32 v2, $0x11;
	vm15 =	vne.s32 v3, $0x0  }
0x106: {  	v3 =	vshrl.u32 v3, $0x11;
	_ =	sdelay $0x1  }
0x107: {  	p1 =	por $0x1, $0x1  }
.Ltmp6:
0x108: {  	_ = 	snop;
	(pc) =	sbr.rel @!p1 .LBB2_15-.Ltmp6, $4  }
0x109: {  	[tilespmem:v2+s9+$0x0] =	vst.idx.add.f32.msk vm14, v1  }
0x10a: {  	[tilespmem:v3+s9+$0x0] =	vst.idx.add.f32.msk vm15, v1  }
0x10b: {  	v2 =	vld [tilespmem:s20+$0xFFFFFFE0]  }
0x10c: {  	p2 =	por $0x0, $0x0;
	p0 =	por $0x0, $0x0;
	s18 =	simm.s32 $0x570;
	v4 =	vld [tilespmem:s20+$0xFFFFFFA0]  }
0x10d: {  	_ =	sdelay $0x2  }
0x10e: {  	v3 =	vld [tilespmem:s18+$0xFFFFFFD0];
	vm0 =	vne.s32 v2, $0x0  }
0x10f: {  	v2 =	vshrl.u32 v2, $0x11  }
0x110: {  	v5 =	vld [tilespmem:s18+$0xFFFFFF90];
	vm1 =	vne.s32 v4, $0x0  }
0x111: {  	v4 =	vshrl.u32 v4, $0x11;
	_ =	sdelay $0x1  }
0x112: {  	vm2 =	vne.s32 v3, $0x0  }
0x113: {  	v3 =	vshrl.u32 v3, $0x11;
	[tilespmem:v2+s10+$0x0] =	vst.idx.add.f32.msk vm0, v1  }
0x114: {  	vm0 =	vne.s32 v5, $0x0;
	v6 =	vld [tilespmem:s20+$0xFFFFFFF0]  }
0x115: {  	v5 =	vshrl.u32 v5, $0x11;
	[tilespmem:v4+s10+$0x0] =	vst.idx.add.f32.msk vm1, v1  }
0x116: {  	p3 =	por $0x1, $0x1;
	v7 =	vld [tilespmem:s20+$0xFFFFFFB0]  }
.Ltmp7:
0x117: {  	_ = 	snop;
	(pc) =	sbr.rel @!p3 .LBB2_17-.Ltmp7, $4  }
0x118: {  	[tilespmem:v3+s9+$0x0] =	vst.idx.add.f32.msk vm2, v1  }
0x119: {  	v2 =	vld [tilespmem:s18+$0xFFFFFFE0]  }
0x11a: {  	[tilespmem:v5+s9+$0x0] =	vst.idx.add.f32.msk vm0, v1;
	vm1 =	vne.s32 v6, $0x0  }
0x11b: {  	s19 =	simm.s32 $0x970;
	p2 =	por $0x1, $0x1;
	v6 =	vshrl.u32 v6, $0x11;
	v4 =	vld [tilespmem:s18+$0xFFFFFFA0];
	v5 =	vshrl.u32 v7, $0x11;
	vm2 =	vne.s32 v7, $0x0  }
0x11c: {  	_ =	sdelay $0x1  }
0x11d: {  	v3 =	vld [tilespmem:s19+$0xFFFFFFD0]  }
0x11e: {  	vm0 =	vne.s32 v2, $0x0  }
0x11f: {  	v7 =	vld [tilespmem:s19+$0xFFFFFF90];
	v2 =	vshrl.u32 v2, $0x11  }
0x120: {  	[tilespmem:v6+s11+$0x0] =	vst.idx.add.f32.msk vm1, v1;
	vm3 =	vne.s32 v4, $0x0  }
0x121: {  	v6 =	vld [tilespmem:s20+$0x0];
	v4 =	vshrl.u32 v4, $0x11  }
0x122: {  	[tilespmem:v5+s11+$0x0] =	vst.idx.add.f32.msk vm2, v1;
	vm1 =	vne.s32 v3, $0x0  }
0x123: {  	v5 =	vld [tilespmem:s20+$0xFFFFFFC0];
	v3 =	vshrl.u32 v3, $0x11  }
0x124: {  	vm2 =	vne.s32 v7, $0x0;
	[tilespmem:v2+s10+$0x0] =	vst.idx.add.f32.msk vm0, v1  }
0x125: {  	v7 =	vshrl.u32 v7, $0x11;
	v8 =	vld [tilespmem:s18+$0xFFFFFFF0]  }
0x126: {  	[tilespmem:v4+s10+$0x0] =	vst.idx.add.f32.msk vm3, v1;
	vm3 =	vne.s32 v6, $0x0  }
0x127: {  	p4 =	por $0x1, $0x1;
	v10 =	vshrl.u32 v6, $0x11;
	v9 =	vld [tilespmem:s18+$0xFFFFFFB0]  }
.Ltmp8:
0x128: {  	[tilespmem:v3+s9+$0x0] =	vst.idx.add.f32.msk vm1, v1;
	(pc) =	sbr.rel @!p4 .LBB2_19-.Ltmp8, $4  }
0x129: {  	vm0 =	vne.s32 v5, $0x0;
	v2 =	vld [tilespmem:s19+$0xFFFFFFE0]  }
0x12a: {  	[tilespmem:v7+s9+$0x0] =	vst.idx.add.f32.msk vm2, v1;
	v3 =	vshrl.u32 v5, $0x11;
	vm1 =	vne.s32 v8, $0x0  }
0x12b: {  	v4 =	vld [tilespmem:s19+$0xFFFFFFA0];
	v6 =	vshrl.u32 v8, $0x11  }
0x12c: {  	s21 =	simm.s32 $0xD70;
	p3 =	por $0x1, $0x1;
	s20 =	simm.s32 $0x4;
	v5 =	vshrl.u32 v9, $0x11;
	vm2 =	vne.s32 v9, $0x0;
	[tilespmem:v10+s12+$0x0] =	vst.idx.add.f32.msk vm3, v1  }
.LBB2_20:
0x12d: {  	v7 =	vld [tilespmem:s21+$0xFFFFFFD0];
	s20 =	sadd.s32 $0x2, s20  }
0x12e: {  	v8 =	vld [tilespmem:s21+$0xFFFFFF90];
	p4 =	slt.u32 s20, $0x1E;
	vm3 =	vne.s32 v2, $0x0  }
0x12f: {  	v2 =	vshrl.u32 v2, $0x11;
	[tilespmem:v3+s12+$0x0] =	vst.idx.add.f32.msk vm0, v1  }
0x130: {  	v3 =	vshrl.u32 v4, $0x11;
	vm0 =	vne.s32 v4, $0x0;
	[tilespmem:v6+s11+$0x0] =	vst.idx.add.f32.msk vm1, v1  }
0x131: {  	v4 =	vld [tilespmem:s18+$0x0]  }
0x132: {  	vm1 =	vne.s32 v7, $0x0;
	[tilespmem:v5+s11+$0x0] =	vst.idx.add.f32.msk vm2, v1  }
0x133: {  	v6 =	vshrl.u32 v7, $0x11;
	v5 =	vshrl.u32 v8, $0x11;
	vm2 =	vne.s32 v8, $0x0;
	v7 =	vld [tilespmem:s18+$0xFFFFFFC0];
	s18 =	smov.u32 s19;
	s19 =	smov.u32 s21  }
0x134: {  	[tilespmem:v2+s10+$0x0] =	vst.idx.add.f32.msk vm3, v1  }
0x135: {  	v8 =	vld [tilespmem:s18+$0xFFFFFFF0]  }
0x136: {  	[tilespmem:v3+s10+$0x0] =	vst.idx.add.f32.msk vm0, v1;
	vm3 =	vne.s32 v4, $0x0  }
0x137: {  	v10 =	vshrl.u32 v4, $0x11;
	v9 =	vld [tilespmem:s18+$0xFFFFFFB0]  }
.Ltmp9:
0x138: {  	[tilespmem:v6+s9+$0x0] =	vst.idx.add.f32.msk vm1, v1;
	v3 =	vshrl.u32 v7, $0x11;
	vm0 =	vne.s32 v7, $0x0;
	(pc) =	sbr.rel @p4 .LBB2_20-.Ltmp9, $4  }
0x139: {  	v2 =	vld [tilespmem:s21+$0xFFFFFFE0]  }
0x13a: {  	[tilespmem:v5+s9+$0x0] =	vst.idx.add.f32.msk vm2, v1;
	vm1 =	vne.s32 v8, $0x0  }
0x13b: {  	v6 =	vshrl.u32 v8, $0x11;
	v4 =	vld [tilespmem:s21+$0xFFFFFFA0]  }
0x13c: {  	s21 =	sadd.s32 $0x400, s21;
	v5 =	vshrl.u32 v9, $0x11;
	vm2 =	vne.s32 v9, $0x0;
	[tilespmem:v10+s12+$0x0] =	vst.idx.add.f32.msk vm3, v1  }
0x13d: {  	s20 =	smov.u32 s19  }
.LBB2_22:
0x13e: {  	vm3 =	vne.s32 v2, $0x0  }
0x13f: {  	v2 =	vshrl.u32 v2, $0x11  }
0x140: {  	vm4 =	vne.s32 v4, $0x0  }
0x141: {  	v4 =	vshrl.u32 v4, $0x11;
	_ =	sdelay $0x2  }
0x142: {  	[tilespmem:v2+s10+$0x0] =	vst.idx.add.f32.msk vm3, v1  }
0x143: {  	v2 =	vld [tilespmem:s20+$0xFFFFFFF0]  }
0x144: {  	[tilespmem:v4+s10+$0x0] =	vst.idx.add.f32.msk vm4, v1  }
0x145: {  	v4 =	vld [tilespmem:s20+$0xFFFFFFB0];
	_ =	sdelay $0x2  }
0x146: {  	vm10 =	vne.s32 v2, $0x0  }
0x147: {  	v2 =	vshrl.u32 v2, $0x11  }
0x148: {  	[tilespmem:v6+s11+$0x0] =	vst.idx.add.f32.msk @p2 vm1, v1;
	vm11 =	vne.s32 v4, $0x0  }
0x149: {  	[tilespmem:v5+s11+$0x0] =	vst.idx.add.f32.msk @p2 vm2, v1;
	v4 =	vshrl.u32 v4, $0x11  }
0x14a: {  	v6 =	vld @p2 [tilespmem:s18+$0x0]  }
0x14b: {  	v5 =	vld @p2 [tilespmem:s18+$0xFFFFFFC0]  }
0x14c: {  	[tilespmem:v2+s11+$0x0] =	vst.idx.add.f32.msk vm10, v1  }
0x14d: {  	v2 =	vld [tilespmem:s20+$0x0]  }
0x14e: {  	[tilespmem:v4+s11+$0x0] =	vst.idx.add.f32.msk vm11, v1  }
0x14f: {  	v4 =	vld [tilespmem:s20+$0xFFFFFFC0];
	_ =	sdelay $0x1  }
0x150: {  	vm1 =	vne.s32 @p2 v6, $0x0;
	vm2 =	vne.s32 @p2 v5, $0x0  }
0x151: {  	v6 =	vshrl.u32 @p2 v6, $0x11;
	v5 =	vshrl.u32 @p2 v5, $0x11;
	vm2 =	vmmov @p2 vm2  }
0x152: {  	v5 =	vpsel p2, v5, v0;
	vm12 =	vne.s32 v2, $0x0  }
0x153: {  	v2 =	vshrl.u32 v2, $0x11;
	vm13 =	vne.s32 v4, $0x0  }
0x154: {  	v4 =	vshrl.u32 v4, $0x11  }
0x155: {  	[tilespmem:v3+s12+$0x0] =	vst.idx.add.f32.msk @p3 vm0, v1  }
0x156: {  	[tilespmem:v6+s12+$0x0] =	vst.idx.add.f32.msk @p2 vm1, v1  }
0x157: {  	[tilespmem:v5+s12+$0x0] =	vst.idx.add.f32.msk @p2 vm2, v1  }
0x158: {  	[tilespmem:v2+s12+$0x0] =	vst.idx.add.f32.msk vm12, v1  }
0x159: {  	s20 =	simm.s32 $0x1F0;
	[tilespmem:v4+s12+$0x0] =	vst.idx.add.f32.msk vm13, v1  }
0x15a: {  	v2 =	vld [tilespmem:s20+$0xFFFFFFD0]  }
0x15b: {  	v3 =	vld [tilespmem:s20+$0xFFFFFF90];
	_ =	sdelay $0x3  }
0x15c: {  	vm14 =	vne.s32 v2, $0x0  }
0x15d: {  	v2 =	vshrl.u32 v2, $0x11;
	vm15 =	vne.s32 v3, $0x0  }
0x15e: {  	v4 =	vshrl.u32 v3, $0x11;
	_ =	sdelay $0x2  }
.Ltmp10:
0x15f: {  	_ = 	snop;
	(pc) =	sbr.rel @!p1 .LBB2_23-.Ltmp10, $4  }
0x160: {  	[tilespmem:v2+s9+$0x0] =	vst.idx.add.f32.msk vm14, v1  }
0x161: {  	[tilespmem:v4+s9+$0x0] =	vst.idx.add.f32.msk vm15, v1  }
0x162: {  	v3 =	vld [tilespmem:s20+$0xFFFFFFE0]  }
0x163: {  	s18 =	simm.s32 $0x5F0;
	v4 =	vld [tilespmem:s20+$0xFFFFFFA0]  }
0x164: {  	_ =	sdelay $0x2  }
0x165: {  	v2 =	vld [tilespmem:s18+$0xFFFFFFD0];
	vm0 =	vne.s32 v3, $0x0  }
0x166: {  	v3 =	vshrl.u32 v3, $0x11  }
0x167: {  	v5 =	vld [tilespmem:s18+$0xFFFFFF90];
	vm1 =	vne.s32 v4, $0x0  }
0x168: {  	v4 =	vshrl.u32 v4, $0x11;
	_ =	sdelay $0x1  }
0x169: {  	vm2 =	vne.s32 v2, $0x0  }
0x16a: {  	v2 =	vshrl.u32 v2, $0x11;
	[tilespmem:v3+s10+$0x0] =	vst.idx.add.f32.msk vm0, v1  }
0x16b: {  	vm0 =	vne.s32 v5, $0x0;
	v6 =	vld [tilespmem:s20+$0xFFFFFFF0]  }
0x16c: {  	v5 =	vshrl.u32 v5, $0x11;
	[tilespmem:v4+s10+$0x0] =	vst.idx.add.f32.msk vm1, v1  }
0x16d: {  	p2 =	por $0x1, $0x1;
	v7 =	vld [tilespmem:s20+$0xFFFFFFB0]  }
.Ltmp11:
0x16e: {  	_ = 	snop;
	(pc) =	sbr.rel @!p2 .LBB2_25-.Ltmp11, $4  }
0x16f: {  	[tilespmem:v2+s9+$0x0] =	vst.idx.add.f32.msk vm2, v1  }
0x170: {  	v3 =	vld [tilespmem:s18+$0xFFFFFFE0]  }
0x171: {  	[tilespmem:v5+s9+$0x0] =	vst.idx.add.f32.msk vm0, v1;
	vm1 =	vne.s32 v6, $0x0  }
0x172: {  	s19 =	simm.s32 $0x9F0;
	p1 =	por $0x1, $0x1;
	v6 =	vshrl.u32 v6, $0x11;
	v4 =	vld [tilespmem:s18+$0xFFFFFFA0];
	v5 =	vshrl.u32 v7, $0x11;
	vm2 =	vne.s32 v7, $0x0  }
0x173: {  	_ =	sdelay $0x1  }
0x174: {  	v2 =	vld [tilespmem:s19+$0xFFFFFFD0]  }
0x175: {  	vm0 =	vne.s32 v3, $0x0  }
0x176: {  	v7 =	vld [tilespmem:s19+$0xFFFFFF90];
	v3 =	vshrl.u32 v3, $0x11  }
0x177: {  	[tilespmem:v6+s11+$0x0] =	vst.idx.add.f32.msk vm1, v1;
	vm3 =	vne.s32 v4, $0x0  }
0x178: {  	v6 =	vld [tilespmem:s20+$0x0];
	v4 =	vshrl.u32 v4, $0x11  }
0x179: {  	[tilespmem:v5+s11+$0x0] =	vst.idx.add.f32.msk vm2, v1;
	vm1 =	vne.s32 v2, $0x0  }
0x17a: {  	v5 =	vld [tilespmem:s20+$0xFFFFFFC0];
	v2 =	vshrl.u32 v2, $0x11  }
0x17b: {  	vm2 =	vne.s32 v7, $0x0;
	[tilespmem:v3+s10+$0x0] =	vst.idx.add.f32.msk vm0, v1  }
0x17c: {  	v7 =	vshrl.u32 v7, $0x11;
	v8 =	vld [tilespmem:s18+$0xFFFFFFF0]  }
0x17d: {  	[tilespmem:v4+s10+$0x0] =	vst.idx.add.f32.msk vm3, v1;
	vm3 =	vne.s32 v6, $0x0  }
0x17e: {  	p2 =	por $0x1, $0x1;
	v10 =	vshrl.u32 v6, $0x11;
	v9 =	vld [tilespmem:s18+$0xFFFFFFB0]  }
.Ltmp12:
0x17f: {  	[tilespmem:v2+s9+$0x0] =	vst.idx.add.f32.msk vm1, v1;
	(pc) =	sbr.rel @!p2 .LBB2_27-.Ltmp12, $4  }
0x180: {  	vm0 =	vne.s32 v5, $0x0;
	v3 =	vld [tilespmem:s19+$0xFFFFFFE0]  }
0x181: {  	[tilespmem:v7+s9+$0x0] =	vst.idx.add.f32.msk vm2, v1;
	v2 =	vshrl.u32 v5, $0x11;
	vm1 =	vne.s32 v8, $0x0  }
0x182: {  	v4 =	vld [tilespmem:s19+$0xFFFFFFA0];
	v6 =	vshrl.u32 v8, $0x11  }
0x183: {  	s21 =	simm.s32 $0xDF0;
	p0 =	por $0x1, $0x1;
	s20 =	simm.s32 $0x4;
	v5 =	vshrl.u32 v9, $0x11;
	vm2 =	vne.s32 v9, $0x0;
	[tilespmem:v10+s12+$0x0] =	vst.idx.add.f32.msk vm3, v1  }
.LBB2_28:
0x184: {  	v7 =	vld [tilespmem:s21+$0xFFFFFFD0];
	s20 =	sadd.s32 $0x2, s20  }
0x185: {  	v8 =	vld [tilespmem:s21+$0xFFFFFF90];
	p2 =	slt.u32 s20, $0x1E;
	vm3 =	vne.s32 v3, $0x0  }
0x186: {  	v3 =	vshrl.u32 v3, $0x11;
	[tilespmem:v2+s12+$0x0] =	vst.idx.add.f32.msk vm0, v1  }
0x187: {  	v2 =	vshrl.u32 v4, $0x11;
	vm0 =	vne.s32 v4, $0x0;
	[tilespmem:v6+s11+$0x0] =	vst.idx.add.f32.msk vm1, v1  }
0x188: {  	v4 =	vld [tilespmem:s18+$0x0]  }
0x189: {  	vm1 =	vne.s32 v7, $0x0;
	[tilespmem:v5+s11+$0x0] =	vst.idx.add.f32.msk vm2, v1  }
0x18a: {  	v6 =	vshrl.u32 v7, $0x11;
	v5 =	vshrl.u32 v8, $0x11;
	vm2 =	vne.s32 v8, $0x0;
	v7 =	vld [tilespmem:s18+$0xFFFFFFC0];
	s18 =	smov.u32 s19;
	s19 =	smov.u32 s21  }
0x18b: {  	[tilespmem:v3+s10+$0x0] =	vst.idx.add.f32.msk vm3, v1  }
0x18c: {  	v8 =	vld [tilespmem:s18+$0xFFFFFFF0]  }
0x18d: {  	[tilespmem:v2+s10+$0x0] =	vst.idx.add.f32.msk vm0, v1;
	vm3 =	vne.s32 v4, $0x0  }
0x18e: {  	v10 =	vshrl.u32 v4, $0x11;
	v9 =	vld [tilespmem:s18+$0xFFFFFFB0]  }
.Ltmp13:
0x18f: {  	[tilespmem:v6+s9+$0x0] =	vst.idx.add.f32.msk vm1, v1;
	v2 =	vshrl.u32 v7, $0x11;
	vm0 =	vne.s32 v7, $0x0;
	(pc) =	sbr.rel @p2 .LBB2_28-.Ltmp13, $4  }
0x190: {  	v3 =	vld [tilespmem:s21+$0xFFFFFFE0]  }
0x191: {  	[tilespmem:v5+s9+$0x0] =	vst.idx.add.f32.msk vm2, v1;
	vm1 =	vne.s32 v8, $0x0  }
0x192: {  	v6 =	vshrl.u32 v8, $0x11;
	v4 =	vld [tilespmem:s21+$0xFFFFFFA0]  }
0x193: {  	s21 =	sadd.s32 $0x400, s21;
	v5 =	vshrl.u32 v9, $0x11;
	vm2 =	vne.s32 v9, $0x0;
	[tilespmem:v10+s12+$0x0] =	vst.idx.add.f32.msk vm3, v1  }
0x194: {  	s20 =	smov.u32 s19  }
.LBB2_30:
0x195: {  	vm3 =	vne.s32 v3, $0x0  }
0x196: {  	v3 =	vshrl.u32 v3, $0x11  }
0x197: {  	vm4 =	vne.s32 v4, $0x0  }
0x198: {  	v4 =	vshrl.u32 v4, $0x11;
	_ =	sdelay $0x2  }
0x199: {  	[tilespmem:v3+s10+$0x0] =	vst.idx.add.f32.msk vm3, v1  }
0x19a: {  	v3 =	vld [tilespmem:s20+$0xFFFFFFF0]  }
0x19b: {  	[tilespmem:v4+s10+$0x0] =	vst.idx.add.f32.msk vm4, v1  }
0x19c: {  	v4 =	vld [tilespmem:s20+$0xFFFFFFB0];
	_ =	sdelay $0x2  }
0x19d: {  	vm10 =	vne.s32 v3, $0x0  }
0x19e: {  	v3 =	vshrl.u32 v3, $0x11  }
0x19f: {  	[tilespmem:v6+s11+$0x0] =	vst.idx.add.f32.msk @p1 vm1, v1;
	vm11 =	vne.s32 v4, $0x0  }
0x1a0: {  	[tilespmem:v5+s11+$0x0] =	vst.idx.add.f32.msk @p1 vm2, v1;
	v4 =	vshrl.u32 v4, $0x11  }
0x1a1: {  	v6 =	vld @p1 [tilespmem:s18+$0x0]  }
0x1a2: {  	v5 =	vld @p1 [tilespmem:s18+$0xFFFFFFC0]  }
0x1a3: {  	[tilespmem:v3+s11+$0x0] =	vst.idx.add.f32.msk vm10, v1  }
0x1a4: {  	v3 =	vld [tilespmem:s20+$0x0]  }
0x1a5: {  	[tilespmem:v4+s11+$0x0] =	vst.idx.add.f32.msk vm11, v1  }
0x1a6: {  	v4 =	vld [tilespmem:s20+$0xFFFFFFC0];
	_ =	sdelay $0x1  }
0x1a7: {  	vm1 =	vne.s32 @p1 v6, $0x0;
	vm2 =	vne.s32 @p1 v5, $0x0  }
0x1a8: {  	v6 =	vshrl.u32 @p1 v6, $0x11;
	v5 =	vshrl.u32 @p1 v5, $0x11;
	vm2 =	vmmov @p1 vm2  }
0x1a9: {  	v5 =	vpsel p1, v5, v0;
	vm12 =	vne.s32 v3, $0x0  }
0x1aa: {  	v3 =	vshrl.u32 v3, $0x11;
	vm13 =	vne.s32 v4, $0x0  }
0x1ab: {  	v4 =	vshrl.u32 v4, $0x11  }
0x1ac: {  	[tilespmem:v2+s12+$0x0] =	vst.idx.add.f32.msk @p0 vm0, v1  }
0x1ad: {  	[tilespmem:v6+s12+$0x0] =	vst.idx.add.f32.msk @p1 vm1, v1  }
0x1ae: {  	[tilespmem:v5+s12+$0x0] =	vst.idx.add.f32.msk @p1 vm2, v1  }
0x1af: {  	[tilespmem:v3+s12+$0x0] =	vst.idx.add.f32.msk vm12, v1  }
0x1b0: {  	s20 =	simm.s32 $0x270;
	[tilespmem:v4+s12+$0x0] =	vst.idx.add.f32.msk vm13, v1  }
0x1b1: {  	v2 =	vld [tilespmem:s20+$0xFFFFFFD0]  }
0x1b2: {  	v3 =	vld [tilespmem:s20+$0xFFFFFF90];
	_ =	sdelay $0x3  }
0x1b3: {  	vm14 =	vne.s32 v2, $0x0  }
0x1b4: {  	v2 =	vshrl.u32 v2, $0x11;
	vm15 =	vne.s32 v3, $0x0  }
0x1b5: {  	v3 =	vshrl.u32 v3, $0x11;
	_ =	sdelay $0x1  }
0x1b6: {  	p1 =	por $0x1, $0x1  }
.Ltmp14:
0x1b7: {  	_ = 	snop;
	(pc) =	sbr.rel @!p1 .LBB2_31-.Ltmp14, $4  }
0x1b8: {  	[tilespmem:v2+s9+$0x0] =	vst.idx.add.f32.msk vm14, v1  }
0x1b9: {  	[tilespmem:v3+s9+$0x0] =	vst.idx.add.f32.msk vm15, v1  }
0x1ba: {  	v2 =	vld [tilespmem:s20+$0xFFFFFFE0]  }
0x1bb: {  	p2 =	por $0x0, $0x0;
	p0 =	por $0x0, $0x0;
	s18 =	simm.s32 $0x670;
	v4 =	vld [tilespmem:s20+$0xFFFFFFA0]  }
0x1bc: {  	_ =	sdelay $0x2  }
0x1bd: {  	v3 =	vld [tilespmem:s18+$0xFFFFFFD0];
	vm0 =	vne.s32 v2, $0x0  }
0x1be: {  	v2 =	vshrl.u32 v2, $0x11  }
0x1bf: {  	v5 =	vld [tilespmem:s18+$0xFFFFFF90];
	vm1 =	vne.s32 v4, $0x0  }
0x1c0: {  	v4 =	vshrl.u32 v4, $0x11;
	_ =	sdelay $0x1  }
0x1c1: {  	vm2 =	vne.s32 v3, $0x0  }
0x1c2: {  	v3 =	vshrl.u32 v3, $0x11;
	[tilespmem:v2+s10+$0x0] =	vst.idx.add.f32.msk vm0, v1  }
0x1c3: {  	vm0 =	vne.s32 v5, $0x0;
	v6 =	vld [tilespmem:s20+$0xFFFFFFF0]  }
0x1c4: {  	v5 =	vshrl.u32 v5, $0x11;
	[tilespmem:v4+s10+$0x0] =	vst.idx.add.f32.msk vm1, v1  }
0x1c5: {  	p3 =	por $0x1, $0x1;
	v7 =	vld [tilespmem:s20+$0xFFFFFFB0]  }
.Ltmp15:
0x1c6: {  	_ = 	snop;
	(pc) =	sbr.rel @!p3 .LBB2_33-.Ltmp15, $4  }
0x1c7: {  	[tilespmem:v3+s9+$0x0] =	vst.idx.add.f32.msk vm2, v1  }
0x1c8: {  	v2 =	vld [tilespmem:s18+$0xFFFFFFE0]  }
0x1c9: {  	[tilespmem:v5+s9+$0x0] =	vst.idx.add.f32.msk vm0, v1;
	vm1 =	vne.s32 v6, $0x0  }
0x1ca: {  	s19 =	simm.s32 $0xA70;
	p2 =	por $0x1, $0x1;
	v6 =	vshrl.u32 v6, $0x11;
	v4 =	vld [tilespmem:s18+$0xFFFFFFA0];
	v5 =	vshrl.u32 v7, $0x11;
	vm2 =	vne.s32 v7, $0x0  }
0x1cb: {  	_ =	sdelay $0x1  }
0x1cc: {  	v3 =	vld [tilespmem:s19+$0xFFFFFFD0]  }
0x1cd: {  	vm0 =	vne.s32 v2, $0x0  }
0x1ce: {  	v7 =	vld [tilespmem:s19+$0xFFFFFF90];
	v2 =	vshrl.u32 v2, $0x11  }
0x1cf: {  	[tilespmem:v6+s11+$0x0] =	vst.idx.add.f32.msk vm1, v1;
	vm3 =	vne.s32 v4, $0x0  }
0x1d0: {  	v6 =	vld [tilespmem:s20+$0x0];
	v4 =	vshrl.u32 v4, $0x11  }
0x1d1: {  	[tilespmem:v5+s11+$0x0] =	vst.idx.add.f32.msk vm2, v1;
	vm1 =	vne.s32 v3, $0x0  }
0x1d2: {  	v5 =	vld [tilespmem:s20+$0xFFFFFFC0];
	v3 =	vshrl.u32 v3, $0x11  }
0x1d3: {  	vm2 =	vne.s32 v7, $0x0;
	[tilespmem:v2+s10+$0x0] =	vst.idx.add.f32.msk vm0, v1  }
0x1d4: {  	v7 =	vshrl.u32 v7, $0x11;
	v8 =	vld [tilespmem:s18+$0xFFFFFFF0]  }
0x1d5: {  	[tilespmem:v4+s10+$0x0] =	vst.idx.add.f32.msk vm3, v1;
	vm3 =	vne.s32 v6, $0x0  }
0x1d6: {  	p4 =	por $0x1, $0x1;
	v10 =	vshrl.u32 v6, $0x11;
	v9 =	vld [tilespmem:s18+$0xFFFFFFB0]  }
.Ltmp16:
0x1d7: {  	[tilespmem:v3+s9+$0x0] =	vst.idx.add.f32.msk vm1, v1;
	(pc) =	sbr.rel @!p4 .LBB2_35-.Ltmp16, $4  }
0x1d8: {  	vm0 =	vne.s32 v5, $0x0;
	v2 =	vld [tilespmem:s19+$0xFFFFFFE0]  }
0x1d9: {  	[tilespmem:v7+s9+$0x0] =	vst.idx.add.f32.msk vm2, v1;
	v3 =	vshrl.u32 v5, $0x11;
	vm1 =	vne.s32 v8, $0x0  }
0x1da: {  	v4 =	vld [tilespmem:s19+$0xFFFFFFA0];
	v6 =	vshrl.u32 v8, $0x11  }
0x1db: {  	s21 =	simm.s32 $0xE70;
	p3 =	por $0x1, $0x1;
	s20 =	simm.s32 $0x4;
	v5 =	vshrl.u32 v9, $0x11;
	vm2 =	vne.s32 v9, $0x0;
	[tilespmem:v10+s12+$0x0] =	vst.idx.add.f32.msk vm3, v1  }
.LBB2_36:
0x1dc: {  	v7 =	vld [tilespmem:s21+$0xFFFFFFD0];
	s20 =	sadd.s32 $0x2, s20  }
0x1dd: {  	v8 =	vld [tilespmem:s21+$0xFFFFFF90];
	p4 =	slt.u32 s20, $0x1E;
	vm3 =	vne.s32 v2, $0x0  }
0x1de: {  	v2 =	vshrl.u32 v2, $0x11;
	[tilespmem:v3+s12+$0x0] =	vst.idx.add.f32.msk vm0, v1  }
0x1df: {  	v3 =	vshrl.u32 v4, $0x11;
	vm0 =	vne.s32 v4, $0x0;
	[tilespmem:v6+s11+$0x0] =	vst.idx.add.f32.msk vm1, v1  }
0x1e0: {  	v4 =	vld [tilespmem:s18+$0x0]  }
0x1e1: {  	vm1 =	vne.s32 v7, $0x0;
	[tilespmem:v5+s11+$0x0] =	vst.idx.add.f32.msk vm2, v1  }
0x1e2: {  	v6 =	vshrl.u32 v7, $0x11;
	v5 =	vshrl.u32 v8, $0x11;
	vm2 =	vne.s32 v8, $0x0;
	v7 =	vld [tilespmem:s18+$0xFFFFFFC0];
	s18 =	smov.u32 s19;
	s19 =	smov.u32 s21  }
0x1e3: {  	[tilespmem:v2+s10+$0x0] =	vst.idx.add.f32.msk vm3, v1  }
0x1e4: {  	v8 =	vld [tilespmem:s18+$0xFFFFFFF0]  }
0x1e5: {  	[tilespmem:v3+s10+$0x0] =	vst.idx.add.f32.msk vm0, v1;
	vm3 =	vne.s32 v4, $0x0  }
0x1e6: {  	v10 =	vshrl.u32 v4, $0x11;
	v9 =	vld [tilespmem:s18+$0xFFFFFFB0]  }
.Ltmp17:
0x1e7: {  	[tilespmem:v6+s9+$0x0] =	vst.idx.add.f32.msk vm1, v1;
	v3 =	vshrl.u32 v7, $0x11;
	vm0 =	vne.s32 v7, $0x0;
	(pc) =	sbr.rel @p4 .LBB2_36-.Ltmp17, $4  }
0x1e8: {  	v2 =	vld [tilespmem:s21+$0xFFFFFFE0]  }
0x1e9: {  	[tilespmem:v5+s9+$0x0] =	vst.idx.add.f32.msk vm2, v1;
	vm1 =	vne.s32 v8, $0x0  }
0x1ea: {  	v6 =	vshrl.u32 v8, $0x11;
	v4 =	vld [tilespmem:s21+$0xFFFFFFA0]  }
0x1eb: {  	s21 =	sadd.s32 $0x400, s21;
	v5 =	vshrl.u32 v9, $0x11;
	vm2 =	vne.s32 v9, $0x0;
	[tilespmem:v10+s12+$0x0] =	vst.idx.add.f32.msk vm3, v1  }
0x1ec: {  	s20 =	smov.u32 s19  }
.LBB2_38:
0x1ed: {  	vm3 =	vne.s32 v2, $0x0  }
0x1ee: {  	v2 =	vshrl.u32 v2, $0x11  }
0x1ef: {  	vm4 =	vne.s32 v4, $0x0  }
0x1f0: {  	v4 =	vshrl.u32 v4, $0x11;
	_ =	sdelay $0x2  }
0x1f1: {  	[tilespmem:v2+s10+$0x0] =	vst.idx.add.f32.msk vm3, v1  }
0x1f2: {  	v2 =	vld [tilespmem:s20+$0xFFFFFFF0]  }
0x1f3: {  	[tilespmem:v4+s10+$0x0] =	vst.idx.add.f32.msk vm4, v1  }
0x1f4: {  	v4 =	vld [tilespmem:s20+$0xFFFFFFB0];
	_ =	sdelay $0x2  }
0x1f5: {  	vm10 =	vne.s32 v2, $0x0  }
0x1f6: {  	v2 =	vshrl.u32 v2, $0x11  }
0x1f7: {  	[tilespmem:v6+s11+$0x0] =	vst.idx.add.f32.msk @p2 vm1, v1;
	vm11 =	vne.s32 v4, $0x0  }
0x1f8: {  	[tilespmem:v5+s11+$0x0] =	vst.idx.add.f32.msk @p2 vm2, v1;
	v4 =	vshrl.u32 v4, $0x11  }
0x1f9: {  	v6 =	vld @p2 [tilespmem:s18+$0x0]  }
0x1fa: {  	v5 =	vld @p2 [tilespmem:s18+$0xFFFFFFC0]  }
0x1fb: {  	[tilespmem:v2+s11+$0x0] =	vst.idx.add.f32.msk vm10, v1  }
0x1fc: {  	v2 =	vld [tilespmem:s20+$0x0]  }
0x1fd: {  	[tilespmem:v4+s11+$0x0] =	vst.idx.add.f32.msk vm11, v1  }
0x1fe: {  	v4 =	vld [tilespmem:s20+$0xFFFFFFC0];
	_ =	sdelay $0x1  }
0x1ff: {  	vm1 =	vne.s32 @p2 v6, $0x0;
	vm2 =	vne.s32 @p2 v5, $0x0  }
0x200: {  	v6 =	vshrl.u32 @p2 v6, $0x11;
	v5 =	vshrl.u32 @p2 v5, $0x11;
	vm2 =	vmmov @p2 vm2  }
0x201: {  	v5 =	vpsel p2, v5, v0;
	vm12 =	vne.s32 v2, $0x0  }
0x202: {  	v2 =	vshrl.u32 v2, $0x11;
	vm13 =	vne.s32 v4, $0x0  }
0x203: {  	v4 =	vshrl.u32 v4, $0x11  }
0x204: {  	[tilespmem:v3+s12+$0x0] =	vst.idx.add.f32.msk @p3 vm0, v1  }
0x205: {  	[tilespmem:v6+s12+$0x0] =	vst.idx.add.f32.msk @p2 vm1, v1  }
0x206: {  	[tilespmem:v5+s12+$0x0] =	vst.idx.add.f32.msk @p2 vm2, v1  }
0x207: {  	[tilespmem:v2+s12+$0x0] =	vst.idx.add.f32.msk vm12, v1  }
0x208: {  	s20 =	simm.s32 $0x2F0;
	[tilespmem:v4+s12+$0x0] =	vst.idx.add.f32.msk vm13, v1  }
0x209: {  	v2 =	vld [tilespmem:s20+$0xFFFFFFD0]  }
0x20a: {  	v3 =	vld [tilespmem:s20+$0xFFFFFF90];
	_ =	sdelay $0x3  }
0x20b: {  	vm14 =	vne.s32 v2, $0x0  }
0x20c: {  	v2 =	vshrl.u32 v2, $0x11;
	vm15 =	vne.s32 v3, $0x0  }
0x20d: {  	v4 =	vshrl.u32 v3, $0x11;
	_ =	sdelay $0x2  }
.Ltmp18:
0x20e: {  	_ = 	snop;
	(pc) =	sbr.rel @!p1 .LBB2_39-.Ltmp18, $4  }
0x20f: {  	[tilespmem:v2+s9+$0x0] =	vst.idx.add.f32.msk vm14, v1  }
0x210: {  	[tilespmem:v4+s9+$0x0] =	vst.idx.add.f32.msk vm15, v1  }
0x211: {  	v3 =	vld [tilespmem:s20+$0xFFFFFFE0]  }
0x212: {  	s18 =	simm.s32 $0x6F0;
	v4 =	vld [tilespmem:s20+$0xFFFFFFA0]  }
0x213: {  	_ =	sdelay $0x2  }
0x214: {  	v2 =	vld [tilespmem:s18+$0xFFFFFFD0];
	vm0 =	vne.s32 v3, $0x0  }
0x215: {  	v3 =	vshrl.u32 v3, $0x11  }
0x216: {  	v5 =	vld [tilespmem:s18+$0xFFFFFF90];
	vm1 =	vne.s32 v4, $0x0  }
0x217: {  	v4 =	vshrl.u32 v4, $0x11;
	_ =	sdelay $0x1  }
0x218: {  	vm2 =	vne.s32 v2, $0x0  }
0x219: {  	v2 =	vshrl.u32 v2, $0x11;
	[tilespmem:v3+s10+$0x0] =	vst.idx.add.f32.msk vm0, v1  }
0x21a: {  	vm0 =	vne.s32 v5, $0x0;
	v6 =	vld [tilespmem:s20+$0xFFFFFFF0]  }
0x21b: {  	v5 =	vshrl.u32 v5, $0x11;
	[tilespmem:v4+s10+$0x0] =	vst.idx.add.f32.msk vm1, v1  }
0x21c: {  	p2 =	por $0x1, $0x1;
	v7 =	vld [tilespmem:s20+$0xFFFFFFB0]  }
.Ltmp19:
0x21d: {  	_ = 	snop;
	(pc) =	sbr.rel @!p2 .LBB2_41-.Ltmp19, $4  }
0x21e: {  	[tilespmem:v2+s9+$0x0] =	vst.idx.add.f32.msk vm2, v1  }
0x21f: {  	v3 =	vld [tilespmem:s18+$0xFFFFFFE0]  }
0x220: {  	[tilespmem:v5+s9+$0x0] =	vst.idx.add.f32.msk vm0, v1;
	vm1 =	vne.s32 v6, $0x0  }
0x221: {  	s19 =	simm.s32 $0xAF0;
	p1 =	por $0x1, $0x1;
	v6 =	vshrl.u32 v6, $0x11;
	v4 =	vld [tilespmem:s18+$0xFFFFFFA0];
	v5 =	vshrl.u32 v7, $0x11;
	vm2 =	vne.s32 v7, $0x0  }
0x222: {  	_ =	sdelay $0x1  }
0x223: {  	v2 =	vld [tilespmem:s19+$0xFFFFFFD0]  }
0x224: {  	vm0 =	vne.s32 v3, $0x0  }
0x225: {  	v7 =	vld [tilespmem:s19+$0xFFFFFF90];
	v3 =	vshrl.u32 v3, $0x11  }
0x226: {  	[tilespmem:v6+s11+$0x0] =	vst.idx.add.f32.msk vm1, v1;
	vm3 =	vne.s32 v4, $0x0  }
0x227: {  	v6 =	vld [tilespmem:s20+$0x0];
	v4 =	vshrl.u32 v4, $0x11  }
0x228: {  	[tilespmem:v5+s11+$0x0] =	vst.idx.add.f32.msk vm2, v1;
	vm1 =	vne.s32 v2, $0x0  }
0x229: {  	v5 =	vld [tilespmem:s20+$0xFFFFFFC0];
	v2 =	vshrl.u32 v2, $0x11  }
0x22a: {  	vm2 =	vne.s32 v7, $0x0;
	[tilespmem:v3+s10+$0x0] =	vst.idx.add.f32.msk vm0, v1  }
0x22b: {  	v7 =	vshrl.u32 v7, $0x11;
	v8 =	vld [tilespmem:s18+$0xFFFFFFF0]  }
0x22c: {  	[tilespmem:v4+s10+$0x0] =	vst.idx.add.f32.msk vm3, v1;
	vm3 =	vne.s32 v6, $0x0  }
0x22d: {  	p2 =	por $0x1, $0x1;
	v10 =	vshrl.u32 v6, $0x11;
	v9 =	vld [tilespmem:s18+$0xFFFFFFB0]  }
.Ltmp20:
0x22e: {  	[tilespmem:v2+s9+$0x0] =	vst.idx.add.f32.msk vm1, v1;
	(pc) =	sbr.rel @!p2 .LBB2_43-.Ltmp20, $4  }
0x22f: {  	vm0 =	vne.s32 v5, $0x0;
	v3 =	vld [tilespmem:s19+$0xFFFFFFE0]  }
0x230: {  	[tilespmem:v7+s9+$0x0] =	vst.idx.add.f32.msk vm2, v1;
	v2 =	vshrl.u32 v5, $0x11;
	vm1 =	vne.s32 v8, $0x0  }
0x231: {  	v4 =	vld [tilespmem:s19+$0xFFFFFFA0];
	v6 =	vshrl.u32 v8, $0x11  }
0x232: {  	s21 =	simm.s32 $0xEF0;
	p0 =	por $0x1, $0x1;
	s20 =	simm.s32 $0x4;
	v5 =	vshrl.u32 v9, $0x11;
	vm2 =	vne.s32 v9, $0x0;
	[tilespmem:v10+s12+$0x0] =	vst.idx.add.f32.msk vm3, v1  }
.LBB2_44:
0x233: {  	v7 =	vld [tilespmem:s21+$0xFFFFFFD0];
	s20 =	sadd.s32 $0x2, s20  }
0x234: {  	v8 =	vld [tilespmem:s21+$0xFFFFFF90];
	p2 =	slt.u32 s20, $0x1E;
	vm3 =	vne.s32 v3, $0x0  }
0x235: {  	v3 =	vshrl.u32 v3, $0x11;
	[tilespmem:v2+s12+$0x0] =	vst.idx.add.f32.msk vm0, v1  }
0x236: {  	v2 =	vshrl.u32 v4, $0x11;
	vm0 =	vne.s32 v4, $0x0;
	[tilespmem:v6+s11+$0x0] =	vst.idx.add.f32.msk vm1, v1  }
0x237: {  	v4 =	vld [tilespmem:s18+$0x0]  }
0x238: {  	vm1 =	vne.s32 v7, $0x0;
	[tilespmem:v5+s11+$0x0] =	vst.idx.add.f32.msk vm2, v1  }
0x239: {  	v6 =	vshrl.u32 v7, $0x11;
	v5 =	vshrl.u32 v8, $0x11;
	vm2 =	vne.s32 v8, $0x0;
	v7 =	vld [tilespmem:s18+$0xFFFFFFC0];
	s18 =	smov.u32 s19;
	s19 =	smov.u32 s21  }
0x23a: {  	[tilespmem:v3+s10+$0x0] =	vst.idx.add.f32.msk vm3, v1  }
0x23b: {  	v8 =	vld [tilespmem:s18+$0xFFFFFFF0]  }
0x23c: {  	[tilespmem:v2+s10+$0x0] =	vst.idx.add.f32.msk vm0, v1;
	vm3 =	vne.s32 v4, $0x0  }
0x23d: {  	v10 =	vshrl.u32 v4, $0x11;
	v9 =	vld [tilespmem:s18+$0xFFFFFFB0]  }
.Ltmp21:
0x23e: {  	[tilespmem:v6+s9+$0x0] =	vst.idx.add.f32.msk vm1, v1;
	v2 =	vshrl.u32 v7, $0x11;
	vm0 =	vne.s32 v7, $0x0;
	(pc) =	sbr.rel @p2 .LBB2_44-.Ltmp21, $4  }
0x23f: {  	v3 =	vld [tilespmem:s21+$0xFFFFFFE0]  }
0x240: {  	[tilespmem:v5+s9+$0x0] =	vst.idx.add.f32.msk vm2, v1;
	vm1 =	vne.s32 v8, $0x0  }
0x241: {  	v6 =	vshrl.u32 v8, $0x11;
	v4 =	vld [tilespmem:s21+$0xFFFFFFA0]  }
0x242: {  	s21 =	sadd.s32 $0x400, s21;
	v5 =	vshrl.u32 v9, $0x11;
	vm2 =	vne.s32 v9, $0x0;
	[tilespmem:v10+s12+$0x0] =	vst.idx.add.f32.msk vm3, v1  }
0x243: {  	s20 =	smov.u32 s19  }
.LBB2_46:
0x244: {  	vm3 =	vne.s32 v3, $0x0  }
0x245: {  	v3 =	vshrl.u32 v3, $0x11  }
0x246: {  	vm4 =	vne.s32 v4, $0x0  }
0x247: {  	v4 =	vshrl.u32 v4, $0x11;
	_ =	sdelay $0x2  }
0x248: {  	[tilespmem:v3+s10+$0x0] =	vst.idx.add.f32.msk vm3, v1  }
0x249: {  	v3 =	vld [tilespmem:s20+$0xFFFFFFF0]  }
0x24a: {  	[tilespmem:v4+s10+$0x0] =	vst.idx.add.f32.msk vm4, v1  }
0x24b: {  	v4 =	vld [tilespmem:s20+$0xFFFFFFB0];
	_ =	sdelay $0x2  }
0x24c: {  	vm10 =	vne.s32 v3, $0x0  }
0x24d: {  	v3 =	vshrl.u32 v3, $0x11  }
0x24e: {  	[tilespmem:v6+s11+$0x0] =	vst.idx.add.f32.msk @p1 vm1, v1;
	vm11 =	vne.s32 v4, $0x0  }
0x24f: {  	[tilespmem:v5+s11+$0x0] =	vst.idx.add.f32.msk @p1 vm2, v1;
	v4 =	vshrl.u32 v4, $0x11  }
0x250: {  	v6 =	vld @p1 [tilespmem:s18+$0x0]  }
0x251: {  	v5 =	vld @p1 [tilespmem:s18+$0xFFFFFFC0]  }
0x252: {  	[tilespmem:v3+s11+$0x0] =	vst.idx.add.f32.msk vm10, v1  }
0x253: {  	v3 =	vld [tilespmem:s20+$0x0]  }
0x254: {  	[tilespmem:v4+s11+$0x0] =	vst.idx.add.f32.msk vm11, v1  }
0x255: {  	v4 =	vld [tilespmem:s20+$0xFFFFFFC0];
	_ =	sdelay $0x1  }
0x256: {  	vm1 =	vne.s32 @p1 v6, $0x0;
	vm2 =	vne.s32 @p1 v5, $0x0  }
0x257: {  	v6 =	vshrl.u32 @p1 v6, $0x11;
	v5 =	vshrl.u32 @p1 v5, $0x11;
	vm2 =	vmmov @p1 vm2  }
0x258: {  	v5 =	vpsel p1, v5, v0;
	vm12 =	vne.s32 v3, $0x0  }
0x259: {  	v3 =	vshrl.u32 v3, $0x11;
	vm13 =	vne.s32 v4, $0x0  }
0x25a: {  	v4 =	vshrl.u32 v4, $0x11  }
0x25b: {  	[tilespmem:v2+s12+$0x0] =	vst.idx.add.f32.msk @p0 vm0, v1  }
0x25c: {  	[tilespmem:v6+s12+$0x0] =	vst.idx.add.f32.msk @p1 vm1, v1  }
0x25d: {  	[tilespmem:v5+s12+$0x0] =	vst.idx.add.f32.msk @p1 vm2, v1  }
0x25e: {  	[tilespmem:v3+s12+$0x0] =	vst.idx.add.f32.msk vm12, v1  }
0x25f: {  	s20 =	simm.s32 $0x370;
	[tilespmem:v4+s12+$0x0] =	vst.idx.add.f32.msk vm13, v1  }
0x260: {  	v2 =	vld [tilespmem:s20+$0xFFFFFFD0]  }
0x261: {  	v3 =	vld [tilespmem:s20+$0xFFFFFF90];
	_ =	sdelay $0x3  }
0x262: {  	vm14 =	vne.s32 v2, $0x0  }
0x263: {  	v2 =	vshrl.u32 v2, $0x11;
	vm15 =	vne.s32 v3, $0x0  }
0x264: {  	v3 =	vshrl.u32 v3, $0x11;
	_ =	sdelay $0x1  }
0x265: {  	p1 =	por $0x1, $0x1  }
.Ltmp22:
0x266: {  	_ = 	snop;
	(pc) =	sbr.rel @!p1 .LBB2_47-.Ltmp22, $4  }
0x267: {  	[tilespmem:v2+s9+$0x0] =	vst.idx.add.f32.msk vm14, v1  }
0x268: {  	[tilespmem:v3+s9+$0x0] =	vst.idx.add.f32.msk vm15, v1  }
0x269: {  	v2 =	vld [tilespmem:s20+$0xFFFFFFE0]  }
0x26a: {  	p2 =	por $0x0, $0x0;
	p0 =	por $0x0, $0x0;
	s18 =	simm.s32 $0x770;
	v4 =	vld [tilespmem:s20+$0xFFFFFFA0]  }
0x26b: {  	_ =	sdelay $0x2  }
0x26c: {  	v3 =	vld [tilespmem:s18+$0xFFFFFFD0];
	vm0 =	vne.s32 v2, $0x0  }
0x26d: {  	v2 =	vshrl.u32 v2, $0x11  }
0x26e: {  	v5 =	vld [tilespmem:s18+$0xFFFFFF90];
	vm1 =	vne.s32 v4, $0x0  }
0x26f: {  	v4 =	vshrl.u32 v4, $0x11;
	_ =	sdelay $0x1  }
0x270: {  	vm2 =	vne.s32 v3, $0x0  }
0x271: {  	v3 =	vshrl.u32 v3, $0x11;
	[tilespmem:v2+s10+$0x0] =	vst.idx.add.f32.msk vm0, v1  }
0x272: {  	vm0 =	vne.s32 v5, $0x0;
	v6 =	vld [tilespmem:s20+$0xFFFFFFF0]  }
0x273: {  	v5 =	vshrl.u32 v5, $0x11;
	[tilespmem:v4+s10+$0x0] =	vst.idx.add.f32.msk vm1, v1  }
0x274: {  	p3 =	por $0x1, $0x1;
	v7 =	vld [tilespmem:s20+$0xFFFFFFB0]  }
.Ltmp23:
0x275: {  	_ = 	snop;
	(pc) =	sbr.rel @!p3 .LBB2_49-.Ltmp23, $4  }
0x276: {  	[tilespmem:v3+s9+$0x0] =	vst.idx.add.f32.msk vm2, v1  }
0x277: {  	v2 =	vld [tilespmem:s18+$0xFFFFFFE0]  }
0x278: {  	[tilespmem:v5+s9+$0x0] =	vst.idx.add.f32.msk vm0, v1;
	vm1 =	vne.s32 v6, $0x0  }
0x279: {  	s19 =	simm.s32 $0xB70;
	p2 =	por $0x1, $0x1;
	v6 =	vshrl.u32 v6, $0x11;
	v4 =	vld [tilespmem:s18+$0xFFFFFFA0];
	v5 =	vshrl.u32 v7, $0x11;
	vm2 =	vne.s32 v7, $0x0  }
0x27a: {  	_ =	sdelay $0x1  }
0x27b: {  	v3 =	vld [tilespmem:s19+$0xFFFFFFD0]  }
0x27c: {  	vm0 =	vne.s32 v2, $0x0  }
0x27d: {  	v7 =	vld [tilespmem:s19+$0xFFFFFF90];
	v2 =	vshrl.u32 v2, $0x11  }
0x27e: {  	[tilespmem:v6+s11+$0x0] =	vst.idx.add.f32.msk vm1, v1;
	vm3 =	vne.s32 v4, $0x0  }
0x27f: {  	v6 =	vld [tilespmem:s20+$0x0];
	v4 =	vshrl.u32 v4, $0x11  }
0x280: {  	[tilespmem:v5+s11+$0x0] =	vst.idx.add.f32.msk vm2, v1;
	vm1 =	vne.s32 v3, $0x0  }
0x281: {  	v5 =	vld [tilespmem:s20+$0xFFFFFFC0];
	v3 =	vshrl.u32 v3, $0x11  }
0x282: {  	vm2 =	vne.s32 v7, $0x0;
	[tilespmem:v2+s10+$0x0] =	vst.idx.add.f32.msk vm0, v1  }
0x283: {  	v7 =	vshrl.u32 v7, $0x11;
	v8 =	vld [tilespmem:s18+$0xFFFFFFF0]  }
0x284: {  	[tilespmem:v4+s10+$0x0] =	vst.idx.add.f32.msk vm3, v1;
	vm3 =	vne.s32 v6, $0x0  }
0x285: {  	p4 =	por $0x1, $0x1;
	v10 =	vshrl.u32 v6, $0x11;
	v9 =	vld [tilespmem:s18+$0xFFFFFFB0]  }
.Ltmp24:
0x286: {  	[tilespmem:v3+s9+$0x0] =	vst.idx.add.f32.msk vm1, v1;
	(pc) =	sbr.rel @!p4 .LBB2_51-.Ltmp24, $4  }
0x287: {  	vm0 =	vne.s32 v5, $0x0;
	v2 =	vld [tilespmem:s19+$0xFFFFFFE0]  }
0x288: {  	[tilespmem:v7+s9+$0x0] =	vst.idx.add.f32.msk vm2, v1;
	v3 =	vshrl.u32 v5, $0x11;
	vm1 =	vne.s32 v8, $0x0  }
0x289: {  	v4 =	vld [tilespmem:s19+$0xFFFFFFA0];
	v6 =	vshrl.u32 v8, $0x11  }
0x28a: {  	s21 =	simm.s32 $0xF70;
	p3 =	por $0x1, $0x1;
	s20 =	simm.s32 $0x4;
	v5 =	vshrl.u32 v9, $0x11;
	vm2 =	vne.s32 v9, $0x0;
	[tilespmem:v10+s12+$0x0] =	vst.idx.add.f32.msk vm3, v1  }
.LBB2_52:
0x28b: {  	v7 =	vld [tilespmem:s21+$0xFFFFFFD0];
	s20 =	sadd.s32 $0x2, s20  }
0x28c: {  	v8 =	vld [tilespmem:s21+$0xFFFFFF90];
	p4 =	slt.u32 s20, $0x1E;
	vm3 =	vne.s32 v2, $0x0  }
0x28d: {  	v2 =	vshrl.u32 v2, $0x11;
	[tilespmem:v3+s12+$0x0] =	vst.idx.add.f32.msk vm0, v1  }
0x28e: {  	v3 =	vshrl.u32 v4, $0x11;
	vm0 =	vne.s32 v4, $0x0;
	[tilespmem:v6+s11+$0x0] =	vst.idx.add.f32.msk vm1, v1  }
0x28f: {  	v4 =	vld [tilespmem:s18+$0x0]  }
0x290: {  	vm1 =	vne.s32 v7, $0x0;
	[tilespmem:v5+s11+$0x0] =	vst.idx.add.f32.msk vm2, v1  }
0x291: {  	v6 =	vshrl.u32 v7, $0x11;
	v5 =	vshrl.u32 v8, $0x11;
	vm2 =	vne.s32 v8, $0x0;
	v7 =	vld [tilespmem:s18+$0xFFFFFFC0];
	s18 =	smov.u32 s19;
	s19 =	smov.u32 s21  }
0x292: {  	[tilespmem:v2+s10+$0x0] =	vst.idx.add.f32.msk vm3, v1  }
0x293: {  	v8 =	vld [tilespmem:s18+$0xFFFFFFF0]  }
0x294: {  	[tilespmem:v3+s10+$0x0] =	vst.idx.add.f32.msk vm0, v1;
	vm3 =	vne.s32 v4, $0x0  }
0x295: {  	v10 =	vshrl.u32 v4, $0x11;
	v9 =	vld [tilespmem:s18+$0xFFFFFFB0]  }
.Ltmp25:
0x296: {  	[tilespmem:v6+s9+$0x0] =	vst.idx.add.f32.msk vm1, v1;
	v3 =	vshrl.u32 v7, $0x11;
	vm0 =	vne.s32 v7, $0x0;
	(pc) =	sbr.rel @p4 .LBB2_52-.Ltmp25, $4  }
0x297: {  	v2 =	vld [tilespmem:s21+$0xFFFFFFE0]  }
0x298: {  	[tilespmem:v5+s9+$0x0] =	vst.idx.add.f32.msk vm2, v1;
	vm1 =	vne.s32 v8, $0x0  }
0x299: {  	v6 =	vshrl.u32 v8, $0x11;
	v4 =	vld [tilespmem:s21+$0xFFFFFFA0]  }
0x29a: {  	s21 =	sadd.s32 $0x400, s21;
	v5 =	vshrl.u32 v9, $0x11;
	vm2 =	vne.s32 v9, $0x0;
	[tilespmem:v10+s12+$0x0] =	vst.idx.add.f32.msk vm3, v1  }
0x29b: {  	s20 =	smov.u32 s19  }
.LBB2_54:
0x29c: {  	vm3 =	vne.s32 v2, $0x0  }
0x29d: {  	v2 =	vshrl.u32 v2, $0x11  }
0x29e: {  	vm4 =	vne.s32 v4, $0x0  }
0x29f: {  	v4 =	vshrl.u32 v4, $0x11;
	_ =	sdelay $0x2  }
0x2a0: {  	[tilespmem:v2+s10+$0x0] =	vst.idx.add.f32.msk vm3, v1  }
0x2a1: {  	v2 =	vld [tilespmem:s20+$0xFFFFFFF0]  }
0x2a2: {  	[tilespmem:v4+s10+$0x0] =	vst.idx.add.f32.msk vm4, v1  }
0x2a3: {  	v4 =	vld [tilespmem:s20+$0xFFFFFFB0];
	_ =	sdelay $0x2  }
0x2a4: {  	vm10 =	vne.s32 v2, $0x0  }
0x2a5: {  	v2 =	vshrl.u32 v2, $0x11  }
0x2a6: {  	[tilespmem:v6+s11+$0x0] =	vst.idx.add.f32.msk @p2 vm1, v1;
	vm11 =	vne.s32 v4, $0x0  }
0x2a7: {  	[tilespmem:v5+s11+$0x0] =	vst.idx.add.f32.msk @p2 vm2, v1;
	v4 =	vshrl.u32 v4, $0x11  }
0x2a8: {  	v6 =	vld @p2 [tilespmem:s18+$0x0]  }
0x2a9: {  	v5 =	vld @p2 [tilespmem:s18+$0xFFFFFFC0]  }
0x2aa: {  	[tilespmem:v2+s11+$0x0] =	vst.idx.add.f32.msk vm10, v1  }
0x2ab: {  	v2 =	vld [tilespmem:s20+$0x0]  }
0x2ac: {  	[tilespmem:v4+s11+$0x0] =	vst.idx.add.f32.msk vm11, v1  }
0x2ad: {  	v4 =	vld [tilespmem:s20+$0xFFFFFFC0];
	_ =	sdelay $0x1  }
0x2ae: {  	vm1 =	vne.s32 @p2 v6, $0x0;
	vm2 =	vne.s32 @p2 v5, $0x0  }
0x2af: {  	v6 =	vshrl.u32 @p2 v6, $0x11;
	v5 =	vshrl.u32 @p2 v5, $0x11;
	vm2 =	vmmov @p2 vm2  }
0x2b0: {  	v5 =	vpsel p2, v5, v0;
	vm12 =	vne.s32 v2, $0x0  }
0x2b1: {  	v2 =	vshrl.u32 v2, $0x11;
	vm13 =	vne.s32 v4, $0x0  }
0x2b2: {  	v4 =	vshrl.u32 v4, $0x11  }
0x2b3: {  	[tilespmem:v3+s12+$0x0] =	vst.idx.add.f32.msk @p3 vm0, v1  }
0x2b4: {  	[tilespmem:v6+s12+$0x0] =	vst.idx.add.f32.msk @p2 vm1, v1  }
0x2b5: {  	[tilespmem:v5+s12+$0x0] =	vst.idx.add.f32.msk @p2 vm2, v1  }
0x2b6: {  	[tilespmem:v2+s12+$0x0] =	vst.idx.add.f32.msk vm12, v1  }
0x2b7: {  	s20 =	simm.s32 $0x3F0;
	[tilespmem:v4+s12+$0x0] =	vst.idx.add.f32.msk vm13, v1  }
0x2b8: {  	v2 =	vld [tilespmem:s20+$0xFFFFFFD0]  }
0x2b9: {  	v3 =	vld [tilespmem:s20+$0xFFFFFF90];
	_ =	sdelay $0x3  }
0x2ba: {  	vm14 =	vne.s32 v2, $0x0  }
0x2bb: {  	v2 =	vshrl.u32 v2, $0x11;
	vm15 =	vne.s32 v3, $0x0  }
0x2bc: {  	v4 =	vshrl.u32 v3, $0x11;
	_ =	sdelay $0x2  }
.Ltmp26:
0x2bd: {  	_ = 	snop;
	(pc) =	sbr.rel @!p1 .LBB2_55-.Ltmp26, $4  }
0x2be: {  	[tilespmem:v2+s9+$0x0] =	vst.idx.add.f32.msk vm14, v1  }
0x2bf: {  	[tilespmem:v4+s9+$0x0] =	vst.idx.add.f32.msk vm15, v1  }
0x2c0: {  	v3 =	vld [tilespmem:s20+$0xFFFFFFE0]  }
0x2c1: {  	s18 =	simm.s32 $0x7F0;
	v4 =	vld [tilespmem:s20+$0xFFFFFFA0]  }
0x2c2: {  	_ =	sdelay $0x2  }
0x2c3: {  	v2 =	vld [tilespmem:s18+$0xFFFFFFD0];
	vm0 =	vne.s32 v3, $0x0  }
0x2c4: {  	v3 =	vshrl.u32 v3, $0x11  }
0x2c5: {  	v5 =	vld [tilespmem:s18+$0xFFFFFF90];
	vm1 =	vne.s32 v4, $0x0  }
0x2c6: {  	v4 =	vshrl.u32 v4, $0x11;
	_ =	sdelay $0x1  }
0x2c7: {  	vm2 =	vne.s32 v2, $0x0  }
0x2c8: {  	v2 =	vshrl.u32 v2, $0x11;
	[tilespmem:v3+s10+$0x0] =	vst.idx.add.f32.msk vm0, v1  }
0x2c9: {  	vm0 =	vne.s32 v5, $0x0;
	v6 =	vld [tilespmem:s20+$0xFFFFFFF0]  }
0x2ca: {  	v5 =	vshrl.u32 v5, $0x11;
	[tilespmem:v4+s10+$0x0] =	vst.idx.add.f32.msk vm1, v1  }
0x2cb: {  	p2 =	por $0x1, $0x1;
	v7 =	vld [tilespmem:s20+$0xFFFFFFB0]  }
.Ltmp27:
0x2cc: {  	_ = 	snop;
	(pc) =	sbr.rel @!p2 .LBB2_57-.Ltmp27, $4  }
0x2cd: {  	[tilespmem:v2+s9+$0x0] =	vst.idx.add.f32.msk vm2, v1  }
0x2ce: {  	v3 =	vld [tilespmem:s18+$0xFFFFFFE0]  }
0x2cf: {  	[tilespmem:v5+s9+$0x0] =	vst.idx.add.f32.msk vm0, v1;
	vm1 =	vne.s32 v6, $0x0  }
0x2d0: {  	s19 =	simm.s32 $0xBF0;
	p1 =	por $0x1, $0x1;
	v6 =	vshrl.u32 v6, $0x11;
	v4 =	vld [tilespmem:s18+$0xFFFFFFA0];
	v5 =	vshrl.u32 v7, $0x11;
	vm2 =	vne.s32 v7, $0x0  }
0x2d1: {  	_ =	sdelay $0x1  }
0x2d2: {  	v2 =	vld [tilespmem:s19+$0xFFFFFFD0]  }
0x2d3: {  	vm0 =	vne.s32 v3, $0x0  }
0x2d4: {  	v7 =	vld [tilespmem:s19+$0xFFFFFF90];
	v3 =	vshrl.u32 v3, $0x11  }
0x2d5: {  	[tilespmem:v6+s11+$0x0] =	vst.idx.add.f32.msk vm1, v1;
	vm3 =	vne.s32 v4, $0x0  }
0x2d6: {  	v6 =	vld [tilespmem:s20+$0x0];
	v4 =	vshrl.u32 v4, $0x11  }
0x2d7: {  	[tilespmem:v5+s11+$0x0] =	vst.idx.add.f32.msk vm2, v1;
	vm1 =	vne.s32 v2, $0x0  }
0x2d8: {  	v5 =	vld [tilespmem:s20+$0xFFFFFFC0];
	v2 =	vshrl.u32 v2, $0x11  }
0x2d9: {  	vm2 =	vne.s32 v7, $0x0;
	[tilespmem:v3+s10+$0x0] =	vst.idx.add.f32.msk vm0, v1  }
0x2da: {  	v7 =	vshrl.u32 v7, $0x11;
	v8 =	vld [tilespmem:s18+$0xFFFFFFF0]  }
0x2db: {  	[tilespmem:v4+s10+$0x0] =	vst.idx.add.f32.msk vm3, v1;
	vm3 =	vne.s32 v6, $0x0  }
0x2dc: {  	p2 =	por $0x1, $0x1;
	v10 =	vshrl.u32 v6, $0x11;
	v9 =	vld [tilespmem:s18+$0xFFFFFFB0]  }
.Ltmp28:
0x2dd: {  	[tilespmem:v2+s9+$0x0] =	vst.idx.add.f32.msk vm1, v1;
	(pc) =	sbr.rel @!p2 .LBB2_59-.Ltmp28, $4  }
0x2de: {  	vm0 =	vne.s32 v5, $0x0;
	v3 =	vld [tilespmem:s19+$0xFFFFFFE0]  }
0x2df: {  	[tilespmem:v7+s9+$0x0] =	vst.idx.add.f32.msk vm2, v1;
	v2 =	vshrl.u32 v5, $0x11;
	vm1 =	vne.s32 v8, $0x0  }
0x2e0: {  	v4 =	vld [tilespmem:s19+$0xFFFFFFA0];
	v6 =	vshrl.u32 v8, $0x11  }
0x2e1: {  	s21 =	simm.s32 $0xFF0;
	p0 =	por $0x1, $0x1;
	s20 =	simm.s32 $0x4;
	v5 =	vshrl.u32 v9, $0x11;
	vm2 =	vne.s32 v9, $0x0;
	[tilespmem:v10+s12+$0x0] =	vst.idx.add.f32.msk vm3, v1  }
.LBB2_60:
0x2e2: {  	v7 =	vld [tilespmem:s21+$0xFFFFFFD0];
	s20 =	sadd.s32 $0x2, s20  }
0x2e3: {  	v8 =	vld [tilespmem:s21+$0xFFFFFF90];
	p2 =	slt.u32 s20, $0x1E;
	vm3 =	vne.s32 v3, $0x0  }
0x2e4: {  	v3 =	vshrl.u32 v3, $0x11;
	[tilespmem:v2+s12+$0x0] =	vst.idx.add.f32.msk vm0, v1  }
0x2e5: {  	v2 =	vshrl.u32 v4, $0x11;
	vm0 =	vne.s32 v4, $0x0;
	[tilespmem:v6+s11+$0x0] =	vst.idx.add.f32.msk vm1, v1  }
0x2e6: {  	v4 =	vld [tilespmem:s18+$0x0]  }
0x2e7: {  	vm1 =	vne.s32 v7, $0x0;
	[tilespmem:v5+s11+$0x0] =	vst.idx.add.f32.msk vm2, v1  }
0x2e8: {  	v6 =	vshrl.u32 v7, $0x11;
	v5 =	vshrl.u32 v8, $0x11;
	vm2 =	vne.s32 v8, $0x0;
	v7 =	vld [tilespmem:s18+$0xFFFFFFC0];
	s18 =	smov.u32 s19;
	s19 =	smov.u32 s21  }
0x2e9: {  	[tilespmem:v3+s10+$0x0] =	vst.idx.add.f32.msk vm3, v1  }
0x2ea: {  	v8 =	vld [tilespmem:s18+$0xFFFFFFF0]  }
0x2eb: {  	[tilespmem:v2+s10+$0x0] =	vst.idx.add.f32.msk vm0, v1;
	vm3 =	vne.s32 v4, $0x0  }
0x2ec: {  	v10 =	vshrl.u32 v4, $0x11;
	v9 =	vld [tilespmem:s18+$0xFFFFFFB0]  }
.Ltmp29:
0x2ed: {  	[tilespmem:v6+s9+$0x0] =	vst.idx.add.f32.msk vm1, v1;
	v2 =	vshrl.u32 v7, $0x11;
	vm0 =	vne.s32 v7, $0x0;
	(pc) =	sbr.rel @p2 .LBB2_60-.Ltmp29, $4  }
0x2ee: {  	v3 =	vld [tilespmem:s21+$0xFFFFFFE0]  }
0x2ef: {  	[tilespmem:v5+s9+$0x0] =	vst.idx.add.f32.msk vm2, v1;
	vm1 =	vne.s32 v8, $0x0  }
0x2f0: {  	v6 =	vshrl.u32 v8, $0x11;
	v4 =	vld [tilespmem:s21+$0xFFFFFFA0]  }
0x2f1: {  	s21 =	sadd.s32 $0x400, s21;
	v5 =	vshrl.u32 v9, $0x11;
	vm2 =	vne.s32 v9, $0x0;
	[tilespmem:v10+s12+$0x0] =	vst.idx.add.f32.msk vm3, v1  }
0x2f2: {  	s20 =	smov.u32 s19  }
.LBB2_62:
0x2f3: {  	vm3 =	vne.s32 v3, $0x0  }
0x2f4: {  	v3 =	vshrl.u32 v3, $0x11  }
0x2f5: {  	vm4 =	vne.s32 v4, $0x0  }
0x2f6: {  	v4 =	vshrl.u32 v4, $0x11;
	_ =	sdelay $0x2  }
0x2f7: {  	[tilespmem:v3+s10+$0x0] =	vst.idx.add.f32.msk vm3, v1  }
0x2f8: {  	v3 =	vld [tilespmem:s20+$0xFFFFFFF0]  }
0x2f9: {  	[tilespmem:v4+s10+$0x0] =	vst.idx.add.f32.msk vm4, v1  }
0x2fa: {  	v4 =	vld [tilespmem:s20+$0xFFFFFFB0];
	_ =	sdelay $0x2  }
0x2fb: {  	vm3 =	vne.s32 v3, $0x0  }
0x2fc: {  	v3 =	vshrl.u32 v3, $0x11  }
0x2fd: {  	[tilespmem:v6+s11+$0x0] =	vst.idx.add.f32.msk @p1 vm1, v1;
	vm1 =	vne.s32 v4, $0x0  }
0x2fe: {  	[tilespmem:v5+s11+$0x0] =	vst.idx.add.f32.msk @p1 vm2, v1;
	v4 =	vshrl.u32 v4, $0x11  }
0x2ff: {  	v6 =	vld @p1 [tilespmem:s18+$0x0]  }
0x300: {  	v5 =	vld @p1 [tilespmem:s18+$0xFFFFFFC0]  }
0x301: {  	[tilespmem:v3+s11+$0x0] =	vst.idx.add.f32.msk vm3, v1  }
0x302: {  	v3 =	vld [tilespmem:s20+$0x0]  }
0x303: {  	[tilespmem:v4+s11+$0x0] =	vst.idx.add.f32.msk vm1, v1  }
0x304: {  	v4 =	vld [tilespmem:s20+$0xFFFFFFC0]  }
0x305: {  	vm2 =	vne.s32 @p1 v5, $0x0  }
0x306: {  	v5 =	vshrl.u32 @p1 v5, $0x11;
	vm2 =	vmmov @p1 vm2  }
0x307: {  	v5 =	vpsel p1, v5, v0;
	vm1 =	vne.s32 @p1 v6, $0x0  }
0x308: {  	v6 =	vshrl.u32 @p1 v6, $0x11;
	vm3 =	vne.s32 v3, $0x0  }
0x309: {  	v3 =	vshrl.u32 v3, $0x11;
	vm15 =	vne.s32 v4, $0x0  }
0x30a: {  	v4 =	vshrl.u32 v4, $0x11  }
0x30b: {  	[tilespmem:v2+s12+$0x0] =	vst.idx.add.f32.msk @p0 vm0, v1  }
0x30c: {  	[tilespmem:v5+s12+$0x0] =	vst.idx.add.f32.msk @p1 vm2, v1  }
0x30d: {  	[tilespmem:v6+s12+$0x0] =	vst.idx.add.f32.msk @p1 vm1, v1  }
0x30e: {  	p0 =	seq.s32 s16, $0x3;
	[tilespmem:v3+s12+$0x0] =	vst.idx.add.f32.msk vm3, v1  }
0x30f: {  	s17 =	sadd.s32 @!p0 s17, s4;
	s18 =	simm.s32 @!p0 $0x0;
	[tilespmem:v4+s12+$0x0] =	vst.idx.add.f32.msk vm15, v1  }
0x310: {  	[tilespmem:s18], [sflag:$0x1] =	stream.linear.gather @!p0 [hbm4b:s17+s18], $0x4000, $0x38;
	[tilespmem:$0x18000] =	vst v63  }
0x311: {  	_ =	swait.ge [sflag:s13], $0x4000  }
0x312: {  	[sflag:s13] =	ssyncset.done $0x0  }
0x313: {  	s19 =	simm.s32 $0x4040;
	[sflag:s13] =	ssyncadd.s32 $0xFFFFC000  }
0x314: {  	v2 =	vld [tilespmem:s19+$0x0];
	_ =	sdelay $0x2  }
0x315: {  	v3 =	vld [tilespmem:s19+$0xFFFFFFC0];
	_ =	sdelay $0x1  }
0x316: {  	vm0 =	vne.s32 v2, $0x0  }
0x317: {  	v2 =	vshrl.u32 v2, $0x11;
	_ =	sdelay $0x1  }
0x318: {  	vm1 =	vne.s32 v3, $0x0  }
0x319: {  	s17 =	simm.s32 $0x4440;
	v3 =	vshrl.u32 v3, $0x11  }
0x31a: {  	v4 =	vld [tilespmem:s17+$0x0]  }
0x31b: {  	[tilespmem:v2+s9+$0x0] =	vst.idx.add.f32.msk vm0, v1  }
0x31c: {  	v2 =	vld [tilespmem:s19+$0x10];
	_ =	sdelay $0x1  }
0x31d: {  	[tilespmem:v3+s9+$0x0] =	vst.idx.add.f32.msk vm1, v1  }
0x31e: {  	v3 =	vld [tilespmem:s19+$0xFFFFFFD0]  }
0x31f: {  	vm2 =	vne.s32 v4, $0x0  }
0x320: {  	v4 =	vshrl.u32 v4, $0x11;
	vm0 =	vne.s32 v2, $0x0  }
0x321: {  	v5 =	vld [tilespmem:s17+$0xFFFFFFC0];
	v2 =	vshrl.u32 v2, $0x11;
	_ =	sdelay $0x1  }
0x322: {  	vm1 =	vne.s32 v3, $0x0  }
0x323: {  	v3 =	vshrl.u32 v3, $0x11  }
0x324: {  	[tilespmem:v4+s9+$0x0] =	vst.idx.add.f32.msk vm2, v1  }
0x325: {  	vm3 =	vne.s32 v5, $0x0;
	[tilespmem:v2+s10+$0x0] =	vst.idx.add.f32.msk vm0, v1  }
0x326: {  	v2 =	vshrl.u32 v5, $0x11;
	v5 =	vld [tilespmem:s19+$0x20]  }
0x327: {  	v4 =	vld [tilespmem:s17+$0x10]  }
0x328: {  	[tilespmem:v3+s10+$0x0] =	vst.idx.add.f32.msk vm1, v1  }
0x329: {  	v3 =	vld [tilespmem:s19+$0xFFFFFFE0];
	_ =	sdelay $0x1  }
0x32a: {  	[tilespmem:v2+s9+$0x0] =	vst.idx.add.f32.msk vm3, v1;
	vm0 =	vne.s32 v5, $0x0  }
0x32b: {  	v2 =	vld [tilespmem:s17+$0xFFFFFFD0];
	v5 =	vshrl.u32 v5, $0x11  }
0x32c: {  	s18 =	simm.s32 $0x4840;
	vm2 =	vne.s32 v4, $0x0  }
0x32d: {  	v6 =	vld [tilespmem:s18+$0x0];
	v4 =	vshrl.u32 v4, $0x11;
	vm1 =	vne.s32 v3, $0x0  }
0x32e: {  	v3 =	vshrl.u32 v3, $0x11  }
0x32f: {  	v7 =	vld [tilespmem:s18+$0xFFFFFFC0]  }
0x330: {  	vm3 =	vne.s32 v2, $0x0;
	[tilespmem:v5+s11+$0x0] =	vst.idx.add.f32.msk vm0, v1  }
0x331: {  	v2 =	vshrl.u32 v2, $0x11;
	v5 =	vld [tilespmem:s19+$0x30]  }
0x332: {  	[tilespmem:v4+s10+$0x0] =	vst.idx.add.f32.msk vm2, v1;
	vm0 =	vne.s32 v6, $0x0  }
0x333: {  	[tilespmem:v3+s11+$0x0] =	vst.idx.add.f32.msk vm1, v1;
	v3 =	vshrl.u32 v6, $0x11  }
0x334: {  	vm1 =	vne.s32 v7, $0x0;
	v6 =	vld [tilespmem:s19+$0xFFFFFFF0]  }
0x335: {  	v4 =	vshrl.u32 v7, $0x11;
	v7 =	vld [tilespmem:s17+$0x20]  }
0x336: {  	[tilespmem:v2+s10+$0x0] =	vst.idx.add.f32.msk vm3, v1;
	vm3 =	vne.s32 v5, $0x0  }
0x337: {  	v8 =	vld [tilespmem:s17+$0xFFFFFFE0];
	v9 =	vshrl.u32 v5, $0x11  }
0x338: {  	[tilespmem:v3+s9+$0x0] =	vst.idx.add.f32.msk vm0, v1  }
0x339: {  	vm0 =	vne.s32 v6, $0x0;
	v5 =	vld [tilespmem:s18+$0x10]  }
0x33a: {  	[tilespmem:v4+s9+$0x0] =	vst.idx.add.f32.msk vm1, v1;
	v2 =	vshrl.u32 v6, $0x11;
	vm1 =	vne.s32 v7, $0x0  }
0x33b: {  	v4 =	vshrl.u32 v7, $0x11;
	v6 =	vld [tilespmem:s18+$0xFFFFFFD0]  }
0x33c: {  	s20 =	simm.s32 $0x4C40;
	s19 =	simm.s32 $0x4;
	v3 =	vshrl.u32 v8, $0x11;
	vm2 =	vne.s32 v8, $0x0;
	[tilespmem:v9+s12+$0x0] =	vst.idx.add.f32.msk vm3, v1  }
.LBB2_63:
0x33d: {  	v7 =	vld [tilespmem:s20+$0x0];
	s19 =	sadd.s32 $0x2, s19  }
0x33e: {  	v8 =	vld [tilespmem:s20+$0xFFFFFFC0];
	p0 =	slt.u32 s19, $0x1E;
	vm3 =	vne.s32 v5, $0x0  }
0x33f: {  	v5 =	vshrl.u32 v5, $0x11;
	[tilespmem:v2+s12+$0x0] =	vst.idx.add.f32.msk vm0, v1  }
0x340: {  	v2 =	vshrl.u32 v6, $0x11;
	vm0 =	vne.s32 v6, $0x0;
	[tilespmem:v4+s11+$0x0] =	vst.idx.add.f32.msk vm1, v1  }
0x341: {  	v4 =	vld [tilespmem:s17+$0x30]  }
0x342: {  	vm1 =	vne.s32 v7, $0x0;
	[tilespmem:v3+s11+$0x0] =	vst.idx.add.f32.msk vm2, v1  }
0x343: {  	v6 =	vshrl.u32 v7, $0x11;
	v3 =	vshrl.u32 v8, $0x11;
	vm2 =	vne.s32 v8, $0x0;
	v7 =	vld [tilespmem:s17+$0xFFFFFFF0];
	s17 =	smov.u32 s18;
	s18 =	smov.u32 s20  }
0x344: {  	[tilespmem:v5+s10+$0x0] =	vst.idx.add.f32.msk vm3, v1  }
0x345: {  	v8 =	vld [tilespmem:s17+$0x20]  }
0x346: {  	[tilespmem:v2+s10+$0x0] =	vst.idx.add.f32.msk vm0, v1;
	vm3 =	vne.s32 v4, $0x0  }
0x347: {  	v10 =	vshrl.u32 v4, $0x11;
	v9 =	vld [tilespmem:s17+$0xFFFFFFE0]  }
.Ltmp30:
0x348: {  	[tilespmem:v6+s9+$0x0] =	vst.idx.add.f32.msk vm1, v1;
	v2 =	vshrl.u32 v7, $0x11;
	vm0 =	vne.s32 v7, $0x0;
	(pc) =	sbr.rel @p0 .LBB2_63-.Ltmp30, $4  }
0x349: {  	v5 =	vld [tilespmem:s20+$0x10]  }
0x34a: {  	[tilespmem:v3+s9+$0x0] =	vst.idx.add.f32.msk vm2, v1;
	vm1 =	vne.s32 v8, $0x0  }
0x34b: {  	v4 =	vshrl.u32 v8, $0x11;
	v6 =	vld [tilespmem:s20+$0xFFFFFFD0]  }
0x34c: {  	s20 =	sadd.s32 $0x400, s20;
	v3 =	vshrl.u32 v9, $0x11;
	vm2 =	vne.s32 v9, $0x0;
	[tilespmem:v10+s12+$0x0] =	vst.idx.add.f32.msk vm3, v1  }
0x34d: {  	_ = 	snop  }
0x34e: {  	vm3 =	vne.s32 v5, $0x0  }
0x34f: {  	v5 =	vshrl.u32 v5, $0x11  }
0x350: {  	vm4 =	vne.s32 v6, $0x0  }
0x351: {  	v6 =	vshrl.u32 v6, $0x11;
	_ =	sdelay $0x2  }
0x352: {  	[tilespmem:v5+s10+$0x0] =	vst.idx.add.f32.msk vm3, v1  }
0x353: {  	v5 =	vld [tilespmem:s18+$0x20]  }
0x354: {  	[tilespmem:v6+s10+$0x0] =	vst.idx.add.f32.msk vm4, v1  }
0x355: {  	v6 =	vld [tilespmem:s18+$0xFFFFFFE0];
	_ =	sdelay $0x2  }
0x356: {  	vm3 =	vne.s32 v5, $0x0  }
0x357: {  	v5 =	vshrl.u32 v5, $0x11  }
0x358: {  	[tilespmem:v4+s11+$0x0] =	vst.idx.add.f32.msk vm1, v1;
	vm1 =	vne.s32 v6, $0x0  }
0x359: {  	[tilespmem:v3+s11+$0x0] =	vst.idx.add.f32.msk vm2, v1;
	v6 =	vshrl.u32 v6, $0x11  }
0x35a: {  	v4 =	vld [tilespmem:s17+$0x30]  }
0x35b: {  	v3 =	vld [tilespmem:s17+$0xFFFFFFF0]  }
0x35c: {  	[tilespmem:v5+s11+$0x0] =	vst.idx.add.f32.msk vm3, v1  }
0x35d: {  	v5 =	vld [tilespmem:s18+$0x30]  }
0x35e: {  	[tilespmem:v6+s11+$0x0] =	vst.idx.add.f32.msk vm1, v1  }
0x35f: {  	v6 =	vld [tilespmem:s18+$0xFFFFFFF0];
	_ =	sdelay $0x1  }
0x360: {  	vm2 =	vne.s32 v3, $0x0  }
0x361: {  	v3 =	vshrl.u32 v3, $0x11;
	vm1 =	vne.s32 v4, $0x0  }
0x362: {  	v4 =	vshrl.u32 v4, $0x11;
	vm3 =	vne.s32 v5, $0x0  }
0x363: {  	v5 =	vshrl.u32 v5, $0x11;
	vm15 =	vne.s32 v6, $0x0  }
0x364: {  	v6 =	vshrl.u32 v6, $0x11  }
0x365: {  	[tilespmem:v2+s12+$0x0] =	vst.idx.add.f32.msk vm0, v1  }
0x366: {  	[tilespmem:v3+s12+$0x0] =	vst.idx.add.f32.msk vm2, v1  }
0x367: {  	[tilespmem:v4+s12+$0x0] =	vst.idx.add.f32.msk vm1, v1  }
0x368: {  	[tilespmem:v5+s12+$0x0] =	vst.idx.add.f32.msk vm3, v1  }
0x369: {  	s19 =	simm.s32 $0x40F0;
	[tilespmem:v6+s12+$0x0] =	vst.idx.add.f32.msk vm15, v1  }
0x36a: {  	v2 =	vld [tilespmem:s19+$0xFFFFFFD0];
	_ =	sdelay $0x2  }
0x36b: {  	v3 =	vld [tilespmem:s19+$0xFFFFFF90];
	_ =	sdelay $0x1  }
0x36c: {  	vm0 =	vne.s32 v2, $0x0  }
0x36d: {  	v2 =	vshrl.u32 v2, $0x11;
	_ =	sdelay $0x1  }
0x36e: {  	vm1 =	vne.s32 v3, $0x0  }
0x36f: {  	s17 =	simm.s32 $0x44F0;
	v3 =	vshrl.u32 v3, $0x11  }
0x370: {  	v4 =	vld [tilespmem:s17+$0xFFFFFFD0]  }
0x371: {  	[tilespmem:v2+s9+$0x0] =	vst.idx.add.f32.msk vm0, v1  }
0x372: {  	v2 =	vld [tilespmem:s19+$0xFFFFFFE0];
	_ =	sdelay $0x1  }
0x373: {  	[tilespmem:v3+s9+$0x0] =	vst.idx.add.f32.msk vm1, v1  }
0x374: {  	v3 =	vld [tilespmem:s19+$0xFFFFFFA0]  }
0x375: {  	vm2 =	vne.s32 v4, $0x0  }
0x376: {  	v4 =	vshrl.u32 v4, $0x11;
	vm0 =	vne.s32 v2, $0x0  }
0x377: {  	v5 =	vld [tilespmem:s17+$0xFFFFFF90];
	v2 =	vshrl.u32 v2, $0x11;
	_ =	sdelay $0x1  }
0x378: {  	vm1 =	vne.s32 v3, $0x0  }
0x379: {  	v3 =	vshrl.u32 v3, $0x11  }
0x37a: {  	[tilespmem:v4+s9+$0x0] =	vst.idx.add.f32.msk vm2, v1  }
0x37b: {  	vm3 =	vne.s32 v5, $0x0;
	[tilespmem:v2+s10+$0x0] =	vst.idx.add.f32.msk vm0, v1  }
0x37c: {  	v2 =	vshrl.u32 v5, $0x11;
	v5 =	vld [tilespmem:s19+$0xFFFFFFF0]  }
0x37d: {  	v4 =	vld [tilespmem:s17+$0xFFFFFFE0]  }
0x37e: {  	[tilespmem:v3+s10+$0x0] =	vst.idx.add.f32.msk vm1, v1  }
0x37f: {  	v3 =	vld [tilespmem:s19+$0xFFFFFFB0];
	_ =	sdelay $0x1  }
0x380: {  	[tilespmem:v2+s9+$0x0] =	vst.idx.add.f32.msk vm3, v1;
	vm0 =	vne.s32 v5, $0x0  }
0x381: {  	v2 =	vld [tilespmem:s17+$0xFFFFFFA0];
	v5 =	vshrl.u32 v5, $0x11  }
0x382: {  	s18 =	simm.s32 $0x48F0;
	vm2 =	vne.s32 v4, $0x0  }
0x383: {  	v6 =	vld [tilespmem:s18+$0xFFFFFFD0];
	v4 =	vshrl.u32 v4, $0x11;
	vm1 =	vne.s32 v3, $0x0  }
0x384: {  	v3 =	vshrl.u32 v3, $0x11  }
0x385: {  	v7 =	vld [tilespmem:s18+$0xFFFFFF90]  }
0x386: {  	vm3 =	vne.s32 v2, $0x0;
	[tilespmem:v5+s11+$0x0] =	vst.idx.add.f32.msk vm0, v1  }
0x387: {  	v2 =	vshrl.u32 v2, $0x11;
	v5 =	vld [tilespmem:s19+$0x0]  }
0x388: {  	[tilespmem:v4+s10+$0x0] =	vst.idx.add.f32.msk vm2, v1;
	vm0 =	vne.s32 v6, $0x0  }
0x389: {  	[tilespmem:v3+s11+$0x0] =	vst.idx.add.f32.msk vm1, v1;
	v3 =	vshrl.u32 v6, $0x11  }
0x38a: {  	vm1 =	vne.s32 v7, $0x0;
	v6 =	vld [tilespmem:s19+$0xFFFFFFC0]  }
0x38b: {  	v4 =	vshrl.u32 v7, $0x11;
	v7 =	vld [tilespmem:s17+$0xFFFFFFF0]  }
0x38c: {  	[tilespmem:v2+s10+$0x0] =	vst.idx.add.f32.msk vm3, v1;
	vm3 =	vne.s32 v5, $0x0  }
0x38d: {  	v8 =	vld [tilespmem:s17+$0xFFFFFFB0];
	v9 =	vshrl.u32 v5, $0x11  }
0x38e: {  	[tilespmem:v3+s9+$0x0] =	vst.idx.add.f32.msk vm0, v1  }
0x38f: {  	vm0 =	vne.s32 v6, $0x0;
	v5 =	vld [tilespmem:s18+$0xFFFFFFE0]  }
0x390: {  	[tilespmem:v4+s9+$0x0] =	vst.idx.add.f32.msk vm1, v1;
	v2 =	vshrl.u32 v6, $0x11;
	vm1 =	vne.s32 v7, $0x0  }
0x391: {  	v4 =	vshrl.u32 v7, $0x11;
	v6 =	vld [tilespmem:s18+$0xFFFFFFA0]  }
0x392: {  	s20 =	simm.s32 $0x4CF0;
	s19 =	simm.s32 $0x4;
	v3 =	vshrl.u32 v8, $0x11;
	vm2 =	vne.s32 v8, $0x0;
	[tilespmem:v9+s12+$0x0] =	vst.idx.add.f32.msk vm3, v1  }
.LBB2_65:
0x393: {  	v7 =	vld [tilespmem:s20+$0xFFFFFFD0];
	s19 =	sadd.s32 $0x2, s19  }
0x394: {  	v8 =	vld [tilespmem:s20+$0xFFFFFF90];
	p0 =	slt.u32 s19, $0x1E;
	vm3 =	vne.s32 v5, $0x0  }
0x395: {  	v5 =	vshrl.u32 v5, $0x11;
	[tilespmem:v2+s12+$0x0] =	vst.idx.add.f32.msk vm0, v1  }
0x396: {  	v2 =	vshrl.u32 v6, $0x11;
	vm0 =	vne.s32 v6, $0x0;
	[tilespmem:v4+s11+$0x0] =	vst.idx.add.f32.msk vm1, v1  }
0x397: {  	v4 =	vld [tilespmem:s17+$0x0]  }
0x398: {  	vm1 =	vne.s32 v7, $0x0;
	[tilespmem:v3+s11+$0x0] =	vst.idx.add.f32.msk vm2, v1  }
0x399: {  	v6 =	vshrl.u32 v7, $0x11;
	v3 =	vshrl.u32 v8, $0x11;
	vm2 =	vne.s32 v8, $0x0;
	v7 =	vld [tilespmem:s17+$0xFFFFFFC0];
	s17 =	smov.u32 s18;
	s18 =	smov.u32 s20  }
0x39a: {  	[tilespmem:v5+s10+$0x0] =	vst.idx.add.f32.msk vm3, v1  }
0x39b: {  	v8 =	vld [tilespmem:s17+$0xFFFFFFF0]  }
0x39c: {  	[tilespmem:v2+s10+$0x0] =	vst.idx.add.f32.msk vm0, v1;
	vm3 =	vne.s32 v4, $0x0  }
0x39d: {  	v10 =	vshrl.u32 v4, $0x11;
	v9 =	vld [tilespmem:s17+$0xFFFFFFB0]  }
.Ltmp31:
0x39e: {  	[tilespmem:v6+s9+$0x0] =	vst.idx.add.f32.msk vm1, v1;
	v2 =	vshrl.u32 v7, $0x11;
	vm0 =	vne.s32 v7, $0x0;
	(pc) =	sbr.rel @p0 .LBB2_65-.Ltmp31, $4  }
0x39f: {  	v5 =	vld [tilespmem:s20+$0xFFFFFFE0]  }
0x3a0: {  	[tilespmem:v3+s9+$0x0] =	vst.idx.add.f32.msk vm2, v1;
	vm1 =	vne.s32 v8, $0x0  }
0x3a1: {  	v4 =	vshrl.u32 v8, $0x11;
	v6 =	vld [tilespmem:s20+$0xFFFFFFA0]  }
0x3a2: {  	s20 =	sadd.s32 $0x400, s20;
	v3 =	vshrl.u32 v9, $0x11;
	vm2 =	vne.s32 v9, $0x0;
	[tilespmem:v10+s12+$0x0] =	vst.idx.add.f32.msk vm3, v1  }
0x3a3: {  	_ = 	snop  }
0x3a4: {  	vm3 =	vne.s32 v5, $0x0  }
0x3a5: {  	v5 =	vshrl.u32 v5, $0x11  }
0x3a6: {  	vm4 =	vne.s32 v6, $0x0  }
0x3a7: {  	v6 =	vshrl.u32 v6, $0x11;
	_ =	sdelay $0x2  }
0x3a8: {  	[tilespmem:v5+s10+$0x0] =	vst.idx.add.f32.msk vm3, v1  }
0x3a9: {  	v5 =	vld [tilespmem:s18+$0xFFFFFFF0]  }
0x3aa: {  	[tilespmem:v6+s10+$0x0] =	vst.idx.add.f32.msk vm4, v1  }
0x3ab: {  	v6 =	vld [tilespmem:s18+$0xFFFFFFB0];
	_ =	sdelay $0x2  }
0x3ac: {  	vm8 =	vne.s32 v5, $0x0  }
0x3ad: {  	v5 =	vshrl.u32 v5, $0x11  }
0x3ae: {  	[tilespmem:v4+s11+$0x0] =	vst.idx.add.f32.msk vm1, v1;
	vm9 =	vne.s32 v6, $0x0  }
0x3af: {  	[tilespmem:v3+s11+$0x0] =	vst.idx.add.f32.msk vm2, v1;
	v6 =	vshrl.u32 v6, $0x11  }
0x3b0: {  	v4 =	vld [tilespmem:s17+$0x0]  }
0x3b1: {  	v3 =	vld [tilespmem:s17+$0xFFFFFFC0]  }
0x3b2: {  	[tilespmem:v5+s11+$0x0] =	vst.idx.add.f32.msk vm8, v1  }
0x3b3: {  	v5 =	vld [tilespmem:s18+$0x0]  }
0x3b4: {  	[tilespmem:v6+s11+$0x0] =	vst.idx.add.f32.msk vm9, v1  }
0x3b5: {  	v6 =	vld [tilespmem:s18+$0xFFFFFFC0];
	_ =	sdelay $0x1  }
0x3b6: {  	vm10 =	vne.s32 v4, $0x0  }
0x3b7: {  	v4 =	vshrl.u32 v4, $0x11;
	vm11 =	vne.s32 v3, $0x0  }
0x3b8: {  	v3 =	vshrl.u32 v3, $0x11;
	vm12 =	vne.s32 v5, $0x0  }
0x3b9: {  	v5 =	vshrl.u32 v5, $0x11;
	vm13 =	vne.s32 v6, $0x0  }
0x3ba: {  	v6 =	vshrl.u32 v6, $0x11  }
0x3bb: {  	[tilespmem:v2+s12+$0x0] =	vst.idx.add.f32.msk vm0, v1  }
0x3bc: {  	[tilespmem:v4+s12+$0x0] =	vst.idx.add.f32.msk vm10, v1  }
0x3bd: {  	[tilespmem:v3+s12+$0x0] =	vst.idx.add.f32.msk vm11, v1  }
0x3be: {  	[tilespmem:v5+s12+$0x0] =	vst.idx.add.f32.msk vm12, v1  }
0x3bf: {  	s19 =	simm.s32 $0x4170;
	[tilespmem:v6+s12+$0x0] =	vst.idx.add.f32.msk vm13, v1  }
0x3c0: {  	v2 =	vld [tilespmem:s19+$0xFFFFFFD0]  }
0x3c1: {  	v3 =	vld [tilespmem:s19+$0xFFFFFF90];
	_ =	sdelay $0x3  }
0x3c2: {  	vm14 =	vne.s32 v2, $0x0  }
0x3c3: {  	v2 =	vshrl.u32 v2, $0x11;
	vm15 =	vne.s32 v3, $0x0  }
0x3c4: {  	v3 =	vshrl.u32 v3, $0x11;
	_ =	sdelay $0x1  }
0x3c5: {  	p1 =	por $0x1, $0x1  }
.Ltmp32:
0x3c6: {  	_ = 	snop;
	(pc) =	sbr.rel @!p1 .LBB2_67-.Ltmp32, $4  }
0x3c7: {  	[tilespmem:v2+s9+$0x0] =	vst.idx.add.f32.msk vm14, v1  }
0x3c8: {  	[tilespmem:v3+s9+$0x0] =	vst.idx.add.f32.msk vm15, v1  }
0x3c9: {  	v2 =	vld [tilespmem:s19+$0xFFFFFFE0]  }
0x3ca: {  	p2 =	por $0x0, $0x0;
	p0 =	por $0x0, $0x0;
	s17 =	simm.s32 $0x4570;
	v4 =	vld [tilespmem:s19+$0xFFFFFFA0]  }
0x3cb: {  	_ =	sdelay $0x2  }
0x3cc: {  	v3 =	vld [tilespmem:s17+$0xFFFFFFD0];
	vm0 =	vne.s32 v2, $0x0  }
0x3cd: {  	v2 =	vshrl.u32 v2, $0x11  }
0x3ce: {  	v5 =	vld [tilespmem:s17+$0xFFFFFF90];
	vm1 =	vne.s32 v4, $0x0  }
0x3cf: {  	v4 =	vshrl.u32 v4, $0x11;
	_ =	sdelay $0x1  }
0x3d0: {  	vm2 =	vne.s32 v3, $0x0  }
0x3d1: {  	v3 =	vshrl.u32 v3, $0x11;
	[tilespmem:v2+s10+$0x0] =	vst.idx.add.f32.msk vm0, v1  }
0x3d2: {  	vm0 =	vne.s32 v5, $0x0;
	v6 =	vld [tilespmem:s19+$0xFFFFFFF0]  }
0x3d3: {  	v5 =	vshrl.u32 v5, $0x11;
	[tilespmem:v4+s10+$0x0] =	vst.idx.add.f32.msk vm1, v1  }
0x3d4: {  	p3 =	por $0x1, $0x1;
	v7 =	vld [tilespmem:s19+$0xFFFFFFB0]  }
.Ltmp33:
0x3d5: {  	_ = 	snop;
	(pc) =	sbr.rel @!p3 .LBB2_69-.Ltmp33, $4  }
0x3d6: {  	[tilespmem:v3+s9+$0x0] =	vst.idx.add.f32.msk vm2, v1  }
0x3d7: {  	v2 =	vld [tilespmem:s17+$0xFFFFFFE0]  }
0x3d8: {  	[tilespmem:v5+s9+$0x0] =	vst.idx.add.f32.msk vm0, v1;
	vm1 =	vne.s32 v6, $0x0  }
0x3d9: {  	s18 =	simm.s32 $0x4970;
	p2 =	por $0x1, $0x1;
	v6 =	vshrl.u32 v6, $0x11;
	v4 =	vld [tilespmem:s17+$0xFFFFFFA0];
	v5 =	vshrl.u32 v7, $0x11;
	vm2 =	vne.s32 v7, $0x0  }
0x3da: {  	_ =	sdelay $0x1  }
0x3db: {  	v3 =	vld [tilespmem:s18+$0xFFFFFFD0]  }
0x3dc: {  	vm0 =	vne.s32 v2, $0x0  }
0x3dd: {  	v7 =	vld [tilespmem:s18+$0xFFFFFF90];
	v2 =	vshrl.u32 v2, $0x11  }
0x3de: {  	[tilespmem:v6+s11+$0x0] =	vst.idx.add.f32.msk vm1, v1;
	vm3 =	vne.s32 v4, $0x0  }
0x3df: {  	v6 =	vld [tilespmem:s19+$0x0];
	v4 =	vshrl.u32 v4, $0x11  }
0x3e0: {  	[tilespmem:v5+s11+$0x0] =	vst.idx.add.f32.msk vm2, v1;
	vm1 =	vne.s32 v3, $0x0  }
0x3e1: {  	v5 =	vld [tilespmem:s19+$0xFFFFFFC0];
	v3 =	vshrl.u32 v3, $0x11  }
0x3e2: {  	vm2 =	vne.s32 v7, $0x0;
	[tilespmem:v2+s10+$0x0] =	vst.idx.add.f32.msk vm0, v1  }
0x3e3: {  	v7 =	vshrl.u32 v7, $0x11;
	v8 =	vld [tilespmem:s17+$0xFFFFFFF0]  }
0x3e4: {  	[tilespmem:v4+s10+$0x0] =	vst.idx.add.f32.msk vm3, v1;
	vm3 =	vne.s32 v6, $0x0  }
0x3e5: {  	p4 =	por $0x1, $0x1;
	v10 =	vshrl.u32 v6, $0x11;
	v9 =	vld [tilespmem:s17+$0xFFFFFFB0]  }
.Ltmp34:
0x3e6: {  	[tilespmem:v3+s9+$0x0] =	vst.idx.add.f32.msk vm1, v1;
	(pc) =	sbr.rel @!p4 .LBB2_71-.Ltmp34, $4  }
0x3e7: {  	vm0 =	vne.s32 v5, $0x0;
	v2 =	vld [tilespmem:s18+$0xFFFFFFE0]  }
0x3e8: {  	[tilespmem:v7+s9+$0x0] =	vst.idx.add.f32.msk vm2, v1;
	v3 =	vshrl.u32 v5, $0x11;
	vm1 =	vne.s32 v8, $0x0  }
0x3e9: {  	v4 =	vld [tilespmem:s18+$0xFFFFFFA0];
	v6 =	vshrl.u32 v8, $0x11  }
0x3ea: {  	s20 =	simm.s32 $0x4D70;
	p3 =	por $0x1, $0x1;
	s19 =	simm.s32 $0x4;
	v5 =	vshrl.u32 v9, $0x11;
	vm2 =	vne.s32 v9, $0x0;
	[tilespmem:v10+s12+$0x0] =	vst.idx.add.f32.msk vm3, v1  }
.LBB2_72:
0x3eb: {  	v7 =	vld [tilespmem:s20+$0xFFFFFFD0];
	s19 =	sadd.s32 $0x2, s19  }
0x3ec: {  	v8 =	vld [tilespmem:s20+$0xFFFFFF90];
	p4 =	slt.u32 s19, $0x1E;
	vm3 =	vne.s32 v2, $0x0  }
0x3ed: {  	v2 =	vshrl.u32 v2, $0x11;
	[tilespmem:v3+s12+$0x0] =	vst.idx.add.f32.msk vm0, v1  }
0x3ee: {  	v3 =	vshrl.u32 v4, $0x11;
	vm0 =	vne.s32 v4, $0x0;
	[tilespmem:v6+s11+$0x0] =	vst.idx.add.f32.msk vm1, v1  }
0x3ef: {  	v4 =	vld [tilespmem:s17+$0x0]  }
0x3f0: {  	vm1 =	vne.s32 v7, $0x0;
	[tilespmem:v5+s11+$0x0] =	vst.idx.add.f32.msk vm2, v1  }
0x3f1: {  	v6 =	vshrl.u32 v7, $0x11;
	v5 =	vshrl.u32 v8, $0x11;
	vm2 =	vne.s32 v8, $0x0;
	v7 =	vld [tilespmem:s17+$0xFFFFFFC0];
	s17 =	smov.u32 s18;
	s18 =	smov.u32 s20  }
0x3f2: {  	[tilespmem:v2+s10+$0x0] =	vst.idx.add.f32.msk vm3, v1  }
0x3f3: {  	v8 =	vld [tilespmem:s17+$0xFFFFFFF0]  }
0x3f4: {  	[tilespmem:v3+s10+$0x0] =	vst.idx.add.f32.msk vm0, v1;
	vm3 =	vne.s32 v4, $0x0  }
0x3f5: {  	v10 =	vshrl.u32 v4, $0x11;
	v9 =	vld [tilespmem:s17+$0xFFFFFFB0]  }
.Ltmp35:
0x3f6: {  	[tilespmem:v6+s9+$0x0] =	vst.idx.add.f32.msk vm1, v1;
	v3 =	vshrl.u32 v7, $0x11;
	vm0 =	vne.s32 v7, $0x0;
	(pc) =	sbr.rel @p4 .LBB2_72-.Ltmp35, $4  }
0x3f7: {  	v2 =	vld [tilespmem:s20+$0xFFFFFFE0]  }
0x3f8: {  	[tilespmem:v5+s9+$0x0] =	vst.idx.add.f32.msk vm2, v1;
	vm1 =	vne.s32 v8, $0x0  }
0x3f9: {  	v6 =	vshrl.u32 v8, $0x11;
	v4 =	vld [tilespmem:s20+$0xFFFFFFA0]  }
0x3fa: {  	s20 =	sadd.s32 $0x400, s20;
	v5 =	vshrl.u32 v9, $0x11;
	vm2 =	vne.s32 v9, $0x0;
	[tilespmem:v10+s12+$0x0] =	vst.idx.add.f32.msk vm3, v1  }
0x3fb: {  	s19 =	smov.u32 s18  }
.LBB2_74:
0x3fc: {  	vm3 =	vne.s32 v2, $0x0  }
0x3fd: {  	v2 =	vshrl.u32 v2, $0x11  }
0x3fe: {  	vm4 =	vne.s32 v4, $0x0  }
0x3ff: {  	v4 =	vshrl.u32 v4, $0x11;
	_ =	sdelay $0x2  }
0x400: {  	[tilespmem:v2+s10+$0x0] =	vst.idx.add.f32.msk vm3, v1  }
0x401: {  	v2 =	vld [tilespmem:s19+$0xFFFFFFF0]  }
0x402: {  	[tilespmem:v4+s10+$0x0] =	vst.idx.add.f32.msk vm4, v1  }
0x403: {  	v4 =	vld [tilespmem:s19+$0xFFFFFFB0];
	_ =	sdelay $0x2  }
0x404: {  	vm10 =	vne.s32 v2, $0x0  }
0x405: {  	v2 =	vshrl.u32 v2, $0x11  }
0x406: {  	[tilespmem:v6+s11+$0x0] =	vst.idx.add.f32.msk @p2 vm1, v1;
	vm11 =	vne.s32 v4, $0x0  }
0x407: {  	[tilespmem:v5+s11+$0x0] =	vst.idx.add.f32.msk @p2 vm2, v1;
	v4 =	vshrl.u32 v4, $0x11  }
0x408: {  	v6 =	vld @p2 [tilespmem:s17+$0x0]  }
0x409: {  	v5 =	vld @p2 [tilespmem:s17+$0xFFFFFFC0]  }
0x40a: {  	[tilespmem:v2+s11+$0x0] =	vst.idx.add.f32.msk vm10, v1  }
0x40b: {  	v2 =	vld [tilespmem:s19+$0x0]  }
0x40c: {  	[tilespmem:v4+s11+$0x0] =	vst.idx.add.f32.msk vm11, v1  }
0x40d: {  	v4 =	vld [tilespmem:s19+$0xFFFFFFC0];
	_ =	sdelay $0x1  }
0x40e: {  	vm1 =	vne.s32 @p2 v6, $0x0;
	vm2 =	vne.s32 @p2 v5, $0x0  }
0x40f: {  	v6 =	vshrl.u32 @p2 v6, $0x11;
	v5 =	vshrl.u32 @p2 v5, $0x11;
	vm2 =	vmmov @p2 vm2  }
0x410: {  	v5 =	vpsel p2, v5, v0;
	vm12 =	vne.s32 v2, $0x0  }
0x411: {  	v2 =	vshrl.u32 v2, $0x11;
	vm13 =	vne.s32 v4, $0x0  }
0x412: {  	v4 =	vshrl.u32 v4, $0x11  }
0x413: {  	[tilespmem:v3+s12+$0x0] =	vst.idx.add.f32.msk @p3 vm0, v1  }
0x414: {  	[tilespmem:v6+s12+$0x0] =	vst.idx.add.f32.msk @p2 vm1, v1  }
0x415: {  	[tilespmem:v5+s12+$0x0] =	vst.idx.add.f32.msk @p2 vm2, v1  }
0x416: {  	[tilespmem:v2+s12+$0x0] =	vst.idx.add.f32.msk vm12, v1  }
0x417: {  	s19 =	simm.s32 $0x41F0;
	[tilespmem:v4+s12+$0x0] =	vst.idx.add.f32.msk vm13, v1  }
0x418: {  	v2 =	vld [tilespmem:s19+$0xFFFFFFD0]  }
0x419: {  	v3 =	vld [tilespmem:s19+$0xFFFFFF90];
	_ =	sdelay $0x3  }
0x41a: {  	vm14 =	vne.s32 v2, $0x0  }
0x41b: {  	v2 =	vshrl.u32 v2, $0x11;
	vm15 =	vne.s32 v3, $0x0  }
0x41c: {  	v4 =	vshrl.u32 v3, $0x11;
	_ =	sdelay $0x2  }
.Ltmp36:
0x41d: {  	_ = 	snop;
	(pc) =	sbr.rel @!p1 .LBB2_75-.Ltmp36, $4  }
0x41e: {  	[tilespmem:v2+s9+$0x0] =	vst.idx.add.f32.msk vm14, v1  }
0x41f: {  	[tilespmem:v4+s9+$0x0] =	vst.idx.add.f32.msk vm15, v1  }
0x420: {  	v3 =	vld [tilespmem:s19+$0xFFFFFFE0]  }
0x421: {  	s17 =	simm.s32 $0x45F0;
	v4 =	vld [tilespmem:s19+$0xFFFFFFA0]  }
0x422: {  	_ =	sdelay $0x2  }
0x423: {  	v2 =	vld [tilespmem:s17+$0xFFFFFFD0];
	vm0 =	vne.s32 v3, $0x0  }
0x424: {  	v3 =	vshrl.u32 v3, $0x11  }
0x425: {  	v5 =	vld [tilespmem:s17+$0xFFFFFF90];
	vm1 =	vne.s32 v4, $0x0  }
0x426: {  	v4 =	vshrl.u32 v4, $0x11;
	_ =	sdelay $0x1  }
0x427: {  	vm2 =	vne.s32 v2, $0x0  }
0x428: {  	v2 =	vshrl.u32 v2, $0x11;
	[tilespmem:v3+s10+$0x0] =	vst.idx.add.f32.msk vm0, v1  }
0x429: {  	vm0 =	vne.s32 v5, $0x0;
	v6 =	vld [tilespmem:s19+$0xFFFFFFF0]  }
0x42a: {  	v5 =	vshrl.u32 v5, $0x11;
	[tilespmem:v4+s10+$0x0] =	vst.idx.add.f32.msk vm1, v1  }
0x42b: {  	p2 =	por $0x1, $0x1;
	v7 =	vld [tilespmem:s19+$0xFFFFFFB0]  }
.Ltmp37:
0x42c: {  	_ = 	snop;
	(pc) =	sbr.rel @!p2 .LBB2_77-.Ltmp37, $4  }
0x42d: {  	[tilespmem:v2+s9+$0x0] =	vst.idx.add.f32.msk vm2, v1  }
0x42e: {  	v3 =	vld [tilespmem:s17+$0xFFFFFFE0]  }
0x42f: {  	[tilespmem:v5+s9+$0x0] =	vst.idx.add.f32.msk vm0, v1;
	vm1 =	vne.s32 v6, $0x0  }
0x430: {  	s18 =	simm.s32 $0x49F0;
	p1 =	por $0x1, $0x1;
	v6 =	vshrl.u32 v6, $0x11;
	v4 =	vld [tilespmem:s17+$0xFFFFFFA0];
	v5 =	vshrl.u32 v7, $0x11;
	vm2 =	vne.s32 v7, $0x0  }
0x431: {  	_ =	sdelay $0x1  }
0x432: {  	v2 =	vld [tilespmem:s18+$0xFFFFFFD0]  }
0x433: {  	vm0 =	vne.s32 v3, $0x0  }
0x434: {  	v7 =	vld [tilespmem:s18+$0xFFFFFF90];
	v3 =	vshrl.u32 v3, $0x11  }
0x435: {  	[tilespmem:v6+s11+$0x0] =	vst.idx.add.f32.msk vm1, v1;
	vm3 =	vne.s32 v4, $0x0  }
0x436: {  	v6 =	vld [tilespmem:s19+$0x0];
	v4 =	vshrl.u32 v4, $0x11  }
0x437: {  	[tilespmem:v5+s11+$0x0] =	vst.idx.add.f32.msk vm2, v1;
	vm1 =	vne.s32 v2, $0x0  }
0x438: {  	v5 =	vld [tilespmem:s19+$0xFFFFFFC0];
	v2 =	vshrl.u32 v2, $0x11  }
0x439: {  	vm2 =	vne.s32 v7, $0x0;
	[tilespmem:v3+s10+$0x0] =	vst.idx.add.f32.msk vm0, v1  }
0x43a: {  	v7 =	vshrl.u32 v7, $0x11;
	v8 =	vld [tilespmem:s17+$0xFFFFFFF0]  }
0x43b: {  	[tilespmem:v4+s10+$0x0] =	vst.idx.add.f32.msk vm3, v1;
	vm3 =	vne.s32 v6, $0x0  }
0x43c: {  	p2 =	por $0x1, $0x1;
	v10 =	vshrl.u32 v6, $0x11;
	v9 =	vld [tilespmem:s17+$0xFFFFFFB0]  }
.Ltmp38:
0x43d: {  	[tilespmem:v2+s9+$0x0] =	vst.idx.add.f32.msk vm1, v1;
	(pc) =	sbr.rel @!p2 .LBB2_79-.Ltmp38, $4  }
0x43e: {  	vm0 =	vne.s32 v5, $0x0;
	v3 =	vld [tilespmem:s18+$0xFFFFFFE0]  }
0x43f: {  	[tilespmem:v7+s9+$0x0] =	vst.idx.add.f32.msk vm2, v1;
	v2 =	vshrl.u32 v5, $0x11;
	vm1 =	vne.s32 v8, $0x0  }
0x440: {  	v4 =	vld [tilespmem:s18+$0xFFFFFFA0];
	v6 =	vshrl.u32 v8, $0x11  }
0x441: {  	s20 =	simm.s32 $0x4DF0;
	p0 =	por $0x1, $0x1;
	s19 =	simm.s32 $0x4;
	v5 =	vshrl.u32 v9, $0x11;
	vm2 =	vne.s32 v9, $0x0;
	[tilespmem:v10+s12+$0x0] =	vst.idx.add.f32.msk vm3, v1  }
.LBB2_80:
0x442: {  	v7 =	vld [tilespmem:s20+$0xFFFFFFD0];
	s19 =	sadd.s32 $0x2, s19  }
0x443: {  	v8 =	vld [tilespmem:s20+$0xFFFFFF90];
	p2 =	slt.u32 s19, $0x1E;
	vm3 =	vne.s32 v3, $0x0  }
0x444: {  	v3 =	vshrl.u32 v3, $0x11;
	[tilespmem:v2+s12+$0x0] =	vst.idx.add.f32.msk vm0, v1  }
0x445: {  	v2 =	vshrl.u32 v4, $0x11;
	vm0 =	vne.s32 v4, $0x0;
	[tilespmem:v6+s11+$0x0] =	vst.idx.add.f32.msk vm1, v1  }
0x446: {  	v4 =	vld [tilespmem:s17+$0x0]  }
0x447: {  	vm1 =	vne.s32 v7, $0x0;
	[tilespmem:v5+s11+$0x0] =	vst.idx.add.f32.msk vm2, v1  }
0x448: {  	v6 =	vshrl.u32 v7, $0x11;
	v5 =	vshrl.u32 v8, $0x11;
	vm2 =	vne.s32 v8, $0x0;
	v7 =	vld [tilespmem:s17+$0xFFFFFFC0];
	s17 =	smov.u32 s18;
	s18 =	smov.u32 s20  }
0x449: {  	[tilespmem:v3+s10+$0x0] =	vst.idx.add.f32.msk vm3, v1  }
0x44a: {  	v8 =	vld [tilespmem:s17+$0xFFFFFFF0]  }
0x44b: {  	[tilespmem:v2+s10+$0x0] =	vst.idx.add.f32.msk vm0, v1;
	vm3 =	vne.s32 v4, $0x0  }
0x44c: {  	v10 =	vshrl.u32 v4, $0x11;
	v9 =	vld [tilespmem:s17+$0xFFFFFFB0]  }
.Ltmp39:
0x44d: {  	[tilespmem:v6+s9+$0x0] =	vst.idx.add.f32.msk vm1, v1;
	v2 =	vshrl.u32 v7, $0x11;
	vm0 =	vne.s32 v7, $0x0;
	(pc) =	sbr.rel @p2 .LBB2_80-.Ltmp39, $4  }
0x44e: {  	v3 =	vld [tilespmem:s20+$0xFFFFFFE0]  }
0x44f: {  	[tilespmem:v5+s9+$0x0] =	vst.idx.add.f32.msk vm2, v1;
	vm1 =	vne.s32 v8, $0x0  }
0x450: {  	v6 =	vshrl.u32 v8, $0x11;
	v4 =	vld [tilespmem:s20+$0xFFFFFFA0]  }
0x451: {  	s20 =	sadd.s32 $0x400, s20;
	v5 =	vshrl.u32 v9, $0x11;
	vm2 =	vne.s32 v9, $0x0;
	[tilespmem:v10+s12+$0x0] =	vst.idx.add.f32.msk vm3, v1  }
0x452: {  	s19 =	smov.u32 s18  }
.LBB2_82:
0x453: {  	vm3 =	vne.s32 v3, $0x0  }
0x454: {  	v3 =	vshrl.u32 v3, $0x11  }
0x455: {  	vm4 =	vne.s32 v4, $0x0  }
0x456: {  	v4 =	vshrl.u32 v4, $0x11;
	_ =	sdelay $0x2  }
0x457: {  	[tilespmem:v3+s10+$0x0] =	vst.idx.add.f32.msk vm3, v1  }
0x458: {  	v3 =	vld [tilespmem:s19+$0xFFFFFFF0]  }
0x459: {  	[tilespmem:v4+s10+$0x0] =	vst.idx.add.f32.msk vm4, v1  }
0x45a: {  	v4 =	vld [tilespmem:s19+$0xFFFFFFB0];
	_ =	sdelay $0x2  }
0x45b: {  	vm10 =	vne.s32 v3, $0x0  }
0x45c: {  	v3 =	vshrl.u32 v3, $0x11  }
0x45d: {  	[tilespmem:v6+s11+$0x0] =	vst.idx.add.f32.msk @p1 vm1, v1;
	vm11 =	vne.s32 v4, $0x0  }
0x45e: {  	[tilespmem:v5+s11+$0x0] =	vst.idx.add.f32.msk @p1 vm2, v1;
	v4 =	vshrl.u32 v4, $0x11  }
0x45f: {  	v6 =	vld @p1 [tilespmem:s17+$0x0]  }
0x460: {  	v5 =	vld @p1 [tilespmem:s17+$0xFFFFFFC0]  }
0x461: {  	[tilespmem:v3+s11+$0x0] =	vst.idx.add.f32.msk vm10, v1  }
0x462: {  	v3 =	vld [tilespmem:s19+$0x0]  }
0x463: {  	[tilespmem:v4+s11+$0x0] =	vst.idx.add.f32.msk vm11, v1  }
0x464: {  	v4 =	vld [tilespmem:s19+$0xFFFFFFC0];
	_ =	sdelay $0x1  }
0x465: {  	vm1 =	vne.s32 @p1 v6, $0x0;
	vm2 =	vne.s32 @p1 v5, $0x0  }
0x466: {  	v6 =	vshrl.u32 @p1 v6, $0x11;
	v5 =	vshrl.u32 @p1 v5, $0x11;
	vm2 =	vmmov @p1 vm2  }
0x467: {  	v5 =	vpsel p1, v5, v0;
	vm12 =	vne.s32 v3, $0x0  }
0x468: {  	v3 =	vshrl.u32 v3, $0x11;
	vm13 =	vne.s32 v4, $0x0  }
0x469: {  	v4 =	vshrl.u32 v4, $0x11  }
0x46a: {  	[tilespmem:v2+s12+$0x0] =	vst.idx.add.f32.msk @p0 vm0, v1  }
0x46b: {  	[tilespmem:v6+s12+$0x0] =	vst.idx.add.f32.msk @p1 vm1, v1  }
0x46c: {  	[tilespmem:v5+s12+$0x0] =	vst.idx.add.f32.msk @p1 vm2, v1  }
0x46d: {  	[tilespmem:v3+s12+$0x0] =	vst.idx.add.f32.msk vm12, v1  }
0x46e: {  	s19 =	simm.s32 $0x4270;
	[tilespmem:v4+s12+$0x0] =	vst.idx.add.f32.msk vm13, v1  }
0x46f: {  	v2 =	vld [tilespmem:s19+$0xFFFFFFD0]  }
0x470: {  	v3 =	vld [tilespmem:s19+$0xFFFFFF90];
	_ =	sdelay $0x3  }
0x471: {  	vm14 =	vne.s32 v2, $0x0  }
0x472: {  	v2 =	vshrl.u32 v2, $0x11;
	vm15 =	vne.s32 v3, $0x0  }
0x473: {  	v3 =	vshrl.u32 v3, $0x11;
	_ =	sdelay $0x1  }
0x474: {  	p1 =	por $0x1, $0x1  }
.Ltmp40:
0x475: {  	_ = 	snop;
	(pc) =	sbr.rel @!p1 .LBB2_83-.Ltmp40, $4  }
0x476: {  	[tilespmem:v2+s9+$0x0] =	vst.idx.add.f32.msk vm14, v1  }
0x477: {  	[tilespmem:v3+s9+$0x0] =	vst.idx.add.f32.msk vm15, v1  }
0x478: {  	v2 =	vld [tilespmem:s19+$0xFFFFFFE0]  }
0x479: {  	p2 =	por $0x0, $0x0;
	p0 =	por $0x0, $0x0;
	s17 =	simm.s32 $0x4670;
	v4 =	vld [tilespmem:s19+$0xFFFFFFA0]  }
0x47a: {  	_ =	sdelay $0x2  }
0x47b: {  	v3 =	vld [tilespmem:s17+$0xFFFFFFD0];
	vm0 =	vne.s32 v2, $0x0  }
0x47c: {  	v2 =	vshrl.u32 v2, $0x11  }
0x47d: {  	v5 =	vld [tilespmem:s17+$0xFFFFFF90];
	vm1 =	vne.s32 v4, $0x0  }
0x47e: {  	v4 =	vshrl.u32 v4, $0x11;
	_ =	sdelay $0x1  }
0x47f: {  	vm2 =	vne.s32 v3, $0x0  }
0x480: {  	v3 =	vshrl.u32 v3, $0x11;
	[tilespmem:v2+s10+$0x0] =	vst.idx.add.f32.msk vm0, v1  }
0x481: {  	vm0 =	vne.s32 v5, $0x0;
	v6 =	vld [tilespmem:s19+$0xFFFFFFF0]  }
0x482: {  	v5 =	vshrl.u32 v5, $0x11;
	[tilespmem:v4+s10+$0x0] =	vst.idx.add.f32.msk vm1, v1  }
0x483: {  	p3 =	por $0x1, $0x1;
	v7 =	vld [tilespmem:s19+$0xFFFFFFB0]  }
.Ltmp41:
0x484: {  	_ = 	snop;
	(pc) =	sbr.rel @!p3 .LBB2_85-.Ltmp41, $4  }
0x485: {  	[tilespmem:v3+s9+$0x0] =	vst.idx.add.f32.msk vm2, v1  }
0x486: {  	v2 =	vld [tilespmem:s17+$0xFFFFFFE0]  }
0x487: {  	[tilespmem:v5+s9+$0x0] =	vst.idx.add.f32.msk vm0, v1;
	vm1 =	vne.s32 v6, $0x0  }
0x488: {  	s18 =	simm.s32 $0x4A70;
	p2 =	por $0x1, $0x1;
	v6 =	vshrl.u32 v6, $0x11;
	v4 =	vld [tilespmem:s17+$0xFFFFFFA0];
	v5 =	vshrl.u32 v7, $0x11;
	vm2 =	vne.s32 v7, $0x0  }
0x489: {  	_ =	sdelay $0x1  }
0x48a: {  	v3 =	vld [tilespmem:s18+$0xFFFFFFD0]  }
0x48b: {  	vm0 =	vne.s32 v2, $0x0  }
0x48c: {  	v7 =	vld [tilespmem:s18+$0xFFFFFF90];
	v2 =	vshrl.u32 v2, $0x11  }
0x48d: {  	[tilespmem:v6+s11+$0x0] =	vst.idx.add.f32.msk vm1, v1;
	vm3 =	vne.s32 v4, $0x0  }
0x48e: {  	v6 =	vld [tilespmem:s19+$0x0];
	v4 =	vshrl.u32 v4, $0x11  }
0x48f: {  	[tilespmem:v5+s11+$0x0] =	vst.idx.add.f32.msk vm2, v1;
	vm1 =	vne.s32 v3, $0x0  }
0x490: {  	v5 =	vld [tilespmem:s19+$0xFFFFFFC0];
	v3 =	vshrl.u32 v3, $0x11  }
0x491: {  	vm2 =	vne.s32 v7, $0x0;
	[tilespmem:v2+s10+$0x0] =	vst.idx.add.f32.msk vm0, v1  }
0x492: {  	v7 =	vshrl.u32 v7, $0x11;
	v8 =	vld [tilespmem:s17+$0xFFFFFFF0]  }
0x493: {  	[tilespmem:v4+s10+$0x0] =	vst.idx.add.f32.msk vm3, v1;
	vm3 =	vne.s32 v6, $0x0  }
0x494: {  	p4 =	por $0x1, $0x1;
	v10 =	vshrl.u32 v6, $0x11;
	v9 =	vld [tilespmem:s17+$0xFFFFFFB0]  }
.Ltmp42:
0x495: {  	[tilespmem:v3+s9+$0x0] =	vst.idx.add.f32.msk vm1, v1;
	(pc) =	sbr.rel @!p4 .LBB2_87-.Ltmp42, $4  }
0x496: {  	vm0 =	vne.s32 v5, $0x0;
	v2 =	vld [tilespmem:s18+$0xFFFFFFE0]  }
0x497: {  	[tilespmem:v7+s9+$0x0] =	vst.idx.add.f32.msk vm2, v1;
	v3 =	vshrl.u32 v5, $0x11;
	vm1 =	vne.s32 v8, $0x0  }
0x498: {  	v4 =	vld [tilespmem:s18+$0xFFFFFFA0];
	v6 =	vshrl.u32 v8, $0x11  }
0x499: {  	s20 =	simm.s32 $0x4E70;
	p3 =	por $0x1, $0x1;
	s19 =	simm.s32 $0x4;
	v5 =	vshrl.u32 v9, $0x11;
	vm2 =	vne.s32 v9, $0x0;
	[tilespmem:v10+s12+$0x0] =	vst.idx.add.f32.msk vm3, v1  }
.LBB2_88:
0x49a: {  	v7 =	vld [tilespmem:s20+$0xFFFFFFD0];
	s19 =	sadd.s32 $0x2, s19  }
0x49b: {  	v8 =	vld [tilespmem:s20+$0xFFFFFF90];
	p4 =	slt.u32 s19, $0x1E;
	vm3 =	vne.s32 v2, $0x0  }
0x49c: {  	v2 =	vshrl.u32 v2, $0x11;
	[tilespmem:v3+s12+$0x0] =	vst.idx.add.f32.msk vm0, v1  }
0x49d: {  	v3 =	vshrl.u32 v4, $0x11;
	vm0 =	vne.s32 v4, $0x0;
	[tilespmem:v6+s11+$0x0] =	vst.idx.add.f32.msk vm1, v1  }
0x49e: {  	v4 =	vld [tilespmem:s17+$0x0]  }
0x49f: {  	vm1 =	vne.s32 v7, $0x0;
	[tilespmem:v5+s11+$0x0] =	vst.idx.add.f32.msk vm2, v1  }
0x4a0: {  	v6 =	vshrl.u32 v7, $0x11;
	v5 =	vshrl.u32 v8, $0x11;
	vm2 =	vne.s32 v8, $0x0;
	v7 =	vld [tilespmem:s17+$0xFFFFFFC0];
	s17 =	smov.u32 s18;
	s18 =	smov.u32 s20  }
0x4a1: {  	[tilespmem:v2+s10+$0x0] =	vst.idx.add.f32.msk vm3, v1  }
0x4a2: {  	v8 =	vld [tilespmem:s17+$0xFFFFFFF0]  }
0x4a3: {  	[tilespmem:v3+s10+$0x0] =	vst.idx.add.f32.msk vm0, v1;
	vm3 =	vne.s32 v4, $0x0  }
0x4a4: {  	v10 =	vshrl.u32 v4, $0x11;
	v9 =	vld [tilespmem:s17+$0xFFFFFFB0]  }
.Ltmp43:
0x4a5: {  	[tilespmem:v6+s9+$0x0] =	vst.idx.add.f32.msk vm1, v1;
	v3 =	vshrl.u32 v7, $0x11;
	vm0 =	vne.s32 v7, $0x0;
	(pc) =	sbr.rel @p4 .LBB2_88-.Ltmp43, $4  }
0x4a6: {  	v2 =	vld [tilespmem:s20+$0xFFFFFFE0]  }
0x4a7: {  	[tilespmem:v5+s9+$0x0] =	vst.idx.add.f32.msk vm2, v1;
	vm1 =	vne.s32 v8, $0x0  }
0x4a8: {  	v6 =	vshrl.u32 v8, $0x11;
	v4 =	vld [tilespmem:s20+$0xFFFFFFA0]  }
0x4a9: {  	s20 =	sadd.s32 $0x400, s20;
	v5 =	vshrl.u32 v9, $0x11;
	vm2 =	vne.s32 v9, $0x0;
	[tilespmem:v10+s12+$0x0] =	vst.idx.add.f32.msk vm3, v1  }
0x4aa: {  	s19 =	smov.u32 s18  }
.LBB2_90:
0x4ab: {  	vm3 =	vne.s32 v2, $0x0  }
0x4ac: {  	v2 =	vshrl.u32 v2, $0x11  }
0x4ad: {  	vm4 =	vne.s32 v4, $0x0  }
0x4ae: {  	v4 =	vshrl.u32 v4, $0x11;
	_ =	sdelay $0x2  }
0x4af: {  	[tilespmem:v2+s10+$0x0] =	vst.idx.add.f32.msk vm3, v1  }
0x4b0: {  	v2 =	vld [tilespmem:s19+$0xFFFFFFF0]  }
0x4b1: {  	[tilespmem:v4+s10+$0x0] =	vst.idx.add.f32.msk vm4, v1  }
0x4b2: {  	v4 =	vld [tilespmem:s19+$0xFFFFFFB0];
	_ =	sdelay $0x2  }
0x4b3: {  	vm10 =	vne.s32 v2, $0x0  }
0x4b4: {  	v2 =	vshrl.u32 v2, $0x11  }
0x4b5: {  	[tilespmem:v6+s11+$0x0] =	vst.idx.add.f32.msk @p2 vm1, v1;
	vm11 =	vne.s32 v4, $0x0  }
0x4b6: {  	[tilespmem:v5+s11+$0x0] =	vst.idx.add.f32.msk @p2 vm2, v1;
	v4 =	vshrl.u32 v4, $0x11  }
0x4b7: {  	v6 =	vld @p2 [tilespmem:s17+$0x0]  }
0x4b8: {  	v5 =	vld @p2 [tilespmem:s17+$0xFFFFFFC0]  }
0x4b9: {  	[tilespmem:v2+s11+$0x0] =	vst.idx.add.f32.msk vm10, v1  }
0x4ba: {  	v2 =	vld [tilespmem:s19+$0x0]  }
0x4bb: {  	[tilespmem:v4+s11+$0x0] =	vst.idx.add.f32.msk vm11, v1  }
0x4bc: {  	v4 =	vld [tilespmem:s19+$0xFFFFFFC0];
	_ =	sdelay $0x1  }
0x4bd: {  	vm1 =	vne.s32 @p2 v6, $0x0;
	vm2 =	vne.s32 @p2 v5, $0x0  }
0x4be: {  	v6 =	vshrl.u32 @p2 v6, $0x11;
	v5 =	vshrl.u32 @p2 v5, $0x11;
	vm2 =	vmmov @p2 vm2  }
0x4bf: {  	v5 =	vpsel p2, v5, v0;
	vm12 =	vne.s32 v2, $0x0  }
0x4c0: {  	v2 =	vshrl.u32 v2, $0x11;
	vm13 =	vne.s32 v4, $0x0  }
0x4c1: {  	v4 =	vshrl.u32 v4, $0x11  }
0x4c2: {  	[tilespmem:v3+s12+$0x0] =	vst.idx.add.f32.msk @p3 vm0, v1  }
0x4c3: {  	[tilespmem:v6+s12+$0x0] =	vst.idx.add.f32.msk @p2 vm1, v1  }
0x4c4: {  	[tilespmem:v5+s12+$0x0] =	vst.idx.add.f32.msk @p2 vm2, v1  }
0x4c5: {  	[tilespmem:v2+s12+$0x0] =	vst.idx.add.f32.msk vm12, v1  }
0x4c6: {  	s19 =	simm.s32 $0x42F0;
	[tilespmem:v4+s12+$0x0] =	vst.idx.add.f32.msk vm13, v1  }
0x4c7: {  	v2 =	vld [tilespmem:s19+$0xFFFFFFD0]  }
0x4c8: {  	v3 =	vld [tilespmem:s19+$0xFFFFFF90];
	_ =	sdelay $0x3  }
0x4c9: {  	vm14 =	vne.s32 v2, $0x0  }
0x4ca: {  	v2 =	vshrl.u32 v2, $0x11;
	vm15 =	vne.s32 v3, $0x0  }
0x4cb: {  	v4 =	vshrl.u32 v3, $0x11;
	_ =	sdelay $0x2  }
.Ltmp44:
0x4cc: {  	_ = 	snop;
	(pc) =	sbr.rel @!p1 .LBB2_91-.Ltmp44, $4  }
0x4cd: {  	[tilespmem:v2+s9+$0x0] =	vst.idx.add.f32.msk vm14, v1  }
0x4ce: {  	[tilespmem:v4+s9+$0x0] =	vst.idx.add.f32.msk vm15, v1  }
0x4cf: {  	v3 =	vld [tilespmem:s19+$0xFFFFFFE0]  }
0x4d0: {  	s17 =	simm.s32 $0x46F0;
	v4 =	vld [tilespmem:s19+$0xFFFFFFA0]  }
0x4d1: {  	_ =	sdelay $0x2  }
0x4d2: {  	v2 =	vld [tilespmem:s17+$0xFFFFFFD0];
	vm0 =	vne.s32 v3, $0x0  }
0x4d3: {  	v3 =	vshrl.u32 v3, $0x11  }
0x4d4: {  	v5 =	vld [tilespmem:s17+$0xFFFFFF90];
	vm1 =	vne.s32 v4, $0x0  }
0x4d5: {  	v4 =	vshrl.u32 v4, $0x11;
	_ =	sdelay $0x1  }
0x4d6: {  	vm2 =	vne.s32 v2, $0x0  }
0x4d7: {  	v2 =	vshrl.u32 v2, $0x11;
	[tilespmem:v3+s10+$0x0] =	vst.idx.add.f32.msk vm0, v1  }
0x4d8: {  	vm0 =	vne.s32 v5, $0x0;
	v6 =	vld [tilespmem:s19+$0xFFFFFFF0]  }
0x4d9: {  	v5 =	vshrl.u32 v5, $0x11;
	[tilespmem:v4+s10+$0x0] =	vst.idx.add.f32.msk vm1, v1  }
0x4da: {  	p2 =	por $0x1, $0x1;
	v7 =	vld [tilespmem:s19+$0xFFFFFFB0]  }
.Ltmp45:
0x4db: {  	_ = 	snop;
	(pc) =	sbr.rel @!p2 .LBB2_93-.Ltmp45, $4  }
0x4dc: {  	[tilespmem:v2+s9+$0x0] =	vst.idx.add.f32.msk vm2, v1  }
0x4dd: {  	v3 =	vld [tilespmem:s17+$0xFFFFFFE0]  }
0x4de: {  	[tilespmem:v5+s9+$0x0] =	vst.idx.add.f32.msk vm0, v1;
	vm1 =	vne.s32 v6, $0x0  }
0x4df: {  	s18 =	simm.s32 $0x4AF0;
	p1 =	por $0x1, $0x1;
	v6 =	vshrl.u32 v6, $0x11;
	v4 =	vld [tilespmem:s17+$0xFFFFFFA0];
	v5 =	vshrl.u32 v7, $0x11;
	vm2 =	vne.s32 v7, $0x0  }
0x4e0: {  	_ =	sdelay $0x1  }
0x4e1: {  	v2 =	vld [tilespmem:s18+$0xFFFFFFD0]  }
0x4e2: {  	vm0 =	vne.s32 v3, $0x0  }
0x4e3: {  	v7 =	vld [tilespmem:s18+$0xFFFFFF90];
	v3 =	vshrl.u32 v3, $0x11  }
0x4e4: {  	[tilespmem:v6+s11+$0x0] =	vst.idx.add.f32.msk vm1, v1;
	vm3 =	vne.s32 v4, $0x0  }
0x4e5: {  	v6 =	vld [tilespmem:s19+$0x0];
	v4 =	vshrl.u32 v4, $0x11  }
0x4e6: {  	[tilespmem:v5+s11+$0x0] =	vst.idx.add.f32.msk vm2, v1;
	vm1 =	vne.s32 v2, $0x0  }
0x4e7: {  	v5 =	vld [tilespmem:s19+$0xFFFFFFC0];
	v2 =	vshrl.u32 v2, $0x11  }
0x4e8: {  	vm2 =	vne.s32 v7, $0x0;
	[tilespmem:v3+s10+$0x0] =	vst.idx.add.f32.msk vm0, v1  }
0x4e9: {  	v7 =	vshrl.u32 v7, $0x11;
	v8 =	vld [tilespmem:s17+$0xFFFFFFF0]  }
0x4ea: {  	[tilespmem:v4+s10+$0x0] =	vst.idx.add.f32.msk vm3, v1;
	vm3 =	vne.s32 v6, $0x0  }
0x4eb: {  	p2 =	por $0x1, $0x1;
	v10 =	vshrl.u32 v6, $0x11;
	v9 =	vld [tilespmem:s17+$0xFFFFFFB0]  }
.Ltmp46:
0x4ec: {  	[tilespmem:v2+s9+$0x0] =	vst.idx.add.f32.msk vm1, v1;
	(pc) =	sbr.rel @!p2 .LBB2_95-.Ltmp46, $4  }
0x4ed: {  	vm0 =	vne.s32 v5, $0x0;
	v3 =	vld [tilespmem:s18+$0xFFFFFFE0]  }
0x4ee: {  	[tilespmem:v7+s9+$0x0] =	vst.idx.add.f32.msk vm2, v1;
	v2 =	vshrl.u32 v5, $0x11;
	vm1 =	vne.s32 v8, $0x0  }
0x4ef: {  	v4 =	vld [tilespmem:s18+$0xFFFFFFA0];
	v6 =	vshrl.u32 v8, $0x11  }
0x4f0: {  	s20 =	simm.s32 $0x4EF0;
	p0 =	por $0x1, $0x1;
	s19 =	simm.s32 $0x4;
	v5 =	vshrl.u32 v9, $0x11;
	vm2 =	vne.s32 v9, $0x0;
	[tilespmem:v10+s12+$0x0] =	vst.idx.add.f32.msk vm3, v1  }
.LBB2_96:
0x4f1: {  	v7 =	vld [tilespmem:s20+$0xFFFFFFD0];
	s19 =	sadd.s32 $0x2, s19  }
0x4f2: {  	v8 =	vld [tilespmem:s20+$0xFFFFFF90];
	p2 =	slt.u32 s19, $0x1E;
	vm3 =	vne.s32 v3, $0x0  }
0x4f3: {  	v3 =	vshrl.u32 v3, $0x11;
	[tilespmem:v2+s12+$0x0] =	vst.idx.add.f32.msk vm0, v1  }
0x4f4: {  	v2 =	vshrl.u32 v4, $0x11;
	vm0 =	vne.s32 v4, $0x0;
	[tilespmem:v6+s11+$0x0] =	vst.idx.add.f32.msk vm1, v1  }
0x4f5: {  	v4 =	vld [tilespmem:s17+$0x0]  }
0x4f6: {  	vm1 =	vne.s32 v7, $0x0;
	[tilespmem:v5+s11+$0x0] =	vst.idx.add.f32.msk vm2, v1  }
0x4f7: {  	v6 =	vshrl.u32 v7, $0x11;
	v5 =	vshrl.u32 v8, $0x11;
	vm2 =	vne.s32 v8, $0x0;
	v7 =	vld [tilespmem:s17+$0xFFFFFFC0];
	s17 =	smov.u32 s18;
	s18 =	smov.u32 s20  }
0x4f8: {  	[tilespmem:v3+s10+$0x0] =	vst.idx.add.f32.msk vm3, v1  }
0x4f9: {  	v8 =	vld [tilespmem:s17+$0xFFFFFFF0]  }
0x4fa: {  	[tilespmem:v2+s10+$0x0] =	vst.idx.add.f32.msk vm0, v1;
	vm3 =	vne.s32 v4, $0x0  }
0x4fb: {  	v10 =	vshrl.u32 v4, $0x11;
	v9 =	vld [tilespmem:s17+$0xFFFFFFB0]  }
.Ltmp47:
0x4fc: {  	[tilespmem:v6+s9+$0x0] =	vst.idx.add.f32.msk vm1, v1;
	v2 =	vshrl.u32 v7, $0x11;
	vm0 =	vne.s32 v7, $0x0;
	(pc) =	sbr.rel @p2 .LBB2_96-.Ltmp47, $4  }
0x4fd: {  	v3 =	vld [tilespmem:s20+$0xFFFFFFE0]  }
0x4fe: {  	[tilespmem:v5+s9+$0x0] =	vst.idx.add.f32.msk vm2, v1;
	vm1 =	vne.s32 v8, $0x0  }
0x4ff: {  	v6 =	vshrl.u32 v8, $0x11;
	v4 =	vld [tilespmem:s20+$0xFFFFFFA0]  }
0x500: {  	s20 =	sadd.s32 $0x400, s20;
	v5 =	vshrl.u32 v9, $0x11;
	vm2 =	vne.s32 v9, $0x0;
	[tilespmem:v10+s12+$0x0] =	vst.idx.add.f32.msk vm3, v1  }
0x501: {  	s19 =	smov.u32 s18  }
.LBB2_98:
0x502: {  	vm3 =	vne.s32 v3, $0x0  }
0x503: {  	v3 =	vshrl.u32 v3, $0x11  }
0x504: {  	vm4 =	vne.s32 v4, $0x0  }
0x505: {  	v4 =	vshrl.u32 v4, $0x11;
	_ =	sdelay $0x2  }
0x506: {  	[tilespmem:v3+s10+$0x0] =	vst.idx.add.f32.msk vm3, v1  }
0x507: {  	v3 =	vld [tilespmem:s19+$0xFFFFFFF0]  }
0x508: {  	[tilespmem:v4+s10+$0x0] =	vst.idx.add.f32.msk vm4, v1  }
0x509: {  	v4 =	vld [tilespmem:s19+$0xFFFFFFB0];
	_ =	sdelay $0x2  }
0x50a: {  	vm10 =	vne.s32 v3, $0x0  }
0x50b: {  	v3 =	vshrl.u32 v3, $0x11  }
0x50c: {  	[tilespmem:v6+s11+$0x0] =	vst.idx.add.f32.msk @p1 vm1, v1;
	vm11 =	vne.s32 v4, $0x0  }
0x50d: {  	[tilespmem:v5+s11+$0x0] =	vst.idx.add.f32.msk @p1 vm2, v1;
	v4 =	vshrl.u32 v4, $0x11  }
0x50e: {  	v6 =	vld @p1 [tilespmem:s17+$0x0]  }
0x50f: {  	v5 =	vld @p1 [tilespmem:s17+$0xFFFFFFC0]  }
0x510: {  	[tilespmem:v3+s11+$0x0] =	vst.idx.add.f32.msk vm10, v1  }
0x511: {  	v3 =	vld [tilespmem:s19+$0x0]  }
0x512: {  	[tilespmem:v4+s11+$0x0] =	vst.idx.add.f32.msk vm11, v1  }
0x513: {  	v4 =	vld [tilespmem:s19+$0xFFFFFFC0];
	_ =	sdelay $0x1  }
0x514: {  	vm1 =	vne.s32 @p1 v6, $0x0;
	vm2 =	vne.s32 @p1 v5, $0x0  }
0x515: {  	v6 =	vshrl.u32 @p1 v6, $0x11;
	v5 =	vshrl.u32 @p1 v5, $0x11;
	vm2 =	vmmov @p1 vm2  }
0x516: {  	v5 =	vpsel p1, v5, v0;
	vm12 =	vne.s32 v3, $0x0  }
0x517: {  	v3 =	vshrl.u32 v3, $0x11;
	vm13 =	vne.s32 v4, $0x0  }
0x518: {  	v4 =	vshrl.u32 v4, $0x11  }
0x519: {  	[tilespmem:v2+s12+$0x0] =	vst.idx.add.f32.msk @p0 vm0, v1  }
0x51a: {  	[tilespmem:v6+s12+$0x0] =	vst.idx.add.f32.msk @p1 vm1, v1  }
0x51b: {  	[tilespmem:v5+s12+$0x0] =	vst.idx.add.f32.msk @p1 vm2, v1  }
0x51c: {  	[tilespmem:v3+s12+$0x0] =	vst.idx.add.f32.msk vm12, v1  }
0x51d: {  	s19 =	simm.s32 $0x4370;
	[tilespmem:v4+s12+$0x0] =	vst.idx.add.f32.msk vm13, v1  }
0x51e: {  	v2 =	vld [tilespmem:s19+$0xFFFFFFD0]  }
0x51f: {  	v3 =	vld [tilespmem:s19+$0xFFFFFF90];
	_ =	sdelay $0x3  }
0x520: {  	vm14 =	vne.s32 v2, $0x0  }
0x521: {  	v2 =	vshrl.u32 v2, $0x11;
	vm15 =	vne.s32 v3, $0x0  }
0x522: {  	v3 =	vshrl.u32 v3, $0x11;
	_ =	sdelay $0x1  }
0x523: {  	p1 =	por $0x1, $0x1  }
.Ltmp48:
0x524: {  	_ = 	snop;
	(pc) =	sbr.rel @!p1 .LBB2_99-.Ltmp48, $4  }
0x525: {  	[tilespmem:v2+s9+$0x0] =	vst.idx.add.f32.msk vm14, v1  }
0x526: {  	[tilespmem:v3+s9+$0x0] =	vst.idx.add.f32.msk vm15, v1  }
0x527: {  	v2 =	vld [tilespmem:s19+$0xFFFFFFE0]  }
0x528: {  	p2 =	por $0x0, $0x0;
	p0 =	por $0x0, $0x0;
	s17 =	simm.s32 $0x4770;
	v4 =	vld [tilespmem:s19+$0xFFFFFFA0]  }
0x529: {  	_ =	sdelay $0x2  }
0x52a: {  	v3 =	vld [tilespmem:s17+$0xFFFFFFD0];
	vm0 =	vne.s32 v2, $0x0  }
0x52b: {  	v2 =	vshrl.u32 v2, $0x11  }
0x52c: {  	v5 =	vld [tilespmem:s17+$0xFFFFFF90];
	vm1 =	vne.s32 v4, $0x0  }
0x52d: {  	v4 =	vshrl.u32 v4, $0x11;
	_ =	sdelay $0x1  }
0x52e: {  	vm2 =	vne.s32 v3, $0x0  }
0x52f: {  	v3 =	vshrl.u32 v3, $0x11;
	[tilespmem:v2+s10+$0x0] =	vst.idx.add.f32.msk vm0, v1  }
0x530: {  	vm0 =	vne.s32 v5, $0x0;
	v6 =	vld [tilespmem:s19+$0xFFFFFFF0]  }
0x531: {  	v5 =	vshrl.u32 v5, $0x11;
	[tilespmem:v4+s10+$0x0] =	vst.idx.add.f32.msk vm1, v1  }
0x532: {  	p3 =	por $0x1, $0x1;
	v7 =	vld [tilespmem:s19+$0xFFFFFFB0]  }
.Ltmp49:
0x533: {  	_ = 	snop;
	(pc) =	sbr.rel @!p3 .LBB2_101-.Ltmp49, $4  }
0x534: {  	[tilespmem:v3+s9+$0x0] =	vst.idx.add.f32.msk vm2, v1  }
0x535: {  	v2 =	vld [tilespmem:s17+$0xFFFFFFE0]  }
0x536: {  	[tilespmem:v5+s9+$0x0] =	vst.idx.add.f32.msk vm0, v1;
	vm1 =	vne.s32 v6, $0x0  }
0x537: {  	s18 =	simm.s32 $0x4B70;
	p2 =	por $0x1, $0x1;
	v6 =	vshrl.u32 v6, $0x11;
	v4 =	vld [tilespmem:s17+$0xFFFFFFA0];
	v5 =	vshrl.u32 v7, $0x11;
	vm2 =	vne.s32 v7, $0x0  }
0x538: {  	_ =	sdelay $0x1  }
0x539: {  	v3 =	vld [tilespmem:s18+$0xFFFFFFD0]  }
0x53a: {  	vm0 =	vne.s32 v2, $0x0  }
0x53b: {  	v7 =	vld [tilespmem:s18+$0xFFFFFF90];
	v2 =	vshrl.u32 v2, $0x11  }
0x53c: {  	[tilespmem:v6+s11+$0x0] =	vst.idx.add.f32.msk vm1, v1;
	vm3 =	vne.s32 v4, $0x0  }
0x53d: {  	v6 =	vld [tilespmem:s19+$0x0];
	v4 =	vshrl.u32 v4, $0x11  }
0x53e: {  	[tilespmem:v5+s11+$0x0] =	vst.idx.add.f32.msk vm2, v1;
	vm1 =	vne.s32 v3, $0x0  }
0x53f: {  	v5 =	vld [tilespmem:s19+$0xFFFFFFC0];
	v3 =	vshrl.u32 v3, $0x11  }
0x540: {  	vm2 =	vne.s32 v7, $0x0;
	[tilespmem:v2+s10+$0x0] =	vst.idx.add.f32.msk vm0, v1  }
0x541: {  	v7 =	vshrl.u32 v7, $0x11;
	v8 =	vld [tilespmem:s17+$0xFFFFFFF0]  }
0x542: {  	[tilespmem:v4+s10+$0x0] =	vst.idx.add.f32.msk vm3, v1;
	vm3 =	vne.s32 v6, $0x0  }
0x543: {  	p4 =	por $0x1, $0x1;
	v10 =	vshrl.u32 v6, $0x11;
	v9 =	vld [tilespmem:s17+$0xFFFFFFB0]  }
.Ltmp50:
0x544: {  	[tilespmem:v3+s9+$0x0] =	vst.idx.add.f32.msk vm1, v1;
	(pc) =	sbr.rel @!p4 .LBB2_103-.Ltmp50, $4  }
0x545: {  	vm0 =	vne.s32 v5, $0x0;
	v2 =	vld [tilespmem:s18+$0xFFFFFFE0]  }
0x546: {  	[tilespmem:v7+s9+$0x0] =	vst.idx.add.f32.msk vm2, v1;
	v3 =	vshrl.u32 v5, $0x11;
	vm1 =	vne.s32 v8, $0x0  }
0x547: {  	v4 =	vld [tilespmem:s18+$0xFFFFFFA0];
	v6 =	vshrl.u32 v8, $0x11  }
0x548: {  	s20 =	simm.s32 $0x4F70;
	p3 =	por $0x1, $0x1;
	s19 =	simm.s32 $0x4;
	v5 =	vshrl.u32 v9, $0x11;
	vm2 =	vne.s32 v9, $0x0;
	[tilespmem:v10+s12+$0x0] =	vst.idx.add.f32.msk vm3, v1  }
.LBB2_104:
0x549: {  	v7 =	vld [tilespmem:s20+$0xFFFFFFD0];
	s19 =	sadd.s32 $0x2, s19  }
0x54a: {  	v8 =	vld [tilespmem:s20+$0xFFFFFF90];
	p4 =	slt.u32 s19, $0x1E;
	vm3 =	vne.s32 v2, $0x0  }
0x54b: {  	v2 =	vshrl.u32 v2, $0x11;
	[tilespmem:v3+s12+$0x0] =	vst.idx.add.f32.msk vm0, v1  }
0x54c: {  	v3 =	vshrl.u32 v4, $0x11;
	vm0 =	vne.s32 v4, $0x0;
	[tilespmem:v6+s11+$0x0] =	vst.idx.add.f32.msk vm1, v1  }
0x54d: {  	v4 =	vld [tilespmem:s17+$0x0]  }
0x54e: {  	vm1 =	vne.s32 v7, $0x0;
	[tilespmem:v5+s11+$0x0] =	vst.idx.add.f32.msk vm2, v1  }
0x54f: {  	v6 =	vshrl.u32 v7, $0x11;
	v5 =	vshrl.u32 v8, $0x11;
	vm2 =	vne.s32 v8, $0x0;
	v7 =	vld [tilespmem:s17+$0xFFFFFFC0];
	s17 =	smov.u32 s18;
	s18 =	smov.u32 s20  }
0x550: {  	[tilespmem:v2+s10+$0x0] =	vst.idx.add.f32.msk vm3, v1  }
0x551: {  	v8 =	vld [tilespmem:s17+$0xFFFFFFF0]  }
0x552: {  	[tilespmem:v3+s10+$0x0] =	vst.idx.add.f32.msk vm0, v1;
	vm3 =	vne.s32 v4, $0x0  }
0x553: {  	v10 =	vshrl.u32 v4, $0x11;
	v9 =	vld [tilespmem:s17+$0xFFFFFFB0]  }
.Ltmp51:
0x554: {  	[tilespmem:v6+s9+$0x0] =	vst.idx.add.f32.msk vm1, v1;
	v3 =	vshrl.u32 v7, $0x11;
	vm0 =	vne.s32 v7, $0x0;
	(pc) =	sbr.rel @p4 .LBB2_104-.Ltmp51, $4  }
0x555: {  	v2 =	vld [tilespmem:s20+$0xFFFFFFE0]  }
0x556: {  	[tilespmem:v5+s9+$0x0] =	vst.idx.add.f32.msk vm2, v1;
	vm1 =	vne.s32 v8, $0x0  }
0x557: {  	v6 =	vshrl.u32 v8, $0x11;
	v4 =	vld [tilespmem:s20+$0xFFFFFFA0]  }
0x558: {  	s20 =	sadd.s32 $0x400, s20;
	v5 =	vshrl.u32 v9, $0x11;
	vm2 =	vne.s32 v9, $0x0;
	[tilespmem:v10+s12+$0x0] =	vst.idx.add.f32.msk vm3, v1  }
0x559: {  	s19 =	smov.u32 s18  }
.LBB2_106:
0x55a: {  	vm3 =	vne.s32 v2, $0x0  }
0x55b: {  	v2 =	vshrl.u32 v2, $0x11  }
0x55c: {  	vm4 =	vne.s32 v4, $0x0  }
0x55d: {  	v4 =	vshrl.u32 v4, $0x11;
	_ =	sdelay $0x2  }
0x55e: {  	[tilespmem:v2+s10+$0x0] =	vst.idx.add.f32.msk vm3, v1  }
0x55f: {  	v2 =	vld [tilespmem:s19+$0xFFFFFFF0]  }
0x560: {  	[tilespmem:v4+s10+$0x0] =	vst.idx.add.f32.msk vm4, v1  }
0x561: {  	v4 =	vld [tilespmem:s19+$0xFFFFFFB0];
	_ =	sdelay $0x2  }
0x562: {  	vm10 =	vne.s32 v2, $0x0  }
0x563: {  	v2 =	vshrl.u32 v2, $0x11  }
0x564: {  	[tilespmem:v6+s11+$0x0] =	vst.idx.add.f32.msk @p2 vm1, v1;
	vm11 =	vne.s32 v4, $0x0  }
0x565: {  	[tilespmem:v5+s11+$0x0] =	vst.idx.add.f32.msk @p2 vm2, v1;
	v4 =	vshrl.u32 v4, $0x11  }
0x566: {  	v6 =	vld @p2 [tilespmem:s17+$0x0]  }
0x567: {  	v5 =	vld @p2 [tilespmem:s17+$0xFFFFFFC0]  }
0x568: {  	[tilespmem:v2+s11+$0x0] =	vst.idx.add.f32.msk vm10, v1  }
0x569: {  	v2 =	vld [tilespmem:s19+$0x0]  }
0x56a: {  	[tilespmem:v4+s11+$0x0] =	vst.idx.add.f32.msk vm11, v1  }
0x56b: {  	v4 =	vld [tilespmem:s19+$0xFFFFFFC0];
	_ =	sdelay $0x1  }
0x56c: {  	vm1 =	vne.s32 @p2 v6, $0x0;
	vm2 =	vne.s32 @p2 v5, $0x0  }
0x56d: {  	v6 =	vshrl.u32 @p2 v6, $0x11;
	v5 =	vshrl.u32 @p2 v5, $0x11;
	vm2 =	vmmov @p2 vm2  }
0x56e: {  	v5 =	vpsel p2, v5, v0;
	vm12 =	vne.s32 v2, $0x0  }
0x56f: {  	v2 =	vshrl.u32 v2, $0x11;
	vm13 =	vne.s32 v4, $0x0  }
0x570: {  	v4 =	vshrl.u32 v4, $0x11  }
0x571: {  	[tilespmem:v3+s12+$0x0] =	vst.idx.add.f32.msk @p3 vm0, v1  }
0x572: {  	[tilespmem:v6+s12+$0x0] =	vst.idx.add.f32.msk @p2 vm1, v1  }
0x573: {  	[tilespmem:v5+s12+$0x0] =	vst.idx.add.f32.msk @p2 vm2, v1  }
0x574: {  	[tilespmem:v2+s12+$0x0] =	vst.idx.add.f32.msk vm12, v1  }
0x575: {  	s19 =	simm.s32 $0x43F0;
	[tilespmem:v4+s12+$0x0] =	vst.idx.add.f32.msk vm13, v1  }
0x576: {  	v2 =	vld [tilespmem:s19+$0xFFFFFFD0]  }
0x577: {  	v3 =	vld [tilespmem:s19+$0xFFFFFF90];
	_ =	sdelay $0x3  }
0x578: {  	vm14 =	vne.s32 v2, $0x0  }
0x579: {  	v2 =	vshrl.u32 v2, $0x11;
	vm15 =	vne.s32 v3, $0x0  }
0x57a: {  	v4 =	vshrl.u32 v3, $0x11;
	_ =	sdelay $0x2  }
.Ltmp52:
0x57b: {  	_ = 	snop;
	(pc) =	sbr.rel @!p1 .LBB2_107-.Ltmp52, $4  }
0x57c: {  	[tilespmem:v2+s9+$0x0] =	vst.idx.add.f32.msk vm14, v1  }
0x57d: {  	[tilespmem:v4+s9+$0x0] =	vst.idx.add.f32.msk vm15, v1  }
0x57e: {  	v3 =	vld [tilespmem:s19+$0xFFFFFFE0]  }
0x57f: {  	s17 =	simm.s32 $0x47F0;
	v4 =	vld [tilespmem:s19+$0xFFFFFFA0]  }
0x580: {  	_ =	sdelay $0x2  }
0x581: {  	v2 =	vld [tilespmem:s17+$0xFFFFFFD0];
	vm0 =	vne.s32 v3, $0x0  }
0x582: {  	v3 =	vshrl.u32 v3, $0x11  }
0x583: {  	v5 =	vld [tilespmem:s17+$0xFFFFFF90];
	vm1 =	vne.s32 v4, $0x0  }
0x584: {  	v4 =	vshrl.u32 v4, $0x11;
	_ =	sdelay $0x1  }
0x585: {  	vm2 =	vne.s32 v2, $0x0  }
0x586: {  	v2 =	vshrl.u32 v2, $0x11;
	[tilespmem:v3+s10+$0x0] =	vst.idx.add.f32.msk vm0, v1  }
0x587: {  	vm0 =	vne.s32 v5, $0x0;
	v6 =	vld [tilespmem:s19+$0xFFFFFFF0]  }
0x588: {  	v5 =	vshrl.u32 v5, $0x11;
	[tilespmem:v4+s10+$0x0] =	vst.idx.add.f32.msk vm1, v1  }
0x589: {  	p2 =	por $0x1, $0x1;
	v7 =	vld [tilespmem:s19+$0xFFFFFFB0]  }
.Ltmp53:
0x58a: {  	_ = 	snop;
	(pc) =	sbr.rel @!p2 .LBB2_109-.Ltmp53, $4  }
0x58b: {  	[tilespmem:v2+s9+$0x0] =	vst.idx.add.f32.msk vm2, v1  }
0x58c: {  	v3 =	vld [tilespmem:s17+$0xFFFFFFE0]  }
0x58d: {  	[tilespmem:v5+s9+$0x0] =	vst.idx.add.f32.msk vm0, v1;
	vm1 =	vne.s32 v6, $0x0  }
0x58e: {  	s18 =	simm.s32 $0x4BF0;
	p1 =	por $0x1, $0x1;
	v6 =	vshrl.u32 v6, $0x11;
	v4 =	vld [tilespmem:s17+$0xFFFFFFA0];
	v5 =	vshrl.u32 v7, $0x11;
	vm2 =	vne.s32 v7, $0x0  }
0x58f: {  	_ =	sdelay $0x1  }
0x590: {  	v2 =	vld [tilespmem:s18+$0xFFFFFFD0]  }
0x591: {  	vm0 =	vne.s32 v3, $0x0  }
0x592: {  	v7 =	vld [tilespmem:s18+$0xFFFFFF90];
	v3 =	vshrl.u32 v3, $0x11  }
0x593: {  	[tilespmem:v6+s11+$0x0] =	vst.idx.add.f32.msk vm1, v1;
	vm3 =	vne.s32 v4, $0x0  }
0x594: {  	v6 =	vld [tilespmem:s19+$0x0];
	v4 =	vshrl.u32 v4, $0x11  }
0x595: {  	[tilespmem:v5+s11+$0x0] =	vst.idx.add.f32.msk vm2, v1;
	vm1 =	vne.s32 v2, $0x0  }
0x596: {  	v5 =	vld [tilespmem:s19+$0xFFFFFFC0];
	v2 =	vshrl.u32 v2, $0x11  }
0x597: {  	vm2 =	vne.s32 v7, $0x0;
	[tilespmem:v3+s10+$0x0] =	vst.idx.add.f32.msk vm0, v1  }
0x598: {  	v7 =	vshrl.u32 v7, $0x11;
	v8 =	vld [tilespmem:s17+$0xFFFFFFF0]  }
0x599: {  	[tilespmem:v4+s10+$0x0] =	vst.idx.add.f32.msk vm3, v1;
	vm3 =	vne.s32 v6, $0x0  }
0x59a: {  	p2 =	por $0x1, $0x1;
	v10 =	vshrl.u32 v6, $0x11;
	v9 =	vld [tilespmem:s17+$0xFFFFFFB0]  }
.Ltmp54:
0x59b: {  	[tilespmem:v2+s9+$0x0] =	vst.idx.add.f32.msk vm1, v1;
	(pc) =	sbr.rel @!p2 .LBB2_111-.Ltmp54, $4  }
0x59c: {  	vm0 =	vne.s32 v5, $0x0;
	v3 =	vld [tilespmem:s18+$0xFFFFFFE0]  }
0x59d: {  	[tilespmem:v7+s9+$0x0] =	vst.idx.add.f32.msk vm2, v1;
	v2 =	vshrl.u32 v5, $0x11;
	vm1 =	vne.s32 v8, $0x0  }
0x59e: {  	v4 =	vld [tilespmem:s18+$0xFFFFFFA0];
	v6 =	vshrl.u32 v8, $0x11  }
0x59f: {  	s20 =	simm.s32 $0x4FF0;
	p0 =	por $0x1, $0x1;
	s19 =	simm.s32 $0x4;
	v5 =	vshrl.u32 v9, $0x11;
	vm2 =	vne.s32 v9, $0x0;
	[tilespmem:v10+s12+$0x0] =	vst.idx.add.f32.msk vm3, v1  }
.LBB2_112:
0x5a0: {  	v7 =	vld [tilespmem:s20+$0xFFFFFFD0];
	s19 =	sadd.s32 $0x2, s19  }
0x5a1: {  	v8 =	vld [tilespmem:s20+$0xFFFFFF90];
	p2 =	slt.u32 s19, $0x1E;
	vm3 =	vne.s32 v3, $0x0  }
0x5a2: {  	v3 =	vshrl.u32 v3, $0x11;
	[tilespmem:v2+s12+$0x0] =	vst.idx.add.f32.msk vm0, v1  }
0x5a3: {  	v2 =	vshrl.u32 v4, $0x11;
	vm0 =	vne.s32 v4, $0x0;
	[tilespmem:v6+s11+$0x0] =	vst.idx.add.f32.msk vm1, v1  }
0x5a4: {  	v4 =	vld [tilespmem:s17+$0x0]  }
0x5a5: {  	vm1 =	vne.s32 v7, $0x0;
	[tilespmem:v5+s11+$0x0] =	vst.idx.add.f32.msk vm2, v1  }
0x5a6: {  	v6 =	vshrl.u32 v7, $0x11;
	v5 =	vshrl.u32 v8, $0x11;
	vm2 =	vne.s32 v8, $0x0;
	v7 =	vld [tilespmem:s17+$0xFFFFFFC0];
	s17 =	smov.u32 s18;
	s18 =	smov.u32 s20  }
0x5a7: {  	[tilespmem:v3+s10+$0x0] =	vst.idx.add.f32.msk vm3, v1  }
0x5a8: {  	v8 =	vld [tilespmem:s17+$0xFFFFFFF0]  }
0x5a9: {  	[tilespmem:v2+s10+$0x0] =	vst.idx.add.f32.msk vm0, v1;
	vm3 =	vne.s32 v4, $0x0  }
0x5aa: {  	v10 =	vshrl.u32 v4, $0x11;
	v9 =	vld [tilespmem:s17+$0xFFFFFFB0]  }
.Ltmp55:
0x5ab: {  	[tilespmem:v6+s9+$0x0] =	vst.idx.add.f32.msk vm1, v1;
	v2 =	vshrl.u32 v7, $0x11;
	vm0 =	vne.s32 v7, $0x0;
	(pc) =	sbr.rel @p2 .LBB2_112-.Ltmp55, $4  }
0x5ac: {  	v3 =	vld [tilespmem:s20+$0xFFFFFFE0]  }
0x5ad: {  	[tilespmem:v5+s9+$0x0] =	vst.idx.add.f32.msk vm2, v1;
	vm1 =	vne.s32 v8, $0x0  }
0x5ae: {  	v6 =	vshrl.u32 v8, $0x11;
	v4 =	vld [tilespmem:s20+$0xFFFFFFA0]  }
0x5af: {  	s20 =	sadd.s32 $0x400, s20;
	v5 =	vshrl.u32 v9, $0x11;
	vm2 =	vne.s32 v9, $0x0;
	[tilespmem:v10+s12+$0x0] =	vst.idx.add.f32.msk vm3, v1  }
0x5b0: {  	s19 =	smov.u32 s18  }
.LBB2_114:
0x5b1: {  	vm3 =	vne.s32 v3, $0x0  }
0x5b2: {  	v3 =	vshrl.u32 v3, $0x11  }
0x5b3: {  	vm4 =	vne.s32 v4, $0x0  }
0x5b4: {  	v63 =	vshrl.u32 v4, $0x11;
	_ =	sdelay $0x2  }
0x5b5: {  	[tilespmem:v3+s10+$0x0] =	vst.idx.add.f32.msk vm3, v1  }
0x5b6: {  	v3 =	vld [tilespmem:s19+$0xFFFFFFF0]  }
0x5b7: {  	[tilespmem:v63+s10+$0x0] =	vst.idx.add.f32.msk vm4, v1  }
0x5b8: {  	v4 =	vld [tilespmem:s19+$0xFFFFFFB0];
	_ =	sdelay $0x2  }
0x5b9: {  	vm12 =	vne.s32 v3, $0x0  }
0x5ba: {  	v3 =	vshrl.u32 v3, $0x11  }
0x5bb: {  	[tilespmem:v6+s11+$0x0] =	vst.idx.add.f32.msk @p1 vm1, v1;
	vm13 =	vne.s32 v4, $0x0  }
0x5bc: {  	[tilespmem:v5+s11+$0x0] =	vst.idx.add.f32.msk @p1 vm2, v1;
	v4 =	vshrl.u32 v4, $0x11  }
0x5bd: {  	v6 =	vld @p1 [tilespmem:s17+$0x0]  }
0x5be: {  	v5 =	vld @p1 [tilespmem:s17+$0xFFFFFFC0]  }
0x5bf: {  	[tilespmem:v3+s11+$0x0] =	vst.idx.add.f32.msk vm12, v1  }
0x5c0: {  	v3 =	vld [tilespmem:s19+$0x0]  }
0x5c1: {  	[tilespmem:v4+s11+$0x0] =	vst.idx.add.f32.msk vm13, v1  }
0x5c2: {  	v4 =	vld [tilespmem:s19+$0xFFFFFFC0];
	_ =	sdelay $0x1  }
0x5c3: {  	vm1 =	vne.s32 @p1 v6, $0x0;
	vm2 =	vne.s32 @p1 v5, $0x0  }
0x5c4: {  	v6 =	vshrl.u32 @p1 v6, $0x11;
	v5 =	vshrl.u32 @p1 v5, $0x11;
	vm2 =	vmmov @p1 vm2  }
0x5c5: {  	v5 =	vpsel p1, v5, v0;
	vm14 =	vne.s32 v3, $0x0  }
0x5c6: {  	s16 =	sadd.s32 $0x1, s16;
	v3 =	vshrl.u32 v3, $0x11;
	vm15 =	vne.s32 v4, $0x0  }
0x5c7: {  	[tilespmem:v2+s12+$0x0] =	vst.idx.add.f32.msk @p0 vm0, v1;
	p0 =	sne.s32 s16, $0x4;
	v4 =	vshrl.u32 v4, $0x11  }
.Ltmp56:
0x5c8: {  	_ = 	snop;
	(pc) =	sbr.rel @p0 .LBB2_10-.Ltmp56, $4  }
.Ltmp57:
0x5c9: {  	[tilespmem:v6+s12+$0x0] =	vst.idx.add.f32.msk @p1 vm1, v1;
	(pc) =	sbr.rel @!p0 .LBB2_115-.Ltmp57, $4  }
0x5ca: {  	[tilespmem:v5+s12+$0x0] =	vst.idx.add.f32.msk @p1 vm2, v1  }
0x5cb: {  	[tilespmem:v3+s12+$0x0] =	vst.idx.add.f32.msk vm14, v1  }
0x5cc: {  	[tilespmem:v4+s12+$0x0] =	vst.idx.add.f32.msk vm15, v1  }
0x5cd: {  	_ = 	snop  }
.LBB2_15:
.Ltmp58:
0x5ce: {  	(pc) =	sbr.rel .LBB2_22-.Ltmp58, $2  }
0x5cf: {  	_ =	sdelay $0x2  }
0x5d0: {  	p3 =	por $0x0, $0x0  }
.LBB2_23:
.Ltmp59:
0x5d1: {  	(pc) =	sbr.rel .LBB2_30-.Ltmp59, $2  }
0x5d2: {  	_ =	sdelay $0x2  }
0x5d3: {  	p1 =	por $0x0, $0x0  }
.LBB2_31:
.Ltmp60:
0x5d4: {  	(pc) =	sbr.rel .LBB2_38-.Ltmp60, $2  }
0x5d5: {  	_ =	sdelay $0x2  }
0x5d6: {  	p3 =	por $0x0, $0x0  }
.LBB2_39:
.Ltmp61:
0x5d7: {  	(pc) =	sbr.rel .LBB2_46-.Ltmp61, $2  }
0x5d8: {  	_ =	sdelay $0x2  }
0x5d9: {  	p1 =	por $0x0, $0x0  }
.LBB2_47:
.Ltmp62:
0x5da: {  	(pc) =	sbr.rel .LBB2_54-.Ltmp62, $2  }
0x5db: {  	_ =	sdelay $0x2  }
0x5dc: {  	p3 =	por $0x0, $0x0  }
.LBB2_55:
.Ltmp63:
0x5dd: {  	(pc) =	sbr.rel .LBB2_62-.Ltmp63, $2  }
0x5de: {  	_ =	sdelay $0x2  }
0x5df: {  	p1 =	por $0x0, $0x0  }
.LBB2_67:
.Ltmp64:
0x5e0: {  	(pc) =	sbr.rel .LBB2_74-.Ltmp64, $2  }
0x5e1: {  	_ =	sdelay $0x2  }
0x5e2: {  	p3 =	por $0x0, $0x0  }
.LBB2_75:
.Ltmp65:
0x5e3: {  	(pc) =	sbr.rel .LBB2_82-.Ltmp65, $2  }
0x5e4: {  	_ =	sdelay $0x2  }
0x5e5: {  	p1 =	por $0x0, $0x0  }
.LBB2_83:
.Ltmp66:
0x5e6: {  	(pc) =	sbr.rel .LBB2_90-.Ltmp66, $2  }
0x5e7: {  	_ =	sdelay $0x2  }
0x5e8: {  	p3 =	por $0x0, $0x0  }
.LBB2_91:
.Ltmp67:
0x5e9: {  	(pc) =	sbr.rel .LBB2_98-.Ltmp67, $2  }
0x5ea: {  	_ =	sdelay $0x2  }
0x5eb: {  	p1 =	por $0x0, $0x0  }
.LBB2_99:
.Ltmp68:
0x5ec: {  	(pc) =	sbr.rel .LBB2_106-.Ltmp68, $2  }
0x5ed: {  	_ =	sdelay $0x2  }
0x5ee: {  	p3 =	por $0x0, $0x0  }
.LBB2_107:
.Ltmp69:
0x5ef: {  	(pc) =	sbr.rel .LBB2_114-.Ltmp69, $2  }
0x5f0: {  	_ =	sdelay $0x2  }
0x5f1: {  	p1 =	por $0x0, $0x0  }
.LBB2_17:
.Ltmp70:
0x5f2: {  	(pc) =	sbr.rel .LBB2_22-.Ltmp70, $2  }
0x5f3: {  	_ =	sdelay $0x2  }
0x5f4: {  	s18 =	simm.s32 $0x170;
	s20 =	simm.s32 $0x570;
	p3 =	por $0x0, $0x0  }
.LBB2_25:
.Ltmp71:
0x5f5: {  	(pc) =	sbr.rel .LBB2_30-.Ltmp71, $2  }
0x5f6: {  	_ =	sdelay $0x2  }
0x5f7: {  	s18 =	simm.s32 $0x1F0;
	s20 =	simm.s32 $0x5F0  }
.LBB2_33:
.Ltmp72:
0x5f8: {  	(pc) =	sbr.rel .LBB2_38-.Ltmp72, $2  }
0x5f9: {  	_ =	sdelay $0x2  }
0x5fa: {  	s18 =	simm.s32 $0x270;
	s20 =	simm.s32 $0x670;
	p3 =	por $0x0, $0x0  }
.LBB2_41:
.Ltmp73:
0x5fb: {  	(pc) =	sbr.rel .LBB2_46-.Ltmp73, $2  }
0x5fc: {  	_ =	sdelay $0x2  }
0x5fd: {  	s18 =	simm.s32 $0x2F0;
	s20 =	simm.s32 $0x6F0  }
.LBB2_49:
.Ltmp74:
0x5fe: {  	(pc) =	sbr.rel .LBB2_54-.Ltmp74, $2  }
0x5ff: {  	_ =	sdelay $0x2  }
0x600: {  	s18 =	simm.s32 $0x370;
	s20 =	simm.s32 $0x770;
	p3 =	por $0x0, $0x0  }
.LBB2_57:
.Ltmp75:
0x601: {  	(pc) =	sbr.rel .LBB2_62-.Ltmp75, $2  }
0x602: {  	_ =	sdelay $0x2  }
0x603: {  	s18 =	simm.s32 $0x3F0;
	s20 =	simm.s32 $0x7F0  }
.LBB2_69:
.Ltmp76:
0x604: {  	(pc) =	sbr.rel .LBB2_74-.Ltmp76, $2  }
0x605: {  	_ =	sdelay $0x2  }
0x606: {  	s17 =	simm.s32 $0x4170;
	s19 =	simm.s32 $0x4570;
	p3 =	por $0x0, $0x0  }
.LBB2_77:
.Ltmp77:
0x607: {  	(pc) =	sbr.rel .LBB2_82-.Ltmp77, $2  }
0x608: {  	_ =	sdelay $0x2  }
0x609: {  	s17 =	simm.s32 $0x41F0;
	s19 =	simm.s32 $0x45F0  }
.LBB2_85:
.Ltmp78:
0x60a: {  	(pc) =	sbr.rel .LBB2_90-.Ltmp78, $2  }
0x60b: {  	_ =	sdelay $0x2  }
0x60c: {  	s17 =	simm.s32 $0x4270;
	s19 =	simm.s32 $0x4670;
	p3 =	por $0x0, $0x0  }
.LBB2_93:
.Ltmp79:
0x60d: {  	(pc) =	sbr.rel .LBB2_98-.Ltmp79, $2  }
0x60e: {  	_ =	sdelay $0x2  }
0x60f: {  	s17 =	simm.s32 $0x42F0;
	s19 =	simm.s32 $0x46F0  }
.LBB2_101:
.Ltmp80:
0x610: {  	(pc) =	sbr.rel .LBB2_106-.Ltmp80, $2  }
0x611: {  	_ =	sdelay $0x2  }
0x612: {  	s17 =	simm.s32 $0x4370;
	s19 =	simm.s32 $0x4770;
	p3 =	por $0x0, $0x0  }
.LBB2_109:
.Ltmp81:
0x613: {  	(pc) =	sbr.rel .LBB2_114-.Ltmp81, $2  }
0x614: {  	_ =	sdelay $0x2  }
0x615: {  	s17 =	simm.s32 $0x43F0;
	s19 =	simm.s32 $0x47F0  }
.LBB2_19:
.Ltmp82:
0x616: {  	(pc) =	sbr.rel .LBB2_22-.Ltmp82, $2  }
0x617: {  	_ =	sdelay $0x2  }
0x618: {  	s20 =	simm.s32 $0x970  }
.LBB2_27:
.Ltmp83:
0x619: {  	(pc) =	sbr.rel .LBB2_30-.Ltmp83, $2  }
0x61a: {  	_ =	sdelay $0x2  }
0x61b: {  	s20 =	simm.s32 $0x9F0  }
.LBB2_35:
.Ltmp84:
0x61c: {  	(pc) =	sbr.rel .LBB2_38-.Ltmp84, $2  }
0x61d: {  	_ =	sdelay $0x2  }
0x61e: {  	s20 =	simm.s32 $0xA70  }
.LBB2_43:
.Ltmp85:
0x61f: {  	(pc) =	sbr.rel .LBB2_46-.Ltmp85, $2  }
0x620: {  	_ =	sdelay $0x2  }
0x621: {  	s20 =	simm.s32 $0xAF0  }
.LBB2_51:
.Ltmp86:
0x622: {  	(pc) =	sbr.rel .LBB2_54-.Ltmp86, $2  }
0x623: {  	_ =	sdelay $0x2  }
0x624: {  	s20 =	simm.s32 $0xB70  }
.LBB2_59:
.Ltmp87:
0x625: {  	(pc) =	sbr.rel .LBB2_62-.Ltmp87, $2  }
0x626: {  	_ =	sdelay $0x2  }
0x627: {  	s20 =	simm.s32 $0xBF0  }
.LBB2_71:
.Ltmp88:
0x628: {  	(pc) =	sbr.rel .LBB2_74-.Ltmp88, $2  }
0x629: {  	_ =	sdelay $0x2  }
0x62a: {  	s19 =	simm.s32 $0x4970  }
.LBB2_79:
.Ltmp89:
0x62b: {  	(pc) =	sbr.rel .LBB2_82-.Ltmp89, $2  }
0x62c: {  	_ =	sdelay $0x2  }
0x62d: {  	s19 =	simm.s32 $0x49F0  }
.LBB2_87:
.Ltmp90:
0x62e: {  	(pc) =	sbr.rel .LBB2_90-.Ltmp90, $2  }
0x62f: {  	_ =	sdelay $0x2  }
0x630: {  	s19 =	simm.s32 $0x4A70  }
.LBB2_95:
.Ltmp91:
0x631: {  	(pc) =	sbr.rel .LBB2_98-.Ltmp91, $2  }
0x632: {  	_ =	sdelay $0x2  }
0x633: {  	s19 =	simm.s32 $0x4AF0  }
.LBB2_103:
.Ltmp92:
0x634: {  	(pc) =	sbr.rel .LBB2_106-.Ltmp92, $2  }
0x635: {  	_ =	sdelay $0x2  }
0x636: {  	s19 =	simm.s32 $0x4B70  }
.LBB2_111:
.Ltmp93:
0x637: {  	(pc) =	sbr.rel .LBB2_114-.Ltmp93, $2  }
0x638: {  	_ =	sdelay $0x2  }
0x639: {  	s19 =	simm.s32 $0x4BF0  }
.LBB2_115:
0x63a: {  	s18 =	simm.s32 $0x8040  }
0x63b: {  	s16 =	simm.s32 $0xC040;
	v2 =	vld [tilespmem:s18+$0xFFFFFFC0]  }
0x63c: {  	v3 =	vld [tilespmem:s16+$0xFFFFFFC0]  }
0x63d: {  	s17 =	simm.s32 $0x10040  }
0x63e: {  	v4 =	vld [tilespmem:s17+$0xFFFFFFC0]  }
0x63f: {  	s19 =	simm.s32 $0x14040  }
0x640: {  	v5 =	vld [tilespmem:s19+$0xFFFFFFC0]  }
0x641: {  	v2 =	vadd.f32 v3, v2;
	_ =	sdelay $0x1  }
0x642: {  	v2 =	vadd.f32 v4, v2;
	_ =	sdelay $0x1  }
0x643: {  	v2 =	vadd.f32 v5, v2;
	_ =	sdelay $0x1  }
0x644: {  	[tilespmem:s18+$0xFFFFFFC0] =	vst v2;
	v2 =	vld [tilespmem:s18+$0xFFFFFFD0]  }
0x645: {  	v3 =	vld [tilespmem:s16+$0xFFFFFFD0];
	_ =	sdelay $0x1  }
0x646: {  	v50 =	vld [tilespmem:s17+$0xFFFFFFD0];
	_ =	sdelay $0x1  }
0x647: {  	v51 =	vld [tilespmem:s19+$0xFFFFFFD0]  }
0x648: {  	v2 =	vadd.f32 v3, v2;
	_ =	sdelay $0x1  }
0x649: {  	v2 =	vadd.f32 v50, v2;
	_ =	sdelay $0x1  }
0x64a: {  	v2 =	vadd.f32 v51, v2;
	_ =	sdelay $0x1  }
0x64b: {  	[tilespmem:s18+$0xFFFFFFD0] =	vst v2;
	v2 =	vld [tilespmem:s18+$0xFFFFFFE0]  }
0x64c: {  	v3 =	vld [tilespmem:s16+$0xFFFFFFE0];
	_ =	sdelay $0x1  }
0x64d: {  	v52 =	vld [tilespmem:s17+$0xFFFFFFE0];
	_ =	sdelay $0x1  }
0x64e: {  	v53 =	vld [tilespmem:s19+$0xFFFFFFE0]  }
0x64f: {  	v2 =	vadd.f32 v3, v2;
	_ =	sdelay $0x1  }
0x650: {  	v2 =	vadd.f32 v52, v2;
	_ =	sdelay $0x1  }
0x651: {  	v2 =	vadd.f32 v53, v2;
	_ =	sdelay $0x1  }
0x652: {  	[tilespmem:s18+$0xFFFFFFE0] =	vst v2;
	v2 =	vld [tilespmem:s18+$0xFFFFFFF0]  }
0x653: {  	v3 =	vld [tilespmem:s16+$0xFFFFFFF0];
	_ =	sdelay $0x1  }
0x654: {  	v54 =	vld [tilespmem:s17+$0xFFFFFFF0];
	_ =	sdelay $0x1  }
0x655: {  	v55 =	vld [tilespmem:s19+$0xFFFFFFF0]  }
0x656: {  	v2 =	vadd.f32 v3, v2;
	_ =	sdelay $0x1  }
0x657: {  	v2 =	vadd.f32 v54, v2;
	_ =	sdelay $0x1  }
0x658: {  	v2 =	vadd.f32 v55, v2;
	_ =	sdelay $0x1  }
0x659: {  	[tilespmem:s18+$0xFFFFFFF0] =	vst v2;
	v2 =	vld [tilespmem:s18+$0x0]  }
0x65a: {  	v3 =	vld [tilespmem:s16+$0x0];
	_ =	sdelay $0x1  }
0x65b: {  	v56 =	vld [tilespmem:s17+$0x0];
	_ =	sdelay $0x1  }
0x65c: {  	v57 =	vld [tilespmem:s19+$0x0]  }
0x65d: {  	v2 =	vadd.f32 v3, v2;
	_ =	sdelay $0x1  }
0x65e: {  	v2 =	vadd.f32 v56, v2;
	_ =	sdelay $0x1  }
0x65f: {  	v2 =	vadd.f32 v57, v2;
	_ =	sdelay $0x1  }
0x660: {  	[tilespmem:s18+$0x0] =	vst v2;
	v2 =	vld [tilespmem:s18+$0x10]  }
0x661: {  	v3 =	vld [tilespmem:s16+$0x10];
	_ =	sdelay $0x1  }
0x662: {  	v58 =	vld [tilespmem:s17+$0x10];
	_ =	sdelay $0x1  }
0x663: {  	v59 =	vld [tilespmem:s19+$0x10]  }
0x664: {  	v2 =	vadd.f32 v3, v2;
	_ =	sdelay $0x1  }
0x665: {  	v2 =	vadd.f32 v58, v2;
	_ =	sdelay $0x1  }
0x666: {  	v2 =	vadd.f32 v59, v2;
	_ =	sdelay $0x1  }
0x667: {  	[tilespmem:s18+$0x10] =	vst v2;
	v2 =	vld [tilespmem:s18+$0x20]  }
0x668: {  	v3 =	vld [tilespmem:s16+$0x20];
	_ =	sdelay $0x1  }
0x669: {  	v60 =	vld [tilespmem:s17+$0x20];
	_ =	sdelay $0x1  }
0x66a: {  	v61 =	vld [tilespmem:s19+$0x20]  }
0x66b: {  	v2 =	vadd.f32 v3, v2;
	_ =	sdelay $0x1  }
0x66c: {  	v2 =	vadd.f32 v60, v2;
	_ =	sdelay $0x1  }
0x66d: {  	v2 =	vadd.f32 v61, v2;
	_ =	sdelay $0x1  }
0x66e: {  	[tilespmem:s18+$0x20] =	vst v2;
	v2 =	vld [tilespmem:s18+$0x30]  }
0x66f: {  	v3 =	vld [tilespmem:s16+$0x30];
	_ =	sdelay $0x1  }
0x670: {  	v62 =	vld [tilespmem:s17+$0x30];
	_ =	sdelay $0x1  }
0x671: {  	v63 =	vld [tilespmem:s19+$0x30]  }
0x672: {  	v2 =	vadd.f32 v3, v2;
	_ =	sdelay $0x1  }
0x673: {  	v2 =	vadd.f32 v62, v2;
	_ =	sdelay $0x1  }
0x674: {  	v2 =	vadd.f32 v63, v2  }
0x675: {  	s20 =	simm.s32 $0x80C0;
	s21 =	simm.s32 $0x140C0;
	s19 =	simm.s32 $0x0  }
.LBB2_116:
0x676: {  	v3 =	vld [tilespmem:s20+$0xFFFFFFC0];
	s19 =	sadd.s32 $0x8, s19;
	[tilespmem:s18+$0x30] =	vst v2;
	s16 =	sadd.s32 $0x80, s16;
	s17 =	sadd.s32 $0x80, s17  }
0x677: {  	s18 =	smov.u32 s20;
	v2 =	vld [tilespmem:s16+$0xFFFFFFC0];
	p0 =	slt.u32 s19, $0x3F8;
	_ =	sdelay $0x1  }
0x678: {  	v4 =	vld [tilespmem:s17+$0xFFFFFFC0];
	_ =	sdelay $0x1  }
0x679: {  	v5 =	vld [tilespmem:s21+$0xFFFFFFC0]  }
0x67a: {  	v2 =	vadd.f32 v2, v3;
	_ =	sdelay $0x1  }
0x67b: {  	v2 =	vadd.f32 v4, v2;
	_ =	sdelay $0x1  }
0x67c: {  	v2 =	vadd.f32 v5, v2;
	_ =	sdelay $0x1  }
0x67d: {  	[tilespmem:s20+$0xFFFFFFC0] =	vst v2;
	v2 =	vld [tilespmem:s20+$0xFFFFFFD0]  }
0x67e: {  	v3 =	vld [tilespmem:s16+$0xFFFFFFD0];
	_ =	sdelay $0x1  }
0x67f: {  	v4 =	vld [tilespmem:s17+$0xFFFFFFD0];
	_ =	sdelay $0x1  }
0x680: {  	v5 =	vld [tilespmem:s21+$0xFFFFFFD0]  }
0x681: {  	v2 =	vadd.f32 v3, v2;
	_ =	sdelay $0x1  }
0x682: {  	v2 =	vadd.f32 v4, v2;
	_ =	sdelay $0x1  }
0x683: {  	v2 =	vadd.f32 v5, v2;
	_ =	sdelay $0x1  }
0x684: {  	[tilespmem:s20+$0xFFFFFFD0] =	vst v2;
	v2 =	vld [tilespmem:s20+$0xFFFFFFE0]  }
0x685: {  	v3 =	vld [tilespmem:s16+$0xFFFFFFE0];
	_ =	sdelay $0x1  }
0x686: {  	v4 =	vld [tilespmem:s17+$0xFFFFFFE0];
	_ =	sdelay $0x1  }
0x687: {  	v5 =	vld [tilespmem:s21+$0xFFFFFFE0]  }
0x688: {  	v2 =	vadd.f32 v3, v2;
	_ =	sdelay $0x1  }
0x689: {  	v2 =	vadd.f32 v4, v2;
	_ =	sdelay $0x1  }
0x68a: {  	v2 =	vadd.f32 v5, v2;
	_ =	sdelay $0x1  }
0x68b: {  	[tilespmem:s20+$0xFFFFFFE0] =	vst v2;
	v2 =	vld [tilespmem:s20+$0xFFFFFFF0]  }
0x68c: {  	v3 =	vld [tilespmem:s16+$0xFFFFFFF0];
	_ =	sdelay $0x1  }
0x68d: {  	v4 =	vld [tilespmem:s17+$0xFFFFFFF0];
	_ =	sdelay $0x1  }
0x68e: {  	v5 =	vld [tilespmem:s21+$0xFFFFFFF0]  }
0x68f: {  	v2 =	vadd.f32 v3, v2;
	_ =	sdelay $0x1  }
0x690: {  	v2 =	vadd.f32 v4, v2;
	_ =	sdelay $0x1  }
0x691: {  	v2 =	vadd.f32 v5, v2;
	_ =	sdelay $0x1  }
0x692: {  	[tilespmem:s20+$0xFFFFFFF0] =	vst v2;
	v2 =	vld [tilespmem:s20+$0x0]  }
0x693: {  	v3 =	vld [tilespmem:s16+$0x0];
	_ =	sdelay $0x1  }
0x694: {  	v4 =	vld [tilespmem:s17+$0x0];
	_ =	sdelay $0x1  }
0x695: {  	v5 =	vld [tilespmem:s21+$0x0]  }
0x696: {  	v2 =	vadd.f32 v3, v2;
	_ =	sdelay $0x1  }
0x697: {  	v2 =	vadd.f32 v4, v2;
	_ =	sdelay $0x1  }
0x698: {  	v2 =	vadd.f32 v5, v2;
	_ =	sdelay $0x1  }
0x699: {  	[tilespmem:s20+$0x0] =	vst v2;
	v2 =	vld [tilespmem:s20+$0x10]  }
0x69a: {  	v3 =	vld [tilespmem:s16+$0x10]  }
0x69b: {  	v4 =	vld [tilespmem:s17+$0x10]  }
0x69c: {  	v5 =	vld [tilespmem:s21+$0x10];
	_ =	sdelay $0x2  }
0x69d: {  	v2 =	vadd.f32 v3, v2;
	_ =	sdelay $0x1  }
0x69e: {  	v2 =	vadd.f32 v4, v2;
	_ =	sdelay $0x1  }
0x69f: {  	v2 =	vadd.f32 v5, v2;
	_ =	sdelay $0x1  }
0x6a0: {  	[tilespmem:s20+$0x10] =	vst v2;
	v2 =	vld [tilespmem:s20+$0x20]  }
0x6a1: {  	v3 =	vld [tilespmem:s16+$0x20]  }
0x6a2: {  	v4 =	vld [tilespmem:s17+$0x20]  }
0x6a3: {  	v5 =	vld [tilespmem:s21+$0x20];
	_ =	sdelay $0x2  }
0x6a4: {  	v2 =	vadd.f32 v3, v2;
	_ =	sdelay $0x1  }
0x6a5: {  	v2 =	vadd.f32 v4, v2;
	_ =	sdelay $0x1  }
0x6a6: {  	v2 =	vadd.f32 v5, v2;
	_ =	sdelay $0x1  }
0x6a7: {  	[tilespmem:s20+$0x20] =	vst v2;
	v2 =	vld [tilespmem:s20+$0x30]  }
0x6a8: {  	v3 =	vld [tilespmem:s16+$0x30]  }
0x6a9: {  	v4 =	vld [tilespmem:s17+$0x30]  }
0x6aa: {  	v5 =	vld [tilespmem:s21+$0x30];
	_ =	sdelay $0x2  }
0x6ab: {  	v2 =	vadd.f32 v3, v2  }
.Ltmp94:
0x6ac: {  	(pc) =	sbr.rel @p0 .LBB2_116-.Ltmp94, $3  }
0x6ad: {  	v2 =	vadd.f32 v4, v2;
	_ =	sdelay $0x1  }
0x6ae: {  	v2 =	vadd.f32 v5, v2  }
0x6af: {  	s20 =	sadd.s32 $0x80, s20;
	s21 =	sadd.s32 $0x80, s21  }
0x6b0: {  	s15 =	sadd.s32 $0x1, s15  }
0x6b1: {  	p0 =	sne.s32 s15, s6  }
.Ltmp95:
0x6b2: {  	[tilespmem:s18+$0x30] =	vst v2;
	(pc) =	sbr.rel @p0 .LBB2_1-.Ltmp95, $4  }
0x6b3: {  	[hbm4b:s5+s2] =	stream.linear.scatter [tilespmem:s9], [sflag:$0x3], $0x4000, $0x38;
	[tilespmem:$0x18000] =	vst v63  }
0x6b4: {  	_ =	swait.ge [sflag:s14], $0x4000  }
0x6b5: {  	[sflag:s14] =	ssyncset.done $0x0  }
0x6b6: {  	[sflag:s14] =	ssyncadd.s32 $0xFFFFC000  }
0x6b7: {  	_ =	sfence.sel $0x180000  }
0x6b8: {  	[bflag:$0x0] =	sbarrier.arrive $0xFFFF  }
0x6b9: {  	p0 =	sne.s32 s1, $0x0;
	_ =	strace $0x90000047  }
0x6ba: {  	s0 =	sadd.s32 @!p0 $0x100000, s0;
	[bflag:$0x2] =	sbarrier.arrive $0xFFFF  }
0x6bb: {  	[sflag:s0] =	ssyncadd.tile.s32 @!p0 $0x1;
	_ =	shalt  }
.Lfunc_end2:
_tile_overlayer_lowered:
.L_overlay_start_2:
0x6bc: {  	(tag) =	ssettag $0x2  }
0x6bd: {  	s0 =	rddreg [dreg:$0x0];
	s2 =	stileid.u32  }
0x6be: {  	s1 =	rddreg [dreg:$0x1];
	p0 =	sne.s32 s2, $0x0  }
0x6bf: {  	s3 =	rddreg [dreg:$0x2];
	[bflag:$0x3] =	sbarrier.arrive $0xFFFF;
	s2 =	simm.s32 @!p0 $0x1C03  }
0x6c0: {  	[timem:s3], [sflag:s2] =	dma.local @!p0 [hbm:s0], s1  }
0x6c1: {  	s0 =	simm.s32 @!p0 $0x3  }
0x6c2: {  	_ =	swait.ge @!p0 [sflag:s0], s1  }
0x6c3: {  	s1 =	ssub.s32 @!p0 $0x0, s1;
	[sflag:s0] =	ssyncset.done @!p0 $0x0  }
0x6c4: {  	[sflag:s0] =	ssyncadd.s32 @!p0 s1  }
0x6c5: {  	[bflag:$0x3] =	sbarrier.arrive $0xFFFF  }
0x6c6: {  	_ =	shalt  }

</sc_bundles>
